<compile_context>
chip_gen: v7x
topology: tpu7x:2x2x1
jax: 0.10.2.dev20260603
libtpu: 0.0.44.dev20260713+nightly
codegen_flags: <defaults>
</compile_context>

<pallas_src>
import functools

import jax
import jax.numpy as jnp
from jax import lax
from jax.experimental import pallas as pl
from jax.experimental.pallas import tpu as pltpu
from jax.experimental.pallas import tpu_sc as plsc

N = 10000
D = 128
DH = D // 2
E = 320000
NPAD = 10240
NC = 2
NS = 16
NW = NC * NS
EB = 125
EPW = E // NW
BPW = EPW // EB
KPW = BPW // 2
RPW = NPAD // NS
ZR = 32
RB = 2000
NB = N // RB


def _agg_phase(table, src_buf, dst_buf, rows0, rows1, ones_v, acc, cnt,
               g0, g1, with_cnt):
    pltpu.async_copy(table.at[src_buf.at[0]], rows0, g0)

    def body(k, carry):
        j0 = 2 * k
        j1 = j0 + 1
        pltpu.async_copy(table.at[src_buf.at[j1]], rows1, g1)
        pltpu.make_async_copy(table.at[src_buf.at[j0]], rows0, g0).wait()
        pltpu.sync_copy(rows0, acc.at[dst_buf.at[j0]], add=True)
        if with_cnt:
            pltpu.sync_copy(ones_v, cnt.at[dst_buf.at[j0]], add=True)
        jn = jnp.minimum(j0 + 2, BPW - 2)
        pltpu.async_copy(table.at[src_buf.at[jn]], rows0, g0)
        pltpu.make_async_copy(table.at[src_buf.at[j1]], rows1, g1).wait()
        pltpu.sync_copy(rows1, acc.at[dst_buf.at[j1]], add=True)
        if with_cnt:
            pltpu.sync_copy(ones_v, cnt.at[dst_buf.at[j1]], add=True)
        return carry

    lax.fori_loop(0, KPW, body, 0)
    pltpu.make_async_copy(table.at[src_buf.at[0]], rows0, g0).wait()


def _sc_agg_body(tabA, tabB, ei, aggpA, aggpB, cntp,
                 src_buf, dst_buf, rows0, rows1, zbuf, zcnt, ones_v,
                 acc, cnt, g0, g1, *, with_cnt):
    cid = lax.axis_index("c")
    sid = lax.axis_index("s")
    wid = sid * NC + cid
    r0 = sid * RPW
    z16 = jnp.zeros((16,), jnp.float32)
    o16 = jnp.ones((16,), jnp.float32)

    def _zfill(i, c):
        for k in range(DH // 16):
            zbuf[i, pl.ds(16 * k, 16)] = z16
        return c

    lax.fori_loop(0, ZR, _zfill, 0)

    if with_cnt:
        def _zcfill(i, c):
            zcnt[pl.ds(16 * i, 16)] = z16
            return c

        lax.fori_loop(0, RPW // 16, _zcfill, 0)

        def _ofill(i, c):
            ones_v[pl.ds(16 * i, 16)] = o16
            return c

        lax.fori_loop(0, 8, _ofill, 0)

    def _zero_acc():
        for k in range(RPW // ZR):
            pltpu.sync_copy(zbuf, acc.at[pl.ds(r0 + ZR * k, ZR)])

    _zero_acc()
    if with_cnt:
        pltpu.sync_copy(zcnt, cnt.at[pl.ds(r0, RPW)])
    pltpu.sync_copy(ei.at[0, wid], src_buf)
    pltpu.sync_copy(ei.at[1, wid], dst_buf)
    plsc.subcore_barrier()

    _agg_phase(tabA, src_buf, dst_buf, rows0, rows1,
               ones_v.at[pl.ds(0, EB)], acc, cnt, g0, g1, with_cnt=with_cnt)
    plsc.subcore_barrier()
    pltpu.sync_copy(acc.at[pl.ds(r0, RPW)], aggpA.at[cid, pl.ds(r0, RPW)])
    if with_cnt:
        pltpu.sync_copy(cnt.at[pl.ds(r0, RPW)], cntp.at[cid, 0, pl.ds(r0, RPW)])
    _zero_acc()
    plsc.subcore_barrier()

    _agg_phase(tabB, src_buf, dst_buf, rows0, rows1,
               ones_v.at[pl.ds(0, EB)], acc, cnt, g0, g1, with_cnt=False)
    plsc.subcore_barrier()
    pltpu.sync_copy(acc.at[pl.ds(r0, RPW)], aggpB.at[cid, pl.ds(r0, RPW)])


def _sc_aggregate(tabA, tabB, ei, with_cnt):
    out_type = [jax.ShapeDtypeStruct((NC, NPAD, DH), jnp.float32),
                jax.ShapeDtypeStruct((NC, NPAD, DH), jnp.float32)]
    if with_cnt:
        out_type.append(jax.ShapeDtypeStruct((NC, 1, NPAD), jnp.float32))
        body = functools.partial(_sc_agg_body, with_cnt=True)
    else:
        def body(tA, tB, e, aggpA, aggpB, *scratch):
            return _sc_agg_body(tA, tB, e, aggpA, aggpB, None, *scratch,
                                with_cnt=False)
    res = pl.kernel(
        body,
        out_type=tuple(out_type),
        mesh=plsc.VectorSubcoreMesh(core_axis_name="c", subcore_axis_name="s"),
        compiler_params=pltpu.CompilerParams(use_tc_tiling_on_sc=False),
        scratch_types=[
            pltpu.VMEM((BPW, EB), jnp.int32),
            pltpu.VMEM((BPW, EB), jnp.int32),
            pltpu.VMEM((EB, DH), jnp.float32),
            pltpu.VMEM((EB, DH), jnp.float32),
            pltpu.VMEM((ZR, DH), jnp.float32),
            pltpu.VMEM((RPW,), jnp.float32),
            pltpu.VMEM((128,), jnp.float32),
            pltpu.VMEM_SHARED((NPAD, DH), jnp.float32),
            pltpu.VMEM_SHARED((NPAD,), jnp.float32),
            pltpu.SemaphoreType.DMA,
            pltpu.SemaphoreType.DMA,
        ],
    )(tabA, tabB, ei)
    return res if with_cnt else (res[0], res[1], None)


def _mm_t(a, w):
    return lax.dot_general(a, w, (((1,), (1,)), ((), ())))


def _root_body(hA, hB, wr, bl, out):
    out[...] = (_mm_t(hA[...], wr[:, :DH]) + _mm_t(hB[...], wr[:, DH:])
                + bl[...][None, :])


def _sage_lin(aggpA, aggpB, cntp, wl, hr):
    cnt = jnp.maximum(cntp[0] + cntp[1], 1.0)
    meanA = (aggpA[0] + aggpA[1]) / cnt
    meanB = (aggpB[0] + aggpB[1]) / cnt
    return _mm_t(meanA, wl[:, :DH]) + _mm_t(meanB, wl[:, DH:]) + hr[...]


def _lin_body(aggpA, aggpB, cntp, xr, wl, h_out, s1_out, s2_out):
    h = _sage_lin(aggpA, aggpB, cntp, wl, xr)
    h_out[...] = h

    @pl.when(pl.program_id(0) == 0)
    def _init():
        s1_out[...] = jnp.zeros_like(s1_out)
        s2_out[...] = jnp.zeros_like(s2_out)

    s1_out[...] += jnp.sum(h, axis=0, keepdims=True)
    s2_out[...] += jnp.sum(h * h, axis=0, keepdims=True)


def _bn_relu_body(h, s1, s2, gamma, beta, h2A, h2B):
    mu = s1[...] / N
    var = s2[...] / N - mu * mu
    inv = gamma[...][None, :] / jnp.sqrt(var + 1e-5)
    h2 = jnp.maximum((h[...] - mu) * inv + beta[...][None, :], 0.0)
    h2A[...] = h2[:, :DH]
    h2B[...] = h2[:, DH:]


def _lin2_body(aggpA, aggpB, cntp, hr, wl, out):
    out[...] = _sage_lin(aggpA, aggpB, cntp, wl, hr)


_ROW = pl.BlockSpec((RB, D), lambda i: (i, 0))
_ROWH = pl.BlockSpec((RB, DH), lambda i: (i, 0))
_AGGP = pl.BlockSpec((NC, RB, DH), lambda i: (0, i, 0))
_CNTP = pl.BlockSpec((NC, RB, 1), lambda i: (0, i, 0))
_WMAT = pl.BlockSpec((D, D), lambda i: (0, 0))
_WVEC = pl.BlockSpec((D,), lambda i: (0,))
_STAT = pl.BlockSpec((1, D), lambda i: (0, 0))


def kernel(x, edge_index, Wl1, bl1, Wr1, gamma1, beta1, Wl2, bl2, Wr2):
    ei = edge_index.reshape(2, NW, BPW, EB)
    xA = x[:, :DH]
    xB = x[:, DH:]

    aggpA1, aggpB1, cntp = _sc_aggregate(xA, xB, ei, with_cnt=True)
    cntp = cntp.reshape(NC, NPAD, 1)

    xr = pl.pallas_call(
        _root_body,
        grid=(NB,),
        in_specs=[_ROWH, _ROWH, _WMAT, _WVEC],
        out_specs=_ROW,
        out_shape=jax.ShapeDtypeStruct((N, D), jnp.float32),
    )(xA, xB, Wr1, bl1)

    h, s1, s2 = pl.pallas_call(
        _lin_body,
        grid=(NB,),
        in_specs=[_AGGP, _AGGP, _CNTP, _ROW, _WMAT],
        out_specs=[_ROW, _STAT, _STAT],
        out_shape=[jax.ShapeDtypeStruct((N, D), jnp.float32),
                   jax.ShapeDtypeStruct((1, D), jnp.float32),
                   jax.ShapeDtypeStruct((1, D), jnp.float32)],
    )(aggpA1, aggpB1, cntp, xr, Wl1)

    h2A, h2B = pl.pallas_call(
        _bn_relu_body,
        grid=(NB,),
        in_specs=[_ROW, _STAT, _STAT, _WVEC, _WVEC],
        out_specs=[_ROWH, _ROWH],
        out_shape=[jax.ShapeDtypeStruct((N, DH), jnp.float32),
                   jax.ShapeDtypeStruct((N, DH), jnp.float32)],
    )(h, s1, s2, gamma1, beta1)

    aggpA2, aggpB2, _ = _sc_aggregate(h2A, h2B, ei, with_cnt=False)

    hr2 = pl.pallas_call(
        _root_body,
        grid=(NB,),
        in_specs=[_ROWH, _ROWH, _WMAT, _WVEC],
        out_specs=_ROW,
        out_shape=jax.ShapeDtypeStruct((N, D), jnp.float32),
    )(h2A, h2B, Wr2, bl2)

    out = pl.pallas_call(
        _lin2_body,
        grid=(NB,),
        in_specs=[_AGGP, _AGGP, _CNTP, _ROW, _WMAT],
        out_specs=_ROW,
        out_shape=jax.ShapeDtypeStruct((N, D), jnp.float32),
    )(aggpA2, aggpB2, cntp, hr2, Wl2)
    return out

# --- scband reference (transcript-rebuilt; emitter-appended) ---
"""Pipeline reference for scband-graph-sage-893353197863 (READ-ONLY COPY).

The authoritative reference and input builder live on the scoring server;
editing this copy changes nothing except your own understanding.
"""

import jax, jax.numpy as jnp
import numpy as np

N = 10000
E = 320000
D = 128


def setup_inputs(seed: int = 0) -> dict:
    key = jax.random.key(seed)
    ks = jax.random.split(key, 12)
    scale = 1.0 / np.sqrt(D)
    x = jax.random.normal(ks[0], (N, D), dtype=jnp.float32)
    edge_index = jax.random.randint(ks[1], (2, E), 0, N, dtype=jnp.int32)
    # SAGEConv layer 1 params (PyG convention: lin_l on aggregated neighbors, with bias; lin_r on root, no bias)
    Wl1 = jax.random.normal(ks[2], (D, D), dtype=jnp.float32) * scale
    bl1 = jnp.zeros((D,), dtype=jnp.float32)
    Wr1 = jax.random.normal(ks[3], (D, D), dtype=jnp.float32) * scale
    # BatchNorm1d params
    gamma1 = jnp.ones((D,), dtype=jnp.float32)
    beta1 = jnp.zeros((D,), dtype=jnp.float32)
    # SAGEConv layer 2 params
    Wl2 = jax.random.normal(ks[4], (D, D), dtype=jnp.float32) * scale
    bl2 = jnp.zeros((D,), dtype=jnp.float32)
    Wr2 = jax.random.normal(ks[5], (D, D), dtype=jnp.float32) * scale
    return {"x": x, "edge_index": edge_index, "Wl1": Wl1, "bl1": bl1, "Wr1": Wr1,
            "gamma1": gamma1, "beta1": beta1, "Wl2": Wl2, "bl2": bl2, "Wr2": Wr2}


def _sage_conv(x, edge_index, Wl, bl, Wr):
    # mean aggregation of source-node features at destination nodes
    src = edge_index[0]
    dst = edge_index[1]
    msgs = jnp.take(x, src, axis=0)                                  # gather [E, D]
    agg = jax.ops.segment_sum(msgs, dst, num_segments=x.shape[0])    # scatter-add [N, D]
    cnt = jax.ops.segment_sum(jnp.ones((msgs.shape[0],), dtype=x.dtype), dst,
                              num_segments=x.shape[0])
    mean = agg / jnp.maximum(cnt, 1.0)[:, None]
    return mean @ Wl.T + bl + x @ Wr.T


def _batch_norm(x, gamma, beta, eps=1e-5):
    mu = jnp.mean(x, axis=0)
    var = jnp.var(x, axis=0)
    return (x - mu) / jnp.sqrt(var + eps) * gamma + beta


def reference(x, edge_index, Wl1, bl1, Wr1, gamma1, beta1, Wl2, bl2, Wr2):
    h = _sage_conv(x, edge_index, Wl1, bl1, Wr1)
    h = _batch_norm(h, gamma1, beta1)
    h = jax.nn.relu(h)
    # dropout: identity in eval mode (deterministic reference)
    out = _sage_conv(h, edge_index, Wl2, bl2, Wr2)
    return out

if __name__ == "__main__":
    import jax
    _d = setup_inputs()
    print(jax.jit(kernel)(*tuple(_d.values())))

</pallas_src>

<mosaic_0001>
#map = affine_map<(d0, d1) -> (0, 0)>
#map1 = affine_map<(d0, d1) -> (0, 0, 0, 0)>
#map2 = affine_map<(d0, d1) -> (0, 0, 0)>
module attributes {stable_mosaic.version = 14 : i64} {
  func.func @_sc_agg_body(%arg0: i32, %arg1: i32, %arg2: memref<10000x64xf32, #tpu.memory_space<hbm>>, %arg3: memref<10000x64xf32, #tpu.memory_space<hbm>>, %arg4: memref<2x32x80x125xi32, #tpu.memory_space<hbm>>, %arg5: memref<2x10240x64xf32, #tpu.memory_space<hbm>>, %arg6: memref<2x10240x64xf32, #tpu.memory_space<hbm>>, %arg7: memref<2x1x10240xf32, #tpu.memory_space<hbm>>, %arg8: memref<80x125xi32, #tpu.memory_space<vmem>>, %arg9: memref<80x125xi32, #tpu.memory_space<vmem>>, %arg10: memref<125x64xf32, #tpu.memory_space<vmem>>, %arg11: memref<125x64xf32, #tpu.memory_space<vmem>>, %arg12: memref<32x64xf32, #tpu.memory_space<vmem>>, %arg13: memref<640xf32, #tpu.memory_space<vmem>>, %arg14: memref<128xf32, #tpu.memory_space<vmem>>, %arg15: memref<10240x64xf32, #tpu.memory_space<vmem_shared>>, %arg16: memref<10240xf32, #tpu.memory_space<vmem_shared>>, %arg17: memref<!tpu.dma_semaphore, #tpu.memory_space<semaphore_mem>>, %arg18: memref<!tpu.dma_semaphore, #tpu.memory_space<semaphore_mem>>) attributes {dimension_semantics = [#tpu.dimension_semantics<core_parallel>, #tpu.dimension_semantics<subcore_parallel>], iteration_bounds = array<i64: 2, 16>, scalar_prefetch = 0 : i64, scratch_operands = 11 : i64, tpu.core_type = #tpu.core_type<sc_vector_subcore>, window_params = [{transform_indices = #map}, {transform_indices = #map}, {transform_indices = #map1}, {transform_indices = #map2}, {transform_indices = #map2}, {transform_indices = #map2}]} {
    %mul3A = arith.constant 2 : i32
    %mul3A_0 = arith.muli %arg1, %mul3A : i32
    %add3A = arith.addi %mul3A_0, %arg0 : i32
    %mul3A_1 = arith.constant 640 : i32
    %mul3A_2 = arith.muli %arg1, %mul3A_1 : i32
    %broadcast_in_dim3A = arith.constant 0.000000e+00 : f32
    %broadcast_in_dim3A_3 = vector.broadcast %broadcast_in_dim3A : f32 to vector<16xf32>
    %broadcast_in_dim3A_4 = arith.constant 1.000000e+00 : f32
    %broadcast_in_dim3A_5 = vector.broadcast %broadcast_in_dim3A_4 : f32 to vector<16xf32>
    %scan3A = arith.constant 0 : i32
    %scan3A_6 = arith.constant 0 : i32
    %scan3A_7 = arith.constant 32 : i32
    %scan3A_8 = arith.addi %scan3A_6, %scan3A_7 : i32
    %scan3A_9 = arith.constant 1 : i32
    scf.for %scan3A_146 = %scan3A_6 to %scan3A_8 step %scan3A_9  : i32 {
      %swap3A = arith.index_cast %scan3A_146 : i32 to index
      %swap3A_147 = arith.constant 0 : index
      %swap3A_148 = tpu.vector_load %arg12[%swap3A, %swap3A_147] {strides = array<i32>} : memref<32x64xf32, #tpu.memory_space<vmem>>, vector<1x16xf32>,
      %swap3A_149 = vector.shape_cast %swap3A_148 : vector<1x16xf32> to vector<16xf32>
      %swap3A_150 = vector.shape_cast %broadcast_in_dim3A_3 : vector<16xf32> to vector<1x16xf32>
      tpu.vector_store %arg12[%swap3A, %swap3A_147], %swap3A_150 {strides = array<i32>} : memref<32x64xf32, #tpu.memory_space<vmem>>, vector<1x16xf32>,
      %swap3A_151 = arith.index_cast %scan3A_146 : i32 to index
      %swap3A_152 = arith.constant 16 : index
      %swap3A_153 = tpu.vector_load %arg12[%swap3A_151, %swap3A_152] {strides = array<i32>} : memref<32x64xf32, #tpu.memory_space<vmem>>, vector<1x16xf32>,
      %swap3A_154 = vector.shape_cast %swap3A_153 : vector<1x16xf32> to vector<16xf32>
      %swap3A_155 = vector.shape_cast %broadcast_in_dim3A_3 : vector<16xf32> to vector<1x16xf32>
      tpu.vector_store %arg12[%swap3A_151, %swap3A_152], %swap3A_155 {strides = array<i32>} : memref<32x64xf32, #tpu.memory_space<vmem>>, vector<1x16xf32>,
      %swap3A_156 = arith.index_cast %scan3A_146 : i32 to index
      %swap3A_157 = arith.constant 32 : index
      %swap3A_158 = tpu.vector_load %arg12[%swap3A_156, %swap3A_157] {strides = array<i32>} : memref<32x64xf32, #tpu.memory_space<vmem>>, vector<1x16xf32>,
      %swap3A_159 = vector.shape_cast %swap3A_158 : vector<1x16xf32> to vector<16xf32>
      %swap3A_160 = vector.shape_cast %broadcast_in_dim3A_3 : vector<16xf32> to vector<1x16xf32>
      tpu.vector_store %arg12[%swap3A_156, %swap3A_157], %swap3A_160 {strides = array<i32>} : memref<32x64xf32, #tpu.memory_space<vmem>>, vector<1x16xf32>,
      %swap3A_161 = arith.index_cast %scan3A_146 : i32 to index
      %swap3A_162 = arith.constant 48 : index
      %swap3A_163 = tpu.vector_load %arg12[%swap3A_161, %swap3A_162] {strides = array<i32>} : memref<32x64xf32, #tpu.memory_space<vmem>>, vector<1x16xf32>,
      %swap3A_164 = vector.shape_cast %swap3A_163 : vector<1x16xf32> to vector<16xf32>
      %swap3A_165 = vector.shape_cast %broadcast_in_dim3A_3 : vector<16xf32> to vector<1x16xf32>
      tpu.vector_store %arg12[%swap3A_161, %swap3A_162], %swap3A_165 {strides = array<i32>} : memref<32x64xf32, #tpu.memory_space<vmem>>, vector<1x16xf32>,
    }
    %scan3A_10 = arith.constant 32 : i32
    %scan3A_11 = arith.constant 0 : i32
    %scan3A_12 = arith.constant 0 : i32
    %scan3A_13 = arith.constant 40 : i32
    %scan3A_14 = arith.addi %scan3A_12, %scan3A_13 : i32
    %scan3A_15 = arith.constant 1 : i32
    scf.for %scan3A_146 = %scan3A_12 to %scan3A_14 step %scan3A_15  : i32 {
      %mul3A_147 = arith.constant 16 : i32
      %mul3A_148 = arith.muli %mul3A_147, %scan3A_146 : i32
      %swap3A = arith.index_cast %mul3A_148 : i32 to index
      %swap3A_149 = tpu.vector_load %arg13[%swap3A] {strides = array<i32>} : memref<640xf32, #tpu.memory_space<vmem>>, vector<16xf32>,
      %swap3A_150 = vector.shape_cast %swap3A_149 : vector<16xf32> to vector<16xf32>
      %swap3A_151 = vector.shape_cast %broadcast_in_dim3A_3 : vector<16xf32> to vector<16xf32>
      tpu.vector_store %arg13[%swap3A], %swap3A_151 {strides = array<i32>} : memref<640xf32, #tpu.memory_space<vmem>>, vector<16xf32>,
    }
    %scan3A_16 = arith.constant 40 : i32
    %scan3A_17 = arith.constant 0 : i32
    %scan3A_18 = arith.constant 0 : i32
    %scan3A_19 = arith.constant 8 : i32
    %scan3A_20 = arith.addi %scan3A_18, %scan3A_19 : i32
    %scan3A_21 = arith.constant 1 : i32
    scf.for %scan3A_146 = %scan3A_18 to %scan3A_20 step %scan3A_21  : i32 {
      %mul3A_147 = arith.constant 16 : i32
      %mul3A_148 = arith.muli %mul3A_147, %scan3A_146 : i32
      %swap3A = arith.index_cast %mul3A_148 : i32 to index
      %swap3A_149 = tpu.vector_load %arg14[%swap3A] {strides = array<i32>} : memref<128xf32, #tpu.memory_space<vmem>>, vector<16xf32>,
      %swap3A_150 = vector.shape_cast %swap3A_149 : vector<16xf32> to vector<16xf32>
      %swap3A_151 = vector.shape_cast %broadcast_in_dim3A_5 : vector<16xf32> to vector<16xf32>
      tpu.vector_store %arg14[%swap3A], %swap3A_151 {strides = array<i32>} : memref<128xf32, #tpu.memory_space<vmem>>, vector<16xf32>,
    }
    %scan3A_22 = arith.constant 8 : i32
    %add3A_23 = arith.constant 0 : i32
    %add3A_24 = arith.addi %mul3A_2, %add3A_23 : i32
    "tpu.region"() ({
      %run_scoped3A_146 = tpu.sem_alloc : memref<!tpu.dma_semaphore, #tpu.memory_space<semaphore_mem>>
      %dma_start3A_147 = arith.constant 0 : i32
      %dma_start3A_148 = tpu.memref_slice %arg15[%add3A_24, %dma_start3A_147] : memref<10240x64xf32, #tpu.memory_space<vmem_shared>> -> memref<32x64xf32, #tpu.memory_space<vmem_shared>>
      %dma_start3A_149 = arith.constant 0 : i32
      %dma_start3A_150 = tpu.memref_slice %arg15[%add3A_24, %dma_start3A_149] : memref<10240x64xf32, #tpu.memory_space<vmem_shared>> -> memref<32x64xf32, #tpu.memory_space<vmem_shared>>
      tpu.enqueue_dma source(%arg12 : memref<32x64xf32, #tpu.memory_space<vmem>>) target(%dma_start3A_150 : memref<32x64xf32, #tpu.memory_space<vmem_shared>>) target_semaphore(%run_scoped3A_146 : memref<!tpu.dma_semaphore, #tpu.memory_space<semaphore_mem>>)
      %dma_wait3A_151 = arith.constant 0 : i32
      %dma_wait3A_152 = tpu.memref_slice %arg15[%add3A_24, %dma_wait3A_151] : memref<10240x64xf32, #tpu.memory_space<vmem_shared>> -> memref<32x64xf32, #tpu.memory_space<vmem_shared>>
      %dma_wait3A_153 = arith.constant 0 : i32
      %dma_wait3A_154 = tpu.memref_slice %arg15[%add3A_24, %dma_wait3A_153] : memref<10240x64xf32, #tpu.memory_space<vmem_shared>> -> memref<32x64xf32, #tpu.memory_space<vmem_shared>>
      tpu.wait_dma2 semaphore(%run_scoped3A_146 : memref<!tpu.dma_semaphore, #tpu.memory_space<semaphore_mem>>) src(%arg12 : memref<32x64xf32, #tpu.memory_space<vmem>>) dst(%dma_wait3A_154 : memref<32x64xf32, #tpu.memory_space<vmem_shared>>)
      tpu.yield
    }) : () -> ()
    %add3A_25 = arith.constant 32 : i32
    %add3A_26 = arith.addi %mul3A_2, %add3A_25 : i32
    "tpu.region"() ({
      %run_scoped3A_146 = tpu.sem_alloc : memref<!tpu.dma_semaphore, #tpu.memory_space<semaphore_mem>>
      %dma_start3A_147 = arith.constant 0 : i32
      %dma_start3A_148 = tpu.memref_slice %arg15[%add3A_26, %dma_start3A_147] : memref<10240x64xf32, #tpu.memory_space<vmem_shared>> -> memref<32x64xf32, #tpu.memory_space<vmem_shared>>
      %dma_start3A_149 = arith.constant 0 : i32
      %dma_start3A_150 = tpu.memref_slice %arg15[%add3A_26, %dma_start3A_149] : memref<10240x64xf32, #tpu.memory_space<vmem_shared>> -> memref<32x64xf32, #tpu.memory_space<vmem_shared>>
      tpu.enqueue_dma source(%arg12 : memref<32x64xf32, #tpu.memory_space<vmem>>) target(%dma_start3A_150 : memref<32x64xf32, #tpu.memory_space<vmem_shared>>) target_semaphore(%run_scoped3A_146 : memref<!tpu.dma_semaphore, #tpu.memory_space<semaphore_mem>>)
      %dma_wait3A_151 = arith.constant 0 : i32
      %dma_wait3A_152 = tpu.memref_slice %arg15[%add3A_26, %dma_wait3A_151] : memref<10240x64xf32, #tpu.memory_space<vmem_shared>> -> memref<32x64xf32, #tpu.memory_space<vmem_shared>>
      %dma_wait3A_153 = arith.constant 0 : i32
      %dma_wait3A_154 = tpu.memref_slice %arg15[%add3A_26, %dma_wait3A_153] : memref<10240x64xf32, #tpu.memory_space<vmem_shared>> -> memref<32x64xf32, #tpu.memory_space<vmem_shared>>
      tpu.wait_dma2 semaphore(%run_scoped3A_146 : memref<!tpu.dma_semaphore, #tpu.memory_space<semaphore_mem>>) src(%arg12 : memref<32x64xf32, #tpu.memory_space<vmem>>) dst(%dma_wait3A_154 : memref<32x64xf32, #tpu.memory_space<vmem_shared>>)
      tpu.yield
    }) : () -> ()
    %add3A_27 = arith.constant 64 : i32
    %add3A_28 = arith.addi %mul3A_2, %add3A_27 : i32
    "tpu.region"() ({
      %run_scoped3A_146 = tpu.sem_alloc : memref<!tpu.dma_semaphore, #tpu.memory_space<semaphore_mem>>
      %dma_start3A_147 = arith.constant 0 : i32
      %dma_start3A_148 = tpu.memref_slice %arg15[%add3A_28, %dma_start3A_147] : memref<10240x64xf32, #tpu.memory_space<vmem_shared>> -> memref<32x64xf32, #tpu.memory_space<vmem_shared>>
      %dma_start3A_149 = arith.constant 0 : i32
      %dma_start3A_150 = tpu.memref_slice %arg15[%add3A_28, %dma_start3A_149] : memref<10240x64xf32, #tpu.memory_space<vmem_shared>> -> memref<32x64xf32, #tpu.memory_space<vmem_shared>>
      tpu.enqueue_dma source(%arg12 : memref<32x64xf32, #tpu.memory_space<vmem>>) target(%dma_start3A_150 : memref<32x64xf32, #tpu.memory_space<vmem_shared>>) target_semaphore(%run_scoped3A_146 : memref<!tpu.dma_semaphore, #tpu.memory_space<semaphore_mem>>)
      %dma_wait3A_151 = arith.constant 0 : i32
      %dma_wait3A_152 = tpu.memref_slice %arg15[%add3A_28, %dma_wait3A_151] : memref<10240x64xf32, #tpu.memory_space<vmem_shared>> -> memref<32x64xf32, #tpu.memory_space<vmem_shared>>
      %dma_wait3A_153 = arith.constant 0 : i32
      %dma_wait3A_154 = tpu.memref_slice %arg15[%add3A_28, %dma_wait3A_153] : memref<10240x64xf32, #tpu.memory_space<vmem_shared>> -> memref<32x64xf32, #tpu.memory_space<vmem_shared>>
      tpu.wait_dma2 semaphore(%run_scoped3A_146 : memref<!tpu.dma_semaphore, #tpu.memory_space<semaphore_mem>>) src(%arg12 : memref<32x64xf32, #tpu.memory_space<vmem>>) dst(%dma_wait3A_154 : memref<32x64xf32, #tpu.memory_space<vmem_shared>>)
      tpu.yield
    }) : () -> ()
    %add3A_29 = arith.constant 96 : i32
    %add3A_30 = arith.addi %mul3A_2, %add3A_29 : i32
    "tpu.region"() ({
      %run_scoped3A_146 = tpu.sem_alloc : memref<!tpu.dma_semaphore, #tpu.memory_space<semaphore_mem>>
      %dma_start3A_147 = arith.constant 0 : i32
      %dma_start3A_148 = tpu.memref_slice %arg15[%add3A_30, %dma_start3A_147] : memref<10240x64xf32, #tpu.memory_space<vmem_shared>> -> memref<32x64xf32, #tpu.memory_space<vmem_shared>>
      %dma_start3A_149 = arith.constant 0 : i32
      %dma_start3A_150 = tpu.memref_slice %arg15[%add3A_30, %dma_start3A_149] : memref<10240x64xf32, #tpu.memory_space<vmem_shared>> -> memref<32x64xf32, #tpu.memory_space<vmem_shared>>
      tpu.enqueue_dma source(%arg12 : memref<32x64xf32, #tpu.memory_space<vmem>>) target(%dma_start3A_150 : memref<32x64xf32, #tpu.memory_space<vmem_shared>>) target_semaphore(%run_scoped3A_146 : memref<!tpu.dma_semaphore, #tpu.memory_space<semaphore_mem>>)
      %dma_wait3A_151 = arith.constant 0 : i32
      %dma_wait3A_152 = tpu.memref_slice %arg15[%add3A_30, %dma_wait3A_151] : memref<10240x64xf32, #tpu.memory_space<vmem_shared>> -> memref<32x64xf32, #tpu.memory_space<vmem_shared>>
      %dma_wait3A_153 = arith.constant 0 : i32
      %dma_wait3A_154 = tpu.memref_slice %arg15[%add3A_30, %dma_wait3A_153] : memref<10240x64xf32, #tpu.memory_space<vmem_shared>> -> memref<32x64xf32, #tpu.memory_space<vmem_shared>>
      tpu.wait_dma2 semaphore(%run_scoped3A_146 : memref<!tpu.dma_semaphore, #tpu.memory_space<semaphore_mem>>) src(%arg12 : memref<32x64xf32, #tpu.memory_space<vmem>>) dst(%dma_wait3A_154 : memref<32x64xf32, #tpu.memory_space<vmem_shared>>)
      tpu.yield
    }) : () -> ()
    %add3A_31 = arith.constant 128 : i32
    %add3A_32 = arith.addi %mul3A_2, %add3A_31 : i32
    "tpu.region"() ({
      %run_scoped3A_146 = tpu.sem_alloc : memref<!tpu.dma_semaphore, #tpu.memory_space<semaphore_mem>>
      %dma_start3A_147 = arith.constant 0 : i32
      %dma_start3A_148 = tpu.memref_slice %arg15[%add3A_32, %dma_start3A_147] : memref<10240x64xf32, #tpu.memory_space<vmem_shared>> -> memref<32x64xf32, #tpu.memory_space<vmem_shared>>
      %dma_start3A_149 = arith.constant 0 : i32
      %dma_start3A_150 = tpu.memref_slice %arg15[%add3A_32, %dma_start3A_149] : memref<10240x64xf32, #tpu.memory_space<vmem_shared>> -> memref<32x64xf32, #tpu.memory_space<vmem_shared>>
      tpu.enqueue_dma source(%arg12 : memref<32x64xf32, #tpu.memory_space<vmem>>) target(%dma_start3A_150 : memref<32x64xf32, #tpu.memory_space<vmem_shared>>) target_semaphore(%run_scoped3A_146 : memref<!tpu.dma_semaphore, #tpu.memory_space<semaphore_mem>>)
      %dma_wait3A_151 = arith.constant 0 : i32
      %dma_wait3A_152 = tpu.memref_slice %arg15[%add3A_32, %dma_wait3A_151] : memref<10240x64xf32, #tpu.memory_space<vmem_shared>> -> memref<32x64xf32, #tpu.memory_space<vmem_shared>>
      %dma_wait3A_153 = arith.constant 0 : i32
      %dma_wait3A_154 = tpu.memref_slice %arg15[%add3A_32, %dma_wait3A_153] : memref<10240x64xf32, #tpu.memory_space<vmem_shared>> -> memref<32x64xf32, #tpu.memory_space<vmem_shared>>
      tpu.wait_dma2 semaphore(%run_scoped3A_146 : memref<!tpu.dma_semaphore, #tpu.memory_space<semaphore_mem>>) src(%arg12 : memref<32x64xf32, #tpu.memory_space<vmem>>) dst(%dma_wait3A_154 : memref<32x64xf32, #tpu.memory_space<vmem_shared>>)
      tpu.yield
    }) : () -> ()
    %add3A_33 = arith.constant 160 : i32
    %add3A_34 = arith.addi %mul3A_2, %add3A_33 : i32
    "tpu.region"() ({
      %run_scoped3A_146 = tpu.sem_alloc : memref<!tpu.dma_semaphore, #tpu.memory_space<semaphore_mem>>
      %dma_start3A_147 = arith.constant 0 : i32
      %dma_start3A_148 = tpu.memref_slice %arg15[%add3A_34, %dma_start3A_147] : memref<10240x64xf32, #tpu.memory_space<vmem_shared>> -> memref<32x64xf32, #tpu.memory_space<vmem_shared>>
      %dma_start3A_149 = arith.constant 0 : i32
      %dma_start3A_150 = tpu.memref_slice %arg15[%add3A_34, %dma_start3A_149] : memref<10240x64xf32, #tpu.memory_space<vmem_shared>> -> memref<32x64xf32, #tpu.memory_space<vmem_shared>>
      tpu.enqueue_dma source(%arg12 : memref<32x64xf32, #tpu.memory_space<vmem>>) target(%dma_start3A_150 : memref<32x64xf32, #tpu.memory_space<vmem_shared>>) target_semaphore(%run_scoped3A_146 : memref<!tpu.dma_semaphore, #tpu.memory_space<semaphore_mem>>)
      %dma_wait3A_151 = arith.constant 0 : i32
      %dma_wait3A_152 = tpu.memref_slice %arg15[%add3A_34, %dma_wait3A_151] : memref<10240x64xf32, #tpu.memory_space<vmem_shared>> -> memref<32x64xf32, #tpu.memory_space<vmem_shared>>
      %dma_wait3A_153 = arith.constant 0 : i32
      %dma_wait3A_154 = tpu.memref_slice %arg15[%add3A_34, %dma_wait3A_153] : memref<10240x64xf32, #tpu.memory_space<vmem_shared>> -> memref<32x64xf32, #tpu.memory_space<vmem_shared>>
      tpu.wait_dma2 semaphore(%run_scoped3A_146 : memref<!tpu.dma_semaphore, #tpu.memory_space<semaphore_mem>>) src(%arg12 : memref<32x64xf32, #tpu.memory_space<vmem>>) dst(%dma_wait3A_154 : memref<32x64xf32, #tpu.memory_space<vmem_shared>>)
      tpu.yield
    }) : () -> ()
    %add3A_35 = arith.constant 192 : i32
    %add3A_36 = arith.addi %mul3A_2, %add3A_35 : i32
    "tpu.region"() ({
      %run_scoped3A_146 = tpu.sem_alloc : memref<!tpu.dma_semaphore, #tpu.memory_space<semaphore_mem>>
      %dma_start3A_147 = arith.constant 0 : i32
      %dma_start3A_148 = tpu.memref_slice %arg15[%add3A_36, %dma_start3A_147] : memref<10240x64xf32, #tpu.memory_space<vmem_shared>> -> memref<32x64xf32, #tpu.memory_space<vmem_shared>>
      %dma_start3A_149 = arith.constant 0 : i32
      %dma_start3A_150 = tpu.memref_slice %arg15[%add3A_36, %dma_start3A_149] : memref<10240x64xf32, #tpu.memory_space<vmem_shared>> -> memref<32x64xf32, #tpu.memory_space<vmem_shared>>
      tpu.enqueue_dma source(%arg12 : memref<32x64xf32, #tpu.memory_space<vmem>>) target(%dma_start3A_150 : memref<32x64xf32, #tpu.memory_space<vmem_shared>>) target_semaphore(%run_scoped3A_146 : memref<!tpu.dma_semaphore, #tpu.memory_space<semaphore_mem>>)
      %dma_wait3A_151 = arith.constant 0 : i32
      %dma_wait3A_152 = tpu.memref_slice %arg15[%add3A_36, %dma_wait3A_151] : memref<10240x64xf32, #tpu.memory_space<vmem_shared>> -> memref<32x64xf32, #tpu.memory_space<vmem_shared>>
      %dma_wait3A_153 = arith.constant 0 : i32
      %dma_wait3A_154 = tpu.memref_slice %arg15[%add3A_36, %dma_wait3A_153] : memref<10240x64xf32, #tpu.memory_space<vmem_shared>> -> memref<32x64xf32, #tpu.memory_space<vmem_shared>>
      tpu.wait_dma2 semaphore(%run_scoped3A_146 : memref<!tpu.dma_semaphore, #tpu.memory_space<semaphore_mem>>) src(%arg12 : memref<32x64xf32, #tpu.memory_space<vmem>>) dst(%dma_wait3A_154 : memref<32x64xf32, #tpu.memory_space<vmem_shared>>)
      tpu.yield
    }) : () -> ()
    %add3A_37 = arith.constant 224 : i32
    %add3A_38 = arith.addi %mul3A_2, %add3A_37 : i32
    "tpu.region"() ({
      %run_scoped3A_146 = tpu.sem_alloc : memref<!tpu.dma_semaphore, #tpu.memory_space<semaphore_mem>>
      %dma_start3A_147 = arith.constant 0 : i32
      %dma_start3A_148 = tpu.memref_slice %arg15[%add3A_38, %dma_start3A_147] : memref<10240x64xf32, #tpu.memory_space<vmem_shared>> -> memref<32x64xf32, #tpu.memory_space<vmem_shared>>
      %dma_start3A_149 = arith.constant 0 : i32
      %dma_start3A_150 = tpu.memref_slice %arg15[%add3A_38, %dma_start3A_149] : memref<10240x64xf32, #tpu.memory_space<vmem_shared>> -> memref<32x64xf32, #tpu.memory_space<vmem_shared>>
      tpu.enqueue_dma source(%arg12 : memref<32x64xf32, #tpu.memory_space<vmem>>) target(%dma_start3A_150 : memref<32x64xf32, #tpu.memory_space<vmem_shared>>) target_semaphore(%run_scoped3A_146 : memref<!tpu.dma_semaphore, #tpu.memory_space<semaphore_mem>>)
      %dma_wait3A_151 = arith.constant 0 : i32
      %dma_wait3A_152 = tpu.memref_slice %arg15[%add3A_38, %dma_wait3A_151] : memref<10240x64xf32, #tpu.memory_space<vmem_shared>> -> memref<32x64xf32, #tpu.memory_space<vmem_shared>>
      %dma_wait3A_153 = arith.constant 0 : i32
      %dma_wait3A_154 = tpu.memref_slice %arg15[%add3A_38, %dma_wait3A_153] : memref<10240x64xf32, #tpu.memory_space<vmem_shared>> -> memref<32x64xf32, #tpu.memory_space<vmem_shared>>
      tpu.wait_dma2 semaphore(%run_scoped3A_146 : memref<!tpu.dma_semaphore, #tpu.memory_space<semaphore_mem>>) src(%arg12 : memref<32x64xf32, #tpu.memory_space<vmem>>) dst(%dma_wait3A_154 : memref<32x64xf32, #tpu.memory_space<vmem_shared>>)
      tpu.yield
    }) : () -> ()
    %add3A_39 = arith.constant 256 : i32
    %add3A_40 = arith.addi %mul3A_2, %add3A_39 : i32
    "tpu.region"() ({
      %run_scoped3A_146 = tpu.sem_alloc : memref<!tpu.dma_semaphore, #tpu.memory_space<semaphore_mem>>
      %dma_start3A_147 = arith.constant 0 : i32
      %dma_start3A_148 = tpu.memref_slice %arg15[%add3A_40, %dma_start3A_147] : memref<10240x64xf32, #tpu.memory_space<vmem_shared>> -> memref<32x64xf32, #tpu.memory_space<vmem_shared>>
      %dma_start3A_149 = arith.constant 0 : i32
      %dma_start3A_150 = tpu.memref_slice %arg15[%add3A_40, %dma_start3A_149] : memref<10240x64xf32, #tpu.memory_space<vmem_shared>> -> memref<32x64xf32, #tpu.memory_space<vmem_shared>>
      tpu.enqueue_dma source(%arg12 : memref<32x64xf32, #tpu.memory_space<vmem>>) target(%dma_start3A_150 : memref<32x64xf32, #tpu.memory_space<vmem_shared>>) target_semaphore(%run_scoped3A_146 : memref<!tpu.dma_semaphore, #tpu.memory_space<semaphore_mem>>)
      %dma_wait3A_151 = arith.constant 0 : i32
      %dma_wait3A_152 = tpu.memref_slice %arg15[%add3A_40, %dma_wait3A_151] : memref<10240x64xf32, #tpu.memory_space<vmem_shared>> -> memref<32x64xf32, #tpu.memory_space<vmem_shared>>
      %dma_wait3A_153 = arith.constant 0 : i32
      %dma_wait3A_154 = tpu.memref_slice %arg15[%add3A_40, %dma_wait3A_153] : memref<10240x64xf32, #tpu.memory_space<vmem_shared>> -> memref<32x64xf32, #tpu.memory_space<vmem_shared>>
      tpu.wait_dma2 semaphore(%run_scoped3A_146 : memref<!tpu.dma_semaphore, #tpu.memory_space<semaphore_mem>>) src(%arg12 : memref<32x64xf32, #tpu.memory_space<vmem>>) dst(%dma_wait3A_154 : memref<32x64xf32, #tpu.memory_space<vmem_shared>>)
      tpu.yield
    }) : () -> ()
    %add3A_41 = arith.constant 288 : i32
    %add3A_42 = arith.addi %mul3A_2, %add3A_41 : i32
    "tpu.region"() ({
      %run_scoped3A_146 = tpu.sem_alloc : memref<!tpu.dma_semaphore, #tpu.memory_space<semaphore_mem>>
      %dma_start3A_147 = arith.constant 0 : i32
      %dma_start3A_148 = tpu.memref_slice %arg15[%add3A_42, %dma_start3A_147] : memref<10240x64xf32, #tpu.memory_space<vmem_shared>> -> memref<32x64xf32, #tpu.memory_space<vmem_shared>>
      %dma_start3A_149 = arith.constant 0 : i32
      %dma_start3A_150 = tpu.memref_slice %arg15[%add3A_42, %dma_start3A_149] : memref<10240x64xf32, #tpu.memory_space<vmem_shared>> -> memref<32x64xf32, #tpu.memory_space<vmem_shared>>
      tpu.enqueue_dma source(%arg12 : memref<32x64xf32, #tpu.memory_space<vmem>>) target(%dma_start3A_150 : memref<32x64xf32, #tpu.memory_space<vmem_shared>>) target_semaphore(%run_scoped3A_146 : memref<!tpu.dma_semaphore, #tpu.memory_space<semaphore_mem>>)
      %dma_wait3A_151 = arith.constant 0 : i32
      %dma_wait3A_152 = tpu.memref_slice %arg15[%add3A_42, %dma_wait3A_151] : memref<10240x64xf32, #tpu.memory_space<vmem_shared>> -> memref<32x64xf32, #tpu.memory_space<vmem_shared>>
      %dma_wait3A_153 = arith.constant 0 : i32
      %dma_wait3A_154 = tpu.memref_slice %arg15[%add3A_42, %dma_wait3A_153] : memref<10240x64xf32, #tpu.memory_space<vmem_shared>> -> memref<32x64xf32, #tpu.memory_space<vmem_shared>>
      tpu.wait_dma2 semaphore(%run_scoped3A_146 : memref<!tpu.dma_semaphore, #tpu.memory_space<semaphore_mem>>) src(%arg12 : memref<32x64xf32, #tpu.memory_space<vmem>>) dst(%dma_wait3A_154 : memref<32x64xf32, #tpu.memory_space<vmem_shared>>)
      tpu.yield
    }) : () -> ()
    %add3A_43 = arith.constant 320 : i32
    %add3A_44 = arith.addi %mul3A_2, %add3A_43 : i32
    "tpu.region"() ({
      %run_scoped3A_146 = tpu.sem_alloc : memref<!tpu.dma_semaphore, #tpu.memory_space<semaphore_mem>>
      %dma_start3A_147 = arith.constant 0 : i32
      %dma_start3A_148 = tpu.memref_slice %arg15[%add3A_44, %dma_start3A_147] : memref<10240x64xf32, #tpu.memory_space<vmem_shared>> -> memref<32x64xf32, #tpu.memory_space<vmem_shared>>
      %dma_start3A_149 = arith.constant 0 : i32
      %dma_start3A_150 = tpu.memref_slice %arg15[%add3A_44, %dma_start3A_149] : memref<10240x64xf32, #tpu.memory_space<vmem_shared>> -> memref<32x64xf32, #tpu.memory_space<vmem_shared>>
      tpu.enqueue_dma source(%arg12 : memref<32x64xf32, #tpu.memory_space<vmem>>) target(%dma_start3A_150 : memref<32x64xf32, #tpu.memory_space<vmem_shared>>) target_semaphore(%run_scoped3A_146 : memref<!tpu.dma_semaphore, #tpu.memory_space<semaphore_mem>>)
      %dma_wait3A_151 = arith.constant 0 : i32
      %dma_wait3A_152 = tpu.memref_slice %arg15[%add3A_44, %dma_wait3A_151] : memref<10240x64xf32, #tpu.memory_space<vmem_shared>> -> memref<32x64xf32, #tpu.memory_space<vmem_shared>>
      %dma_wait3A_153 = arith.constant 0 : i32
      %dma_wait3A_154 = tpu.memref_slice %arg15[%add3A_44, %dma_wait3A_153] : memref<10240x64xf32, #tpu.memory_space<vmem_shared>> -> memref<32x64xf32, #tpu.memory_space<vmem_shared>>
      tpu.wait_dma2 semaphore(%run_scoped3A_146 : memref<!tpu.dma_semaphore, #tpu.memory_space<semaphore_mem>>) src(%arg12 : memref<32x64xf32, #tpu.memory_space<vmem>>) dst(%dma_wait3A_154 : memref<32x64xf32, #tpu.memory_space<vmem_shared>>)
      tpu.yield
    }) : () -> ()
    %add3A_45 = arith.constant 352 : i32
    %add3A_46 = arith.addi %mul3A_2, %add3A_45 : i32
    "tpu.region"() ({
      %run_scoped3A_146 = tpu.sem_alloc : memref<!tpu.dma_semaphore, #tpu.memory_space<semaphore_mem>>
      %dma_start3A_147 = arith.constant 0 : i32
      %dma_start3A_148 = tpu.memref_slice %arg15[%add3A_46, %dma_start3A_147] : memref<10240x64xf32, #tpu.memory_space<vmem_shared>> -> memref<32x64xf32, #tpu.memory_space<vmem_shared>>
      %dma_start3A_149 = arith.constant 0 : i32
      %dma_start3A_150 = tpu.memref_slice %arg15[%add3A_46, %dma_start3A_149] : memref<10240x64xf32, #tpu.memory_space<vmem_shared>> -> memref<32x64xf32, #tpu.memory_space<vmem_shared>>
      tpu.enqueue_dma source(%arg12 : memref<32x64xf32, #tpu.memory_space<vmem>>) target(%dma_start3A_150 : memref<32x64xf32, #tpu.memory_space<vmem_shared>>) target_semaphore(%run_scoped3A_146 : memref<!tpu.dma_semaphore, #tpu.memory_space<semaphore_mem>>)
      %dma_wait3A_151 = arith.constant 0 : i32
      %dma_wait3A_152 = tpu.memref_slice %arg15[%add3A_46, %dma_wait3A_151] : memref<10240x64xf32, #tpu.memory_space<vmem_shared>> -> memref<32x64xf32, #tpu.memory_space<vmem_shared>>
      %dma_wait3A_153 = arith.constant 0 : i32
      %dma_wait3A_154 = tpu.memref_slice %arg15[%add3A_46, %dma_wait3A_153] : memref<10240x64xf32, #tpu.memory_space<vmem_shared>> -> memref<32x64xf32, #tpu.memory_space<vmem_shared>>
      tpu.wait_dma2 semaphore(%run_scoped3A_146 : memref<!tpu.dma_semaphore, #tpu.memory_space<semaphore_mem>>) src(%arg12 : memref<32x64xf32, #tpu.memory_space<vmem>>) dst(%dma_wait3A_154 : memref<32x64xf32, #tpu.memory_space<vmem_shared>>)
      tpu.yield
    }) : () -> ()
    %add3A_47 = arith.constant 384 : i32
    %add3A_48 = arith.addi %mul3A_2, %add3A_47 : i32
    "tpu.region"() ({
      %run_scoped3A_146 = tpu.sem_alloc : memref<!tpu.dma_semaphore, #tpu.memory_space<semaphore_mem>>
      %dma_start3A_147 = arith.constant 0 : i32
      %dma_start3A_148 = tpu.memref_slice %arg15[%add3A_48, %dma_start3A_147] : memref<10240x64xf32, #tpu.memory_space<vmem_shared>> -> memref<32x64xf32, #tpu.memory_space<vmem_shared>>
      %dma_start3A_149 = arith.constant 0 : i32
      %dma_start3A_150 = tpu.memref_slice %arg15[%add3A_48, %dma_start3A_149] : memref<10240x64xf32, #tpu.memory_space<vmem_shared>> -> memref<32x64xf32, #tpu.memory_space<vmem_shared>>
      tpu.enqueue_dma source(%arg12 : memref<32x64xf32, #tpu.memory_space<vmem>>) target(%dma_start3A_150 : memref<32x64xf32, #tpu.memory_space<vmem_shared>>) target_semaphore(%run_scoped3A_146 : memref<!tpu.dma_semaphore, #tpu.memory_space<semaphore_mem>>)
      %dma_wait3A_151 = arith.constant 0 : i32
      %dma_wait3A_152 = tpu.memref_slice %arg15[%add3A_48, %dma_wait3A_151] : memref<10240x64xf32, #tpu.memory_space<vmem_shared>> -> memref<32x64xf32, #tpu.memory_space<vmem_shared>>
      %dma_wait3A_153 = arith.constant 0 : i32
      %dma_wait3A_154 = tpu.memref_slice %arg15[%add3A_48, %dma_wait3A_153] : memref<10240x64xf32, #tpu.memory_space<vmem_shared>> -> memref<32x64xf32, #tpu.memory_space<vmem_shared>>
      tpu.wait_dma2 semaphore(%run_scoped3A_146 : memref<!tpu.dma_semaphore, #tpu.memory_space<semaphore_mem>>) src(%arg12 : memref<32x64xf32, #tpu.memory_space<vmem>>) dst(%dma_wait3A_154 : memref<32x64xf32, #tpu.memory_space<vmem_shared>>)
      tpu.yield
    }) : () -> ()
    %add3A_49 = arith.constant 416 : i32
    %add3A_50 = arith.addi %mul3A_2, %add3A_49 : i32
    "tpu.region"() ({
      %run_scoped3A_146 = tpu.sem_alloc : memref<!tpu.dma_semaphore, #tpu.memory_space<semaphore_mem>>
      %dma_start3A_147 = arith.constant 0 : i32
      %dma_start3A_148 = tpu.memref_slice %arg15[%add3A_50, %dma_start3A_147] : memref<10240x64xf32, #tpu.memory_space<vmem_shared>> -> memref<32x64xf32, #tpu.memory_space<vmem_shared>>
      %dma_start3A_149 = arith.constant 0 : i32
      %dma_start3A_150 = tpu.memref_slice %arg15[%add3A_50, %dma_start3A_149] : memref<10240x64xf32, #tpu.memory_space<vmem_shared>> -> memref<32x64xf32, #tpu.memory_space<vmem_shared>>
      tpu.enqueue_dma source(%arg12 : memref<32x64xf32, #tpu.memory_space<vmem>>) target(%dma_start3A_150 : memref<32x64xf32, #tpu.memory_space<vmem_shared>>) target_semaphore(%run_scoped3A_146 : memref<!tpu.dma_semaphore, #tpu.memory_space<semaphore_mem>>)
      %dma_wait3A_151 = arith.constant 0 : i32
      %dma_wait3A_152 = tpu.memref_slice %arg15[%add3A_50, %dma_wait3A_151] : memref<10240x64xf32, #tpu.memory_space<vmem_shared>> -> memref<32x64xf32, #tpu.memory_space<vmem_shared>>
      %dma_wait3A_153 = arith.constant 0 : i32
      %dma_wait3A_154 = tpu.memref_slice %arg15[%add3A_50, %dma_wait3A_153] : memref<10240x64xf32, #tpu.memory_space<vmem_shared>> -> memref<32x64xf32, #tpu.memory_space<vmem_shared>>
      tpu.wait_dma2 semaphore(%run_scoped3A_146 : memref<!tpu.dma_semaphore, #tpu.memory_space<semaphore_mem>>) src(%arg12 : memref<32x64xf32, #tpu.memory_space<vmem>>) dst(%dma_wait3A_154 : memref<32x64xf32, #tpu.memory_space<vmem_shared>>)
      tpu.yield
    }) : () -> ()
    %add3A_51 = arith.constant 448 : i32
    %add3A_52 = arith.addi %mul3A_2, %add3A_51 : i32
    "tpu.region"() ({
      %run_scoped3A_146 = tpu.sem_alloc : memref<!tpu.dma_semaphore, #tpu.memory_space<semaphore_mem>>
      %dma_start3A_147 = arith.constant 0 : i32
      %dma_start3A_148 = tpu.memref_slice %arg15[%add3A_52, %dma_start3A_147] : memref<10240x64xf32, #tpu.memory_space<vmem_shared>> -> memref<32x64xf32, #tpu.memory_space<vmem_shared>>
      %dma_start3A_149 = arith.constant 0 : i32
      %dma_start3A_150 = tpu.memref_slice %arg15[%add3A_52, %dma_start3A_149] : memref<10240x64xf32, #tpu.memory_space<vmem_shared>> -> memref<32x64xf32, #tpu.memory_space<vmem_shared>>
      tpu.enqueue_dma source(%arg12 : memref<32x64xf32, #tpu.memory_space<vmem>>) target(%dma_start3A_150 : memref<32x64xf32, #tpu.memory_space<vmem_shared>>) target_semaphore(%run_scoped3A_146 : memref<!tpu.dma_semaphore, #tpu.memory_space<semaphore_mem>>)
      %dma_wait3A_151 = arith.constant 0 : i32
      %dma_wait3A_152 = tpu.memref_slice %arg15[%add3A_52, %dma_wait3A_151] : memref<10240x64xf32, #tpu.memory_space<vmem_shared>> -> memref<32x64xf32, #tpu.memory_space<vmem_shared>>
      %dma_wait3A_153 = arith.constant 0 : i32
      %dma_wait3A_154 = tpu.memref_slice %arg15[%add3A_52, %dma_wait3A_153] : memref<10240x64xf32, #tpu.memory_space<vmem_shared>> -> memref<32x64xf32, #tpu.memory_space<vmem_shared>>
      tpu.wait_dma2 semaphore(%run_scoped3A_146 : memref<!tpu.dma_semaphore, #tpu.memory_space<semaphore_mem>>) src(%arg12 : memref<32x64xf32, #tpu.memory_space<vmem>>) dst(%dma_wait3A_154 : memref<32x64xf32, #tpu.memory_space<vmem_shared>>)
      tpu.yield
    }) : () -> ()
    %add3A_53 = arith.constant 480 : i32
    %add3A_54 = arith.addi %mul3A_2, %add3A_53 : i32
    "tpu.region"() ({
      %run_scoped3A_146 = tpu.sem_alloc : memref<!tpu.dma_semaphore, #tpu.memory_space<semaphore_mem>>
      %dma_start3A_147 = arith.constant 0 : i32
      %dma_start3A_148 = tpu.memref_slice %arg15[%add3A_54, %dma_start3A_147] : memref<10240x64xf32, #tpu.memory_space<vmem_shared>> -> memref<32x64xf32, #tpu.memory_space<vmem_shared>>
      %dma_start3A_149 = arith.constant 0 : i32
      %dma_start3A_150 = tpu.memref_slice %arg15[%add3A_54, %dma_start3A_149] : memref<10240x64xf32, #tpu.memory_space<vmem_shared>> -> memref<32x64xf32, #tpu.memory_space<vmem_shared>>
      tpu.enqueue_dma source(%arg12 : memref<32x64xf32, #tpu.memory_space<vmem>>) target(%dma_start3A_150 : memref<32x64xf32, #tpu.memory_space<vmem_shared>>) target_semaphore(%run_scoped3A_146 : memref<!tpu.dma_semaphore, #tpu.memory_space<semaphore_mem>>)
      %dma_wait3A_151 = arith.constant 0 : i32
      %dma_wait3A_152 = tpu.memref_slice %arg15[%add3A_54, %dma_wait3A_151] : memref<10240x64xf32, #tpu.memory_space<vmem_shared>> -> memref<32x64xf32, #tpu.memory_space<vmem_shared>>
      %dma_wait3A_153 = arith.constant 0 : i32
      %dma_wait3A_154 = tpu.memref_slice %arg15[%add3A_54, %dma_wait3A_153] : memref<10240x64xf32, #tpu.memory_space<vmem_shared>> -> memref<32x64xf32, #tpu.memory_space<vmem_shared>>
      tpu.wait_dma2 semaphore(%run_scoped3A_146 : memref<!tpu.dma_semaphore, #tpu.memory_space<semaphore_mem>>) src(%arg12 : memref<32x64xf32, #tpu.memory_space<vmem>>) dst(%dma_wait3A_154 : memref<32x64xf32, #tpu.memory_space<vmem_shared>>)
      tpu.yield
    }) : () -> ()
    %add3A_55 = arith.constant 512 : i32
    %add3A_56 = arith.addi %mul3A_2, %add3A_55 : i32
    "tpu.region"() ({
      %run_scoped3A_146 = tpu.sem_alloc : memref<!tpu.dma_semaphore, #tpu.memory_space<semaphore_mem>>
      %dma_start3A_147 = arith.constant 0 : i32
      %dma_start3A_148 = tpu.memref_slice %arg15[%add3A_56, %dma_start3A_147] : memref<10240x64xf32, #tpu.memory_space<vmem_shared>> -> memref<32x64xf32, #tpu.memory_space<vmem_shared>>
      %dma_start3A_149 = arith.constant 0 : i32
      %dma_start3A_150 = tpu.memref_slice %arg15[%add3A_56, %dma_start3A_149] : memref<10240x64xf32, #tpu.memory_space<vmem_shared>> -> memref<32x64xf32, #tpu.memory_space<vmem_shared>>
      tpu.enqueue_dma source(%arg12 : memref<32x64xf32, #tpu.memory_space<vmem>>) target(%dma_start3A_150 : memref<32x64xf32, #tpu.memory_space<vmem_shared>>) target_semaphore(%run_scoped3A_146 : memref<!tpu.dma_semaphore, #tpu.memory_space<semaphore_mem>>)
      %dma_wait3A_151 = arith.constant 0 : i32
      %dma_wait3A_152 = tpu.memref_slice %arg15[%add3A_56, %dma_wait3A_151] : memref<10240x64xf32, #tpu.memory_space<vmem_shared>> -> memref<32x64xf32, #tpu.memory_space<vmem_shared>>
      %dma_wait3A_153 = arith.constant 0 : i32
      %dma_wait3A_154 = tpu.memref_slice %arg15[%add3A_56, %dma_wait3A_153] : memref<10240x64xf32, #tpu.memory_space<vmem_shared>> -> memref<32x64xf32, #tpu.memory_space<vmem_shared>>
      tpu.wait_dma2 semaphore(%run_scoped3A_146 : memref<!tpu.dma_semaphore, #tpu.memory_space<semaphore_mem>>) src(%arg12 : memref<32x64xf32, #tpu.memory_space<vmem>>) dst(%dma_wait3A_154 : memref<32x64xf32, #tpu.memory_space<vmem_shared>>)
      tpu.yield
    }) : () -> ()
    %add3A_57 = arith.constant 544 : i32
    %add3A_58 = arith.addi %mul3A_2, %add3A_57 : i32
    "tpu.region"() ({
      %run_scoped3A_146 = tpu.sem_alloc : memref<!tpu.dma_semaphore, #tpu.memory_space<semaphore_mem>>
      %dma_start3A_147 = arith.constant 0 : i32
      %dma_start3A_148 = tpu.memref_slice %arg15[%add3A_58, %dma_start3A_147] : memref<10240x64xf32, #tpu.memory_space<vmem_shared>> -> memref<32x64xf32, #tpu.memory_space<vmem_shared>>
      %dma_start3A_149 = arith.constant 0 : i32
      %dma_start3A_150 = tpu.memref_slice %arg15[%add3A_58, %dma_start3A_149] : memref<10240x64xf32, #tpu.memory_space<vmem_shared>> -> memref<32x64xf32, #tpu.memory_space<vmem_shared>>
      tpu.enqueue_dma source(%arg12 : memref<32x64xf32, #tpu.memory_space<vmem>>) target(%dma_start3A_150 : memref<32x64xf32, #tpu.memory_space<vmem_shared>>) target_semaphore(%run_scoped3A_146 : memref<!tpu.dma_semaphore, #tpu.memory_space<semaphore_mem>>)
      %dma_wait3A_151 = arith.constant 0 : i32
      %dma_wait3A_152 = tpu.memref_slice %arg15[%add3A_58, %dma_wait3A_151] : memref<10240x64xf32, #tpu.memory_space<vmem_shared>> -> memref<32x64xf32, #tpu.memory_space<vmem_shared>>
      %dma_wait3A_153 = arith.constant 0 : i32
      %dma_wait3A_154 = tpu.memref_slice %arg15[%add3A_58, %dma_wait3A_153] : memref<10240x64xf32, #tpu.memory_space<vmem_shared>> -> memref<32x64xf32, #tpu.memory_space<vmem_shared>>
      tpu.wait_dma2 semaphore(%run_scoped3A_146 : memref<!tpu.dma_semaphore, #tpu.memory_space<semaphore_mem>>) src(%arg12 : memref<32x64xf32, #tpu.memory_space<vmem>>) dst(%dma_wait3A_154 : memref<32x64xf32, #tpu.memory_space<vmem_shared>>)
      tpu.yield
    }) : () -> ()
    %add3A_59 = arith.constant 576 : i32
    %add3A_60 = arith.addi %mul3A_2, %add3A_59 : i32
    "tpu.region"() ({
      %run_scoped3A_146 = tpu.sem_alloc : memref<!tpu.dma_semaphore, #tpu.memory_space<semaphore_mem>>
      %dma_start3A_147 = arith.constant 0 : i32
      %dma_start3A_148 = tpu.memref_slice %arg15[%add3A_60, %dma_start3A_147] : memref<10240x64xf32, #tpu.memory_space<vmem_shared>> -> memref<32x64xf32, #tpu.memory_space<vmem_shared>>
      %dma_start3A_149 = arith.constant 0 : i32
      %dma_start3A_150 = tpu.memref_slice %arg15[%add3A_60, %dma_start3A_149] : memref<10240x64xf32, #tpu.memory_space<vmem_shared>> -> memref<32x64xf32, #tpu.memory_space<vmem_shared>>
      tpu.enqueue_dma source(%arg12 : memref<32x64xf32, #tpu.memory_space<vmem>>) target(%dma_start3A_150 : memref<32x64xf32, #tpu.memory_space<vmem_shared>>) target_semaphore(%run_scoped3A_146 : memref<!tpu.dma_semaphore, #tpu.memory_space<semaphore_mem>>)
      %dma_wait3A_151 = arith.constant 0 : i32
      %dma_wait3A_152 = tpu.memref_slice %arg15[%add3A_60, %dma_wait3A_151] : memref<10240x64xf32, #tpu.memory_space<vmem_shared>> -> memref<32x64xf32, #tpu.memory_space<vmem_shared>>
      %dma_wait3A_153 = arith.constant 0 : i32
      %dma_wait3A_154 = tpu.memref_slice %arg15[%add3A_60, %dma_wait3A_153] : memref<10240x64xf32, #tpu.memory_space<vmem_shared>> -> memref<32x64xf32, #tpu.memory_space<vmem_shared>>
      tpu.wait_dma2 semaphore(%run_scoped3A_146 : memref<!tpu.dma_semaphore, #tpu.memory_space<semaphore_mem>>) src(%arg12 : memref<32x64xf32, #tpu.memory_space<vmem>>) dst(%dma_wait3A_154 : memref<32x64xf32, #tpu.memory_space<vmem_shared>>)
      tpu.yield
    }) : () -> ()
    %add3A_61 = arith.constant 608 : i32
    %add3A_62 = arith.addi %mul3A_2, %add3A_61 : i32
    "tpu.region"() ({
      %run_scoped3A_146 = tpu.sem_alloc : memref<!tpu.dma_semaphore, #tpu.memory_space<semaphore_mem>>
      %dma_start3A_147 = arith.constant 0 : i32
      %dma_start3A_148 = tpu.memref_slice %arg15[%add3A_62, %dma_start3A_147] : memref<10240x64xf32, #tpu.memory_space<vmem_shared>> -> memref<32x64xf32, #tpu.memory_space<vmem_shared>>
      %dma_start3A_149 = arith.constant 0 : i32
      %dma_start3A_150 = tpu.memref_slice %arg15[%add3A_62, %dma_start3A_149] : memref<10240x64xf32, #tpu.memory_space<vmem_shared>> -> memref<32x64xf32, #tpu.memory_space<vmem_shared>>
      tpu.enqueue_dma source(%arg12 : memref<32x64xf32, #tpu.memory_space<vmem>>) target(%dma_start3A_150 : memref<32x64xf32, #tpu.memory_space<vmem_shared>>) target_semaphore(%run_scoped3A_146 : memref<!tpu.dma_semaphore, #tpu.memory_space<semaphore_mem>>)
      %dma_wait3A_151 = arith.constant 0 : i32
      %dma_wait3A_152 = tpu.memref_slice %arg15[%add3A_62, %dma_wait3A_151] : memref<10240x64xf32, #tpu.memory_space<vmem_shared>> -> memref<32x64xf32, #tpu.memory_space<vmem_shared>>
      %dma_wait3A_153 = arith.constant 0 : i32
      %dma_wait3A_154 = tpu.memref_slice %arg15[%add3A_62, %dma_wait3A_153] : memref<10240x64xf32, #tpu.memory_space<vmem_shared>> -> memref<32x64xf32, #tpu.memory_space<vmem_shared>>
      tpu.wait_dma2 semaphore(%run_scoped3A_146 : memref<!tpu.dma_semaphore, #tpu.memory_space<semaphore_mem>>) src(%arg12 : memref<32x64xf32, #tpu.memory_space<vmem>>) dst(%dma_wait3A_154 : memref<32x64xf32, #tpu.memory_space<vmem_shared>>)
      tpu.yield
    }) : () -> ()
    "tpu.region"() ({
      %run_scoped3A_146 = tpu.sem_alloc : memref<!tpu.dma_semaphore, #tpu.memory_space<semaphore_mem>>
      %dma_start3A_147 = tpu.memref_slice %arg16[%mul3A_2] : memref<10240xf32, #tpu.memory_space<vmem_shared>> -> memref<640xf32, #tpu.memory_space<vmem_shared>>
      %dma_start3A_148 = tpu.memref_slice %arg16[%mul3A_2] : memref<10240xf32, #tpu.memory_space<vmem_shared>> -> memref<640xf32, #tpu.memory_space<vmem_shared>>
      tpu.enqueue_dma source(%arg13 : memref<640xf32, #tpu.memory_space<vmem>>) target(%dma_start3A_148 : memref<640xf32, #tpu.memory_space<vmem_shared>>) target_semaphore(%run_scoped3A_146 : memref<!tpu.dma_semaphore, #tpu.memory_space<semaphore_mem>>)
      %dma_wait3A_149 = tpu.memref_slice %arg16[%mul3A_2] : memref<10240xf32, #tpu.memory_space<vmem_shared>> -> memref<640xf32, #tpu.memory_space<vmem_shared>>
      %dma_wait3A_150 = tpu.memref_slice %arg16[%mul3A_2] : memref<10240xf32, #tpu.memory_space<vmem_shared>> -> memref<640xf32, #tpu.memory_space<vmem_shared>>
      tpu.wait_dma2 semaphore(%run_scoped3A_146 : memref<!tpu.dma_semaphore, #tpu.memory_space<semaphore_mem>>) src(%arg13 : memref<640xf32, #tpu.memory_space<vmem>>) dst(%dma_wait3A_150 : memref<640xf32, #tpu.memory_space<vmem_shared>>)
      tpu.yield
    }) : () -> ()
    %run_scoped3A = arith.constant 0 : i32
    "tpu.region"() ({
      %run_scoped3A_146 = tpu.sem_alloc : memref<!tpu.dma_semaphore, #tpu.memory_space<semaphore_mem>>
      %dma_start3A_147 = arith.constant 0 : i32
      %dma_start3A_148 = arith.constant 0 : i32
      %dma_start3A_149 = tpu.memref_slice %arg4[%run_scoped3A, %add3A, %dma_start3A_147, %dma_start3A_148] : memref<2x32x80x125xi32, #tpu.memory_space<hbm>> -> memref<1x1x80x125xi32, #tpu.memory_space<hbm>>
      %dma_start3A_150 = tpu.memref_squeeze %dma_start3A_149 : memref<1x1x80x125xi32, #tpu.memory_space<hbm>> -> memref<80x125xi32, #tpu.memory_space<hbm>>
      %dma_start3A_151 = arith.constant 0 : i32
      %dma_start3A_152 = arith.constant 0 : i32
      %dma_start3A_153 = tpu.memref_slice %arg4[%run_scoped3A, %add3A, %dma_start3A_151, %dma_start3A_152] : memref<2x32x80x125xi32, #tpu.memory_space<hbm>> -> memref<1x1x80x125xi32, #tpu.memory_space<hbm>>
      %dma_start3A_154 = tpu.memref_squeeze %dma_start3A_153 : memref<1x1x80x125xi32, #tpu.memory_space<hbm>> -> memref<80x125xi32, #tpu.memory_space<hbm>>
      tpu.enqueue_dma source(%dma_start3A_154 : memref<80x125xi32, #tpu.memory_space<hbm>>) target(%arg8 : memref<80x125xi32, #tpu.memory_space<vmem>>) target_semaphore(%run_scoped3A_146 : memref<!tpu.dma_semaphore, #tpu.memory_space<semaphore_mem>>)
      %dma_wait3A_155 = arith.constant 0 : i32
      %dma_wait3A_156 = arith.constant 0 : i32
      %dma_wait3A_157 = tpu.memref_slice %arg4[%run_scoped3A, %add3A, %dma_wait3A_155, %dma_wait3A_156] : memref<2x32x80x125xi32, #tpu.memory_space<hbm>> -> memref<1x1x80x125xi32, #tpu.memory_space<hbm>>
      %dma_wait3A_158 = tpu.memref_squeeze %dma_wait3A_157 : memref<1x1x80x125xi32, #tpu.memory_space<hbm>> -> memref<80x125xi32, #tpu.memory_space<hbm>>
      %dma_wait3A_159 = arith.constant 0 : i32
      %dma_wait3A_160 = arith.constant 0 : i32
      %dma_wait3A_161 = tpu.memref_slice %arg4[%run_scoped3A, %add3A, %dma_wait3A_159, %dma_wait3A_160] : memref<2x32x80x125xi32, #tpu.memory_space<hbm>> -> memref<1x1x80x125xi32, #tpu.memory_space<hbm>>
      %dma_wait3A_162 = tpu.memref_squeeze %dma_wait3A_161 : memref<1x1x80x125xi32, #tpu.memory_space<hbm>> -> memref<80x125xi32, #tpu.memory_space<hbm>>
      tpu.wait_dma2 semaphore(%run_scoped3A_146 : memref<!tpu.dma_semaphore, #tpu.memory_space<semaphore_mem>>) src(%dma_wait3A_162 : memref<80x125xi32, #tpu.memory_space<hbm>>) dst(%arg8 : memref<80x125xi32, #tpu.memory_space<vmem>>)
      tpu.yield
    }) : () -> ()
    %run_scoped3A_63 = arith.constant 1 : i32
    "tpu.region"() ({
      %run_scoped3A_146 = tpu.sem_alloc : memref<!tpu.dma_semaphore, #tpu.memory_space<semaphore_mem>>
      %dma_start3A_147 = arith.constant 0 : i32
      %dma_start3A_148 = arith.constant 0 : i32
      %dma_start3A_149 = tpu.memref_slice %arg4[%run_scoped3A_63, %add3A, %dma_start3A_147, %dma_start3A_148] : memref<2x32x80x125xi32, #tpu.memory_space<hbm>> -> memref<1x1x80x125xi32, #tpu.memory_space<hbm>>
      %dma_start3A_150 = tpu.memref_squeeze %dma_start3A_149 : memref<1x1x80x125xi32, #tpu.memory_space<hbm>> -> memref<80x125xi32, #tpu.memory_space<hbm>>
      %dma_start3A_151 = arith.constant 0 : i32
      %dma_start3A_152 = arith.constant 0 : i32
      %dma_start3A_153 = tpu.memref_slice %arg4[%run_scoped3A_63, %add3A, %dma_start3A_151, %dma_start3A_152] : memref<2x32x80x125xi32, #tpu.memory_space<hbm>> -> memref<1x1x80x125xi32, #tpu.memory_space<hbm>>
      %dma_start3A_154 = tpu.memref_squeeze %dma_start3A_153 : memref<1x1x80x125xi32, #tpu.memory_space<hbm>> -> memref<80x125xi32, #tpu.memory_space<hbm>>
      tpu.enqueue_dma source(%dma_start3A_154 : memref<80x125xi32, #tpu.memory_space<hbm>>) target(%arg9 : memref<80x125xi32, #tpu.memory_space<vmem>>) target_semaphore(%run_scoped3A_146 : memref<!tpu.dma_semaphore, #tpu.memory_space<semaphore_mem>>)
      %dma_wait3A_155 = arith.constant 0 : i32
      %dma_wait3A_156 = arith.constant 0 : i32
      %dma_wait3A_157 = tpu.memref_slice %arg4[%run_scoped3A_63, %add3A, %dma_wait3A_155, %dma_wait3A_156] : memref<2x32x80x125xi32, #tpu.memory_space<hbm>> -> memref<1x1x80x125xi32, #tpu.memory_space<hbm>>
      %dma_wait3A_158 = tpu.memref_squeeze %dma_wait3A_157 : memref<1x1x80x125xi32, #tpu.memory_space<hbm>> -> memref<80x125xi32, #tpu.memory_space<hbm>>
      %dma_wait3A_159 = arith.constant 0 : i32
      %dma_wait3A_160 = arith.constant 0 : i32
      %dma_wait3A_161 = tpu.memref_slice %arg4[%run_scoped3A_63, %add3A, %dma_wait3A_159, %dma_wait3A_160] : memref<2x32x80x125xi32, #tpu.memory_space<hbm>> -> memref<1x1x80x125xi32, #tpu.memory_space<hbm>>
      %dma_wait3A_162 = tpu.memref_squeeze %dma_wait3A_161 : memref<1x1x80x125xi32, #tpu.memory_space<hbm>> -> memref<80x125xi32, #tpu.memory_space<hbm>>
      tpu.wait_dma2 semaphore(%run_scoped3A_146 : memref<!tpu.dma_semaphore, #tpu.memory_space<semaphore_mem>>) src(%dma_wait3A_162 : memref<80x125xi32, #tpu.memory_space<hbm>>) dst(%arg9 : memref<80x125xi32, #tpu.memory_space<vmem>>)
      tpu.yield
    }) : () -> ()
    %barrier3A = arith.constant 0 : index
    tpu.barrier barrier_id(%barrier3A)
    %dma_start3A = arith.constant 0 : i32
    %dma_start3A_64 = arith.constant 0 : i32
    %dma_start3A_65 = tpu.memref_slice %arg8[%dma_start3A, %dma_start3A_64] : memref<80x125xi32, #tpu.memory_space<vmem>> -> memref<1x125xi32, #tpu.memory_space<vmem>>
    %dma_start3A_66 = tpu.memref_squeeze %dma_start3A_65 : memref<1x125xi32, #tpu.memory_space<vmem>> -> memref<125xi32, #tpu.memory_space<vmem>>
    %dma_start3A_67 = arith.constant 0 : i32
    %dma_start3A_68 = arith.constant 0 : i32
    %dma_start3A_69 = tpu.memref_slice %arg2[%dma_start3A_67, %dma_start3A_68] : memref<10000x64xf32, #tpu.memory_space<hbm>> -> memref<10000x64xf32, #tpu.memory_space<hbm>>
    tpu.enqueue_indirect_dma source(%dma_start3A_69 : memref<10000x64xf32, #tpu.memory_space<hbm>>) target(%arg10 : memref<125x64xf32, #tpu.memory_space<vmem>>) offsets(%dma_start3A_66 : memref<125xi32, #tpu.memory_space<vmem>>) semaphore(%arg17 : memref<!tpu.dma_semaphore, #tpu.memory_space<semaphore_mem>>)
    %scan3A_70 = arith.constant 0 : i32
    %scan3A_71 = arith.constant 0 : i32
    %scan3A_72 = arith.constant 40 : i32
    %scan3A_73 = arith.addi %scan3A_71, %scan3A_72 : i32
    %scan3A_74 = arith.constant 1 : i32
    scf.for %scan3A_146 = %scan3A_71 to %scan3A_73 step %scan3A_74  : i32 {
      %mul3A_147 = arith.constant 2 : i32
      %mul3A_148 = arith.muli %mul3A_147, %scan3A_146 : i32
      %add3A_149 = arith.constant 1 : i32
      %add3A_150 = arith.addi %mul3A_148, %add3A_149 : i32
      %dma_start3A_151 = arith.constant 0 : i32
      %dma_start3A_152 = tpu.memref_slice %arg8[%add3A_150, %dma_start3A_151] : memref<80x125xi32, #tpu.memory_space<vmem>> -> memref<1x125xi32, #tpu.memory_space<vmem>>
      %dma_start3A_153 = tpu.memref_squeeze %dma_start3A_152 : memref<1x125xi32, #tpu.memory_space<vmem>> -> memref<125xi32, #tpu.memory_space<vmem>>
      %dma_start3A_154 = arith.constant 0 : i32
      %dma_start3A_155 = arith.constant 0 : i32
      %dma_start3A_156 = tpu.memref_slice %arg2[%dma_start3A_154, %dma_start3A_155] : memref<10000x64xf32, #tpu.memory_space<hbm>> -> memref<10000x64xf32, #tpu.memory_space<hbm>>
      tpu.enqueue_indirect_dma source(%dma_start3A_156 : memref<10000x64xf32, #tpu.memory_space<hbm>>) target(%arg11 : memref<125x64xf32, #tpu.memory_space<vmem>>) offsets(%dma_start3A_153 : memref<125xi32, #tpu.memory_space<vmem>>) semaphore(%arg18 : memref<!tpu.dma_semaphore, #tpu.memory_space<semaphore_mem>>)
      %dma_wait3A_157 = arith.constant 0 : i32
      %dma_wait3A_158 = tpu.memref_slice %arg8[%mul3A_148, %dma_wait3A_157] : memref<80x125xi32, #tpu.memory_space<vmem>> -> memref<1x125xi32, #tpu.memory_space<vmem>>
      %dma_wait3A_159 = tpu.memref_squeeze %dma_wait3A_158 : memref<1x125xi32, #tpu.memory_space<vmem>> -> memref<125xi32, #tpu.memory_space<vmem>>
      %dma_wait3A_160 = arith.constant 0 : i32
      %dma_wait3A_161 = arith.constant 0 : i32
      %dma_wait3A_162 = tpu.memref_slice %arg2[%dma_wait3A_160, %dma_wait3A_161] : memref<10000x64xf32, #tpu.memory_space<hbm>> -> memref<10000x64xf32, #tpu.memory_space<hbm>>
      tpu.wait_indirect_dma semaphore(%arg17 : memref<!tpu.dma_semaphore, #tpu.memory_space<semaphore_mem>>) src(%dma_wait3A_162 : memref<10000x64xf32, #tpu.memory_space<hbm>>) dst(%arg10 : memref<125x64xf32, #tpu.memory_space<vmem>>)
      "tpu.region"() ({
        %run_scoped3A_178 = tpu.sem_alloc : memref<!tpu.dma_semaphore, #tpu.memory_space<semaphore_mem>>
        %dma_start3A_179 = arith.constant 0 : i32
        %dma_start3A_180 = tpu.memref_slice %arg9[%mul3A_148, %dma_start3A_179] : memref<80x125xi32, #tpu.memory_space<vmem>> -> memref<1x125xi32, #tpu.memory_space<vmem>>
        %dma_start3A_181 = tpu.memref_squeeze %dma_start3A_180 : memref<1x125xi32, #tpu.memory_space<vmem>> -> memref<125xi32, #tpu.memory_space<vmem>>
        %dma_start3A_182 = arith.constant 0 : i32
        %dma_start3A_183 = arith.constant 0 : i32
        %dma_start3A_184 = tpu.memref_slice %arg15[%dma_start3A_182, %dma_start3A_183] : memref<10240x64xf32, #tpu.memory_space<vmem_shared>> -> memref<10240x64xf32, #tpu.memory_space<vmem_shared>>
        tpu.enqueue_indirect_dma source(%arg10 : memref<125x64xf32, #tpu.memory_space<vmem>>) target(%dma_start3A_184 : memref<10240x64xf32, #tpu.memory_space<vmem_shared>>) offsets(%dma_start3A_181 : memref<125xi32, #tpu.memory_space<vmem>>) semaphore(%run_scoped3A_178 : memref<!tpu.dma_semaphore, #tpu.memory_space<semaphore_mem>>) {add = true}
        %dma_wait3A_185 = arith.constant 0 : i32
        %dma_wait3A_186 = tpu.memref_slice %arg9[%mul3A_148, %dma_wait3A_185] : memref<80x125xi32, #tpu.memory_space<vmem>> -> memref<1x125xi32, #tpu.memory_space<vmem>>
        %dma_wait3A_187 = tpu.memref_squeeze %dma_wait3A_186 : memref<1x125xi32, #tpu.memory_space<vmem>> -> memref<125xi32, #tpu.memory_space<vmem>>
        %dma_wait3A_188 = arith.constant 0 : i32
        %dma_wait3A_189 = arith.constant 0 : i32
        %dma_wait3A_190 = tpu.memref_slice %arg15[%dma_wait3A_188, %dma_wait3A_189] : memref<10240x64xf32, #tpu.memory_space<vmem_shared>> -> memref<10240x64xf32, #tpu.memory_space<vmem_shared>>
        tpu.wait_indirect_dma semaphore(%run_scoped3A_178 : memref<!tpu.dma_semaphore, #tpu.memory_space<semaphore_mem>>) src(%arg10 : memref<125x64xf32, #tpu.memory_space<vmem>>) dst(%dma_wait3A_190 : memref<10240x64xf32, #tpu.memory_space<vmem_shared>>)
        tpu.yield
      }) : () -> ()
      "tpu.region"() ({
        %run_scoped3A_178 = tpu.sem_alloc : memref<!tpu.dma_semaphore, #tpu.memory_space<semaphore_mem>>
        %dma_start3A_179 = arith.constant 0 : i32
        %dma_start3A_180 = tpu.memref_slice %arg14[%dma_start3A_179] : memref<128xf32, #tpu.memory_space<vmem>> -> memref<125xf32, #tpu.memory_space<vmem>>
        %dma_start3A_181 = arith.constant 0 : i32
        %dma_start3A_182 = tpu.memref_slice %arg9[%mul3A_148, %dma_start3A_181] : memref<80x125xi32, #tpu.memory_space<vmem>> -> memref<1x125xi32, #tpu.memory_space<vmem>>
        %dma_start3A_183 = tpu.memref_squeeze %dma_start3A_182 : memref<1x125xi32, #tpu.memory_space<vmem>> -> memref<125xi32, #tpu.memory_space<vmem>>
        %dma_start3A_184 = arith.constant 0 : i32
        %dma_start3A_185 = tpu.memref_slice %arg16[%dma_start3A_184] : memref<10240xf32, #tpu.memory_space<vmem_shared>> -> memref<10240xf32, #tpu.memory_space<vmem_shared>>
        tpu.enqueue_indirect_dma source(%dma_start3A_180 : memref<125xf32, #tpu.memory_space<vmem>>) target(%dma_start3A_185 : memref<10240xf32, #tpu.memory_space<vmem_shared>>) offsets(%dma_start3A_183 : memref<125xi32, #tpu.memory_space<vmem>>) semaphore(%run_scoped3A_178 : memref<!tpu.dma_semaphore, #tpu.memory_space<semaphore_mem>>) {add = true}
        %dma_wait3A_186 = arith.constant 0 : i32
        %dma_wait3A_187 = tpu.memref_slice %arg14[%dma_wait3A_186] : memref<128xf32, #tpu.memory_space<vmem>> -> memref<125xf32, #tpu.memory_space<vmem>>
        %dma_wait3A_188 = arith.constant 0 : i32
        %dma_wait3A_189 = tpu.memref_slice %arg9[%mul3A_148, %dma_wait3A_188] : memref<80x125xi32, #tpu.memory_space<vmem>> -> memref<1x125xi32, #tpu.memory_space<vmem>>
        %dma_wait3A_190 = tpu.memref_squeeze %dma_wait3A_189 : memref<1x125xi32, #tpu.memory_space<vmem>> -> memref<125xi32, #tpu.memory_space<vmem>>
        %dma_wait3A_191 = arith.constant 0 : i32
        %dma_wait3A_192 = tpu.memref_slice %arg16[%dma_wait3A_191] : memref<10240xf32, #tpu.memory_space<vmem_shared>> -> memref<10240xf32, #tpu.memory_space<vmem_shared>>
        tpu.wait_indirect_dma semaphore(%run_scoped3A_178 : memref<!tpu.dma_semaphore, #tpu.memory_space<semaphore_mem>>) src(%dma_wait3A_187 : memref<125xf32, #tpu.memory_space<vmem>>) dst(%dma_wait3A_192 : memref<10240xf32, #tpu.memory_space<vmem_shared>>)
        tpu.yield
      }) : () -> ()
      %add3A_163 = arith.constant 2 : i32
      %add3A_164 = arith.addi %mul3A_148, %add3A_163 : i32
      %min3A = arith.constant 78 : i32
      %min3A_165 = arith.minsi %add3A_164, %min3A : i32
      %dma_start3A_166 = arith.constant 0 : i32
      %dma_start3A_167 = tpu.memref_slice %arg8[%min3A_165, %dma_start3A_166] : memref<80x125xi32, #tpu.memory_space<vmem>> -> memref<1x125xi32, #tpu.memory_space<vmem>>
      %dma_start3A_168 = tpu.memref_squeeze %dma_start3A_167 : memref<1x125xi32, #tpu.memory_space<vmem>> -> memref<125xi32, #tpu.memory_space<vmem>>
      %dma_start3A_169 = arith.constant 0 : i32
      %dma_start3A_170 = arith.constant 0 : i32
      %dma_start3A_171 = tpu.memref_slice %arg2[%dma_start3A_169, %dma_start3A_170] : memref<10000x64xf32, #tpu.memory_space<hbm>> -> memref<10000x64xf32, #tpu.memory_space<hbm>>
      tpu.enqueue_indirect_dma source(%dma_start3A_171 : memref<10000x64xf32, #tpu.memory_space<hbm>>) target(%arg10 : memref<125x64xf32, #tpu.memory_space<vmem>>) offsets(%dma_start3A_168 : memref<125xi32, #tpu.memory_space<vmem>>) semaphore(%arg17 : memref<!tpu.dma_semaphore, #tpu.memory_space<semaphore_mem>>)
      %dma_wait3A_172 = arith.constant 0 : i32
      %dma_wait3A_173 = tpu.memref_slice %arg8[%add3A_150, %dma_wait3A_172] : memref<80x125xi32, #tpu.memory_space<vmem>> -> memref<1x125xi32, #tpu.memory_space<vmem>>
      %dma_wait3A_174 = tpu.memref_squeeze %dma_wait3A_173 : memref<1x125xi32, #tpu.memory_space<vmem>> -> memref<125xi32, #tpu.memory_space<vmem>>
      %dma_wait3A_175 = arith.constant 0 : i32
      %dma_wait3A_176 = arith.constant 0 : i32
      %dma_wait3A_177 = tpu.memref_slice %arg2[%dma_wait3A_175, %dma_wait3A_176] : memref<10000x64xf32, #tpu.memory_space<hbm>> -> memref<10000x64xf32, #tpu.memory_space<hbm>>
      tpu.wait_indirect_dma semaphore(%arg18 : memref<!tpu.dma_semaphore, #tpu.memory_space<semaphore_mem>>) src(%dma_wait3A_177 : memref<10000x64xf32, #tpu.memory_space<hbm>>) dst(%arg11 : memref<125x64xf32, #tpu.memory_space<vmem>>)
      "tpu.region"() ({
        %run_scoped3A_178 = tpu.sem_alloc : memref<!tpu.dma_semaphore, #tpu.memory_space<semaphore_mem>>
        %dma_start3A_179 = arith.constant 0 : i32
        %dma_start3A_180 = tpu.memref_slice %arg9[%add3A_150, %dma_start3A_179] : memref<80x125xi32, #tpu.memory_space<vmem>> -> memref<1x125xi32, #tpu.memory_space<vmem>>
        %dma_start3A_181 = tpu.memref_squeeze %dma_start3A_180 : memref<1x125xi32, #tpu.memory_space<vmem>> -> memref<125xi32, #tpu.memory_space<vmem>>
        %dma_start3A_182 = arith.constant 0 : i32
        %dma_start3A_183 = arith.constant 0 : i32
        %dma_start3A_184 = tpu.memref_slice %arg15[%dma_start3A_182, %dma_start3A_183] : memref<10240x64xf32, #tpu.memory_space<vmem_shared>> -> memref<10240x64xf32, #tpu.memory_space<vmem_shared>>
        tpu.enqueue_indirect_dma source(%arg11 : memref<125x64xf32, #tpu.memory_space<vmem>>) target(%dma_start3A_184 : memref<10240x64xf32, #tpu.memory_space<vmem_shared>>) offsets(%dma_start3A_181 : memref<125xi32, #tpu.memory_space<vmem>>) semaphore(%run_scoped3A_178 : memref<!tpu.dma_semaphore, #tpu.memory_space<semaphore_mem>>) {add = true}
        %dma_wait3A_185 = arith.constant 0 : i32
        %dma_wait3A_186 = tpu.memref_slice %arg9[%add3A_150, %dma_wait3A_185] : memref<80x125xi32, #tpu.memory_space<vmem>> -> memref<1x125xi32, #tpu.memory_space<vmem>>
        %dma_wait3A_187 = tpu.memref_squeeze %dma_wait3A_186 : memref<1x125xi32, #tpu.memory_space<vmem>> -> memref<125xi32, #tpu.memory_space<vmem>>
        %dma_wait3A_188 = arith.constant 0 : i32
        %dma_wait3A_189 = arith.constant 0 : i32
        %dma_wait3A_190 = tpu.memref_slice %arg15[%dma_wait3A_188, %dma_wait3A_189] : memref<10240x64xf32, #tpu.memory_space<vmem_shared>> -> memref<10240x64xf32, #tpu.memory_space<vmem_shared>>
        tpu.wait_indirect_dma semaphore(%run_scoped3A_178 : memref<!tpu.dma_semaphore, #tpu.memory_space<semaphore_mem>>) src(%arg11 : memref<125x64xf32, #tpu.memory_space<vmem>>) dst(%dma_wait3A_190 : memref<10240x64xf32, #tpu.memory_space<vmem_shared>>)
        tpu.yield
      }) : () -> ()
      "tpu.region"() ({
        %run_scoped3A_178 = tpu.sem_alloc : memref<!tpu.dma_semaphore, #tpu.memory_space<semaphore_mem>>
        %dma_start3A_179 = arith.constant 0 : i32
        %dma_start3A_180 = tpu.memref_slice %arg14[%dma_start3A_179] : memref<128xf32, #tpu.memory_space<vmem>> -> memref<125xf32, #tpu.memory_space<vmem>>
        %dma_start3A_181 = arith.constant 0 : i32
        %dma_start3A_182 = tpu.memref_slice %arg9[%add3A_150, %dma_start3A_181] : memref<80x125xi32, #tpu.memory_space<vmem>> -> memref<1x125xi32, #tpu.memory_space<vmem>>
        %dma_start3A_183 = tpu.memref_squeeze %dma_start3A_182 : memref<1x125xi32, #tpu.memory_space<vmem>> -> memref<125xi32, #tpu.memory_space<vmem>>
        %dma_start3A_184 = arith.constant 0 : i32
        %dma_start3A_185 = tpu.memref_slice %arg16[%dma_start3A_184] : memref<10240xf32, #tpu.memory_space<vmem_shared>> -> memref<10240xf32, #tpu.memory_space<vmem_shared>>
        tpu.enqueue_indirect_dma source(%dma_start3A_180 : memref<125xf32, #tpu.memory_space<vmem>>) target(%dma_start3A_185 : memref<10240xf32, #tpu.memory_space<vmem_shared>>) offsets(%dma_start3A_183 : memref<125xi32, #tpu.memory_space<vmem>>) semaphore(%run_scoped3A_178 : memref<!tpu.dma_semaphore, #tpu.memory_space<semaphore_mem>>) {add = true}
        %dma_wait3A_186 = arith.constant 0 : i32
        %dma_wait3A_187 = tpu.memref_slice %arg14[%dma_wait3A_186] : memref<128xf32, #tpu.memory_space<vmem>> -> memref<125xf32, #tpu.memory_space<vmem>>
        %dma_wait3A_188 = arith.constant 0 : i32
        %dma_wait3A_189 = tpu.memref_slice %arg9[%add3A_150, %dma_wait3A_188] : memref<80x125xi32, #tpu.memory_space<vmem>> -> memref<1x125xi32, #tpu.memory_space<vmem>>
        %dma_wait3A_190 = tpu.memref_squeeze %dma_wait3A_189 : memref<1x125xi32, #tpu.memory_space<vmem>> -> memref<125xi32, #tpu.memory_space<vmem>>
        %dma_wait3A_191 = arith.constant 0 : i32
        %dma_wait3A_192 = tpu.memref_slice %arg16[%dma_wait3A_191] : memref<10240xf32, #tpu.memory_space<vmem_shared>> -> memref<10240xf32, #tpu.memory_space<vmem_shared>>
        tpu.wait_indirect_dma semaphore(%run_scoped3A_178 : memref<!tpu.dma_semaphore, #tpu.memory_space<semaphore_mem>>) src(%dma_wait3A_187 : memref<125xf32, #tpu.memory_space<vmem>>) dst(%dma_wait3A_192 : memref<10240xf32, #tpu.memory_space<vmem_shared>>)
        tpu.yield
      }) : () -> ()
    }
    %scan3A_75 = arith.constant 40 : i32
    %dma_wait3A = arith.constant 0 : i32
    %dma_wait3A_76 = arith.constant 0 : i32
    %dma_wait3A_77 = tpu.memref_slice %arg8[%dma_wait3A, %dma_wait3A_76] : memref<80x125xi32, #tpu.memory_space<vmem>> -> memref<1x125xi32, #tpu.memory_space<vmem>>
    %dma_wait3A_78 = tpu.memref_squeeze %dma_wait3A_77 : memref<1x125xi32, #tpu.memory_space<vmem>> -> memref<125xi32, #tpu.memory_space<vmem>>
    %dma_wait3A_79 = arith.constant 0 : i32
    %dma_wait3A_80 = arith.constant 0 : i32
    %dma_wait3A_81 = tpu.memref_slice %arg2[%dma_wait3A_79, %dma_wait3A_80] : memref<10000x64xf32, #tpu.memory_space<hbm>> -> memref<10000x64xf32, #tpu.memory_space<hbm>>
    tpu.wait_indirect_dma semaphore(%arg17 : memref<!tpu.dma_semaphore, #tpu.memory_space<semaphore_mem>>) src(%dma_wait3A_81 : memref<10000x64xf32, #tpu.memory_space<hbm>>) dst(%arg10 : memref<125x64xf32, #tpu.memory_space<vmem>>)
    %barrier3A_82 = arith.constant 0 : index
    tpu.barrier barrier_id(%barrier3A_82)
    "tpu.region"() ({
      %run_scoped3A_146 = tpu.sem_alloc : memref<!tpu.dma_semaphore, #tpu.memory_space<semaphore_mem>>
      %dma_start3A_147 = arith.constant 0 : i32
      %dma_start3A_148 = tpu.memref_slice %arg5[%arg0, %mul3A_2, %dma_start3A_147] : memref<2x10240x64xf32, #tpu.memory_space<hbm>> -> memref<1x640x64xf32, #tpu.memory_space<hbm>>
      %dma_start3A_149 = tpu.memref_squeeze %dma_start3A_148 : memref<1x640x64xf32, #tpu.memory_space<hbm>> -> memref<640x64xf32, #tpu.memory_space<hbm>>
      %dma_start3A_150 = arith.constant 0 : i32
      %dma_start3A_151 = tpu.memref_slice %arg15[%mul3A_2, %dma_start3A_150] : memref<10240x64xf32, #tpu.memory_space<vmem_shared>> -> memref<640x64xf32, #tpu.memory_space<vmem_shared>>
      tpu.enqueue_dma source(%dma_start3A_151 : memref<640x64xf32, #tpu.memory_space<vmem_shared>>) target(%dma_start3A_149 : memref<640x64xf32, #tpu.memory_space<hbm>>) target_semaphore(%run_scoped3A_146 : memref<!tpu.dma_semaphore, #tpu.memory_space<semaphore_mem>>)
      %dma_wait3A_152 = arith.constant 0 : i32
      %dma_wait3A_153 = tpu.memref_slice %arg5[%arg0, %mul3A_2, %dma_wait3A_152] : memref<2x10240x64xf32, #tpu.memory_space<hbm>> -> memref<1x640x64xf32, #tpu.memory_space<hbm>>
      %dma_wait3A_154 = tpu.memref_squeeze %dma_wait3A_153 : memref<1x640x64xf32, #tpu.memory_space<hbm>> -> memref<640x64xf32, #tpu.memory_space<hbm>>
      %dma_wait3A_155 = arith.constant 0 : i32
      %dma_wait3A_156 = tpu.memref_slice %arg15[%mul3A_2, %dma_wait3A_155] : memref<10240x64xf32, #tpu.memory_space<vmem_shared>> -> memref<640x64xf32, #tpu.memory_space<vmem_shared>>
      tpu.wait_dma2 semaphore(%run_scoped3A_146 : memref<!tpu.dma_semaphore, #tpu.memory_space<semaphore_mem>>) src(%dma_wait3A_156 : memref<640x64xf32, #tpu.memory_space<vmem_shared>>) dst(%dma_wait3A_154 : memref<640x64xf32, #tpu.memory_space<hbm>>)
      tpu.yield
    }) : () -> ()
    %run_scoped3A_83 = arith.constant 0 : i32
    "tpu.region"() ({
      %run_scoped3A_146 = tpu.sem_alloc : memref<!tpu.dma_semaphore, #tpu.memory_space<semaphore_mem>>
      %dma_start3A_147 = tpu.memref_slice %arg7[%arg0, %run_scoped3A_83, %mul3A_2] : memref<2x1x10240xf32, #tpu.memory_space<hbm>> -> memref<1x1x640xf32, #tpu.memory_space<hbm>>
      %dma_start3A_148 = tpu.memref_squeeze %dma_start3A_147 : memref<1x1x640xf32, #tpu.memory_space<hbm>> -> memref<640xf32, #tpu.memory_space<hbm>>
      %dma_start3A_149 = tpu.memref_slice %arg16[%mul3A_2] : memref<10240xf32, #tpu.memory_space<vmem_shared>> -> memref<640xf32, #tpu.memory_space<vmem_shared>>
      tpu.enqueue_dma source(%dma_start3A_149 : memref<640xf32, #tpu.memory_space<vmem_shared>>) target(%dma_start3A_148 : memref<640xf32, #tpu.memory_space<hbm>>) target_semaphore(%run_scoped3A_146 : memref<!tpu.dma_semaphore, #tpu.memory_space<semaphore_mem>>)
      %dma_wait3A_150 = tpu.memref_slice %arg7[%arg0, %run_scoped3A_83, %mul3A_2] : memref<2x1x10240xf32, #tpu.memory_space<hbm>> -> memref<1x1x640xf32, #tpu.memory_space<hbm>>
      %dma_wait3A_151 = tpu.memref_squeeze %dma_wait3A_150 : memref<1x1x640xf32, #tpu.memory_space<hbm>> -> memref<640xf32, #tpu.memory_space<hbm>>
      %dma_wait3A_152 = tpu.memref_slice %arg16[%mul3A_2] : memref<10240xf32, #tpu.memory_space<vmem_shared>> -> memref<640xf32, #tpu.memory_space<vmem_shared>>
      tpu.wait_dma2 semaphore(%run_scoped3A_146 : memref<!tpu.dma_semaphore, #tpu.memory_space<semaphore_mem>>) src(%dma_wait3A_152 : memref<640xf32, #tpu.memory_space<vmem_shared>>) dst(%dma_wait3A_151 : memref<640xf32, #tpu.memory_space<hbm>>)
      tpu.yield
    }) : () -> ()
    %add3A_84 = arith.constant 0 : i32
    %add3A_85 = arith.addi %mul3A_2, %add3A_84 : i32
    "tpu.region"() ({
      %run_scoped3A_146 = tpu.sem_alloc : memref<!tpu.dma_semaphore, #tpu.memory_space<semaphore_mem>>
      %dma_start3A_147 = arith.constant 0 : i32
      %dma_start3A_148 = tpu.memref_slice %arg15[%add3A_85, %dma_start3A_147] : memref<10240x64xf32, #tpu.memory_space<vmem_shared>> -> memref<32x64xf32, #tpu.memory_space<vmem_shared>>
      %dma_start3A_149 = arith.constant 0 : i32
      %dma_start3A_150 = tpu.memref_slice %arg15[%add3A_85, %dma_start3A_149] : memref<10240x64xf32, #tpu.memory_space<vmem_shared>> -> memref<32x64xf32, #tpu.memory_space<vmem_shared>>
      tpu.enqueue_dma source(%arg12 : memref<32x64xf32, #tpu.memory_space<vmem>>) target(%dma_start3A_150 : memref<32x64xf32, #tpu.memory_space<vmem_shared>>) target_semaphore(%run_scoped3A_146 : memref<!tpu.dma_semaphore, #tpu.memory_space<semaphore_mem>>)
      %dma_wait3A_151 = arith.constant 0 : i32
      %dma_wait3A_152 = tpu.memref_slice %arg15[%add3A_85, %dma_wait3A_151] : memref<10240x64xf32, #tpu.memory_space<vmem_shared>> -> memref<32x64xf32, #tpu.memory_space<vmem_shared>>
      %dma_wait3A_153 = arith.constant 0 : i32
      %dma_wait3A_154 = tpu.memref_slice %arg15[%add3A_85, %dma_wait3A_153] : memref<10240x64xf32, #tpu.memory_space<vmem_shared>> -> memref<32x64xf32, #tpu.memory_space<vmem_shared>>
      tpu.wait_dma2 semaphore(%run_scoped3A_146 : memref<!tpu.dma_semaphore, #tpu.memory_space<semaphore_mem>>) src(%arg12 : memref<32x64xf32, #tpu.memory_space<vmem>>) dst(%dma_wait3A_154 : memref<32x64xf32, #tpu.memory_space<vmem_shared>>)
      tpu.yield
    }) : () -> ()
    %add3A_86 = arith.constant 32 : i32
    %add3A_87 = arith.addi %mul3A_2, %add3A_86 : i32
    "tpu.region"() ({
      %run_scoped3A_146 = tpu.sem_alloc : memref<!tpu.dma_semaphore, #tpu.memory_space<semaphore_mem>>
      %dma_start3A_147 = arith.constant 0 : i32
      %dma_start3A_148 = tpu.memref_slice %arg15[%add3A_87, %dma_start3A_147] : memref<10240x64xf32, #tpu.memory_space<vmem_shared>> -> memref<32x64xf32, #tpu.memory_space<vmem_shared>>
      %dma_start3A_149 = arith.constant 0 : i32
      %dma_start3A_150 = tpu.memref_slice %arg15[%add3A_87, %dma_start3A_149] : memref<10240x64xf32, #tpu.memory_space<vmem_shared>> -> memref<32x64xf32, #tpu.memory_space<vmem_shared>>
      tpu.enqueue_dma source(%arg12 : memref<32x64xf32, #tpu.memory_space<vmem>>) target(%dma_start3A_150 : memref<32x64xf32, #tpu.memory_space<vmem_shared>>) target_semaphore(%run_scoped3A_146 : memref<!tpu.dma_semaphore, #tpu.memory_space<semaphore_mem>>)
      %dma_wait3A_151 = arith.constant 0 : i32
      %dma_wait3A_152 = tpu.memref_slice %arg15[%add3A_87, %dma_wait3A_151] : memref<10240x64xf32, #tpu.memory_space<vmem_shared>> -> memref<32x64xf32, #tpu.memory_space<vmem_shared>>
      %dma_wait3A_153 = arith.constant 0 : i32
      %dma_wait3A_154 = tpu.memref_slice %arg15[%add3A_87, %dma_wait3A_153] : memref<10240x64xf32, #tpu.memory_space<vmem_shared>> -> memref<32x64xf32, #tpu.memory_space<vmem_shared>>
      tpu.wait_dma2 semaphore(%run_scoped3A_146 : memref<!tpu.dma_semaphore, #tpu.memory_space<semaphore_mem>>) src(%arg12 : memref<32x64xf32, #tpu.memory_space<vmem>>) dst(%dma_wait3A_154 : memref<32x64xf32, #tpu.memory_space<vmem_shared>>)
      tpu.yield
    }) : () -> ()
    %add3A_88 = arith.constant 64 : i32
    %add3A_89 = arith.addi %mul3A_2, %add3A_88 : i32
    "tpu.region"() ({
      %run_scoped3A_146 = tpu.sem_alloc : memref<!tpu.dma_semaphore, #tpu.memory_space<semaphore_mem>>
      %dma_start3A_147 = arith.constant 0 : i32
      %dma_start3A_148 = tpu.memref_slice %arg15[%add3A_89, %dma_start3A_147] : memref<10240x64xf32, #tpu.memory_space<vmem_shared>> -> memref<32x64xf32, #tpu.memory_space<vmem_shared>>
      %dma_start3A_149 = arith.constant 0 : i32
      %dma_start3A_150 = tpu.memref_slice %arg15[%add3A_89, %dma_start3A_149] : memref<10240x64xf32, #tpu.memory_space<vmem_shared>> -> memref<32x64xf32, #tpu.memory_space<vmem_shared>>
      tpu.enqueue_dma source(%arg12 : memref<32x64xf32, #tpu.memory_space<vmem>>) target(%dma_start3A_150 : memref<32x64xf32, #tpu.memory_space<vmem_shared>>) target_semaphore(%run_scoped3A_146 : memref<!tpu.dma_semaphore, #tpu.memory_space<semaphore_mem>>)
      %dma_wait3A_151 = arith.constant 0 : i32
      %dma_wait3A_152 = tpu.memref_slice %arg15[%add3A_89, %dma_wait3A_151] : memref<10240x64xf32, #tpu.memory_space<vmem_shared>> -> memref<32x64xf32, #tpu.memory_space<vmem_shared>>
      %dma_wait3A_153 = arith.constant 0 : i32
      %dma_wait3A_154 = tpu.memref_slice %arg15[%add3A_89, %dma_wait3A_153] : memref<10240x64xf32, #tpu.memory_space<vmem_shared>> -> memref<32x64xf32, #tpu.memory_space<vmem_shared>>
      tpu.wait_dma2 semaphore(%run_scoped3A_146 : memref<!tpu.dma_semaphore, #tpu.memory_space<semaphore_mem>>) src(%arg12 : memref<32x64xf32, #tpu.memory_space<vmem>>) dst(%dma_wait3A_154 : memref<32x64xf32, #tpu.memory_space<vmem_shared>>)
      tpu.yield
    }) : () -> ()
    %add3A_90 = arith.constant 96 : i32
    %add3A_91 = arith.addi %mul3A_2, %add3A_90 : i32
    "tpu.region"() ({
      %run_scoped3A_146 = tpu.sem_alloc : memref<!tpu.dma_semaphore, #tpu.memory_space<semaphore_mem>>
      %dma_start3A_147 = arith.constant 0 : i32
      %dma_start3A_148 = tpu.memref_slice %arg15[%add3A_91, %dma_start3A_147] : memref<10240x64xf32, #tpu.memory_space<vmem_shared>> -> memref<32x64xf32, #tpu.memory_space<vmem_shared>>
      %dma_start3A_149 = arith.constant 0 : i32
      %dma_start3A_150 = tpu.memref_slice %arg15[%add3A_91, %dma_start3A_149] : memref<10240x64xf32, #tpu.memory_space<vmem_shared>> -> memref<32x64xf32, #tpu.memory_space<vmem_shared>>
      tpu.enqueue_dma source(%arg12 : memref<32x64xf32, #tpu.memory_space<vmem>>) target(%dma_start3A_150 : memref<32x64xf32, #tpu.memory_space<vmem_shared>>) target_semaphore(%run_scoped3A_146 : memref<!tpu.dma_semaphore, #tpu.memory_space<semaphore_mem>>)
      %dma_wait3A_151 = arith.constant 0 : i32
      %dma_wait3A_152 = tpu.memref_slice %arg15[%add3A_91, %dma_wait3A_151] : memref<10240x64xf32, #tpu.memory_space<vmem_shared>> -> memref<32x64xf32, #tpu.memory_space<vmem_shared>>
      %dma_wait3A_153 = arith.constant 0 : i32
      %dma_wait3A_154 = tpu.memref_slice %arg15[%add3A_91, %dma_wait3A_153] : memref<10240x64xf32, #tpu.memory_space<vmem_shared>> -> memref<32x64xf32, #tpu.memory_space<vmem_shared>>
      tpu.wait_dma2 semaphore(%run_scoped3A_146 : memref<!tpu.dma_semaphore, #tpu.memory_space<semaphore_mem>>) src(%arg12 : memref<32x64xf32, #tpu.memory_space<vmem>>) dst(%dma_wait3A_154 : memref<32x64xf32, #tpu.memory_space<vmem_shared>>)
      tpu.yield
    }) : () -> ()
    %add3A_92 = arith.constant 128 : i32
    %add3A_93 = arith.addi %mul3A_2, %add3A_92 : i32
    "tpu.region"() ({
      %run_scoped3A_146 = tpu.sem_alloc : memref<!tpu.dma_semaphore, #tpu.memory_space<semaphore_mem>>
      %dma_start3A_147 = arith.constant 0 : i32
      %dma_start3A_148 = tpu.memref_slice %arg15[%add3A_93, %dma_start3A_147] : memref<10240x64xf32, #tpu.memory_space<vmem_shared>> -> memref<32x64xf32, #tpu.memory_space<vmem_shared>>
      %dma_start3A_149 = arith.constant 0 : i32
      %dma_start3A_150 = tpu.memref_slice %arg15[%add3A_93, %dma_start3A_149] : memref<10240x64xf32, #tpu.memory_space<vmem_shared>> -> memref<32x64xf32, #tpu.memory_space<vmem_shared>>
      tpu.enqueue_dma source(%arg12 : memref<32x64xf32, #tpu.memory_space<vmem>>) target(%dma_start3A_150 : memref<32x64xf32, #tpu.memory_space<vmem_shared>>) target_semaphore(%run_scoped3A_146 : memref<!tpu.dma_semaphore, #tpu.memory_space<semaphore_mem>>)
      %dma_wait3A_151 = arith.constant 0 : i32
      %dma_wait3A_152 = tpu.memref_slice %arg15[%add3A_93, %dma_wait3A_151] : memref<10240x64xf32, #tpu.memory_space<vmem_shared>> -> memref<32x64xf32, #tpu.memory_space<vmem_shared>>
      %dma_wait3A_153 = arith.constant 0 : i32
      %dma_wait3A_154 = tpu.memref_slice %arg15[%add3A_93, %dma_wait3A_153] : memref<10240x64xf32, #tpu.memory_space<vmem_shared>> -> memref<32x64xf32, #tpu.memory_space<vmem_shared>>
      tpu.wait_dma2 semaphore(%run_scoped3A_146 : memref<!tpu.dma_semaphore, #tpu.memory_space<semaphore_mem>>) src(%arg12 : memref<32x64xf32, #tpu.memory_space<vmem>>) dst(%dma_wait3A_154 : memref<32x64xf32, #tpu.memory_space<vmem_shared>>)
      tpu.yield
    }) : () -> ()
    %add3A_94 = arith.constant 160 : i32
    %add3A_95 = arith.addi %mul3A_2, %add3A_94 : i32
    "tpu.region"() ({
      %run_scoped3A_146 = tpu.sem_alloc : memref<!tpu.dma_semaphore, #tpu.memory_space<semaphore_mem>>
      %dma_start3A_147 = arith.constant 0 : i32
      %dma_start3A_148 = tpu.memref_slice %arg15[%add3A_95, %dma_start3A_147] : memref<10240x64xf32, #tpu.memory_space<vmem_shared>> -> memref<32x64xf32, #tpu.memory_space<vmem_shared>>
      %dma_start3A_149 = arith.constant 0 : i32
      %dma_start3A_150 = tpu.memref_slice %arg15[%add3A_95, %dma_start3A_149] : memref<10240x64xf32, #tpu.memory_space<vmem_shared>> -> memref<32x64xf32, #tpu.memory_space<vmem_shared>>
      tpu.enqueue_dma source(%arg12 : memref<32x64xf32, #tpu.memory_space<vmem>>) target(%dma_start3A_150 : memref<32x64xf32, #tpu.memory_space<vmem_shared>>) target_semaphore(%run_scoped3A_146 : memref<!tpu.dma_semaphore, #tpu.memory_space<semaphore_mem>>)
      %dma_wait3A_151 = arith.constant 0 : i32
      %dma_wait3A_152 = tpu.memref_slice %arg15[%add3A_95, %dma_wait3A_151] : memref<10240x64xf32, #tpu.memory_space<vmem_shared>> -> memref<32x64xf32, #tpu.memory_space<vmem_shared>>
      %dma_wait3A_153 = arith.constant 0 : i32
      %dma_wait3A_154 = tpu.memref_slice %arg15[%add3A_95, %dma_wait3A_153] : memref<10240x64xf32, #tpu.memory_space<vmem_shared>> -> memref<32x64xf32, #tpu.memory_space<vmem_shared>>
      tpu.wait_dma2 semaphore(%run_scoped3A_146 : memref<!tpu.dma_semaphore, #tpu.memory_space<semaphore_mem>>) src(%arg12 : memref<32x64xf32, #tpu.memory_space<vmem>>) dst(%dma_wait3A_154 : memref<32x64xf32, #tpu.memory_space<vmem_shared>>)
      tpu.yield
    }) : () -> ()
    %add3A_96 = arith.constant 192 : i32
    %add3A_97 = arith.addi %mul3A_2, %add3A_96 : i32
    "tpu.region"() ({
      %run_scoped3A_146 = tpu.sem_alloc : memref<!tpu.dma_semaphore, #tpu.memory_space<semaphore_mem>>
      %dma_start3A_147 = arith.constant 0 : i32
      %dma_start3A_148 = tpu.memref_slice %arg15[%add3A_97, %dma_start3A_147] : memref<10240x64xf32, #tpu.memory_space<vmem_shared>> -> memref<32x64xf32, #tpu.memory_space<vmem_shared>>
      %dma_start3A_149 = arith.constant 0 : i32
      %dma_start3A_150 = tpu.memref_slice %arg15[%add3A_97, %dma_start3A_149] : memref<10240x64xf32, #tpu.memory_space<vmem_shared>> -> memref<32x64xf32, #tpu.memory_space<vmem_shared>>
      tpu.enqueue_dma source(%arg12 : memref<32x64xf32, #tpu.memory_space<vmem>>) target(%dma_start3A_150 : memref<32x64xf32, #tpu.memory_space<vmem_shared>>) target_semaphore(%run_scoped3A_146 : memref<!tpu.dma_semaphore, #tpu.memory_space<semaphore_mem>>)
      %dma_wait3A_151 = arith.constant 0 : i32
      %dma_wait3A_152 = tpu.memref_slice %arg15[%add3A_97, %dma_wait3A_151] : memref<10240x64xf32, #tpu.memory_space<vmem_shared>> -> memref<32x64xf32, #tpu.memory_space<vmem_shared>>
      %dma_wait3A_153 = arith.constant 0 : i32
      %dma_wait3A_154 = tpu.memref_slice %arg15[%add3A_97, %dma_wait3A_153] : memref<10240x64xf32, #tpu.memory_space<vmem_shared>> -> memref<32x64xf32, #tpu.memory_space<vmem_shared>>
      tpu.wait_dma2 semaphore(%run_scoped3A_146 : memref<!tpu.dma_semaphore, #tpu.memory_space<semaphore_mem>>) src(%arg12 : memref<32x64xf32, #tpu.memory_space<vmem>>) dst(%dma_wait3A_154 : memref<32x64xf32, #tpu.memory_space<vmem_shared>>)
      tpu.yield
    }) : () -> ()
    %add3A_98 = arith.constant 224 : i32
    %add3A_99 = arith.addi %mul3A_2, %add3A_98 : i32
    "tpu.region"() ({
      %run_scoped3A_146 = tpu.sem_alloc : memref<!tpu.dma_semaphore, #tpu.memory_space<semaphore_mem>>
      %dma_start3A_147 = arith.constant 0 : i32
      %dma_start3A_148 = tpu.memref_slice %arg15[%add3A_99, %dma_start3A_147] : memref<10240x64xf32, #tpu.memory_space<vmem_shared>> -> memref<32x64xf32, #tpu.memory_space<vmem_shared>>
      %dma_start3A_149 = arith.constant 0 : i32
      %dma_start3A_150 = tpu.memref_slice %arg15[%add3A_99, %dma_start3A_149] : memref<10240x64xf32, #tpu.memory_space<vmem_shared>> -> memref<32x64xf32, #tpu.memory_space<vmem_shared>>
      tpu.enqueue_dma source(%arg12 : memref<32x64xf32, #tpu.memory_space<vmem>>) target(%dma_start3A_150 : memref<32x64xf32, #tpu.memory_space<vmem_shared>>) target_semaphore(%run_scoped3A_146 : memref<!tpu.dma_semaphore, #tpu.memory_space<semaphore_mem>>)
      %dma_wait3A_151 = arith.constant 0 : i32
      %dma_wait3A_152 = tpu.memref_slice %arg15[%add3A_99, %dma_wait3A_151] : memref<10240x64xf32, #tpu.memory_space<vmem_shared>> -> memref<32x64xf32, #tpu.memory_space<vmem_shared>>
      %dma_wait3A_153 = arith.constant 0 : i32
      %dma_wait3A_154 = tpu.memref_slice %arg15[%add3A_99, %dma_wait3A_153] : memref<10240x64xf32, #tpu.memory_space<vmem_shared>> -> memref<32x64xf32, #tpu.memory_space<vmem_shared>>
      tpu.wait_dma2 semaphore(%run_scoped3A_146 : memref<!tpu.dma_semaphore, #tpu.memory_space<semaphore_mem>>) src(%arg12 : memref<32x64xf32, #tpu.memory_space<vmem>>) dst(%dma_wait3A_154 : memref<32x64xf32, #tpu.memory_space<vmem_shared>>)
      tpu.yield
    }) : () -> ()
    %add3A_100 = arith.constant 256 : i32
    %add3A_101 = arith.addi %mul3A_2, %add3A_100 : i32
    "tpu.region"() ({
      %run_scoped3A_146 = tpu.sem_alloc : memref<!tpu.dma_semaphore, #tpu.memory_space<semaphore_mem>>
      %dma_start3A_147 = arith.constant 0 : i32
      %dma_start3A_148 = tpu.memref_slice %arg15[%add3A_101, %dma_start3A_147] : memref<10240x64xf32, #tpu.memory_space<vmem_shared>> -> memref<32x64xf32, #tpu.memory_space<vmem_shared>>
      %dma_start3A_149 = arith.constant 0 : i32
      %dma_start3A_150 = tpu.memref_slice %arg15[%add3A_101, %dma_start3A_149] : memref<10240x64xf32, #tpu.memory_space<vmem_shared>> -> memref<32x64xf32, #tpu.memory_space<vmem_shared>>
      tpu.enqueue_dma source(%arg12 : memref<32x64xf32, #tpu.memory_space<vmem>>) target(%dma_start3A_150 : memref<32x64xf32, #tpu.memory_space<vmem_shared>>) target_semaphore(%run_scoped3A_146 : memref<!tpu.dma_semaphore, #tpu.memory_space<semaphore_mem>>)
      %dma_wait3A_151 = arith.constant 0 : i32
      %dma_wait3A_152 = tpu.memref_slice %arg15[%add3A_101, %dma_wait3A_151] : memref<10240x64xf32, #tpu.memory_space<vmem_shared>> -> memref<32x64xf32, #tpu.memory_space<vmem_shared>>
      %dma_wait3A_153 = arith.constant 0 : i32
      %dma_wait3A_154 = tpu.memref_slice %arg15[%add3A_101, %dma_wait3A_153] : memref<10240x64xf32, #tpu.memory_space<vmem_shared>> -> memref<32x64xf32, #tpu.memory_space<vmem_shared>>
      tpu.wait_dma2 semaphore(%run_scoped3A_146 : memref<!tpu.dma_semaphore, #tpu.memory_space<semaphore_mem>>) src(%arg12 : memref<32x64xf32, #tpu.memory_space<vmem>>) dst(%dma_wait3A_154 : memref<32x64xf32, #tpu.memory_space<vmem_shared>>)
      tpu.yield
    }) : () -> ()
    %add3A_102 = arith.constant 288 : i32
    %add3A_103 = arith.addi %mul3A_2, %add3A_102 : i32
    "tpu.region"() ({
      %run_scoped3A_146 = tpu.sem_alloc : memref<!tpu.dma_semaphore, #tpu.memory_space<semaphore_mem>>
      %dma_start3A_147 = arith.constant 0 : i32
      %dma_start3A_148 = tpu.memref_slice %arg15[%add3A_103, %dma_start3A_147] : memref<10240x64xf32, #tpu.memory_space<vmem_shared>> -> memref<32x64xf32, #tpu.memory_space<vmem_shared>>
      %dma_start3A_149 = arith.constant 0 : i32
      %dma_start3A_150 = tpu.memref_slice %arg15[%add3A_103, %dma_start3A_149] : memref<10240x64xf32, #tpu.memory_space<vmem_shared>> -> memref<32x64xf32, #tpu.memory_space<vmem_shared>>
      tpu.enqueue_dma source(%arg12 : memref<32x64xf32, #tpu.memory_space<vmem>>) target(%dma_start3A_150 : memref<32x64xf32, #tpu.memory_space<vmem_shared>>) target_semaphore(%run_scoped3A_146 : memref<!tpu.dma_semaphore, #tpu.memory_space<semaphore_mem>>)
      %dma_wait3A_151 = arith.constant 0 : i32
      %dma_wait3A_152 = tpu.memref_slice %arg15[%add3A_103, %dma_wait3A_151] : memref<10240x64xf32, #tpu.memory_space<vmem_shared>> -> memref<32x64xf32, #tpu.memory_space<vmem_shared>>
      %dma_wait3A_153 = arith.constant 0 : i32
      %dma_wait3A_154 = tpu.memref_slice %arg15[%add3A_103, %dma_wait3A_153] : memref<10240x64xf32, #tpu.memory_space<vmem_shared>> -> memref<32x64xf32, #tpu.memory_space<vmem_shared>>
      tpu.wait_dma2 semaphore(%run_scoped3A_146 : memref<!tpu.dma_semaphore, #tpu.memory_space<semaphore_mem>>) src(%arg12 : memref<32x64xf32, #tpu.memory_space<vmem>>) dst(%dma_wait3A_154 : memref<32x64xf32, #tpu.memory_space<vmem_shared>>)
      tpu.yield
    }) : () -> ()
    %add3A_104 = arith.constant 320 : i32
    %add3A_105 = arith.addi %mul3A_2, %add3A_104 : i32
    "tpu.region"() ({
      %run_scoped3A_146 = tpu.sem_alloc : memref<!tpu.dma_semaphore, #tpu.memory_space<semaphore_mem>>
      %dma_start3A_147 = arith.constant 0 : i32
      %dma_start3A_148 = tpu.memref_slice %arg15[%add3A_105, %dma_start3A_147] : memref<10240x64xf32, #tpu.memory_space<vmem_shared>> -> memref<32x64xf32, #tpu.memory_space<vmem_shared>>
      %dma_start3A_149 = arith.constant 0 : i32
      %dma_start3A_150 = tpu.memref_slice %arg15[%add3A_105, %dma_start3A_149] : memref<10240x64xf32, #tpu.memory_space<vmem_shared>> -> memref<32x64xf32, #tpu.memory_space<vmem_shared>>
      tpu.enqueue_dma source(%arg12 : memref<32x64xf32, #tpu.memory_space<vmem>>) target(%dma_start3A_150 : memref<32x64xf32, #tpu.memory_space<vmem_shared>>) target_semaphore(%run_scoped3A_146 : memref<!tpu.dma_semaphore, #tpu.memory_space<semaphore_mem>>)
      %dma_wait3A_151 = arith.constant 0 : i32
      %dma_wait3A_152 = tpu.memref_slice %arg15[%add3A_105, %dma_wait3A_151] : memref<10240x64xf32, #tpu.memory_space<vmem_shared>> -> memref<32x64xf32, #tpu.memory_space<vmem_shared>>
      %dma_wait3A_153 = arith.constant 0 : i32
      %dma_wait3A_154 = tpu.memref_slice %arg15[%add3A_105, %dma_wait3A_153] : memref<10240x64xf32, #tpu.memory_space<vmem_shared>> -> memref<32x64xf32, #tpu.memory_space<vmem_shared>>
      tpu.wait_dma2 semaphore(%run_scoped3A_146 : memref<!tpu.dma_semaphore, #tpu.memory_space<semaphore_mem>>) src(%arg12 : memref<32x64xf32, #tpu.memory_space<vmem>>) dst(%dma_wait3A_154 : memref<32x64xf32, #tpu.memory_space<vmem_shared>>)
      tpu.yield
    }) : () -> ()
    %add3A_106 = arith.constant 352 : i32
    %add3A_107 = arith.addi %mul3A_2, %add3A_106 : i32
    "tpu.region"() ({
      %run_scoped3A_146 = tpu.sem_alloc : memref<!tpu.dma_semaphore, #tpu.memory_space<semaphore_mem>>
      %dma_start3A_147 = arith.constant 0 : i32
      %dma_start3A_148 = tpu.memref_slice %arg15[%add3A_107, %dma_start3A_147] : memref<10240x64xf32, #tpu.memory_space<vmem_shared>> -> memref<32x64xf32, #tpu.memory_space<vmem_shared>>
      %dma_start3A_149 = arith.constant 0 : i32
      %dma_start3A_150 = tpu.memref_slice %arg15[%add3A_107, %dma_start3A_149] : memref<10240x64xf32, #tpu.memory_space<vmem_shared>> -> memref<32x64xf32, #tpu.memory_space<vmem_shared>>
      tpu.enqueue_dma source(%arg12 : memref<32x64xf32, #tpu.memory_space<vmem>>) target(%dma_start3A_150 : memref<32x64xf32, #tpu.memory_space<vmem_shared>>) target_semaphore(%run_scoped3A_146 : memref<!tpu.dma_semaphore, #tpu.memory_space<semaphore_mem>>)
      %dma_wait3A_151 = arith.constant 0 : i32
      %dma_wait3A_152 = tpu.memref_slice %arg15[%add3A_107, %dma_wait3A_151] : memref<10240x64xf32, #tpu.memory_space<vmem_shared>> -> memref<32x64xf32, #tpu.memory_space<vmem_shared>>
      %dma_wait3A_153 = arith.constant 0 : i32
      %dma_wait3A_154 = tpu.memref_slice %arg15[%add3A_107, %dma_wait3A_153] : memref<10240x64xf32, #tpu.memory_space<vmem_shared>> -> memref<32x64xf32, #tpu.memory_space<vmem_shared>>
      tpu.wait_dma2 semaphore(%run_scoped3A_146 : memref<!tpu.dma_semaphore, #tpu.memory_space<semaphore_mem>>) src(%arg12 : memref<32x64xf32, #tpu.memory_space<vmem>>) dst(%dma_wait3A_154 : memref<32x64xf32, #tpu.memory_space<vmem_shared>>)
      tpu.yield
    }) : () -> ()
    %add3A_108 = arith.constant 384 : i32
    %add3A_109 = arith.addi %mul3A_2, %add3A_108 : i32
    "tpu.region"() ({
      %run_scoped3A_146 = tpu.sem_alloc : memref<!tpu.dma_semaphore, #tpu.memory_space<semaphore_mem>>
      %dma_start3A_147 = arith.constant 0 : i32
      %dma_start3A_148 = tpu.memref_slice %arg15[%add3A_109, %dma_start3A_147] : memref<10240x64xf32, #tpu.memory_space<vmem_shared>> -> memref<32x64xf32, #tpu.memory_space<vmem_shared>>
      %dma_start3A_149 = arith.constant 0 : i32
      %dma_start3A_150 = tpu.memref_slice %arg15[%add3A_109, %dma_start3A_149] : memref<10240x64xf32, #tpu.memory_space<vmem_shared>> -> memref<32x64xf32, #tpu.memory_space<vmem_shared>>
      tpu.enqueue_dma source(%arg12 : memref<32x64xf32, #tpu.memory_space<vmem>>) target(%dma_start3A_150 : memref<32x64xf32, #tpu.memory_space<vmem_shared>>) target_semaphore(%run_scoped3A_146 : memref<!tpu.dma_semaphore, #tpu.memory_space<semaphore_mem>>)
      %dma_wait3A_151 = arith.constant 0 : i32
      %dma_wait3A_152 = tpu.memref_slice %arg15[%add3A_109, %dma_wait3A_151] : memref<10240x64xf32, #tpu.memory_space<vmem_shared>> -> memref<32x64xf32, #tpu.memory_space<vmem_shared>>
      %dma_wait3A_153 = arith.constant 0 : i32
      %dma_wait3A_154 = tpu.memref_slice %arg15[%add3A_109, %dma_wait3A_153] : memref<10240x64xf32, #tpu.memory_space<vmem_shared>> -> memref<32x64xf32, #tpu.memory_space<vmem_shared>>
      tpu.wait_dma2 semaphore(%run_scoped3A_146 : memref<!tpu.dma_semaphore, #tpu.memory_space<semaphore_mem>>) src(%arg12 : memref<32x64xf32, #tpu.memory_space<vmem>>) dst(%dma_wait3A_154 : memref<32x64xf32, #tpu.memory_space<vmem_shared>>)
      tpu.yield
    }) : () -> ()
    %add3A_110 = arith.constant 416 : i32
    %add3A_111 = arith.addi %mul3A_2, %add3A_110 : i32
    "tpu.region"() ({
      %run_scoped3A_146 = tpu.sem_alloc : memref<!tpu.dma_semaphore, #tpu.memory_space<semaphore_mem>>
      %dma_start3A_147 = arith.constant 0 : i32
      %dma_start3A_148 = tpu.memref_slice %arg15[%add3A_111, %dma_start3A_147] : memref<10240x64xf32, #tpu.memory_space<vmem_shared>> -> memref<32x64xf32, #tpu.memory_space<vmem_shared>>
      %dma_start3A_149 = arith.constant 0 : i32
      %dma_start3A_150 = tpu.memref_slice %arg15[%add3A_111, %dma_start3A_149] : memref<10240x64xf32, #tpu.memory_space<vmem_shared>> -> memref<32x64xf32, #tpu.memory_space<vmem_shared>>
      tpu.enqueue_dma source(%arg12 : memref<32x64xf32, #tpu.memory_space<vmem>>) target(%dma_start3A_150 : memref<32x64xf32, #tpu.memory_space<vmem_shared>>) target_semaphore(%run_scoped3A_146 : memref<!tpu.dma_semaphore, #tpu.memory_space<semaphore_mem>>)
      %dma_wait3A_151 = arith.constant 0 : i32
      %dma_wait3A_152 = tpu.memref_slice %arg15[%add3A_111, %dma_wait3A_151] : memref<10240x64xf32, #tpu.memory_space<vmem_shared>> -> memref<32x64xf32, #tpu.memory_space<vmem_shared>>
      %dma_wait3A_153 = arith.constant 0 : i32
      %dma_wait3A_154 = tpu.memref_slice %arg15[%add3A_111, %dma_wait3A_153] : memref<10240x64xf32, #tpu.memory_space<vmem_shared>> -> memref<32x64xf32, #tpu.memory_space<vmem_shared>>
      tpu.wait_dma2 semaphore(%run_scoped3A_146 : memref<!tpu.dma_semaphore, #tpu.memory_space<semaphore_mem>>) src(%arg12 : memref<32x64xf32, #tpu.memory_space<vmem>>) dst(%dma_wait3A_154 : memref<32x64xf32, #tpu.memory_space<vmem_shared>>)
      tpu.yield
    }) : () -> ()
    %add3A_112 = arith.constant 448 : i32
    %add3A_113 = arith.addi %mul3A_2, %add3A_112 : i32
    "tpu.region"() ({
      %run_scoped3A_146 = tpu.sem_alloc : memref<!tpu.dma_semaphore, #tpu.memory_space<semaphore_mem>>
      %dma_start3A_147 = arith.constant 0 : i32
      %dma_start3A_148 = tpu.memref_slice %arg15[%add3A_113, %dma_start3A_147] : memref<10240x64xf32, #tpu.memory_space<vmem_shared>> -> memref<32x64xf32, #tpu.memory_space<vmem_shared>>
      %dma_start3A_149 = arith.constant 0 : i32
      %dma_start3A_150 = tpu.memref_slice %arg15[%add3A_113, %dma_start3A_149] : memref<10240x64xf32, #tpu.memory_space<vmem_shared>> -> memref<32x64xf32, #tpu.memory_space<vmem_shared>>
      tpu.enqueue_dma source(%arg12 : memref<32x64xf32, #tpu.memory_space<vmem>>) target(%dma_start3A_150 : memref<32x64xf32, #tpu.memory_space<vmem_shared>>) target_semaphore(%run_scoped3A_146 : memref<!tpu.dma_semaphore, #tpu.memory_space<semaphore_mem>>)
      %dma_wait3A_151 = arith.constant 0 : i32
      %dma_wait3A_152 = tpu.memref_slice %arg15[%add3A_113, %dma_wait3A_151] : memref<10240x64xf32, #tpu.memory_space<vmem_shared>> -> memref<32x64xf32, #tpu.memory_space<vmem_shared>>
      %dma_wait3A_153 = arith.constant 0 : i32
      %dma_wait3A_154 = tpu.memref_slice %arg15[%add3A_113, %dma_wait3A_153] : memref<10240x64xf32, #tpu.memory_space<vmem_shared>> -> memref<32x64xf32, #tpu.memory_space<vmem_shared>>
      tpu.wait_dma2 semaphore(%run_scoped3A_146 : memref<!tpu.dma_semaphore, #tpu.memory_space<semaphore_mem>>) src(%arg12 : memref<32x64xf32, #tpu.memory_space<vmem>>) dst(%dma_wait3A_154 : memref<32x64xf32, #tpu.memory_space<vmem_shared>>)
      tpu.yield
    }) : () -> ()
    %add3A_114 = arith.constant 480 : i32
    %add3A_115 = arith.addi %mul3A_2, %add3A_114 : i32
    "tpu.region"() ({
      %run_scoped3A_146 = tpu.sem_alloc : memref<!tpu.dma_semaphore, #tpu.memory_space<semaphore_mem>>
      %dma_start3A_147 = arith.constant 0 : i32
      %dma_start3A_148 = tpu.memref_slice %arg15[%add3A_115, %dma_start3A_147] : memref<10240x64xf32, #tpu.memory_space<vmem_shared>> -> memref<32x64xf32, #tpu.memory_space<vmem_shared>>
      %dma_start3A_149 = arith.constant 0 : i32
      %dma_start3A_150 = tpu.memref_slice %arg15[%add3A_115, %dma_start3A_149] : memref<10240x64xf32, #tpu.memory_space<vmem_shared>> -> memref<32x64xf32, #tpu.memory_space<vmem_shared>>
      tpu.enqueue_dma source(%arg12 : memref<32x64xf32, #tpu.memory_space<vmem>>) target(%dma_start3A_150 : memref<32x64xf32, #tpu.memory_space<vmem_shared>>) target_semaphore(%run_scoped3A_146 : memref<!tpu.dma_semaphore, #tpu.memory_space<semaphore_mem>>)
      %dma_wait3A_151 = arith.constant 0 : i32
      %dma_wait3A_152 = tpu.memref_slice %arg15[%add3A_115, %dma_wait3A_151] : memref<10240x64xf32, #tpu.memory_space<vmem_shared>> -> memref<32x64xf32, #tpu.memory_space<vmem_shared>>
      %dma_wait3A_153 = arith.constant 0 : i32
      %dma_wait3A_154 = tpu.memref_slice %arg15[%add3A_115, %dma_wait3A_153] : memref<10240x64xf32, #tpu.memory_space<vmem_shared>> -> memref<32x64xf32, #tpu.memory_space<vmem_shared>>
      tpu.wait_dma2 semaphore(%run_scoped3A_146 : memref<!tpu.dma_semaphore, #tpu.memory_space<semaphore_mem>>) src(%arg12 : memref<32x64xf32, #tpu.memory_space<vmem>>) dst(%dma_wait3A_154 : memref<32x64xf32, #tpu.memory_space<vmem_shared>>)
      tpu.yield
    }) : () -> ()
    %add3A_116 = arith.constant 512 : i32
    %add3A_117 = arith.addi %mul3A_2, %add3A_116 : i32
    "tpu.region"() ({
      %run_scoped3A_146 = tpu.sem_alloc : memref<!tpu.dma_semaphore, #tpu.memory_space<semaphore_mem>>
      %dma_start3A_147 = arith.constant 0 : i32
      %dma_start3A_148 = tpu.memref_slice %arg15[%add3A_117, %dma_start3A_147] : memref<10240x64xf32, #tpu.memory_space<vmem_shared>> -> memref<32x64xf32, #tpu.memory_space<vmem_shared>>
      %dma_start3A_149 = arith.constant 0 : i32
      %dma_start3A_150 = tpu.memref_slice %arg15[%add3A_117, %dma_start3A_149] : memref<10240x64xf32, #tpu.memory_space<vmem_shared>> -> memref<32x64xf32, #tpu.memory_space<vmem_shared>>
      tpu.enqueue_dma source(%arg12 : memref<32x64xf32, #tpu.memory_space<vmem>>) target(%dma_start3A_150 : memref<32x64xf32, #tpu.memory_space<vmem_shared>>) target_semaphore(%run_scoped3A_146 : memref<!tpu.dma_semaphore, #tpu.memory_space<semaphore_mem>>)
      %dma_wait3A_151 = arith.constant 0 : i32
      %dma_wait3A_152 = tpu.memref_slice %arg15[%add3A_117, %dma_wait3A_151] : memref<10240x64xf32, #tpu.memory_space<vmem_shared>> -> memref<32x64xf32, #tpu.memory_space<vmem_shared>>
      %dma_wait3A_153 = arith.constant 0 : i32
      %dma_wait3A_154 = tpu.memref_slice %arg15[%add3A_117, %dma_wait3A_153] : memref<10240x64xf32, #tpu.memory_space<vmem_shared>> -> memref<32x64xf32, #tpu.memory_space<vmem_shared>>
      tpu.wait_dma2 semaphore(%run_scoped3A_146 : memref<!tpu.dma_semaphore, #tpu.memory_space<semaphore_mem>>) src(%arg12 : memref<32x64xf32, #tpu.memory_space<vmem>>) dst(%dma_wait3A_154 : memref<32x64xf32, #tpu.memory_space<vmem_shared>>)
      tpu.yield
    }) : () -> ()
    %add3A_118 = arith.constant 544 : i32
    %add3A_119 = arith.addi %mul3A_2, %add3A_118 : i32
    "tpu.region"() ({
      %run_scoped3A_146 = tpu.sem_alloc : memref<!tpu.dma_semaphore, #tpu.memory_space<semaphore_mem>>
      %dma_start3A_147 = arith.constant 0 : i32
      %dma_start3A_148 = tpu.memref_slice %arg15[%add3A_119, %dma_start3A_147] : memref<10240x64xf32, #tpu.memory_space<vmem_shared>> -> memref<32x64xf32, #tpu.memory_space<vmem_shared>>
      %dma_start3A_149 = arith.constant 0 : i32
      %dma_start3A_150 = tpu.memref_slice %arg15[%add3A_119, %dma_start3A_149] : memref<10240x64xf32, #tpu.memory_space<vmem_shared>> -> memref<32x64xf32, #tpu.memory_space<vmem_shared>>
      tpu.enqueue_dma source(%arg12 : memref<32x64xf32, #tpu.memory_space<vmem>>) target(%dma_start3A_150 : memref<32x64xf32, #tpu.memory_space<vmem_shared>>) target_semaphore(%run_scoped3A_146 : memref<!tpu.dma_semaphore, #tpu.memory_space<semaphore_mem>>)
      %dma_wait3A_151 = arith.constant 0 : i32
      %dma_wait3A_152 = tpu.memref_slice %arg15[%add3A_119, %dma_wait3A_151] : memref<10240x64xf32, #tpu.memory_space<vmem_shared>> -> memref<32x64xf32, #tpu.memory_space<vmem_shared>>
      %dma_wait3A_153 = arith.constant 0 : i32
      %dma_wait3A_154 = tpu.memref_slice %arg15[%add3A_119, %dma_wait3A_153] : memref<10240x64xf32, #tpu.memory_space<vmem_shared>> -> memref<32x64xf32, #tpu.memory_space<vmem_shared>>
      tpu.wait_dma2 semaphore(%run_scoped3A_146 : memref<!tpu.dma_semaphore, #tpu.memory_space<semaphore_mem>>) src(%arg12 : memref<32x64xf32, #tpu.memory_space<vmem>>) dst(%dma_wait3A_154 : memref<32x64xf32, #tpu.memory_space<vmem_shared>>)
      tpu.yield
    }) : () -> ()
    %add3A_120 = arith.constant 576 : i32
    %add3A_121 = arith.addi %mul3A_2, %add3A_120 : i32
    "tpu.region"() ({
      %run_scoped3A_146 = tpu.sem_alloc : memref<!tpu.dma_semaphore, #tpu.memory_space<semaphore_mem>>
      %dma_start3A_147 = arith.constant 0 : i32
      %dma_start3A_148 = tpu.memref_slice %arg15[%add3A_121, %dma_start3A_147] : memref<10240x64xf32, #tpu.memory_space<vmem_shared>> -> memref<32x64xf32, #tpu.memory_space<vmem_shared>>
      %dma_start3A_149 = arith.constant 0 : i32
      %dma_start3A_150 = tpu.memref_slice %arg15[%add3A_121, %dma_start3A_149] : memref<10240x64xf32, #tpu.memory_space<vmem_shared>> -> memref<32x64xf32, #tpu.memory_space<vmem_shared>>
      tpu.enqueue_dma source(%arg12 : memref<32x64xf32, #tpu.memory_space<vmem>>) target(%dma_start3A_150 : memref<32x64xf32, #tpu.memory_space<vmem_shared>>) target_semaphore(%run_scoped3A_146 : memref<!tpu.dma_semaphore, #tpu.memory_space<semaphore_mem>>)
      %dma_wait3A_151 = arith.constant 0 : i32
      %dma_wait3A_152 = tpu.memref_slice %arg15[%add3A_121, %dma_wait3A_151] : memref<10240x64xf32, #tpu.memory_space<vmem_shared>> -> memref<32x64xf32, #tpu.memory_space<vmem_shared>>
      %dma_wait3A_153 = arith.constant 0 : i32
      %dma_wait3A_154 = tpu.memref_slice %arg15[%add3A_121, %dma_wait3A_153] : memref<10240x64xf32, #tpu.memory_space<vmem_shared>> -> memref<32x64xf32, #tpu.memory_space<vmem_shared>>
      tpu.wait_dma2 semaphore(%run_scoped3A_146 : memref<!tpu.dma_semaphore, #tpu.memory_space<semaphore_mem>>) src(%arg12 : memref<32x64xf32, #tpu.memory_space<vmem>>) dst(%dma_wait3A_154 : memref<32x64xf32, #tpu.memory_space<vmem_shared>>)
      tpu.yield
    }) : () -> ()
    %add3A_122 = arith.constant 608 : i32
    %add3A_123 = arith.addi %mul3A_2, %add3A_122 : i32
    "tpu.region"() ({
      %run_scoped3A_146 = tpu.sem_alloc : memref<!tpu.dma_semaphore, #tpu.memory_space<semaphore_mem>>
      %dma_start3A_147 = arith.constant 0 : i32
      %dma_start3A_148 = tpu.memref_slice %arg15[%add3A_123, %dma_start3A_147] : memref<10240x64xf32, #tpu.memory_space<vmem_shared>> -> memref<32x64xf32, #tpu.memory_space<vmem_shared>>
      %dma_start3A_149 = arith.constant 0 : i32
      %dma_start3A_150 = tpu.memref_slice %arg15[%add3A_123, %dma_start3A_149] : memref<10240x64xf32, #tpu.memory_space<vmem_shared>> -> memref<32x64xf32, #tpu.memory_space<vmem_shared>>
      tpu.enqueue_dma source(%arg12 : memref<32x64xf32, #tpu.memory_space<vmem>>) target(%dma_start3A_150 : memref<32x64xf32, #tpu.memory_space<vmem_shared>>) target_semaphore(%run_scoped3A_146 : memref<!tpu.dma_semaphore, #tpu.memory_space<semaphore_mem>>)
      %dma_wait3A_151 = arith.constant 0 : i32
      %dma_wait3A_152 = tpu.memref_slice %arg15[%add3A_123, %dma_wait3A_151] : memref<10240x64xf32, #tpu.memory_space<vmem_shared>> -> memref<32x64xf32, #tpu.memory_space<vmem_shared>>
      %dma_wait3A_153 = arith.constant 0 : i32
      %dma_wait3A_154 = tpu.memref_slice %arg15[%add3A_123, %dma_wait3A_153] : memref<10240x64xf32, #tpu.memory_space<vmem_shared>> -> memref<32x64xf32, #tpu.memory_space<vmem_shared>>
      tpu.wait_dma2 semaphore(%run_scoped3A_146 : memref<!tpu.dma_semaphore, #tpu.memory_space<semaphore_mem>>) src(%arg12 : memref<32x64xf32, #tpu.memory_space<vmem>>) dst(%dma_wait3A_154 : memref<32x64xf32, #tpu.memory_space<vmem_shared>>)
      tpu.yield
    }) : () -> ()
    %barrier3A_124 = arith.constant 0 : index
    tpu.barrier barrier_id(%barrier3A_124)
    %dma_start3A_125 = arith.constant 0 : i32
    %dma_start3A_126 = arith.constant 0 : i32
    %dma_start3A_127 = tpu.memref_slice %arg8[%dma_start3A_125, %dma_start3A_126] : memref<80x125xi32, #tpu.memory_space<vmem>> -> memref<1x125xi32, #tpu.memory_space<vmem>>
    %dma_start3A_128 = tpu.memref_squeeze %dma_start3A_127 : memref<1x125xi32, #tpu.memory_space<vmem>> -> memref<125xi32, #tpu.memory_space<vmem>>
    %dma_start3A_129 = arith.constant 0 : i32
    %dma_start3A_130 = arith.constant 0 : i32
    %dma_start3A_131 = tpu.memref_slice %arg3[%dma_start3A_129, %dma_start3A_130] : memref<10000x64xf32, #tpu.memory_space<hbm>> -> memref<10000x64xf32, #tpu.memory_space<hbm>>
    tpu.enqueue_indirect_dma source(%dma_start3A_131 : memref<10000x64xf32, #tpu.memory_space<hbm>>) target(%arg10 : memref<125x64xf32, #tpu.memory_space<vmem>>) offsets(%dma_start3A_128 : memref<125xi32, #tpu.memory_space<vmem>>) semaphore(%arg17 : memref<!tpu.dma_semaphore, #tpu.memory_space<semaphore_mem>>)
    %scan3A_132 = arith.constant 0 : i32
    %scan3A_133 = arith.constant 0 : i32
    %scan3A_134 = arith.constant 40 : i32
    %scan3A_135 = arith.addi %scan3A_133, %scan3A_134 : i32
    %scan3A_136 = arith.constant 1 : i32
    scf.for %scan3A_146 = %scan3A_133 to %scan3A_135 step %scan3A_136  : i32 {
      %mul3A_147 = arith.constant 2 : i32
      %mul3A_148 = arith.muli %mul3A_147, %scan3A_146 : i32
      %add3A_149 = arith.constant 1 : i32
      %add3A_150 = arith.addi %mul3A_148, %add3A_149 : i32
      %dma_start3A_151 = arith.constant 0 : i32
      %dma_start3A_152 = tpu.memref_slice %arg8[%add3A_150, %dma_start3A_151] : memref<80x125xi32, #tpu.memory_space<vmem>> -> memref<1x125xi32, #tpu.memory_space<vmem>>
      %dma_start3A_153 = tpu.memref_squeeze %dma_start3A_152 : memref<1x125xi32, #tpu.memory_space<vmem>> -> memref<125xi32, #tpu.memory_space<vmem>>
      %dma_start3A_154 = arith.constant 0 : i32
      %dma_start3A_155 = arith.constant 0 : i32
      %dma_start3A_156 = tpu.memref_slice %arg3[%dma_start3A_154, %dma_start3A_155] : memref<10000x64xf32, #tpu.memory_space<hbm>> -> memref<10000x64xf32, #tpu.memory_space<hbm>>
      tpu.enqueue_indirect_dma source(%dma_start3A_156 : memref<10000x64xf32, #tpu.memory_space<hbm>>) target(%arg11 : memref<125x64xf32, #tpu.memory_space<vmem>>) offsets(%dma_start3A_153 : memref<125xi32, #tpu.memory_space<vmem>>) semaphore(%arg18 : memref<!tpu.dma_semaphore, #tpu.memory_space<semaphore_mem>>)
      %dma_wait3A_157 = arith.constant 0 : i32
      %dma_wait3A_158 = tpu.memref_slice %arg8[%mul3A_148, %dma_wait3A_157] : memref<80x125xi32, #tpu.memory_space<vmem>> -> memref<1x125xi32, #tpu.memory_space<vmem>>
      %dma_wait3A_159 = tpu.memref_squeeze %dma_wait3A_158 : memref<1x125xi32, #tpu.memory_space<vmem>> -> memref<125xi32, #tpu.memory_space<vmem>>
      %dma_wait3A_160 = arith.constant 0 : i32
      %dma_wait3A_161 = arith.constant 0 : i32
      %dma_wait3A_162 = tpu.memref_slice %arg3[%dma_wait3A_160, %dma_wait3A_161] : memref<10000x64xf32, #tpu.memory_space<hbm>> -> memref<10000x64xf32, #tpu.memory_space<hbm>>
      tpu.wait_indirect_dma semaphore(%arg17 : memref<!tpu.dma_semaphore, #tpu.memory_space<semaphore_mem>>) src(%dma_wait3A_162 : memref<10000x64xf32, #tpu.memory_space<hbm>>) dst(%arg10 : memref<125x64xf32, #tpu.memory_space<vmem>>)
      "tpu.region"() ({
        %run_scoped3A_178 = tpu.sem_alloc : memref<!tpu.dma_semaphore, #tpu.memory_space<semaphore_mem>>
        %dma_start3A_179 = arith.constant 0 : i32
        %dma_start3A_180 = tpu.memref_slice %arg9[%mul3A_148, %dma_start3A_179] : memref<80x125xi32, #tpu.memory_space<vmem>> -> memref<1x125xi32, #tpu.memory_space<vmem>>
        %dma_start3A_181 = tpu.memref_squeeze %dma_start3A_180 : memref<1x125xi32, #tpu.memory_space<vmem>> -> memref<125xi32, #tpu.memory_space<vmem>>
        %dma_start3A_182 = arith.constant 0 : i32
        %dma_start3A_183 = arith.constant 0 : i32
        %dma_start3A_184 = tpu.memref_slice %arg15[%dma_start3A_182, %dma_start3A_183] : memref<10240x64xf32, #tpu.memory_space<vmem_shared>> -> memref<10240x64xf32, #tpu.memory_space<vmem_shared>>
        tpu.enqueue_indirect_dma source(%arg10 : memref<125x64xf32, #tpu.memory_space<vmem>>) target(%dma_start3A_184 : memref<10240x64xf32, #tpu.memory_space<vmem_shared>>) offsets(%dma_start3A_181 : memref<125xi32, #tpu.memory_space<vmem>>) semaphore(%run_scoped3A_178 : memref<!tpu.dma_semaphore, #tpu.memory_space<semaphore_mem>>) {add = true}
        %dma_wait3A_185 = arith.constant 0 : i32
        %dma_wait3A_186 = tpu.memref_slice %arg9[%mul3A_148, %dma_wait3A_185] : memref<80x125xi32, #tpu.memory_space<vmem>> -> memref<1x125xi32, #tpu.memory_space<vmem>>
        %dma_wait3A_187 = tpu.memref_squeeze %dma_wait3A_186 : memref<1x125xi32, #tpu.memory_space<vmem>> -> memref<125xi32, #tpu.memory_space<vmem>>
        %dma_wait3A_188 = arith.constant 0 : i32
        %dma_wait3A_189 = arith.constant 0 : i32
        %dma_wait3A_190 = tpu.memref_slice %arg15[%dma_wait3A_188, %dma_wait3A_189] : memref<10240x64xf32, #tpu.memory_space<vmem_shared>> -> memref<10240x64xf32, #tpu.memory_space<vmem_shared>>
        tpu.wait_indirect_dma semaphore(%run_scoped3A_178 : memref<!tpu.dma_semaphore, #tpu.memory_space<semaphore_mem>>) src(%arg10 : memref<125x64xf32, #tpu.memory_space<vmem>>) dst(%dma_wait3A_190 : memref<10240x64xf32, #tpu.memory_space<vmem_shared>>)
        tpu.yield
      }) : () -> ()
      %add3A_163 = arith.constant 2 : i32
      %add3A_164 = arith.addi %mul3A_148, %add3A_163 : i32
      %min3A = arith.constant 78 : i32
      %min3A_165 = arith.minsi %add3A_164, %min3A : i32
      %dma_start3A_166 = arith.constant 0 : i32
      %dma_start3A_167 = tpu.memref_slice %arg8[%min3A_165, %dma_start3A_166] : memref<80x125xi32, #tpu.memory_space<vmem>> -> memref<1x125xi32, #tpu.memory_space<vmem>>
      %dma_start3A_168 = tpu.memref_squeeze %dma_start3A_167 : memref<1x125xi32, #tpu.memory_space<vmem>> -> memref<125xi32, #tpu.memory_space<vmem>>
      %dma_start3A_169 = arith.constant 0 : i32
      %dma_start3A_170 = arith.constant 0 : i32
      %dma_start3A_171 = tpu.memref_slice %arg3[%dma_start3A_169, %dma_start3A_170] : memref<10000x64xf32, #tpu.memory_space<hbm>> -> memref<10000x64xf32, #tpu.memory_space<hbm>>
      tpu.enqueue_indirect_dma source(%dma_start3A_171 : memref<10000x64xf32, #tpu.memory_space<hbm>>) target(%arg10 : memref<125x64xf32, #tpu.memory_space<vmem>>) offsets(%dma_start3A_168 : memref<125xi32, #tpu.memory_space<vmem>>) semaphore(%arg17 : memref<!tpu.dma_semaphore, #tpu.memory_space<semaphore_mem>>)
      %dma_wait3A_172 = arith.constant 0 : i32
      %dma_wait3A_173 = tpu.memref_slice %arg8[%add3A_150, %dma_wait3A_172] : memref<80x125xi32, #tpu.memory_space<vmem>> -> memref<1x125xi32, #tpu.memory_space<vmem>>
      %dma_wait3A_174 = tpu.memref_squeeze %dma_wait3A_173 : memref<1x125xi32, #tpu.memory_space<vmem>> -> memref<125xi32, #tpu.memory_space<vmem>>
      %dma_wait3A_175 = arith.constant 0 : i32
      %dma_wait3A_176 = arith.constant 0 : i32
      %dma_wait3A_177 = tpu.memref_slice %arg3[%dma_wait3A_175, %dma_wait3A_176] : memref<10000x64xf32, #tpu.memory_space<hbm>> -> memref<10000x64xf32, #tpu.memory_space<hbm>>
      tpu.wait_indirect_dma semaphore(%arg18 : memref<!tpu.dma_semaphore, #tpu.memory_space<semaphore_mem>>) src(%dma_wait3A_177 : memref<10000x64xf32, #tpu.memory_space<hbm>>) dst(%arg11 : memref<125x64xf32, #tpu.memory_space<vmem>>)
      "tpu.region"() ({
        %run_scoped3A_178 = tpu.sem_alloc : memref<!tpu.dma_semaphore, #tpu.memory_space<semaphore_mem>>
        %dma_start3A_179 = arith.constant 0 : i32
        %dma_start3A_180 = tpu.memref_slice %arg9[%add3A_150, %dma_start3A_179] : memref<80x125xi32, #tpu.memory_space<vmem>> -> memref<1x125xi32, #tpu.memory_space<vmem>>
        %dma_start3A_181 = tpu.memref_squeeze %dma_start3A_180 : memref<1x125xi32, #tpu.memory_space<vmem>> -> memref<125xi32, #tpu.memory_space<vmem>>
        %dma_start3A_182 = arith.constant 0 : i32
        %dma_start3A_183 = arith.constant 0 : i32
        %dma_start3A_184 = tpu.memref_slice %arg15[%dma_start3A_182, %dma_start3A_183] : memref<10240x64xf32, #tpu.memory_space<vmem_shared>> -> memref<10240x64xf32, #tpu.memory_space<vmem_shared>>
        tpu.enqueue_indirect_dma source(%arg11 : memref<125x64xf32, #tpu.memory_space<vmem>>) target(%dma_start3A_184 : memref<10240x64xf32, #tpu.memory_space<vmem_shared>>) offsets(%dma_start3A_181 : memref<125xi32, #tpu.memory_space<vmem>>) semaphore(%run_scoped3A_178 : memref<!tpu.dma_semaphore, #tpu.memory_space<semaphore_mem>>) {add = true}
        %dma_wait3A_185 = arith.constant 0 : i32
        %dma_wait3A_186 = tpu.memref_slice %arg9[%add3A_150, %dma_wait3A_185] : memref<80x125xi32, #tpu.memory_space<vmem>> -> memref<1x125xi32, #tpu.memory_space<vmem>>
        %dma_wait3A_187 = tpu.memref_squeeze %dma_wait3A_186 : memref<1x125xi32, #tpu.memory_space<vmem>> -> memref<125xi32, #tpu.memory_space<vmem>>
        %dma_wait3A_188 = arith.constant 0 : i32
        %dma_wait3A_189 = arith.constant 0 : i32
        %dma_wait3A_190 = tpu.memref_slice %arg15[%dma_wait3A_188, %dma_wait3A_189] : memref<10240x64xf32, #tpu.memory_space<vmem_shared>> -> memref<10240x64xf32, #tpu.memory_space<vmem_shared>>
        tpu.wait_indirect_dma semaphore(%run_scoped3A_178 : memref<!tpu.dma_semaphore, #tpu.memory_space<semaphore_mem>>) src(%arg11 : memref<125x64xf32, #tpu.memory_space<vmem>>) dst(%dma_wait3A_190 : memref<10240x64xf32, #tpu.memory_space<vmem_shared>>)
        tpu.yield
      }) : () -> ()
    }
    %scan3A_137 = arith.constant 40 : i32
    %dma_wait3A_138 = arith.constant 0 : i32
    %dma_wait3A_139 = arith.constant 0 : i32
    %dma_wait3A_140 = tpu.memref_slice %arg8[%dma_wait3A_138, %dma_wait3A_139] : memref<80x125xi32, #tpu.memory_space<vmem>> -> memref<1x125xi32, #tpu.memory_space<vmem>>
    %dma_wait3A_141 = tpu.memref_squeeze %dma_wait3A_140 : memref<1x125xi32, #tpu.memory_space<vmem>> -> memref<125xi32, #tpu.memory_space<vmem>>
    %dma_wait3A_142 = arith.constant 0 : i32
    %dma_wait3A_143 = arith.constant 0 : i32
    %dma_wait3A_144 = tpu.memref_slice %arg3[%dma_wait3A_142, %dma_wait3A_143] : memref<10000x64xf32, #tpu.memory_space<hbm>> -> memref<10000x64xf32, #tpu.memory_space<hbm>>
    tpu.wait_indirect_dma semaphore(%arg17 : memref<!tpu.dma_semaphore, #tpu.memory_space<semaphore_mem>>) src(%dma_wait3A_144 : memref<10000x64xf32, #tpu.memory_space<hbm>>) dst(%arg10 : memref<125x64xf32, #tpu.memory_space<vmem>>)
    %barrier3A_145 = arith.constant 0 : index
    tpu.barrier barrier_id(%barrier3A_145)
    "tpu.region"() ({
      %run_scoped3A_146 = tpu.sem_alloc : memref<!tpu.dma_semaphore, #tpu.memory_space<semaphore_mem>>
      %dma_start3A_147 = arith.constant 0 : i32
      %dma_start3A_148 = tpu.memref_slice %arg6[%arg0, %mul3A_2, %dma_start3A_147] : memref<2x10240x64xf32, #tpu.memory_space<hbm>> -> memref<1x640x64xf32, #tpu.memory_space<hbm>>
      %dma_start3A_149 = tpu.memref_squeeze %dma_start3A_148 : memref<1x640x64xf32, #tpu.memory_space<hbm>> -> memref<640x64xf32, #tpu.memory_space<hbm>>
      %dma_start3A_150 = arith.constant 0 : i32
      %dma_start3A_151 = tpu.memref_slice %arg15[%mul3A_2, %dma_start3A_150] : memref<10240x64xf32, #tpu.memory_space<vmem_shared>> -> memref<640x64xf32, #tpu.memory_space<vmem_shared>>
      tpu.enqueue_dma source(%dma_start3A_151 : memref<640x64xf32, #tpu.memory_space<vmem_shared>>) target(%dma_start3A_149 : memref<640x64xf32, #tpu.memory_space<hbm>>) target_semaphore(%run_scoped3A_146 : memref<!tpu.dma_semaphore, #tpu.memory_space<semaphore_mem>>)
      %dma_wait3A_152 = arith.constant 0 : i32
      %dma_wait3A_153 = tpu.memref_slice %arg6[%arg0, %mul3A_2, %dma_wait3A_152] : memref<2x10240x64xf32, #tpu.memory_space<hbm>> -> memref<1x640x64xf32, #tpu.memory_space<hbm>>
      %dma_wait3A_154 = tpu.memref_squeeze %dma_wait3A_153 : memref<1x640x64xf32, #tpu.memory_space<hbm>> -> memref<640x64xf32, #tpu.memory_space<hbm>>
      %dma_wait3A_155 = arith.constant 0 : i32
      %dma_wait3A_156 = tpu.memref_slice %arg15[%mul3A_2, %dma_wait3A_155] : memref<10240x64xf32, #tpu.memory_space<vmem_shared>> -> memref<640x64xf32, #tpu.memory_space<vmem_shared>>
      tpu.wait_dma2 semaphore(%run_scoped3A_146 : memref<!tpu.dma_semaphore, #tpu.memory_space<semaphore_mem>>) src(%dma_wait3A_156 : memref<640x64xf32, #tpu.memory_space<vmem_shared>>) dst(%dma_wait3A_154 : memref<640x64xf32, #tpu.memory_space<hbm>>)
      tpu.yield
    }) : () -> ()
    return
  }
}

#map = affine_map<(d0, d1) -> (0, 0)>
#map1 = affine_map<(d0, d1) -> (0, 0, 0, 0)>
#map2 = affine_map<(d0, d1) -> (0, 0, 0)>
module attributes {stable_mosaic.version = 14 : i64} {
  func.func @body(%arg0: i32, %arg1: i32, %arg2: memref<10000x64xf32, #tpu.memory_space<hbm>>, %arg3: memref<10000x64xf32, #tpu.memory_space<hbm>>, %arg4: memref<2x32x80x125xi32, #tpu.memory_space<hbm>>, %arg5: memref<2x10240x64xf32, #tpu.memory_space<hbm>>, %arg6: memref<2x10240x64xf32, #tpu.memory_space<hbm>>, %arg7: memref<80x125xi32, #tpu.memory_space<vmem>>, %arg8: memref<80x125xi32, #tpu.memory_space<vmem>>, %arg9: memref<125x64xf32, #tpu.memory_space<vmem>>, %arg10: memref<125x64xf32, #tpu.memory_space<vmem>>, %arg11: memref<32x64xf32, #tpu.memory_space<vmem>>, %arg12: memref<640xf32, #tpu.memory_space<vmem>>, %arg13: memref<128xf32, #tpu.memory_space<vmem>>, %arg14: memref<10240x64xf32, #tpu.memory_space<vmem_shared>>, %arg15: memref<10240xf32, #tpu.memory_space<vmem_shared>>, %arg16: memref<!tpu.dma_semaphore, #tpu.memory_space<semaphore_mem>>, %arg17: memref<!tpu.dma_semaphore, #tpu.memory_space<semaphore_mem>>) attributes {dimension_semantics = [#tpu.dimension_semantics<core_parallel>, #tpu.dimension_semantics<subcore_parallel>], iteration_bounds = array<i64: 2, 16>, scalar_prefetch = 0 : i64, scratch_operands = 11 : i64, tpu.core_type = #tpu.core_type<sc_vector_subcore>, window_params = [{transform_indices = #map}, {transform_indices = #map}, {transform_indices = #map1}, {transform_indices = #map2}, {transform_indices = #map2}]} {
    %mul3A = arith.constant 2 : i32
    %mul3A_0 = arith.muli %arg1, %mul3A : i32
    %add3A = arith.addi %mul3A_0, %arg0 : i32
    %mul3A_1 = arith.constant 640 : i32
    %mul3A_2 = arith.muli %arg1, %mul3A_1 : i32
    %broadcast_in_dim3A = arith.constant 0.000000e+00 : f32
    %broadcast_in_dim3A_3 = vector.broadcast %broadcast_in_dim3A : f32 to vector<16xf32>
    %broadcast_in_dim3A_4 = arith.constant 1.000000e+00 : f32
    %broadcast_in_dim3A_5 = vector.broadcast %broadcast_in_dim3A_4 : f32 to vector<16xf32>
    %scan3A = arith.constant 0 : i32
    %scan3A_6 = arith.constant 0 : i32
    %scan3A_7 = arith.constant 32 : i32
    %scan3A_8 = arith.addi %scan3A_6, %scan3A_7 : i32
    %scan3A_9 = arith.constant 1 : i32
    scf.for %scan3A_133 = %scan3A_6 to %scan3A_8 step %scan3A_9  : i32 {
      %swap3A = arith.index_cast %scan3A_133 : i32 to index
      %swap3A_134 = arith.constant 0 : index
      %swap3A_135 = tpu.vector_load %arg11[%swap3A, %swap3A_134] {strides = array<i32>} : memref<32x64xf32, #tpu.memory_space<vmem>>, vector<1x16xf32>,
      %swap3A_136 = vector.shape_cast %swap3A_135 : vector<1x16xf32> to vector<16xf32>
      %swap3A_137 = vector.shape_cast %broadcast_in_dim3A_3 : vector<16xf32> to vector<1x16xf32>
      tpu.vector_store %arg11[%swap3A, %swap3A_134], %swap3A_137 {strides = array<i32>} : memref<32x64xf32, #tpu.memory_space<vmem>>, vector<1x16xf32>,
      %swap3A_138 = arith.index_cast %scan3A_133 : i32 to index
      %swap3A_139 = arith.constant 16 : index
      %swap3A_140 = tpu.vector_load %arg11[%swap3A_138, %swap3A_139] {strides = array<i32>} : memref<32x64xf32, #tpu.memory_space<vmem>>, vector<1x16xf32>,
      %swap3A_141 = vector.shape_cast %swap3A_140 : vector<1x16xf32> to vector<16xf32>
      %swap3A_142 = vector.shape_cast %broadcast_in_dim3A_3 : vector<16xf32> to vector<1x16xf32>
      tpu.vector_store %arg11[%swap3A_138, %swap3A_139], %swap3A_142 {strides = array<i32>} : memref<32x64xf32, #tpu.memory_space<vmem>>, vector<1x16xf32>,
      %swap3A_143 = arith.index_cast %scan3A_133 : i32 to index
      %swap3A_144 = arith.constant 32 : index
      %swap3A_145 = tpu.vector_load %arg11[%swap3A_143, %swap3A_144] {strides = array<i32>} : memref<32x64xf32, #tpu.memory_space<vmem>>, vector<1x16xf32>,
      %swap3A_146 = vector.shape_cast %swap3A_145 : vector<1x16xf32> to vector<16xf32>
      %swap3A_147 = vector.shape_cast %broadcast_in_dim3A_3 : vector<16xf32> to vector<1x16xf32>
      tpu.vector_store %arg11[%swap3A_143, %swap3A_144], %swap3A_147 {strides = array<i32>} : memref<32x64xf32, #tpu.memory_space<vmem>>, vector<1x16xf32>,
      %swap3A_148 = arith.index_cast %scan3A_133 : i32 to index
      %swap3A_149 = arith.constant 48 : index
      %swap3A_150 = tpu.vector_load %arg11[%swap3A_148, %swap3A_149] {strides = array<i32>} : memref<32x64xf32, #tpu.memory_space<vmem>>, vector<1x16xf32>,
      %swap3A_151 = vector.shape_cast %swap3A_150 : vector<1x16xf32> to vector<16xf32>
      %swap3A_152 = vector.shape_cast %broadcast_in_dim3A_3 : vector<16xf32> to vector<1x16xf32>
      tpu.vector_store %arg11[%swap3A_148, %swap3A_149], %swap3A_152 {strides = array<i32>} : memref<32x64xf32, #tpu.memory_space<vmem>>, vector<1x16xf32>,
    }
    %scan3A_10 = arith.constant 32 : i32
    %add3A_11 = arith.constant 0 : i32
    %add3A_12 = arith.addi %mul3A_2, %add3A_11 : i32
    "tpu.region"() ({
      %run_scoped3A_133 = tpu.sem_alloc : memref<!tpu.dma_semaphore, #tpu.memory_space<semaphore_mem>>
      %dma_start3A_134 = arith.constant 0 : i32
      %dma_start3A_135 = tpu.memref_slice %arg14[%add3A_12, %dma_start3A_134] : memref<10240x64xf32, #tpu.memory_space<vmem_shared>> -> memref<32x64xf32, #tpu.memory_space<vmem_shared>>
      %dma_start3A_136 = arith.constant 0 : i32
      %dma_start3A_137 = tpu.memref_slice %arg14[%add3A_12, %dma_start3A_136] : memref<10240x64xf32, #tpu.memory_space<vmem_shared>> -> memref<32x64xf32, #tpu.memory_space<vmem_shared>>
      tpu.enqueue_dma source(%arg11 : memref<32x64xf32, #tpu.memory_space<vmem>>) target(%dma_start3A_137 : memref<32x64xf32, #tpu.memory_space<vmem_shared>>) target_semaphore(%run_scoped3A_133 : memref<!tpu.dma_semaphore, #tpu.memory_space<semaphore_mem>>)
      %dma_wait3A_138 = arith.constant 0 : i32
      %dma_wait3A_139 = tpu.memref_slice %arg14[%add3A_12, %dma_wait3A_138] : memref<10240x64xf32, #tpu.memory_space<vmem_shared>> -> memref<32x64xf32, #tpu.memory_space<vmem_shared>>
      %dma_wait3A_140 = arith.constant 0 : i32
      %dma_wait3A_141 = tpu.memref_slice %arg14[%add3A_12, %dma_wait3A_140] : memref<10240x64xf32, #tpu.memory_space<vmem_shared>> -> memref<32x64xf32, #tpu.memory_space<vmem_shared>>
      tpu.wait_dma2 semaphore(%run_scoped3A_133 : memref<!tpu.dma_semaphore, #tpu.memory_space<semaphore_mem>>) src(%arg11 : memref<32x64xf32, #tpu.memory_space<vmem>>) dst(%dma_wait3A_141 : memref<32x64xf32, #tpu.memory_space<vmem_shared>>)
      tpu.yield
    }) : () -> ()
    %add3A_13 = arith.constant 32 : i32
    %add3A_14 = arith.addi %mul3A_2, %add3A_13 : i32
    "tpu.region"() ({
      %run_scoped3A_133 = tpu.sem_alloc : memref<!tpu.dma_semaphore, #tpu.memory_space<semaphore_mem>>
      %dma_start3A_134 = arith.constant 0 : i32
      %dma_start3A_135 = tpu.memref_slice %arg14[%add3A_14, %dma_start3A_134] : memref<10240x64xf32, #tpu.memory_space<vmem_shared>> -> memref<32x64xf32, #tpu.memory_space<vmem_shared>>
      %dma_start3A_136 = arith.constant 0 : i32
      %dma_start3A_137 = tpu.memref_slice %arg14[%add3A_14, %dma_start3A_136] : memref<10240x64xf32, #tpu.memory_space<vmem_shared>> -> memref<32x64xf32, #tpu.memory_space<vmem_shared>>
      tpu.enqueue_dma source(%arg11 : memref<32x64xf32, #tpu.memory_space<vmem>>) target(%dma_start3A_137 : memref<32x64xf32, #tpu.memory_space<vmem_shared>>) target_semaphore(%run_scoped3A_133 : memref<!tpu.dma_semaphore, #tpu.memory_space<semaphore_mem>>)
      %dma_wait3A_138 = arith.constant 0 : i32
      %dma_wait3A_139 = tpu.memref_slice %arg14[%add3A_14, %dma_wait3A_138] : memref<10240x64xf32, #tpu.memory_space<vmem_shared>> -> memref<32x64xf32, #tpu.memory_space<vmem_shared>>
      %dma_wait3A_140 = arith.constant 0 : i32
      %dma_wait3A_141 = tpu.memref_slice %arg14[%add3A_14, %dma_wait3A_140] : memref<10240x64xf32, #tpu.memory_space<vmem_shared>> -> memref<32x64xf32, #tpu.memory_space<vmem_shared>>
      tpu.wait_dma2 semaphore(%run_scoped3A_133 : memref<!tpu.dma_semaphore, #tpu.memory_space<semaphore_mem>>) src(%arg11 : memref<32x64xf32, #tpu.memory_space<vmem>>) dst(%dma_wait3A_141 : memref<32x64xf32, #tpu.memory_space<vmem_shared>>)
      tpu.yield
    }) : () -> ()
    %add3A_15 = arith.constant 64 : i32
    %add3A_16 = arith.addi %mul3A_2, %add3A_15 : i32
    "tpu.region"() ({
      %run_scoped3A_133 = tpu.sem_alloc : memref<!tpu.dma_semaphore, #tpu.memory_space<semaphore_mem>>
      %dma_start3A_134 = arith.constant 0 : i32
      %dma_start3A_135 = tpu.memref_slice %arg14[%add3A_16, %dma_start3A_134] : memref<10240x64xf32, #tpu.memory_space<vmem_shared>> -> memref<32x64xf32, #tpu.memory_space<vmem_shared>>
      %dma_start3A_136 = arith.constant 0 : i32
      %dma_start3A_137 = tpu.memref_slice %arg14[%add3A_16, %dma_start3A_136] : memref<10240x64xf32, #tpu.memory_space<vmem_shared>> -> memref<32x64xf32, #tpu.memory_space<vmem_shared>>
      tpu.enqueue_dma source(%arg11 : memref<32x64xf32, #tpu.memory_space<vmem>>) target(%dma_start3A_137 : memref<32x64xf32, #tpu.memory_space<vmem_shared>>) target_semaphore(%run_scoped3A_133 : memref<!tpu.dma_semaphore, #tpu.memory_space<semaphore_mem>>)
      %dma_wait3A_138 = arith.constant 0 : i32
      %dma_wait3A_139 = tpu.memref_slice %arg14[%add3A_16, %dma_wait3A_138] : memref<10240x64xf32, #tpu.memory_space<vmem_shared>> -> memref<32x64xf32, #tpu.memory_space<vmem_shared>>
      %dma_wait3A_140 = arith.constant 0 : i32
      %dma_wait3A_141 = tpu.memref_slice %arg14[%add3A_16, %dma_wait3A_140] : memref<10240x64xf32, #tpu.memory_space<vmem_shared>> -> memref<32x64xf32, #tpu.memory_space<vmem_shared>>
      tpu.wait_dma2 semaphore(%run_scoped3A_133 : memref<!tpu.dma_semaphore, #tpu.memory_space<semaphore_mem>>) src(%arg11 : memref<32x64xf32, #tpu.memory_space<vmem>>) dst(%dma_wait3A_141 : memref<32x64xf32, #tpu.memory_space<vmem_shared>>)
      tpu.yield
    }) : () -> ()
    %add3A_17 = arith.constant 96 : i32
    %add3A_18 = arith.addi %mul3A_2, %add3A_17 : i32
    "tpu.region"() ({
      %run_scoped3A_133 = tpu.sem_alloc : memref<!tpu.dma_semaphore, #tpu.memory_space<semaphore_mem>>
      %dma_start3A_134 = arith.constant 0 : i32
      %dma_start3A_135 = tpu.memref_slice %arg14[%add3A_18, %dma_start3A_134] : memref<10240x64xf32, #tpu.memory_space<vmem_shared>> -> memref<32x64xf32, #tpu.memory_space<vmem_shared>>
      %dma_start3A_136 = arith.constant 0 : i32
      %dma_start3A_137 = tpu.memref_slice %arg14[%add3A_18, %dma_start3A_136] : memref<10240x64xf32, #tpu.memory_space<vmem_shared>> -> memref<32x64xf32, #tpu.memory_space<vmem_shared>>
      tpu.enqueue_dma source(%arg11 : memref<32x64xf32, #tpu.memory_space<vmem>>) target(%dma_start3A_137 : memref<32x64xf32, #tpu.memory_space<vmem_shared>>) target_semaphore(%run_scoped3A_133 : memref<!tpu.dma_semaphore, #tpu.memory_space<semaphore_mem>>)
      %dma_wait3A_138 = arith.constant 0 : i32
      %dma_wait3A_139 = tpu.memref_slice %arg14[%add3A_18, %dma_wait3A_138] : memref<10240x64xf32, #tpu.memory_space<vmem_shared>> -> memref<32x64xf32, #tpu.memory_space<vmem_shared>>
      %dma_wait3A_140 = arith.constant 0 : i32
      %dma_wait3A_141 = tpu.memref_slice %arg14[%add3A_18, %dma_wait3A_140] : memref<10240x64xf32, #tpu.memory_space<vmem_shared>> -> memref<32x64xf32, #tpu.memory_space<vmem_shared>>
      tpu.wait_dma2 semaphore(%run_scoped3A_133 : memref<!tpu.dma_semaphore, #tpu.memory_space<semaphore_mem>>) src(%arg11 : memref<32x64xf32, #tpu.memory_space<vmem>>) dst(%dma_wait3A_141 : memref<32x64xf32, #tpu.memory_space<vmem_shared>>)
      tpu.yield
    }) : () -> ()
    %add3A_19 = arith.constant 128 : i32
    %add3A_20 = arith.addi %mul3A_2, %add3A_19 : i32
    "tpu.region"() ({
      %run_scoped3A_133 = tpu.sem_alloc : memref<!tpu.dma_semaphore, #tpu.memory_space<semaphore_mem>>
      %dma_start3A_134 = arith.constant 0 : i32
      %dma_start3A_135 = tpu.memref_slice %arg14[%add3A_20, %dma_start3A_134] : memref<10240x64xf32, #tpu.memory_space<vmem_shared>> -> memref<32x64xf32, #tpu.memory_space<vmem_shared>>
      %dma_start3A_136 = arith.constant 0 : i32
      %dma_start3A_137 = tpu.memref_slice %arg14[%add3A_20, %dma_start3A_136] : memref<10240x64xf32, #tpu.memory_space<vmem_shared>> -> memref<32x64xf32, #tpu.memory_space<vmem_shared>>
      tpu.enqueue_dma source(%arg11 : memref<32x64xf32, #tpu.memory_space<vmem>>) target(%dma_start3A_137 : memref<32x64xf32, #tpu.memory_space<vmem_shared>>) target_semaphore(%run_scoped3A_133 : memref<!tpu.dma_semaphore, #tpu.memory_space<semaphore_mem>>)
      %dma_wait3A_138 = arith.constant 0 : i32
      %dma_wait3A_139 = tpu.memref_slice %arg14[%add3A_20, %dma_wait3A_138] : memref<10240x64xf32, #tpu.memory_space<vmem_shared>> -> memref<32x64xf32, #tpu.memory_space<vmem_shared>>
      %dma_wait3A_140 = arith.constant 0 : i32
      %dma_wait3A_141 = tpu.memref_slice %arg14[%add3A_20, %dma_wait3A_140] : memref<10240x64xf32, #tpu.memory_space<vmem_shared>> -> memref<32x64xf32, #tpu.memory_space<vmem_shared>>
      tpu.wait_dma2 semaphore(%run_scoped3A_133 : memref<!tpu.dma_semaphore, #tpu.memory_space<semaphore_mem>>) src(%arg11 : memref<32x64xf32, #tpu.memory_space<vmem>>) dst(%dma_wait3A_141 : memref<32x64xf32, #tpu.memory_space<vmem_shared>>)
      tpu.yield
    }) : () -> ()
    %add3A_21 = arith.constant 160 : i32
    %add3A_22 = arith.addi %mul3A_2, %add3A_21 : i32
    "tpu.region"() ({
      %run_scoped3A_133 = tpu.sem_alloc : memref<!tpu.dma_semaphore, #tpu.memory_space<semaphore_mem>>
      %dma_start3A_134 = arith.constant 0 : i32
      %dma_start3A_135 = tpu.memref_slice %arg14[%add3A_22, %dma_start3A_134] : memref<10240x64xf32, #tpu.memory_space<vmem_shared>> -> memref<32x64xf32, #tpu.memory_space<vmem_shared>>
      %dma_start3A_136 = arith.constant 0 : i32
      %dma_start3A_137 = tpu.memref_slice %arg14[%add3A_22, %dma_start3A_136] : memref<10240x64xf32, #tpu.memory_space<vmem_shared>> -> memref<32x64xf32, #tpu.memory_space<vmem_shared>>
      tpu.enqueue_dma source(%arg11 : memref<32x64xf32, #tpu.memory_space<vmem>>) target(%dma_start3A_137 : memref<32x64xf32, #tpu.memory_space<vmem_shared>>) target_semaphore(%run_scoped3A_133 : memref<!tpu.dma_semaphore, #tpu.memory_space<semaphore_mem>>)
      %dma_wait3A_138 = arith.constant 0 : i32
      %dma_wait3A_139 = tpu.memref_slice %arg14[%add3A_22, %dma_wait3A_138] : memref<10240x64xf32, #tpu.memory_space<vmem_shared>> -> memref<32x64xf32, #tpu.memory_space<vmem_shared>>
      %dma_wait3A_140 = arith.constant 0 : i32
      %dma_wait3A_141 = tpu.memref_slice %arg14[%add3A_22, %dma_wait3A_140] : memref<10240x64xf32, #tpu.memory_space<vmem_shared>> -> memref<32x64xf32, #tpu.memory_space<vmem_shared>>
      tpu.wait_dma2 semaphore(%run_scoped3A_133 : memref<!tpu.dma_semaphore, #tpu.memory_space<semaphore_mem>>) src(%arg11 : memref<32x64xf32, #tpu.memory_space<vmem>>) dst(%dma_wait3A_141 : memref<32x64xf32, #tpu.memory_space<vmem_shared>>)
      tpu.yield
    }) : () -> ()
    %add3A_23 = arith.constant 192 : i32
    %add3A_24 = arith.addi %mul3A_2, %add3A_23 : i32
    "tpu.region"() ({
      %run_scoped3A_133 = tpu.sem_alloc : memref<!tpu.dma_semaphore, #tpu.memory_space<semaphore_mem>>
      %dma_start3A_134 = arith.constant 0 : i32
      %dma_start3A_135 = tpu.memref_slice %arg14[%add3A_24, %dma_start3A_134] : memref<10240x64xf32, #tpu.memory_space<vmem_shared>> -> memref<32x64xf32, #tpu.memory_space<vmem_shared>>
      %dma_start3A_136 = arith.constant 0 : i32
      %dma_start3A_137 = tpu.memref_slice %arg14[%add3A_24, %dma_start3A_136] : memref<10240x64xf32, #tpu.memory_space<vmem_shared>> -> memref<32x64xf32, #tpu.memory_space<vmem_shared>>
      tpu.enqueue_dma source(%arg11 : memref<32x64xf32, #tpu.memory_space<vmem>>) target(%dma_start3A_137 : memref<32x64xf32, #tpu.memory_space<vmem_shared>>) target_semaphore(%run_scoped3A_133 : memref<!tpu.dma_semaphore, #tpu.memory_space<semaphore_mem>>)
      %dma_wait3A_138 = arith.constant 0 : i32
      %dma_wait3A_139 = tpu.memref_slice %arg14[%add3A_24, %dma_wait3A_138] : memref<10240x64xf32, #tpu.memory_space<vmem_shared>> -> memref<32x64xf32, #tpu.memory_space<vmem_shared>>
      %dma_wait3A_140 = arith.constant 0 : i32
      %dma_wait3A_141 = tpu.memref_slice %arg14[%add3A_24, %dma_wait3A_140] : memref<10240x64xf32, #tpu.memory_space<vmem_shared>> -> memref<32x64xf32, #tpu.memory_space<vmem_shared>>
      tpu.wait_dma2 semaphore(%run_scoped3A_133 : memref<!tpu.dma_semaphore, #tpu.memory_space<semaphore_mem>>) src(%arg11 : memref<32x64xf32, #tpu.memory_space<vmem>>) dst(%dma_wait3A_141 : memref<32x64xf32, #tpu.memory_space<vmem_shared>>)
      tpu.yield
    }) : () -> ()
    %add3A_25 = arith.constant 224 : i32
    %add3A_26 = arith.addi %mul3A_2, %add3A_25 : i32
    "tpu.region"() ({
      %run_scoped3A_133 = tpu.sem_alloc : memref<!tpu.dma_semaphore, #tpu.memory_space<semaphore_mem>>
      %dma_start3A_134 = arith.constant 0 : i32
      %dma_start3A_135 = tpu.memref_slice %arg14[%add3A_26, %dma_start3A_134] : memref<10240x64xf32, #tpu.memory_space<vmem_shared>> -> memref<32x64xf32, #tpu.memory_space<vmem_shared>>
      %dma_start3A_136 = arith.constant 0 : i32
      %dma_start3A_137 = tpu.memref_slice %arg14[%add3A_26, %dma_start3A_136] : memref<10240x64xf32, #tpu.memory_space<vmem_shared>> -> memref<32x64xf32, #tpu.memory_space<vmem_shared>>
      tpu.enqueue_dma source(%arg11 : memref<32x64xf32, #tpu.memory_space<vmem>>) target(%dma_start3A_137 : memref<32x64xf32, #tpu.memory_space<vmem_shared>>) target_semaphore(%run_scoped3A_133 : memref<!tpu.dma_semaphore, #tpu.memory_space<semaphore_mem>>)
      %dma_wait3A_138 = arith.constant 0 : i32
      %dma_wait3A_139 = tpu.memref_slice %arg14[%add3A_26, %dma_wait3A_138] : memref<10240x64xf32, #tpu.memory_space<vmem_shared>> -> memref<32x64xf32, #tpu.memory_space<vmem_shared>>
      %dma_wait3A_140 = arith.constant 0 : i32
      %dma_wait3A_141 = tpu.memref_slice %arg14[%add3A_26, %dma_wait3A_140] : memref<10240x64xf32, #tpu.memory_space<vmem_shared>> -> memref<32x64xf32, #tpu.memory_space<vmem_shared>>
      tpu.wait_dma2 semaphore(%run_scoped3A_133 : memref<!tpu.dma_semaphore, #tpu.memory_space<semaphore_mem>>) src(%arg11 : memref<32x64xf32, #tpu.memory_space<vmem>>) dst(%dma_wait3A_141 : memref<32x64xf32, #tpu.memory_space<vmem_shared>>)
      tpu.yield
    }) : () -> ()
    %add3A_27 = arith.constant 256 : i32
    %add3A_28 = arith.addi %mul3A_2, %add3A_27 : i32
    "tpu.region"() ({
      %run_scoped3A_133 = tpu.sem_alloc : memref<!tpu.dma_semaphore, #tpu.memory_space<semaphore_mem>>
      %dma_start3A_134 = arith.constant 0 : i32
      %dma_start3A_135 = tpu.memref_slice %arg14[%add3A_28, %dma_start3A_134] : memref<10240x64xf32, #tpu.memory_space<vmem_shared>> -> memref<32x64xf32, #tpu.memory_space<vmem_shared>>
      %dma_start3A_136 = arith.constant 0 : i32
      %dma_start3A_137 = tpu.memref_slice %arg14[%add3A_28, %dma_start3A_136] : memref<10240x64xf32, #tpu.memory_space<vmem_shared>> -> memref<32x64xf32, #tpu.memory_space<vmem_shared>>
      tpu.enqueue_dma source(%arg11 : memref<32x64xf32, #tpu.memory_space<vmem>>) target(%dma_start3A_137 : memref<32x64xf32, #tpu.memory_space<vmem_shared>>) target_semaphore(%run_scoped3A_133 : memref<!tpu.dma_semaphore, #tpu.memory_space<semaphore_mem>>)
      %dma_wait3A_138 = arith.constant 0 : i32
      %dma_wait3A_139 = tpu.memref_slice %arg14[%add3A_28, %dma_wait3A_138] : memref<10240x64xf32, #tpu.memory_space<vmem_shared>> -> memref<32x64xf32, #tpu.memory_space<vmem_shared>>
      %dma_wait3A_140 = arith.constant 0 : i32
      %dma_wait3A_141 = tpu.memref_slice %arg14[%add3A_28, %dma_wait3A_140] : memref<10240x64xf32, #tpu.memory_space<vmem_shared>> -> memref<32x64xf32, #tpu.memory_space<vmem_shared>>
      tpu.wait_dma2 semaphore(%run_scoped3A_133 : memref<!tpu.dma_semaphore, #tpu.memory_space<semaphore_mem>>) src(%arg11 : memref<32x64xf32, #tpu.memory_space<vmem>>) dst(%dma_wait3A_141 : memref<32x64xf32, #tpu.memory_space<vmem_shared>>)
      tpu.yield
    }) : () -> ()
    %add3A_29 = arith.constant 288 : i32
    %add3A_30 = arith.addi %mul3A_2, %add3A_29 : i32
    "tpu.region"() ({
      %run_scoped3A_133 = tpu.sem_alloc : memref<!tpu.dma_semaphore, #tpu.memory_space<semaphore_mem>>
      %dma_start3A_134 = arith.constant 0 : i32
      %dma_start3A_135 = tpu.memref_slice %arg14[%add3A_30, %dma_start3A_134] : memref<10240x64xf32, #tpu.memory_space<vmem_shared>> -> memref<32x64xf32, #tpu.memory_space<vmem_shared>>
      %dma_start3A_136 = arith.constant 0 : i32
      %dma_start3A_137 = tpu.memref_slice %arg14[%add3A_30, %dma_start3A_136] : memref<10240x64xf32, #tpu.memory_space<vmem_shared>> -> memref<32x64xf32, #tpu.memory_space<vmem_shared>>
      tpu.enqueue_dma source(%arg11 : memref<32x64xf32, #tpu.memory_space<vmem>>) target(%dma_start3A_137 : memref<32x64xf32, #tpu.memory_space<vmem_shared>>) target_semaphore(%run_scoped3A_133 : memref<!tpu.dma_semaphore, #tpu.memory_space<semaphore_mem>>)
      %dma_wait3A_138 = arith.constant 0 : i32
      %dma_wait3A_139 = tpu.memref_slice %arg14[%add3A_30, %dma_wait3A_138] : memref<10240x64xf32, #tpu.memory_space<vmem_shared>> -> memref<32x64xf32, #tpu.memory_space<vmem_shared>>
      %dma_wait3A_140 = arith.constant 0 : i32
      %dma_wait3A_141 = tpu.memref_slice %arg14[%add3A_30, %dma_wait3A_140] : memref<10240x64xf32, #tpu.memory_space<vmem_shared>> -> memref<32x64xf32, #tpu.memory_space<vmem_shared>>
      tpu.wait_dma2 semaphore(%run_scoped3A_133 : memref<!tpu.dma_semaphore, #tpu.memory_space<semaphore_mem>>) src(%arg11 : memref<32x64xf32, #tpu.memory_space<vmem>>) dst(%dma_wait3A_141 : memref<32x64xf32, #tpu.memory_space<vmem_shared>>)
      tpu.yield
    }) : () -> ()
    %add3A_31 = arith.constant 320 : i32
    %add3A_32 = arith.addi %mul3A_2, %add3A_31 : i32
    "tpu.region"() ({
      %run_scoped3A_133 = tpu.sem_alloc : memref<!tpu.dma_semaphore, #tpu.memory_space<semaphore_mem>>
      %dma_start3A_134 = arith.constant 0 : i32
      %dma_start3A_135 = tpu.memref_slice %arg14[%add3A_32, %dma_start3A_134] : memref<10240x64xf32, #tpu.memory_space<vmem_shared>> -> memref<32x64xf32, #tpu.memory_space<vmem_shared>>
      %dma_start3A_136 = arith.constant 0 : i32
      %dma_start3A_137 = tpu.memref_slice %arg14[%add3A_32, %dma_start3A_136] : memref<10240x64xf32, #tpu.memory_space<vmem_shared>> -> memref<32x64xf32, #tpu.memory_space<vmem_shared>>
      tpu.enqueue_dma source(%arg11 : memref<32x64xf32, #tpu.memory_space<vmem>>) target(%dma_start3A_137 : memref<32x64xf32, #tpu.memory_space<vmem_shared>>) target_semaphore(%run_scoped3A_133 : memref<!tpu.dma_semaphore, #tpu.memory_space<semaphore_mem>>)
      %dma_wait3A_138 = arith.constant 0 : i32
      %dma_wait3A_139 = tpu.memref_slice %arg14[%add3A_32, %dma_wait3A_138] : memref<10240x64xf32, #tpu.memory_space<vmem_shared>> -> memref<32x64xf32, #tpu.memory_space<vmem_shared>>
      %dma_wait3A_140 = arith.constant 0 : i32
      %dma_wait3A_141 = tpu.memref_slice %arg14[%add3A_32, %dma_wait3A_140] : memref<10240x64xf32, #tpu.memory_space<vmem_shared>> -> memref<32x64xf32, #tpu.memory_space<vmem_shared>>
      tpu.wait_dma2 semaphore(%run_scoped3A_133 : memref<!tpu.dma_semaphore, #tpu.memory_space<semaphore_mem>>) src(%arg11 : memref<32x64xf32, #tpu.memory_space<vmem>>) dst(%dma_wait3A_141 : memref<32x64xf32, #tpu.memory_space<vmem_shared>>)
      tpu.yield
    }) : () -> ()
    %add3A_33 = arith.constant 352 : i32
    %add3A_34 = arith.addi %mul3A_2, %add3A_33 : i32
    "tpu.region"() ({
      %run_scoped3A_133 = tpu.sem_alloc : memref<!tpu.dma_semaphore, #tpu.memory_space<semaphore_mem>>
      %dma_start3A_134 = arith.constant 0 : i32
      %dma_start3A_135 = tpu.memref_slice %arg14[%add3A_34, %dma_start3A_134] : memref<10240x64xf32, #tpu.memory_space<vmem_shared>> -> memref<32x64xf32, #tpu.memory_space<vmem_shared>>
      %dma_start3A_136 = arith.constant 0 : i32
      %dma_start3A_137 = tpu.memref_slice %arg14[%add3A_34, %dma_start3A_136] : memref<10240x64xf32, #tpu.memory_space<vmem_shared>> -> memref<32x64xf32, #tpu.memory_space<vmem_shared>>
      tpu.enqueue_dma source(%arg11 : memref<32x64xf32, #tpu.memory_space<vmem>>) target(%dma_start3A_137 : memref<32x64xf32, #tpu.memory_space<vmem_shared>>) target_semaphore(%run_scoped3A_133 : memref<!tpu.dma_semaphore, #tpu.memory_space<semaphore_mem>>)
      %dma_wait3A_138 = arith.constant 0 : i32
      %dma_wait3A_139 = tpu.memref_slice %arg14[%add3A_34, %dma_wait3A_138] : memref<10240x64xf32, #tpu.memory_space<vmem_shared>> -> memref<32x64xf32, #tpu.memory_space<vmem_shared>>
      %dma_wait3A_140 = arith.constant 0 : i32
      %dma_wait3A_141 = tpu.memref_slice %arg14[%add3A_34, %dma_wait3A_140] : memref<10240x64xf32, #tpu.memory_space<vmem_shared>> -> memref<32x64xf32, #tpu.memory_space<vmem_shared>>
      tpu.wait_dma2 semaphore(%run_scoped3A_133 : memref<!tpu.dma_semaphore, #tpu.memory_space<semaphore_mem>>) src(%arg11 : memref<32x64xf32, #tpu.memory_space<vmem>>) dst(%dma_wait3A_141 : memref<32x64xf32, #tpu.memory_space<vmem_shared>>)
      tpu.yield
    }) : () -> ()
    %add3A_35 = arith.constant 384 : i32
    %add3A_36 = arith.addi %mul3A_2, %add3A_35 : i32
    "tpu.region"() ({
      %run_scoped3A_133 = tpu.sem_alloc : memref<!tpu.dma_semaphore, #tpu.memory_space<semaphore_mem>>
      %dma_start3A_134 = arith.constant 0 : i32
      %dma_start3A_135 = tpu.memref_slice %arg14[%add3A_36, %dma_start3A_134] : memref<10240x64xf32, #tpu.memory_space<vmem_shared>> -> memref<32x64xf32, #tpu.memory_space<vmem_shared>>
      %dma_start3A_136 = arith.constant 0 : i32
      %dma_start3A_137 = tpu.memref_slice %arg14[%add3A_36, %dma_start3A_136] : memref<10240x64xf32, #tpu.memory_space<vmem_shared>> -> memref<32x64xf32, #tpu.memory_space<vmem_shared>>
      tpu.enqueue_dma source(%arg11 : memref<32x64xf32, #tpu.memory_space<vmem>>) target(%dma_start3A_137 : memref<32x64xf32, #tpu.memory_space<vmem_shared>>) target_semaphore(%run_scoped3A_133 : memref<!tpu.dma_semaphore, #tpu.memory_space<semaphore_mem>>)
      %dma_wait3A_138 = arith.constant 0 : i32
      %dma_wait3A_139 = tpu.memref_slice %arg14[%add3A_36, %dma_wait3A_138] : memref<10240x64xf32, #tpu.memory_space<vmem_shared>> -> memref<32x64xf32, #tpu.memory_space<vmem_shared>>
      %dma_wait3A_140 = arith.constant 0 : i32
      %dma_wait3A_141 = tpu.memref_slice %arg14[%add3A_36, %dma_wait3A_140] : memref<10240x64xf32, #tpu.memory_space<vmem_shared>> -> memref<32x64xf32, #tpu.memory_space<vmem_shared>>
      tpu.wait_dma2 semaphore(%run_scoped3A_133 : memref<!tpu.dma_semaphore, #tpu.memory_space<semaphore_mem>>) src(%arg11 : memref<32x64xf32, #tpu.memory_space<vmem>>) dst(%dma_wait3A_141 : memref<32x64xf32, #tpu.memory_space<vmem_shared>>)
      tpu.yield
    }) : () -> ()
    %add3A_37 = arith.constant 416 : i32
    %add3A_38 = arith.addi %mul3A_2, %add3A_37 : i32
    "tpu.region"() ({
      %run_scoped3A_133 = tpu.sem_alloc : memref<!tpu.dma_semaphore, #tpu.memory_space<semaphore_mem>>
      %dma_start3A_134 = arith.constant 0 : i32
      %dma_start3A_135 = tpu.memref_slice %arg14[%add3A_38, %dma_start3A_134] : memref<10240x64xf32, #tpu.memory_space<vmem_shared>> -> memref<32x64xf32, #tpu.memory_space<vmem_shared>>
      %dma_start3A_136 = arith.constant 0 : i32
      %dma_start3A_137 = tpu.memref_slice %arg14[%add3A_38, %dma_start3A_136] : memref<10240x64xf32, #tpu.memory_space<vmem_shared>> -> memref<32x64xf32, #tpu.memory_space<vmem_shared>>
      tpu.enqueue_dma source(%arg11 : memref<32x64xf32, #tpu.memory_space<vmem>>) target(%dma_start3A_137 : memref<32x64xf32, #tpu.memory_space<vmem_shared>>) target_semaphore(%run_scoped3A_133 : memref<!tpu.dma_semaphore, #tpu.memory_space<semaphore_mem>>)
      %dma_wait3A_138 = arith.constant 0 : i32
      %dma_wait3A_139 = tpu.memref_slice %arg14[%add3A_38, %dma_wait3A_138] : memref<10240x64xf32, #tpu.memory_space<vmem_shared>> -> memref<32x64xf32, #tpu.memory_space<vmem_shared>>
      %dma_wait3A_140 = arith.constant 0 : i32
      %dma_wait3A_141 = tpu.memref_slice %arg14[%add3A_38, %dma_wait3A_140] : memref<10240x64xf32, #tpu.memory_space<vmem_shared>> -> memref<32x64xf32, #tpu.memory_space<vmem_shared>>
      tpu.wait_dma2 semaphore(%run_scoped3A_133 : memref<!tpu.dma_semaphore, #tpu.memory_space<semaphore_mem>>) src(%arg11 : memref<32x64xf32, #tpu.memory_space<vmem>>) dst(%dma_wait3A_141 : memref<32x64xf32, #tpu.memory_space<vmem_shared>>)
      tpu.yield
    }) : () -> ()
    %add3A_39 = arith.constant 448 : i32
    %add3A_40 = arith.addi %mul3A_2, %add3A_39 : i32
    "tpu.region"() ({
      %run_scoped3A_133 = tpu.sem_alloc : memref<!tpu.dma_semaphore, #tpu.memory_space<semaphore_mem>>
      %dma_start3A_134 = arith.constant 0 : i32
      %dma_start3A_135 = tpu.memref_slice %arg14[%add3A_40, %dma_start3A_134] : memref<10240x64xf32, #tpu.memory_space<vmem_shared>> -> memref<32x64xf32, #tpu.memory_space<vmem_shared>>
      %dma_start3A_136 = arith.constant 0 : i32
      %dma_start3A_137 = tpu.memref_slice %arg14[%add3A_40, %dma_start3A_136] : memref<10240x64xf32, #tpu.memory_space<vmem_shared>> -> memref<32x64xf32, #tpu.memory_space<vmem_shared>>
      tpu.enqueue_dma source(%arg11 : memref<32x64xf32, #tpu.memory_space<vmem>>) target(%dma_start3A_137 : memref<32x64xf32, #tpu.memory_space<vmem_shared>>) target_semaphore(%run_scoped3A_133 : memref<!tpu.dma_semaphore, #tpu.memory_space<semaphore_mem>>)
      %dma_wait3A_138 = arith.constant 0 : i32
      %dma_wait3A_139 = tpu.memref_slice %arg14[%add3A_40, %dma_wait3A_138] : memref<10240x64xf32, #tpu.memory_space<vmem_shared>> -> memref<32x64xf32, #tpu.memory_space<vmem_shared>>
      %dma_wait3A_140 = arith.constant 0 : i32
      %dma_wait3A_141 = tpu.memref_slice %arg14[%add3A_40, %dma_wait3A_140] : memref<10240x64xf32, #tpu.memory_space<vmem_shared>> -> memref<32x64xf32, #tpu.memory_space<vmem_shared>>
      tpu.wait_dma2 semaphore(%run_scoped3A_133 : memref<!tpu.dma_semaphore, #tpu.memory_space<semaphore_mem>>) src(%arg11 : memref<32x64xf32, #tpu.memory_space<vmem>>) dst(%dma_wait3A_141 : memref<32x64xf32, #tpu.memory_space<vmem_shared>>)
      tpu.yield
    }) : () -> ()
    %add3A_41 = arith.constant 480 : i32
    %add3A_42 = arith.addi %mul3A_2, %add3A_41 : i32
    "tpu.region"() ({
      %run_scoped3A_133 = tpu.sem_alloc : memref<!tpu.dma_semaphore, #tpu.memory_space<semaphore_mem>>
      %dma_start3A_134 = arith.constant 0 : i32
      %dma_start3A_135 = tpu.memref_slice %arg14[%add3A_42, %dma_start3A_134] : memref<10240x64xf32, #tpu.memory_space<vmem_shared>> -> memref<32x64xf32, #tpu.memory_space<vmem_shared>>
      %dma_start3A_136 = arith.constant 0 : i32
      %dma_start3A_137 = tpu.memref_slice %arg14[%add3A_42, %dma_start3A_136] : memref<10240x64xf32, #tpu.memory_space<vmem_shared>> -> memref<32x64xf32, #tpu.memory_space<vmem_shared>>
      tpu.enqueue_dma source(%arg11 : memref<32x64xf32, #tpu.memory_space<vmem>>) target(%dma_start3A_137 : memref<32x64xf32, #tpu.memory_space<vmem_shared>>) target_semaphore(%run_scoped3A_133 : memref<!tpu.dma_semaphore, #tpu.memory_space<semaphore_mem>>)
      %dma_wait3A_138 = arith.constant 0 : i32
      %dma_wait3A_139 = tpu.memref_slice %arg14[%add3A_42, %dma_wait3A_138] : memref<10240x64xf32, #tpu.memory_space<vmem_shared>> -> memref<32x64xf32, #tpu.memory_space<vmem_shared>>
      %dma_wait3A_140 = arith.constant 0 : i32
      %dma_wait3A_141 = tpu.memref_slice %arg14[%add3A_42, %dma_wait3A_140] : memref<10240x64xf32, #tpu.memory_space<vmem_shared>> -> memref<32x64xf32, #tpu.memory_space<vmem_shared>>
      tpu.wait_dma2 semaphore(%run_scoped3A_133 : memref<!tpu.dma_semaphore, #tpu.memory_space<semaphore_mem>>) src(%arg11 : memref<32x64xf32, #tpu.memory_space<vmem>>) dst(%dma_wait3A_141 : memref<32x64xf32, #tpu.memory_space<vmem_shared>>)
      tpu.yield
    }) : () -> ()
    %add3A_43 = arith.constant 512 : i32
    %add3A_44 = arith.addi %mul3A_2, %add3A_43 : i32
    "tpu.region"() ({
      %run_scoped3A_133 = tpu.sem_alloc : memref<!tpu.dma_semaphore, #tpu.memory_space<semaphore_mem>>
      %dma_start3A_134 = arith.constant 0 : i32
      %dma_start3A_135 = tpu.memref_slice %arg14[%add3A_44, %dma_start3A_134] : memref<10240x64xf32, #tpu.memory_space<vmem_shared>> -> memref<32x64xf32, #tpu.memory_space<vmem_shared>>
      %dma_start3A_136 = arith.constant 0 : i32
      %dma_start3A_137 = tpu.memref_slice %arg14[%add3A_44, %dma_start3A_136] : memref<10240x64xf32, #tpu.memory_space<vmem_shared>> -> memref<32x64xf32, #tpu.memory_space<vmem_shared>>
      tpu.enqueue_dma source(%arg11 : memref<32x64xf32, #tpu.memory_space<vmem>>) target(%dma_start3A_137 : memref<32x64xf32, #tpu.memory_space<vmem_shared>>) target_semaphore(%run_scoped3A_133 : memref<!tpu.dma_semaphore, #tpu.memory_space<semaphore_mem>>)
      %dma_wait3A_138 = arith.constant 0 : i32
      %dma_wait3A_139 = tpu.memref_slice %arg14[%add3A_44, %dma_wait3A_138] : memref<10240x64xf32, #tpu.memory_space<vmem_shared>> -> memref<32x64xf32, #tpu.memory_space<vmem_shared>>
      %dma_wait3A_140 = arith.constant 0 : i32
      %dma_wait3A_141 = tpu.memref_slice %arg14[%add3A_44, %dma_wait3A_140] : memref<10240x64xf32, #tpu.memory_space<vmem_shared>> -> memref<32x64xf32, #tpu.memory_space<vmem_shared>>
      tpu.wait_dma2 semaphore(%run_scoped3A_133 : memref<!tpu.dma_semaphore, #tpu.memory_space<semaphore_mem>>) src(%arg11 : memref<32x64xf32, #tpu.memory_space<vmem>>) dst(%dma_wait3A_141 : memref<32x64xf32, #tpu.memory_space<vmem_shared>>)
      tpu.yield
    }) : () -> ()
    %add3A_45 = arith.constant 544 : i32
    %add3A_46 = arith.addi %mul3A_2, %add3A_45 : i32
    "tpu.region"() ({
      %run_scoped3A_133 = tpu.sem_alloc : memref<!tpu.dma_semaphore, #tpu.memory_space<semaphore_mem>>
      %dma_start3A_134 = arith.constant 0 : i32
      %dma_start3A_135 = tpu.memref_slice %arg14[%add3A_46, %dma_start3A_134] : memref<10240x64xf32, #tpu.memory_space<vmem_shared>> -> memref<32x64xf32, #tpu.memory_space<vmem_shared>>
      %dma_start3A_136 = arith.constant 0 : i32
      %dma_start3A_137 = tpu.memref_slice %arg14[%add3A_46, %dma_start3A_136] : memref<10240x64xf32, #tpu.memory_space<vmem_shared>> -> memref<32x64xf32, #tpu.memory_space<vmem_shared>>
      tpu.enqueue_dma source(%arg11 : memref<32x64xf32, #tpu.memory_space<vmem>>) target(%dma_start3A_137 : memref<32x64xf32, #tpu.memory_space<vmem_shared>>) target_semaphore(%run_scoped3A_133 : memref<!tpu.dma_semaphore, #tpu.memory_space<semaphore_mem>>)
      %dma_wait3A_138 = arith.constant 0 : i32
      %dma_wait3A_139 = tpu.memref_slice %arg14[%add3A_46, %dma_wait3A_138] : memref<10240x64xf32, #tpu.memory_space<vmem_shared>> -> memref<32x64xf32, #tpu.memory_space<vmem_shared>>
      %dma_wait3A_140 = arith.constant 0 : i32
      %dma_wait3A_141 = tpu.memref_slice %arg14[%add3A_46, %dma_wait3A_140] : memref<10240x64xf32, #tpu.memory_space<vmem_shared>> -> memref<32x64xf32, #tpu.memory_space<vmem_shared>>
      tpu.wait_dma2 semaphore(%run_scoped3A_133 : memref<!tpu.dma_semaphore, #tpu.memory_space<semaphore_mem>>) src(%arg11 : memref<32x64xf32, #tpu.memory_space<vmem>>) dst(%dma_wait3A_141 : memref<32x64xf32, #tpu.memory_space<vmem_shared>>)
      tpu.yield
    }) : () -> ()
    %add3A_47 = arith.constant 576 : i32
    %add3A_48 = arith.addi %mul3A_2, %add3A_47 : i32
    "tpu.region"() ({
      %run_scoped3A_133 = tpu.sem_alloc : memref<!tpu.dma_semaphore, #tpu.memory_space<semaphore_mem>>
      %dma_start3A_134 = arith.constant 0 : i32
      %dma_start3A_135 = tpu.memref_slice %arg14[%add3A_48, %dma_start3A_134] : memref<10240x64xf32, #tpu.memory_space<vmem_shared>> -> memref<32x64xf32, #tpu.memory_space<vmem_shared>>
      %dma_start3A_136 = arith.constant 0 : i32
      %dma_start3A_137 = tpu.memref_slice %arg14[%add3A_48, %dma_start3A_136] : memref<10240x64xf32, #tpu.memory_space<vmem_shared>> -> memref<32x64xf32, #tpu.memory_space<vmem_shared>>
      tpu.enqueue_dma source(%arg11 : memref<32x64xf32, #tpu.memory_space<vmem>>) target(%dma_start3A_137 : memref<32x64xf32, #tpu.memory_space<vmem_shared>>) target_semaphore(%run_scoped3A_133 : memref<!tpu.dma_semaphore, #tpu.memory_space<semaphore_mem>>)
      %dma_wait3A_138 = arith.constant 0 : i32
      %dma_wait3A_139 = tpu.memref_slice %arg14[%add3A_48, %dma_wait3A_138] : memref<10240x64xf32, #tpu.memory_space<vmem_shared>> -> memref<32x64xf32, #tpu.memory_space<vmem_shared>>
      %dma_wait3A_140 = arith.constant 0 : i32
      %dma_wait3A_141 = tpu.memref_slice %arg14[%add3A_48, %dma_wait3A_140] : memref<10240x64xf32, #tpu.memory_space<vmem_shared>> -> memref<32x64xf32, #tpu.memory_space<vmem_shared>>
      tpu.wait_dma2 semaphore(%run_scoped3A_133 : memref<!tpu.dma_semaphore, #tpu.memory_space<semaphore_mem>>) src(%arg11 : memref<32x64xf32, #tpu.memory_space<vmem>>) dst(%dma_wait3A_141 : memref<32x64xf32, #tpu.memory_space<vmem_shared>>)
      tpu.yield
    }) : () -> ()
    %add3A_49 = arith.constant 608 : i32
    %add3A_50 = arith.addi %mul3A_2, %add3A_49 : i32
    "tpu.region"() ({
      %run_scoped3A_133 = tpu.sem_alloc : memref<!tpu.dma_semaphore, #tpu.memory_space<semaphore_mem>>
      %dma_start3A_134 = arith.constant 0 : i32
      %dma_start3A_135 = tpu.memref_slice %arg14[%add3A_50, %dma_start3A_134] : memref<10240x64xf32, #tpu.memory_space<vmem_shared>> -> memref<32x64xf32, #tpu.memory_space<vmem_shared>>
      %dma_start3A_136 = arith.constant 0 : i32
      %dma_start3A_137 = tpu.memref_slice %arg14[%add3A_50, %dma_start3A_136] : memref<10240x64xf32, #tpu.memory_space<vmem_shared>> -> memref<32x64xf32, #tpu.memory_space<vmem_shared>>
      tpu.enqueue_dma source(%arg11 : memref<32x64xf32, #tpu.memory_space<vmem>>) target(%dma_start3A_137 : memref<32x64xf32, #tpu.memory_space<vmem_shared>>) target_semaphore(%run_scoped3A_133 : memref<!tpu.dma_semaphore, #tpu.memory_space<semaphore_mem>>)
      %dma_wait3A_138 = arith.constant 0 : i32
      %dma_wait3A_139 = tpu.memref_slice %arg14[%add3A_50, %dma_wait3A_138] : memref<10240x64xf32, #tpu.memory_space<vmem_shared>> -> memref<32x64xf32, #tpu.memory_space<vmem_shared>>
      %dma_wait3A_140 = arith.constant 0 : i32
      %dma_wait3A_141 = tpu.memref_slice %arg14[%add3A_50, %dma_wait3A_140] : memref<10240x64xf32, #tpu.memory_space<vmem_shared>> -> memref<32x64xf32, #tpu.memory_space<vmem_shared>>
      tpu.wait_dma2 semaphore(%run_scoped3A_133 : memref<!tpu.dma_semaphore, #tpu.memory_space<semaphore_mem>>) src(%arg11 : memref<32x64xf32, #tpu.memory_space<vmem>>) dst(%dma_wait3A_141 : memref<32x64xf32, #tpu.memory_space<vmem_shared>>)
      tpu.yield
    }) : () -> ()
    %run_scoped3A = arith.constant 0 : i32
    "tpu.region"() ({
      %run_scoped3A_133 = tpu.sem_alloc : memref<!tpu.dma_semaphore, #tpu.memory_space<semaphore_mem>>
      %dma_start3A_134 = arith.constant 0 : i32
      %dma_start3A_135 = arith.constant 0 : i32
      %dma_start3A_136 = tpu.memref_slice %arg4[%run_scoped3A, %add3A, %dma_start3A_134, %dma_start3A_135] : memref<2x32x80x125xi32, #tpu.memory_space<hbm>> -> memref<1x1x80x125xi32, #tpu.memory_space<hbm>>
      %dma_start3A_137 = tpu.memref_squeeze %dma_start3A_136 : memref<1x1x80x125xi32, #tpu.memory_space<hbm>> -> memref<80x125xi32, #tpu.memory_space<hbm>>
      %dma_start3A_138 = arith.constant 0 : i32
      %dma_start3A_139 = arith.constant 0 : i32
      %dma_start3A_140 = tpu.memref_slice %arg4[%run_scoped3A, %add3A, %dma_start3A_138, %dma_start3A_139] : memref<2x32x80x125xi32, #tpu.memory_space<hbm>> -> memref<1x1x80x125xi32, #tpu.memory_space<hbm>>
      %dma_start3A_141 = tpu.memref_squeeze %dma_start3A_140 : memref<1x1x80x125xi32, #tpu.memory_space<hbm>> -> memref<80x125xi32, #tpu.memory_space<hbm>>
      tpu.enqueue_dma source(%dma_start3A_141 : memref<80x125xi32, #tpu.memory_space<hbm>>) target(%arg7 : memref<80x125xi32, #tpu.memory_space<vmem>>) target_semaphore(%run_scoped3A_133 : memref<!tpu.dma_semaphore, #tpu.memory_space<semaphore_mem>>)
      %dma_wait3A_142 = arith.constant 0 : i32
      %dma_wait3A_143 = arith.constant 0 : i32
      %dma_wait3A_144 = tpu.memref_slice %arg4[%run_scoped3A, %add3A, %dma_wait3A_142, %dma_wait3A_143] : memref<2x32x80x125xi32, #tpu.memory_space<hbm>> -> memref<1x1x80x125xi32, #tpu.memory_space<hbm>>
      %dma_wait3A_145 = tpu.memref_squeeze %dma_wait3A_144 : memref<1x1x80x125xi32, #tpu.memory_space<hbm>> -> memref<80x125xi32, #tpu.memory_space<hbm>>
      %dma_wait3A_146 = arith.constant 0 : i32
      %dma_wait3A_147 = arith.constant 0 : i32
      %dma_wait3A_148 = tpu.memref_slice %arg4[%run_scoped3A, %add3A, %dma_wait3A_146, %dma_wait3A_147] : memref<2x32x80x125xi32, #tpu.memory_space<hbm>> -> memref<1x1x80x125xi32, #tpu.memory_space<hbm>>
      %dma_wait3A_149 = tpu.memref_squeeze %dma_wait3A_148 : memref<1x1x80x125xi32, #tpu.memory_space<hbm>> -> memref<80x125xi32, #tpu.memory_space<hbm>>
      tpu.wait_dma2 semaphore(%run_scoped3A_133 : memref<!tpu.dma_semaphore, #tpu.memory_space<semaphore_mem>>) src(%dma_wait3A_149 : memref<80x125xi32, #tpu.memory_space<hbm>>) dst(%arg7 : memref<80x125xi32, #tpu.memory_space<vmem>>)
      tpu.yield
    }) : () -> ()
    %run_scoped3A_51 = arith.constant 1 : i32
    "tpu.region"() ({
      %run_scoped3A_133 = tpu.sem_alloc : memref<!tpu.dma_semaphore, #tpu.memory_space<semaphore_mem>>
      %dma_start3A_134 = arith.constant 0 : i32
      %dma_start3A_135 = arith.constant 0 : i32
      %dma_start3A_136 = tpu.memref_slice %arg4[%run_scoped3A_51, %add3A, %dma_start3A_134, %dma_start3A_135] : memref<2x32x80x125xi32, #tpu.memory_space<hbm>> -> memref<1x1x80x125xi32, #tpu.memory_space<hbm>>
      %dma_start3A_137 = tpu.memref_squeeze %dma_start3A_136 : memref<1x1x80x125xi32, #tpu.memory_space<hbm>> -> memref<80x125xi32, #tpu.memory_space<hbm>>
      %dma_start3A_138 = arith.constant 0 : i32
      %dma_start3A_139 = arith.constant 0 : i32
      %dma_start3A_140 = tpu.memref_slice %arg4[%run_scoped3A_51, %add3A, %dma_start3A_138, %dma_start3A_139] : memref<2x32x80x125xi32, #tpu.memory_space<hbm>> -> memref<1x1x80x125xi32, #tpu.memory_space<hbm>>
      %dma_start3A_141 = tpu.memref_squeeze %dma_start3A_140 : memref<1x1x80x125xi32, #tpu.memory_space<hbm>> -> memref<80x125xi32, #tpu.memory_space<hbm>>
      tpu.enqueue_dma source(%dma_start3A_141 : memref<80x125xi32, #tpu.memory_space<hbm>>) target(%arg8 : memref<80x125xi32, #tpu.memory_space<vmem>>) target_semaphore(%run_scoped3A_133 : memref<!tpu.dma_semaphore, #tpu.memory_space<semaphore_mem>>)
      %dma_wait3A_142 = arith.constant 0 : i32
      %dma_wait3A_143 = arith.constant 0 : i32
      %dma_wait3A_144 = tpu.memref_slice %arg4[%run_scoped3A_51, %add3A, %dma_wait3A_142, %dma_wait3A_143] : memref<2x32x80x125xi32, #tpu.memory_space<hbm>> -> memref<1x1x80x125xi32, #tpu.memory_space<hbm>>
      %dma_wait3A_145 = tpu.memref_squeeze %dma_wait3A_144 : memref<1x1x80x125xi32, #tpu.memory_space<hbm>> -> memref<80x125xi32, #tpu.memory_space<hbm>>
      %dma_wait3A_146 = arith.constant 0 : i32
      %dma_wait3A_147 = arith.constant 0 : i32
      %dma_wait3A_148 = tpu.memref_slice %arg4[%run_scoped3A_51, %add3A, %dma_wait3A_146, %dma_wait3A_147] : memref<2x32x80x125xi32, #tpu.memory_space<hbm>> -> memref<1x1x80x125xi32, #tpu.memory_space<hbm>>
      %dma_wait3A_149 = tpu.memref_squeeze %dma_wait3A_148 : memref<1x1x80x125xi32, #tpu.memory_space<hbm>> -> memref<80x125xi32, #tpu.memory_space<hbm>>
      tpu.wait_dma2 semaphore(%run_scoped3A_133 : memref<!tpu.dma_semaphore, #tpu.memory_space<semaphore_mem>>) src(%dma_wait3A_149 : memref<80x125xi32, #tpu.memory_space<hbm>>) dst(%arg8 : memref<80x125xi32, #tpu.memory_space<vmem>>)
      tpu.yield
    }) : () -> ()
    %barrier3A = arith.constant 0 : index
    tpu.barrier barrier_id(%barrier3A)
    %dma_start3A = arith.constant 0 : i32
    %dma_start3A_52 = arith.constant 0 : i32
    %dma_start3A_53 = tpu.memref_slice %arg7[%dma_start3A, %dma_start3A_52] : memref<80x125xi32, #tpu.memory_space<vmem>> -> memref<1x125xi32, #tpu.memory_space<vmem>>
    %dma_start3A_54 = tpu.memref_squeeze %dma_start3A_53 : memref<1x125xi32, #tpu.memory_space<vmem>> -> memref<125xi32, #tpu.memory_space<vmem>>
    %dma_start3A_55 = arith.constant 0 : i32
    %dma_start3A_56 = arith.constant 0 : i32
    %dma_start3A_57 = tpu.memref_slice %arg2[%dma_start3A_55, %dma_start3A_56] : memref<10000x64xf32, #tpu.memory_space<hbm>> -> memref<10000x64xf32, #tpu.memory_space<hbm>>
    tpu.enqueue_indirect_dma source(%dma_start3A_57 : memref<10000x64xf32, #tpu.memory_space<hbm>>) target(%arg9 : memref<125x64xf32, #tpu.memory_space<vmem>>) offsets(%dma_start3A_54 : memref<125xi32, #tpu.memory_space<vmem>>) semaphore(%arg16 : memref<!tpu.dma_semaphore, #tpu.memory_space<semaphore_mem>>)
    %scan3A_58 = arith.constant 0 : i32
    %scan3A_59 = arith.constant 0 : i32
    %scan3A_60 = arith.constant 40 : i32
    %scan3A_61 = arith.addi %scan3A_59, %scan3A_60 : i32
    %scan3A_62 = arith.constant 1 : i32
    scf.for %scan3A_133 = %scan3A_59 to %scan3A_61 step %scan3A_62  : i32 {
      %mul3A_134 = arith.constant 2 : i32
      %mul3A_135 = arith.muli %mul3A_134, %scan3A_133 : i32
      %add3A_136 = arith.constant 1 : i32
      %add3A_137 = arith.addi %mul3A_135, %add3A_136 : i32
      %dma_start3A_138 = arith.constant 0 : i32
      %dma_start3A_139 = tpu.memref_slice %arg7[%add3A_137, %dma_start3A_138] : memref<80x125xi32, #tpu.memory_space<vmem>> -> memref<1x125xi32, #tpu.memory_space<vmem>>
      %dma_start3A_140 = tpu.memref_squeeze %dma_start3A_139 : memref<1x125xi32, #tpu.memory_space<vmem>> -> memref<125xi32, #tpu.memory_space<vmem>>
      %dma_start3A_141 = arith.constant 0 : i32
      %dma_start3A_142 = arith.constant 0 : i32
      %dma_start3A_143 = tpu.memref_slice %arg2[%dma_start3A_141, %dma_start3A_142] : memref<10000x64xf32, #tpu.memory_space<hbm>> -> memref<10000x64xf32, #tpu.memory_space<hbm>>
      tpu.enqueue_indirect_dma source(%dma_start3A_143 : memref<10000x64xf32, #tpu.memory_space<hbm>>) target(%arg10 : memref<125x64xf32, #tpu.memory_space<vmem>>) offsets(%dma_start3A_140 : memref<125xi32, #tpu.memory_space<vmem>>) semaphore(%arg17 : memref<!tpu.dma_semaphore, #tpu.memory_space<semaphore_mem>>)
      %dma_wait3A_144 = arith.constant 0 : i32
      %dma_wait3A_145 = tpu.memref_slice %arg7[%mul3A_135, %dma_wait3A_144] : memref<80x125xi32, #tpu.memory_space<vmem>> -> memref<1x125xi32, #tpu.memory_space<vmem>>
      %dma_wait3A_146 = tpu.memref_squeeze %dma_wait3A_145 : memref<1x125xi32, #tpu.memory_space<vmem>> -> memref<125xi32, #tpu.memory_space<vmem>>
      %dma_wait3A_147 = arith.constant 0 : i32
      %dma_wait3A_148 = arith.constant 0 : i32
      %dma_wait3A_149 = tpu.memref_slice %arg2[%dma_wait3A_147, %dma_wait3A_148] : memref<10000x64xf32, #tpu.memory_space<hbm>> -> memref<10000x64xf32, #tpu.memory_space<hbm>>
      tpu.wait_indirect_dma semaphore(%arg16 : memref<!tpu.dma_semaphore, #tpu.memory_space<semaphore_mem>>) src(%dma_wait3A_149 : memref<10000x64xf32, #tpu.memory_space<hbm>>) dst(%arg9 : memref<125x64xf32, #tpu.memory_space<vmem>>)
      "tpu.region"() ({
        %run_scoped3A_165 = tpu.sem_alloc : memref<!tpu.dma_semaphore, #tpu.memory_space<semaphore_mem>>
        %dma_start3A_166 = arith.constant 0 : i32
        %dma_start3A_167 = tpu.memref_slice %arg8[%mul3A_135, %dma_start3A_166] : memref<80x125xi32, #tpu.memory_space<vmem>> -> memref<1x125xi32, #tpu.memory_space<vmem>>
        %dma_start3A_168 = tpu.memref_squeeze %dma_start3A_167 : memref<1x125xi32, #tpu.memory_space<vmem>> -> memref<125xi32, #tpu.memory_space<vmem>>
        %dma_start3A_169 = arith.constant 0 : i32
        %dma_start3A_170 = arith.constant 0 : i32
        %dma_start3A_171 = tpu.memref_slice %arg14[%dma_start3A_169, %dma_start3A_170] : memref<10240x64xf32, #tpu.memory_space<vmem_shared>> -> memref<10240x64xf32, #tpu.memory_space<vmem_shared>>
        tpu.enqueue_indirect_dma source(%arg9 : memref<125x64xf32, #tpu.memory_space<vmem>>) target(%dma_start3A_171 : memref<10240x64xf32, #tpu.memory_space<vmem_shared>>) offsets(%dma_start3A_168 : memref<125xi32, #tpu.memory_space<vmem>>) semaphore(%run_scoped3A_165 : memref<!tpu.dma_semaphore, #tpu.memory_space<semaphore_mem>>) {add = true}
        %dma_wait3A_172 = arith.constant 0 : i32
        %dma_wait3A_173 = tpu.memref_slice %arg8[%mul3A_135, %dma_wait3A_172] : memref<80x125xi32, #tpu.memory_space<vmem>> -> memref<1x125xi32, #tpu.memory_space<vmem>>
        %dma_wait3A_174 = tpu.memref_squeeze %dma_wait3A_173 : memref<1x125xi32, #tpu.memory_space<vmem>> -> memref<125xi32, #tpu.memory_space<vmem>>
        %dma_wait3A_175 = arith.constant 0 : i32
        %dma_wait3A_176 = arith.constant 0 : i32
        %dma_wait3A_177 = tpu.memref_slice %arg14[%dma_wait3A_175, %dma_wait3A_176] : memref<10240x64xf32, #tpu.memory_space<vmem_shared>> -> memref<10240x64xf32, #tpu.memory_space<vmem_shared>>
        tpu.wait_indirect_dma semaphore(%run_scoped3A_165 : memref<!tpu.dma_semaphore, #tpu.memory_space<semaphore_mem>>) src(%arg9 : memref<125x64xf32, #tpu.memory_space<vmem>>) dst(%dma_wait3A_177 : memref<10240x64xf32, #tpu.memory_space<vmem_shared>>)
        tpu.yield
      }) : () -> ()
      %add3A_150 = arith.constant 2 : i32
      %add3A_151 = arith.addi %mul3A_135, %add3A_150 : i32
      %min3A = arith.constant 78 : i32
      %min3A_152 = arith.minsi %add3A_151, %min3A : i32
      %dma_start3A_153 = arith.constant 0 : i32
      %dma_start3A_154 = tpu.memref_slice %arg7[%min3A_152, %dma_start3A_153] : memref<80x125xi32, #tpu.memory_space<vmem>> -> memref<1x125xi32, #tpu.memory_space<vmem>>
      %dma_start3A_155 = tpu.memref_squeeze %dma_start3A_154 : memref<1x125xi32, #tpu.memory_space<vmem>> -> memref<125xi32, #tpu.memory_space<vmem>>
      %dma_start3A_156 = arith.constant 0 : i32
      %dma_start3A_157 = arith.constant 0 : i32
      %dma_start3A_158 = tpu.memref_slice %arg2[%dma_start3A_156, %dma_start3A_157] : memref<10000x64xf32, #tpu.memory_space<hbm>> -> memref<10000x64xf32, #tpu.memory_space<hbm>>
      tpu.enqueue_indirect_dma source(%dma_start3A_158 : memref<10000x64xf32, #tpu.memory_space<hbm>>) target(%arg9 : memref<125x64xf32, #tpu.memory_space<vmem>>) offsets(%dma_start3A_155 : memref<125xi32, #tpu.memory_space<vmem>>) semaphore(%arg16 : memref<!tpu.dma_semaphore, #tpu.memory_space<semaphore_mem>>)
      %dma_wait3A_159 = arith.constant 0 : i32
      %dma_wait3A_160 = tpu.memref_slice %arg7[%add3A_137, %dma_wait3A_159] : memref<80x125xi32, #tpu.memory_space<vmem>> -> memref<1x125xi32, #tpu.memory_space<vmem>>
      %dma_wait3A_161 = tpu.memref_squeeze %dma_wait3A_160 : memref<1x125xi32, #tpu.memory_space<vmem>> -> memref<125xi32, #tpu.memory_space<vmem>>
      %dma_wait3A_162 = arith.constant 0 : i32
      %dma_wait3A_163 = arith.constant 0 : i32
      %dma_wait3A_164 = tpu.memref_slice %arg2[%dma_wait3A_162, %dma_wait3A_163] : memref<10000x64xf32, #tpu.memory_space<hbm>> -> memref<10000x64xf32, #tpu.memory_space<hbm>>
      tpu.wait_indirect_dma semaphore(%arg17 : memref<!tpu.dma_semaphore, #tpu.memory_space<semaphore_mem>>) src(%dma_wait3A_164 : memref<10000x64xf32, #tpu.memory_space<hbm>>) dst(%arg10 : memref<125x64xf32, #tpu.memory_space<vmem>>)
      "tpu.region"() ({
        %run_scoped3A_165 = tpu.sem_alloc : memref<!tpu.dma_semaphore, #tpu.memory_space<semaphore_mem>>
        %dma_start3A_166 = arith.constant 0 : i32
        %dma_start3A_167 = tpu.memref_slice %arg8[%add3A_137, %dma_start3A_166] : memref<80x125xi32, #tpu.memory_space<vmem>> -> memref<1x125xi32, #tpu.memory_space<vmem>>
        %dma_start3A_168 = tpu.memref_squeeze %dma_start3A_167 : memref<1x125xi32, #tpu.memory_space<vmem>> -> memref<125xi32, #tpu.memory_space<vmem>>
        %dma_start3A_169 = arith.constant 0 : i32
        %dma_start3A_170 = arith.constant 0 : i32
        %dma_start3A_171 = tpu.memref_slice %arg14[%dma_start3A_169, %dma_start3A_170] : memref<10240x64xf32, #tpu.memory_space<vmem_shared>> -> memref<10240x64xf32, #tpu.memory_space<vmem_shared>>
        tpu.enqueue_indirect_dma source(%arg10 : memref<125x64xf32, #tpu.memory_space<vmem>>) target(%dma_start3A_171 : memref<10240x64xf32, #tpu.memory_space<vmem_shared>>) offsets(%dma_start3A_168 : memref<125xi32, #tpu.memory_space<vmem>>) semaphore(%run_scoped3A_165 : memref<!tpu.dma_semaphore, #tpu.memory_space<semaphore_mem>>) {add = true}
        %dma_wait3A_172 = arith.constant 0 : i32
        %dma_wait3A_173 = tpu.memref_slice %arg8[%add3A_137, %dma_wait3A_172] : memref<80x125xi32, #tpu.memory_space<vmem>> -> memref<1x125xi32, #tpu.memory_space<vmem>>
        %dma_wait3A_174 = tpu.memref_squeeze %dma_wait3A_173 : memref<1x125xi32, #tpu.memory_space<vmem>> -> memref<125xi32, #tpu.memory_space<vmem>>
        %dma_wait3A_175 = arith.constant 0 : i32
        %dma_wait3A_176 = arith.constant 0 : i32
        %dma_wait3A_177 = tpu.memref_slice %arg14[%dma_wait3A_175, %dma_wait3A_176] : memref<10240x64xf32, #tpu.memory_space<vmem_shared>> -> memref<10240x64xf32, #tpu.memory_space<vmem_shared>>
        tpu.wait_indirect_dma semaphore(%run_scoped3A_165 : memref<!tpu.dma_semaphore, #tpu.memory_space<semaphore_mem>>) src(%arg10 : memref<125x64xf32, #tpu.memory_space<vmem>>) dst(%dma_wait3A_177 : memref<10240x64xf32, #tpu.memory_space<vmem_shared>>)
        tpu.yield
      }) : () -> ()
    }
    %scan3A_63 = arith.constant 40 : i32
    %dma_wait3A = arith.constant 0 : i32
    %dma_wait3A_64 = arith.constant 0 : i32
    %dma_wait3A_65 = tpu.memref_slice %arg7[%dma_wait3A, %dma_wait3A_64] : memref<80x125xi32, #tpu.memory_space<vmem>> -> memref<1x125xi32, #tpu.memory_space<vmem>>
    %dma_wait3A_66 = tpu.memref_squeeze %dma_wait3A_65 : memref<1x125xi32, #tpu.memory_space<vmem>> -> memref<125xi32, #tpu.memory_space<vmem>>
    %dma_wait3A_67 = arith.constant 0 : i32
    %dma_wait3A_68 = arith.constant 0 : i32
    %dma_wait3A_69 = tpu.memref_slice %arg2[%dma_wait3A_67, %dma_wait3A_68] : memref<10000x64xf32, #tpu.memory_space<hbm>> -> memref<10000x64xf32, #tpu.memory_space<hbm>>
    tpu.wait_indirect_dma semaphore(%arg16 : memref<!tpu.dma_semaphore, #tpu.memory_space<semaphore_mem>>) src(%dma_wait3A_69 : memref<10000x64xf32, #tpu.memory_space<hbm>>) dst(%arg9 : memref<125x64xf32, #tpu.memory_space<vmem>>)
    %barrier3A_70 = arith.constant 0 : index
    tpu.barrier barrier_id(%barrier3A_70)
    "tpu.region"() ({
      %run_scoped3A_133 = tpu.sem_alloc : memref<!tpu.dma_semaphore, #tpu.memory_space<semaphore_mem>>
      %dma_start3A_134 = arith.constant 0 : i32
      %dma_start3A_135 = tpu.memref_slice %arg5[%arg0, %mul3A_2, %dma_start3A_134] : memref<2x10240x64xf32, #tpu.memory_space<hbm>> -> memref<1x640x64xf32, #tpu.memory_space<hbm>>
      %dma_start3A_136 = tpu.memref_squeeze %dma_start3A_135 : memref<1x640x64xf32, #tpu.memory_space<hbm>> -> memref<640x64xf32, #tpu.memory_space<hbm>>
      %dma_start3A_137 = arith.constant 0 : i32
      %dma_start3A_138 = tpu.memref_slice %arg14[%mul3A_2, %dma_start3A_137] : memref<10240x64xf32, #tpu.memory_space<vmem_shared>> -> memref<640x64xf32, #tpu.memory_space<vmem_shared>>
      tpu.enqueue_dma source(%dma_start3A_138 : memref<640x64xf32, #tpu.memory_space<vmem_shared>>) target(%dma_start3A_136 : memref<640x64xf32, #tpu.memory_space<hbm>>) target_semaphore(%run_scoped3A_133 : memref<!tpu.dma_semaphore, #tpu.memory_space<semaphore_mem>>)
      %dma_wait3A_139 = arith.constant 0 : i32
      %dma_wait3A_140 = tpu.memref_slice %arg5[%arg0, %mul3A_2, %dma_wait3A_139] : memref<2x10240x64xf32, #tpu.memory_space<hbm>> -> memref<1x640x64xf32, #tpu.memory_space<hbm>>
      %dma_wait3A_141 = tpu.memref_squeeze %dma_wait3A_140 : memref<1x640x64xf32, #tpu.memory_space<hbm>> -> memref<640x64xf32, #tpu.memory_space<hbm>>
      %dma_wait3A_142 = arith.constant 0 : i32
      %dma_wait3A_143 = tpu.memref_slice %arg14[%mul3A_2, %dma_wait3A_142] : memref<10240x64xf32, #tpu.memory_space<vmem_shared>> -> memref<640x64xf32, #tpu.memory_space<vmem_shared>>
      tpu.wait_dma2 semaphore(%run_scoped3A_133 : memref<!tpu.dma_semaphore, #tpu.memory_space<semaphore_mem>>) src(%dma_wait3A_143 : memref<640x64xf32, #tpu.memory_space<vmem_shared>>) dst(%dma_wait3A_141 : memref<640x64xf32, #tpu.memory_space<hbm>>)
      tpu.yield
    }) : () -> ()
    %add3A_71 = arith.constant 0 : i32
    %add3A_72 = arith.addi %mul3A_2, %add3A_71 : i32
    "tpu.region"() ({
      %run_scoped3A_133 = tpu.sem_alloc : memref<!tpu.dma_semaphore, #tpu.memory_space<semaphore_mem>>
      %dma_start3A_134 = arith.constant 0 : i32
      %dma_start3A_135 = tpu.memref_slice %arg14[%add3A_72, %dma_start3A_134] : memref<10240x64xf32, #tpu.memory_space<vmem_shared>> -> memref<32x64xf32, #tpu.memory_space<vmem_shared>>
      %dma_start3A_136 = arith.constant 0 : i32
      %dma_start3A_137 = tpu.memref_slice %arg14[%add3A_72, %dma_start3A_136] : memref<10240x64xf32, #tpu.memory_space<vmem_shared>> -> memref<32x64xf32, #tpu.memory_space<vmem_shared>>
      tpu.enqueue_dma source(%arg11 : memref<32x64xf32, #tpu.memory_space<vmem>>) target(%dma_start3A_137 : memref<32x64xf32, #tpu.memory_space<vmem_shared>>) target_semaphore(%run_scoped3A_133 : memref<!tpu.dma_semaphore, #tpu.memory_space<semaphore_mem>>)
      %dma_wait3A_138 = arith.constant 0 : i32
      %dma_wait3A_139 = tpu.memref_slice %arg14[%add3A_72, %dma_wait3A_138] : memref<10240x64xf32, #tpu.memory_space<vmem_shared>> -> memref<32x64xf32, #tpu.memory_space<vmem_shared>>
      %dma_wait3A_140 = arith.constant 0 : i32
      %dma_wait3A_141 = tpu.memref_slice %arg14[%add3A_72, %dma_wait3A_140] : memref<10240x64xf32, #tpu.memory_space<vmem_shared>> -> memref<32x64xf32, #tpu.memory_space<vmem_shared>>
      tpu.wait_dma2 semaphore(%run_scoped3A_133 : memref<!tpu.dma_semaphore, #tpu.memory_space<semaphore_mem>>) src(%arg11 : memref<32x64xf32, #tpu.memory_space<vmem>>) dst(%dma_wait3A_141 : memref<32x64xf32, #tpu.memory_space<vmem_shared>>)
      tpu.yield
    }) : () -> ()
    %add3A_73 = arith.constant 32 : i32
    %add3A_74 = arith.addi %mul3A_2, %add3A_73 : i32
    "tpu.region"() ({
      %run_scoped3A_133 = tpu.sem_alloc : memref<!tpu.dma_semaphore, #tpu.memory_space<semaphore_mem>>
      %dma_start3A_134 = arith.constant 0 : i32
      %dma_start3A_135 = tpu.memref_slice %arg14[%add3A_74, %dma_start3A_134] : memref<10240x64xf32, #tpu.memory_space<vmem_shared>> -> memref<32x64xf32, #tpu.memory_space<vmem_shared>>
      %dma_start3A_136 = arith.constant 0 : i32
      %dma_start3A_137 = tpu.memref_slice %arg14[%add3A_74, %dma_start3A_136] : memref<10240x64xf32, #tpu.memory_space<vmem_shared>> -> memref<32x64xf32, #tpu.memory_space<vmem_shared>>
      tpu.enqueue_dma source(%arg11 : memref<32x64xf32, #tpu.memory_space<vmem>>) target(%dma_start3A_137 : memref<32x64xf32, #tpu.memory_space<vmem_shared>>) target_semaphore(%run_scoped3A_133 : memref<!tpu.dma_semaphore, #tpu.memory_space<semaphore_mem>>)
      %dma_wait3A_138 = arith.constant 0 : i32
      %dma_wait3A_139 = tpu.memref_slice %arg14[%add3A_74, %dma_wait3A_138] : memref<10240x64xf32, #tpu.memory_space<vmem_shared>> -> memref<32x64xf32, #tpu.memory_space<vmem_shared>>
      %dma_wait3A_140 = arith.constant 0 : i32
      %dma_wait3A_141 = tpu.memref_slice %arg14[%add3A_74, %dma_wait3A_140] : memref<10240x64xf32, #tpu.memory_space<vmem_shared>> -> memref<32x64xf32, #tpu.memory_space<vmem_shared>>
      tpu.wait_dma2 semaphore(%run_scoped3A_133 : memref<!tpu.dma_semaphore, #tpu.memory_space<semaphore_mem>>) src(%arg11 : memref<32x64xf32, #tpu.memory_space<vmem>>) dst(%dma_wait3A_141 : memref<32x64xf32, #tpu.memory_space<vmem_shared>>)
      tpu.yield
    }) : () -> ()
    %add3A_75 = arith.constant 64 : i32
    %add3A_76 = arith.addi %mul3A_2, %add3A_75 : i32
    "tpu.region"() ({
      %run_scoped3A_133 = tpu.sem_alloc : memref<!tpu.dma_semaphore, #tpu.memory_space<semaphore_mem>>
      %dma_start3A_134 = arith.constant 0 : i32
      %dma_start3A_135 = tpu.memref_slice %arg14[%add3A_76, %dma_start3A_134] : memref<10240x64xf32, #tpu.memory_space<vmem_shared>> -> memref<32x64xf32, #tpu.memory_space<vmem_shared>>
      %dma_start3A_136 = arith.constant 0 : i32
      %dma_start3A_137 = tpu.memref_slice %arg14[%add3A_76, %dma_start3A_136] : memref<10240x64xf32, #tpu.memory_space<vmem_shared>> -> memref<32x64xf32, #tpu.memory_space<vmem_shared>>
      tpu.enqueue_dma source(%arg11 : memref<32x64xf32, #tpu.memory_space<vmem>>) target(%dma_start3A_137 : memref<32x64xf32, #tpu.memory_space<vmem_shared>>) target_semaphore(%run_scoped3A_133 : memref<!tpu.dma_semaphore, #tpu.memory_space<semaphore_mem>>)
      %dma_wait3A_138 = arith.constant 0 : i32
      %dma_wait3A_139 = tpu.memref_slice %arg14[%add3A_76, %dma_wait3A_138] : memref<10240x64xf32, #tpu.memory_space<vmem_shared>> -> memref<32x64xf32, #tpu.memory_space<vmem_shared>>
      %dma_wait3A_140 = arith.constant 0 : i32
      %dma_wait3A_141 = tpu.memref_slice %arg14[%add3A_76, %dma_wait3A_140] : memref<10240x64xf32, #tpu.memory_space<vmem_shared>> -> memref<32x64xf32, #tpu.memory_space<vmem_shared>>
      tpu.wait_dma2 semaphore(%run_scoped3A_133 : memref<!tpu.dma_semaphore, #tpu.memory_space<semaphore_mem>>) src(%arg11 : memref<32x64xf32, #tpu.memory_space<vmem>>) dst(%dma_wait3A_141 : memref<32x64xf32, #tpu.memory_space<vmem_shared>>)
      tpu.yield
    }) : () -> ()
    %add3A_77 = arith.constant 96 : i32
    %add3A_78 = arith.addi %mul3A_2, %add3A_77 : i32
    "tpu.region"() ({
      %run_scoped3A_133 = tpu.sem_alloc : memref<!tpu.dma_semaphore, #tpu.memory_space<semaphore_mem>>
      %dma_start3A_134 = arith.constant 0 : i32
      %dma_start3A_135 = tpu.memref_slice %arg14[%add3A_78, %dma_start3A_134] : memref<10240x64xf32, #tpu.memory_space<vmem_shared>> -> memref<32x64xf32, #tpu.memory_space<vmem_shared>>
      %dma_start3A_136 = arith.constant 0 : i32
      %dma_start3A_137 = tpu.memref_slice %arg14[%add3A_78, %dma_start3A_136] : memref<10240x64xf32, #tpu.memory_space<vmem_shared>> -> memref<32x64xf32, #tpu.memory_space<vmem_shared>>
      tpu.enqueue_dma source(%arg11 : memref<32x64xf32, #tpu.memory_space<vmem>>) target(%dma_start3A_137 : memref<32x64xf32, #tpu.memory_space<vmem_shared>>) target_semaphore(%run_scoped3A_133 : memref<!tpu.dma_semaphore, #tpu.memory_space<semaphore_mem>>)
      %dma_wait3A_138 = arith.constant 0 : i32
      %dma_wait3A_139 = tpu.memref_slice %arg14[%add3A_78, %dma_wait3A_138] : memref<10240x64xf32, #tpu.memory_space<vmem_shared>> -> memref<32x64xf32, #tpu.memory_space<vmem_shared>>
      %dma_wait3A_140 = arith.constant 0 : i32
      %dma_wait3A_141 = tpu.memref_slice %arg14[%add3A_78, %dma_wait3A_140] : memref<10240x64xf32, #tpu.memory_space<vmem_shared>> -> memref<32x64xf32, #tpu.memory_space<vmem_shared>>
      tpu.wait_dma2 semaphore(%run_scoped3A_133 : memref<!tpu.dma_semaphore, #tpu.memory_space<semaphore_mem>>) src(%arg11 : memref<32x64xf32, #tpu.memory_space<vmem>>) dst(%dma_wait3A_141 : memref<32x64xf32, #tpu.memory_space<vmem_shared>>)
      tpu.yield
    }) : () -> ()
    %add3A_79 = arith.constant 128 : i32
    %add3A_80 = arith.addi %mul3A_2, %add3A_79 : i32
    "tpu.region"() ({
      %run_scoped3A_133 = tpu.sem_alloc : memref<!tpu.dma_semaphore, #tpu.memory_space<semaphore_mem>>
      %dma_start3A_134 = arith.constant 0 : i32
      %dma_start3A_135 = tpu.memref_slice %arg14[%add3A_80, %dma_start3A_134] : memref<10240x64xf32, #tpu.memory_space<vmem_shared>> -> memref<32x64xf32, #tpu.memory_space<vmem_shared>>
      %dma_start3A_136 = arith.constant 0 : i32
      %dma_start3A_137 = tpu.memref_slice %arg14[%add3A_80, %dma_start3A_136] : memref<10240x64xf32, #tpu.memory_space<vmem_shared>> -> memref<32x64xf32, #tpu.memory_space<vmem_shared>>
      tpu.enqueue_dma source(%arg11 : memref<32x64xf32, #tpu.memory_space<vmem>>) target(%dma_start3A_137 : memref<32x64xf32, #tpu.memory_space<vmem_shared>>) target_semaphore(%run_scoped3A_133 : memref<!tpu.dma_semaphore, #tpu.memory_space<semaphore_mem>>)
      %dma_wait3A_138 = arith.constant 0 : i32
      %dma_wait3A_139 = tpu.memref_slice %arg14[%add3A_80, %dma_wait3A_138] : memref<10240x64xf32, #tpu.memory_space<vmem_shared>> -> memref<32x64xf32, #tpu.memory_space<vmem_shared>>
      %dma_wait3A_140 = arith.constant 0 : i32
      %dma_wait3A_141 = tpu.memref_slice %arg14[%add3A_80, %dma_wait3A_140] : memref<10240x64xf32, #tpu.memory_space<vmem_shared>> -> memref<32x64xf32, #tpu.memory_space<vmem_shared>>
      tpu.wait_dma2 semaphore(%run_scoped3A_133 : memref<!tpu.dma_semaphore, #tpu.memory_space<semaphore_mem>>) src(%arg11 : memref<32x64xf32, #tpu.memory_space<vmem>>) dst(%dma_wait3A_141 : memref<32x64xf32, #tpu.memory_space<vmem_shared>>)
      tpu.yield
    }) : () -> ()
    %add3A_81 = arith.constant 160 : i32
    %add3A_82 = arith.addi %mul3A_2, %add3A_81 : i32
    "tpu.region"() ({
      %run_scoped3A_133 = tpu.sem_alloc : memref<!tpu.dma_semaphore, #tpu.memory_space<semaphore_mem>>
      %dma_start3A_134 = arith.constant 0 : i32
      %dma_start3A_135 = tpu.memref_slice %arg14[%add3A_82, %dma_start3A_134] : memref<10240x64xf32, #tpu.memory_space<vmem_shared>> -> memref<32x64xf32, #tpu.memory_space<vmem_shared>>
      %dma_start3A_136 = arith.constant 0 : i32
      %dma_start3A_137 = tpu.memref_slice %arg14[%add3A_82, %dma_start3A_136] : memref<10240x64xf32, #tpu.memory_space<vmem_shared>> -> memref<32x64xf32, #tpu.memory_space<vmem_shared>>
      tpu.enqueue_dma source(%arg11 : memref<32x64xf32, #tpu.memory_space<vmem>>) target(%dma_start3A_137 : memref<32x64xf32, #tpu.memory_space<vmem_shared>>) target_semaphore(%run_scoped3A_133 : memref<!tpu.dma_semaphore, #tpu.memory_space<semaphore_mem>>)
      %dma_wait3A_138 = arith.constant 0 : i32
      %dma_wait3A_139 = tpu.memref_slice %arg14[%add3A_82, %dma_wait3A_138] : memref<10240x64xf32, #tpu.memory_space<vmem_shared>> -> memref<32x64xf32, #tpu.memory_space<vmem_shared>>
      %dma_wait3A_140 = arith.constant 0 : i32
      %dma_wait3A_141 = tpu.memref_slice %arg14[%add3A_82, %dma_wait3A_140] : memref<10240x64xf32, #tpu.memory_space<vmem_shared>> -> memref<32x64xf32, #tpu.memory_space<vmem_shared>>
      tpu.wait_dma2 semaphore(%run_scoped3A_133 : memref<!tpu.dma_semaphore, #tpu.memory_space<semaphore_mem>>) src(%arg11 : memref<32x64xf32, #tpu.memory_space<vmem>>) dst(%dma_wait3A_141 : memref<32x64xf32, #tpu.memory_space<vmem_shared>>)
      tpu.yield
    }) : () -> ()
    %add3A_83 = arith.constant 192 : i32
    %add3A_84 = arith.addi %mul3A_2, %add3A_83 : i32
    "tpu.region"() ({
      %run_scoped3A_133 = tpu.sem_alloc : memref<!tpu.dma_semaphore, #tpu.memory_space<semaphore_mem>>
      %dma_start3A_134 = arith.constant 0 : i32
      %dma_start3A_135 = tpu.memref_slice %arg14[%add3A_84, %dma_start3A_134] : memref<10240x64xf32, #tpu.memory_space<vmem_shared>> -> memref<32x64xf32, #tpu.memory_space<vmem_shared>>
      %dma_start3A_136 = arith.constant 0 : i32
      %dma_start3A_137 = tpu.memref_slice %arg14[%add3A_84, %dma_start3A_136] : memref<10240x64xf32, #tpu.memory_space<vmem_shared>> -> memref<32x64xf32, #tpu.memory_space<vmem_shared>>
      tpu.enqueue_dma source(%arg11 : memref<32x64xf32, #tpu.memory_space<vmem>>) target(%dma_start3A_137 : memref<32x64xf32, #tpu.memory_space<vmem_shared>>) target_semaphore(%run_scoped3A_133 : memref<!tpu.dma_semaphore, #tpu.memory_space<semaphore_mem>>)
      %dma_wait3A_138 = arith.constant 0 : i32
      %dma_wait3A_139 = tpu.memref_slice %arg14[%add3A_84, %dma_wait3A_138] : memref<10240x64xf32, #tpu.memory_space<vmem_shared>> -> memref<32x64xf32, #tpu.memory_space<vmem_shared>>
      %dma_wait3A_140 = arith.constant 0 : i32
      %dma_wait3A_141 = tpu.memref_slice %arg14[%add3A_84, %dma_wait3A_140] : memref<10240x64xf32, #tpu.memory_space<vmem_shared>> -> memref<32x64xf32, #tpu.memory_space<vmem_shared>>
      tpu.wait_dma2 semaphore(%run_scoped3A_133 : memref<!tpu.dma_semaphore, #tpu.memory_space<semaphore_mem>>) src(%arg11 : memref<32x64xf32, #tpu.memory_space<vmem>>) dst(%dma_wait3A_141 : memref<32x64xf32, #tpu.memory_space<vmem_shared>>)
      tpu.yield
    }) : () -> ()
    %add3A_85 = arith.constant 224 : i32
    %add3A_86 = arith.addi %mul3A_2, %add3A_85 : i32
    "tpu.region"() ({
      %run_scoped3A_133 = tpu.sem_alloc : memref<!tpu.dma_semaphore, #tpu.memory_space<semaphore_mem>>
      %dma_start3A_134 = arith.constant 0 : i32
      %dma_start3A_135 = tpu.memref_slice %arg14[%add3A_86, %dma_start3A_134] : memref<10240x64xf32, #tpu.memory_space<vmem_shared>> -> memref<32x64xf32, #tpu.memory_space<vmem_shared>>
      %dma_start3A_136 = arith.constant 0 : i32
      %dma_start3A_137 = tpu.memref_slice %arg14[%add3A_86, %dma_start3A_136] : memref<10240x64xf32, #tpu.memory_space<vmem_shared>> -> memref<32x64xf32, #tpu.memory_space<vmem_shared>>
      tpu.enqueue_dma source(%arg11 : memref<32x64xf32, #tpu.memory_space<vmem>>) target(%dma_start3A_137 : memref<32x64xf32, #tpu.memory_space<vmem_shared>>) target_semaphore(%run_scoped3A_133 : memref<!tpu.dma_semaphore, #tpu.memory_space<semaphore_mem>>)
      %dma_wait3A_138 = arith.constant 0 : i32
      %dma_wait3A_139 = tpu.memref_slice %arg14[%add3A_86, %dma_wait3A_138] : memref<10240x64xf32, #tpu.memory_space<vmem_shared>> -> memref<32x64xf32, #tpu.memory_space<vmem_shared>>
      %dma_wait3A_140 = arith.constant 0 : i32
      %dma_wait3A_141 = tpu.memref_slice %arg14[%add3A_86, %dma_wait3A_140] : memref<10240x64xf32, #tpu.memory_space<vmem_shared>> -> memref<32x64xf32, #tpu.memory_space<vmem_shared>>
      tpu.wait_dma2 semaphore(%run_scoped3A_133 : memref<!tpu.dma_semaphore, #tpu.memory_space<semaphore_mem>>) src(%arg11 : memref<32x64xf32, #tpu.memory_space<vmem>>) dst(%dma_wait3A_141 : memref<32x64xf32, #tpu.memory_space<vmem_shared>>)
      tpu.yield
    }) : () -> ()
    %add3A_87 = arith.constant 256 : i32
    %add3A_88 = arith.addi %mul3A_2, %add3A_87 : i32
    "tpu.region"() ({
      %run_scoped3A_133 = tpu.sem_alloc : memref<!tpu.dma_semaphore, #tpu.memory_space<semaphore_mem>>
      %dma_start3A_134 = arith.constant 0 : i32
      %dma_start3A_135 = tpu.memref_slice %arg14[%add3A_88, %dma_start3A_134] : memref<10240x64xf32, #tpu.memory_space<vmem_shared>> -> memref<32x64xf32, #tpu.memory_space<vmem_shared>>
      %dma_start3A_136 = arith.constant 0 : i32
      %dma_start3A_137 = tpu.memref_slice %arg14[%add3A_88, %dma_start3A_136] : memref<10240x64xf32, #tpu.memory_space<vmem_shared>> -> memref<32x64xf32, #tpu.memory_space<vmem_shared>>
      tpu.enqueue_dma source(%arg11 : memref<32x64xf32, #tpu.memory_space<vmem>>) target(%dma_start3A_137 : memref<32x64xf32, #tpu.memory_space<vmem_shared>>) target_semaphore(%run_scoped3A_133 : memref<!tpu.dma_semaphore, #tpu.memory_space<semaphore_mem>>)
      %dma_wait3A_138 = arith.constant 0 : i32
      %dma_wait3A_139 = tpu.memref_slice %arg14[%add3A_88, %dma_wait3A_138] : memref<10240x64xf32, #tpu.memory_space<vmem_shared>> -> memref<32x64xf32, #tpu.memory_space<vmem_shared>>
      %dma_wait3A_140 = arith.constant 0 : i32
      %dma_wait3A_141 = tpu.memref_slice %arg14[%add3A_88, %dma_wait3A_140] : memref<10240x64xf32, #tpu.memory_space<vmem_shared>> -> memref<32x64xf32, #tpu.memory_space<vmem_shared>>
      tpu.wait_dma2 semaphore(%run_scoped3A_133 : memref<!tpu.dma_semaphore, #tpu.memory_space<semaphore_mem>>) src(%arg11 : memref<32x64xf32, #tpu.memory_space<vmem>>) dst(%dma_wait3A_141 : memref<32x64xf32, #tpu.memory_space<vmem_shared>>)
      tpu.yield
    }) : () -> ()
    %add3A_89 = arith.constant 288 : i32
    %add3A_90 = arith.addi %mul3A_2, %add3A_89 : i32
    "tpu.region"() ({
      %run_scoped3A_133 = tpu.sem_alloc : memref<!tpu.dma_semaphore, #tpu.memory_space<semaphore_mem>>
      %dma_start3A_134 = arith.constant 0 : i32
      %dma_start3A_135 = tpu.memref_slice %arg14[%add3A_90, %dma_start3A_134] : memref<10240x64xf32, #tpu.memory_space<vmem_shared>> -> memref<32x64xf32, #tpu.memory_space<vmem_shared>>
      %dma_start3A_136 = arith.constant 0 : i32
      %dma_start3A_137 = tpu.memref_slice %arg14[%add3A_90, %dma_start3A_136] : memref<10240x64xf32, #tpu.memory_space<vmem_shared>> -> memref<32x64xf32, #tpu.memory_space<vmem_shared>>
      tpu.enqueue_dma source(%arg11 : memref<32x64xf32, #tpu.memory_space<vmem>>) target(%dma_start3A_137 : memref<32x64xf32, #tpu.memory_space<vmem_shared>>) target_semaphore(%run_scoped3A_133 : memref<!tpu.dma_semaphore, #tpu.memory_space<semaphore_mem>>)
      %dma_wait3A_138 = arith.constant 0 : i32
      %dma_wait3A_139 = tpu.memref_slice %arg14[%add3A_90, %dma_wait3A_138] : memref<10240x64xf32, #tpu.memory_space<vmem_shared>> -> memref<32x64xf32, #tpu.memory_space<vmem_shared>>
      %dma_wait3A_140 = arith.constant 0 : i32
      %dma_wait3A_141 = tpu.memref_slice %arg14[%add3A_90, %dma_wait3A_140] : memref<10240x64xf32, #tpu.memory_space<vmem_shared>> -> memref<32x64xf32, #tpu.memory_space<vmem_shared>>
      tpu.wait_dma2 semaphore(%run_scoped3A_133 : memref<!tpu.dma_semaphore, #tpu.memory_space<semaphore_mem>>) src(%arg11 : memref<32x64xf32, #tpu.memory_space<vmem>>) dst(%dma_wait3A_141 : memref<32x64xf32, #tpu.memory_space<vmem_shared>>)
      tpu.yield
    }) : () -> ()
    %add3A_91 = arith.constant 320 : i32
    %add3A_92 = arith.addi %mul3A_2, %add3A_91 : i32
    "tpu.region"() ({
      %run_scoped3A_133 = tpu.sem_alloc : memref<!tpu.dma_semaphore, #tpu.memory_space<semaphore_mem>>
      %dma_start3A_134 = arith.constant 0 : i32
      %dma_start3A_135 = tpu.memref_slice %arg14[%add3A_92, %dma_start3A_134] : memref<10240x64xf32, #tpu.memory_space<vmem_shared>> -> memref<32x64xf32, #tpu.memory_space<vmem_shared>>
      %dma_start3A_136 = arith.constant 0 : i32
      %dma_start3A_137 = tpu.memref_slice %arg14[%add3A_92, %dma_start3A_136] : memref<10240x64xf32, #tpu.memory_space<vmem_shared>> -> memref<32x64xf32, #tpu.memory_space<vmem_shared>>
      tpu.enqueue_dma source(%arg11 : memref<32x64xf32, #tpu.memory_space<vmem>>) target(%dma_start3A_137 : memref<32x64xf32, #tpu.memory_space<vmem_shared>>) target_semaphore(%run_scoped3A_133 : memref<!tpu.dma_semaphore, #tpu.memory_space<semaphore_mem>>)
      %dma_wait3A_138 = arith.constant 0 : i32
      %dma_wait3A_139 = tpu.memref_slice %arg14[%add3A_92, %dma_wait3A_138] : memref<10240x64xf32, #tpu.memory_space<vmem_shared>> -> memref<32x64xf32, #tpu.memory_space<vmem_shared>>
      %dma_wait3A_140 = arith.constant 0 : i32
      %dma_wait3A_141 = tpu.memref_slice %arg14[%add3A_92, %dma_wait3A_140] : memref<10240x64xf32, #tpu.memory_space<vmem_shared>> -> memref<32x64xf32, #tpu.memory_space<vmem_shared>>
      tpu.wait_dma2 semaphore(%run_scoped3A_133 : memref<!tpu.dma_semaphore, #tpu.memory_space<semaphore_mem>>) src(%arg11 : memref<32x64xf32, #tpu.memory_space<vmem>>) dst(%dma_wait3A_141 : memref<32x64xf32, #tpu.memory_space<vmem_shared>>)
      tpu.yield
    }) : () -> ()
    %add3A_93 = arith.constant 352 : i32
    %add3A_94 = arith.addi %mul3A_2, %add3A_93 : i32
    "tpu.region"() ({
      %run_scoped3A_133 = tpu.sem_alloc : memref<!tpu.dma_semaphore, #tpu.memory_space<semaphore_mem>>
      %dma_start3A_134 = arith.constant 0 : i32
      %dma_start3A_135 = tpu.memref_slice %arg14[%add3A_94, %dma_start3A_134] : memref<10240x64xf32, #tpu.memory_space<vmem_shared>> -> memref<32x64xf32, #tpu.memory_space<vmem_shared>>
      %dma_start3A_136 = arith.constant 0 : i32
      %dma_start3A_137 = tpu.memref_slice %arg14[%add3A_94, %dma_start3A_136] : memref<10240x64xf32, #tpu.memory_space<vmem_shared>> -> memref<32x64xf32, #tpu.memory_space<vmem_shared>>
      tpu.enqueue_dma source(%arg11 : memref<32x64xf32, #tpu.memory_space<vmem>>) target(%dma_start3A_137 : memref<32x64xf32, #tpu.memory_space<vmem_shared>>) target_semaphore(%run_scoped3A_133 : memref<!tpu.dma_semaphore, #tpu.memory_space<semaphore_mem>>)
      %dma_wait3A_138 = arith.constant 0 : i32
      %dma_wait3A_139 = tpu.memref_slice %arg14[%add3A_94, %dma_wait3A_138] : memref<10240x64xf32, #tpu.memory_space<vmem_shared>> -> memref<32x64xf32, #tpu.memory_space<vmem_shared>>
      %dma_wait3A_140 = arith.constant 0 : i32
      %dma_wait3A_141 = tpu.memref_slice %arg14[%add3A_94, %dma_wait3A_140] : memref<10240x64xf32, #tpu.memory_space<vmem_shared>> -> memref<32x64xf32, #tpu.memory_space<vmem_shared>>
      tpu.wait_dma2 semaphore(%run_scoped3A_133 : memref<!tpu.dma_semaphore, #tpu.memory_space<semaphore_mem>>) src(%arg11 : memref<32x64xf32, #tpu.memory_space<vmem>>) dst(%dma_wait3A_141 : memref<32x64xf32, #tpu.memory_space<vmem_shared>>)
      tpu.yield
    }) : () -> ()
    %add3A_95 = arith.constant 384 : i32
    %add3A_96 = arith.addi %mul3A_2, %add3A_95 : i32
    "tpu.region"() ({
      %run_scoped3A_133 = tpu.sem_alloc : memref<!tpu.dma_semaphore, #tpu.memory_space<semaphore_mem>>
      %dma_start3A_134 = arith.constant 0 : i32
      %dma_start3A_135 = tpu.memref_slice %arg14[%add3A_96, %dma_start3A_134] : memref<10240x64xf32, #tpu.memory_space<vmem_shared>> -> memref<32x64xf32, #tpu.memory_space<vmem_shared>>
      %dma_start3A_136 = arith.constant 0 : i32
      %dma_start3A_137 = tpu.memref_slice %arg14[%add3A_96, %dma_start3A_136] : memref<10240x64xf32, #tpu.memory_space<vmem_shared>> -> memref<32x64xf32, #tpu.memory_space<vmem_shared>>
      tpu.enqueue_dma source(%arg11 : memref<32x64xf32, #tpu.memory_space<vmem>>) target(%dma_start3A_137 : memref<32x64xf32, #tpu.memory_space<vmem_shared>>) target_semaphore(%run_scoped3A_133 : memref<!tpu.dma_semaphore, #tpu.memory_space<semaphore_mem>>)
      %dma_wait3A_138 = arith.constant 0 : i32
      %dma_wait3A_139 = tpu.memref_slice %arg14[%add3A_96, %dma_wait3A_138] : memref<10240x64xf32, #tpu.memory_space<vmem_shared>> -> memref<32x64xf32, #tpu.memory_space<vmem_shared>>
      %dma_wait3A_140 = arith.constant 0 : i32
      %dma_wait3A_141 = tpu.memref_slice %arg14[%add3A_96, %dma_wait3A_140] : memref<10240x64xf32, #tpu.memory_space<vmem_shared>> -> memref<32x64xf32, #tpu.memory_space<vmem_shared>>
      tpu.wait_dma2 semaphore(%run_scoped3A_133 : memref<!tpu.dma_semaphore, #tpu.memory_space<semaphore_mem>>) src(%arg11 : memref<32x64xf32, #tpu.memory_space<vmem>>) dst(%dma_wait3A_141 : memref<32x64xf32, #tpu.memory_space<vmem_shared>>)
      tpu.yield
    }) : () -> ()
    %add3A_97 = arith.constant 416 : i32
    %add3A_98 = arith.addi %mul3A_2, %add3A_97 : i32
    "tpu.region"() ({
      %run_scoped3A_133 = tpu.sem_alloc : memref<!tpu.dma_semaphore, #tpu.memory_space<semaphore_mem>>
      %dma_start3A_134 = arith.constant 0 : i32
      %dma_start3A_135 = tpu.memref_slice %arg14[%add3A_98, %dma_start3A_134] : memref<10240x64xf32, #tpu.memory_space<vmem_shared>> -> memref<32x64xf32, #tpu.memory_space<vmem_shared>>
      %dma_start3A_136 = arith.constant 0 : i32
      %dma_start3A_137 = tpu.memref_slice %arg14[%add3A_98, %dma_start3A_136] : memref<10240x64xf32, #tpu.memory_space<vmem_shared>> -> memref<32x64xf32, #tpu.memory_space<vmem_shared>>
      tpu.enqueue_dma source(%arg11 : memref<32x64xf32, #tpu.memory_space<vmem>>) target(%dma_start3A_137 : memref<32x64xf32, #tpu.memory_space<vmem_shared>>) target_semaphore(%run_scoped3A_133 : memref<!tpu.dma_semaphore, #tpu.memory_space<semaphore_mem>>)
      %dma_wait3A_138 = arith.constant 0 : i32
      %dma_wait3A_139 = tpu.memref_slice %arg14[%add3A_98, %dma_wait3A_138] : memref<10240x64xf32, #tpu.memory_space<vmem_shared>> -> memref<32x64xf32, #tpu.memory_space<vmem_shared>>
      %dma_wait3A_140 = arith.constant 0 : i32
      %dma_wait3A_141 = tpu.memref_slice %arg14[%add3A_98, %dma_wait3A_140] : memref<10240x64xf32, #tpu.memory_space<vmem_shared>> -> memref<32x64xf32, #tpu.memory_space<vmem_shared>>
      tpu.wait_dma2 semaphore(%run_scoped3A_133 : memref<!tpu.dma_semaphore, #tpu.memory_space<semaphore_mem>>) src(%arg11 : memref<32x64xf32, #tpu.memory_space<vmem>>) dst(%dma_wait3A_141 : memref<32x64xf32, #tpu.memory_space<vmem_shared>>)
      tpu.yield
    }) : () -> ()
    %add3A_99 = arith.constant 448 : i32
    %add3A_100 = arith.addi %mul3A_2, %add3A_99 : i32
    "tpu.region"() ({
      %run_scoped3A_133 = tpu.sem_alloc : memref<!tpu.dma_semaphore, #tpu.memory_space<semaphore_mem>>
      %dma_start3A_134 = arith.constant 0 : i32
      %dma_start3A_135 = tpu.memref_slice %arg14[%add3A_100, %dma_start3A_134] : memref<10240x64xf32, #tpu.memory_space<vmem_shared>> -> memref<32x64xf32, #tpu.memory_space<vmem_shared>>
      %dma_start3A_136 = arith.constant 0 : i32
      %dma_start3A_137 = tpu.memref_slice %arg14[%add3A_100, %dma_start3A_136] : memref<10240x64xf32, #tpu.memory_space<vmem_shared>> -> memref<32x64xf32, #tpu.memory_space<vmem_shared>>
      tpu.enqueue_dma source(%arg11 : memref<32x64xf32, #tpu.memory_space<vmem>>) target(%dma_start3A_137 : memref<32x64xf32, #tpu.memory_space<vmem_shared>>) target_semaphore(%run_scoped3A_133 : memref<!tpu.dma_semaphore, #tpu.memory_space<semaphore_mem>>)
      %dma_wait3A_138 = arith.constant 0 : i32
      %dma_wait3A_139 = tpu.memref_slice %arg14[%add3A_100, %dma_wait3A_138] : memref<10240x64xf32, #tpu.memory_space<vmem_shared>> -> memref<32x64xf32, #tpu.memory_space<vmem_shared>>
      %dma_wait3A_140 = arith.constant 0 : i32
      %dma_wait3A_141 = tpu.memref_slice %arg14[%add3A_100, %dma_wait3A_140] : memref<10240x64xf32, #tpu.memory_space<vmem_shared>> -> memref<32x64xf32, #tpu.memory_space<vmem_shared>>
      tpu.wait_dma2 semaphore(%run_scoped3A_133 : memref<!tpu.dma_semaphore, #tpu.memory_space<semaphore_mem>>) src(%arg11 : memref<32x64xf32, #tpu.memory_space<vmem>>) dst(%dma_wait3A_141 : memref<32x64xf32, #tpu.memory_space<vmem_shared>>)
      tpu.yield
    }) : () -> ()
    %add3A_101 = arith.constant 480 : i32
    %add3A_102 = arith.addi %mul3A_2, %add3A_101 : i32
    "tpu.region"() ({
      %run_scoped3A_133 = tpu.sem_alloc : memref<!tpu.dma_semaphore, #tpu.memory_space<semaphore_mem>>
      %dma_start3A_134 = arith.constant 0 : i32
      %dma_start3A_135 = tpu.memref_slice %arg14[%add3A_102, %dma_start3A_134] : memref<10240x64xf32, #tpu.memory_space<vmem_shared>> -> memref<32x64xf32, #tpu.memory_space<vmem_shared>>
      %dma_start3A_136 = arith.constant 0 : i32
      %dma_start3A_137 = tpu.memref_slice %arg14[%add3A_102, %dma_start3A_136] : memref<10240x64xf32, #tpu.memory_space<vmem_shared>> -> memref<32x64xf32, #tpu.memory_space<vmem_shared>>
      tpu.enqueue_dma source(%arg11 : memref<32x64xf32, #tpu.memory_space<vmem>>) target(%dma_start3A_137 : memref<32x64xf32, #tpu.memory_space<vmem_shared>>) target_semaphore(%run_scoped3A_133 : memref<!tpu.dma_semaphore, #tpu.memory_space<semaphore_mem>>)
      %dma_wait3A_138 = arith.constant 0 : i32
      %dma_wait3A_139 = tpu.memref_slice %arg14[%add3A_102, %dma_wait3A_138] : memref<10240x64xf32, #tpu.memory_space<vmem_shared>> -> memref<32x64xf32, #tpu.memory_space<vmem_shared>>
      %dma_wait3A_140 = arith.constant 0 : i32
      %dma_wait3A_141 = tpu.memref_slice %arg14[%add3A_102, %dma_wait3A_140] : memref<10240x64xf32, #tpu.memory_space<vmem_shared>> -> memref<32x64xf32, #tpu.memory_space<vmem_shared>>
      tpu.wait_dma2 semaphore(%run_scoped3A_133 : memref<!tpu.dma_semaphore, #tpu.memory_space<semaphore_mem>>) src(%arg11 : memref<32x64xf32, #tpu.memory_space<vmem>>) dst(%dma_wait3A_141 : memref<32x64xf32, #tpu.memory_space<vmem_shared>>)
      tpu.yield
    }) : () -> ()
    %add3A_103 = arith.constant 512 : i32
    %add3A_104 = arith.addi %mul3A_2, %add3A_103 : i32
    "tpu.region"() ({
      %run_scoped3A_133 = tpu.sem_alloc : memref<!tpu.dma_semaphore, #tpu.memory_space<semaphore_mem>>
      %dma_start3A_134 = arith.constant 0 : i32
      %dma_start3A_135 = tpu.memref_slice %arg14[%add3A_104, %dma_start3A_134] : memref<10240x64xf32, #tpu.memory_space<vmem_shared>> -> memref<32x64xf32, #tpu.memory_space<vmem_shared>>
      %dma_start3A_136 = arith.constant 0 : i32
      %dma_start3A_137 = tpu.memref_slice %arg14[%add3A_104, %dma_start3A_136] : memref<10240x64xf32, #tpu.memory_space<vmem_shared>> -> memref<32x64xf32, #tpu.memory_space<vmem_shared>>
      tpu.enqueue_dma source(%arg11 : memref<32x64xf32, #tpu.memory_space<vmem>>) target(%dma_start3A_137 : memref<32x64xf32, #tpu.memory_space<vmem_shared>>) target_semaphore(%run_scoped3A_133 : memref<!tpu.dma_semaphore, #tpu.memory_space<semaphore_mem>>)
      %dma_wait3A_138 = arith.constant 0 : i32
      %dma_wait3A_139 = tpu.memref_slice %arg14[%add3A_104, %dma_wait3A_138] : memref<10240x64xf32, #tpu.memory_space<vmem_shared>> -> memref<32x64xf32, #tpu.memory_space<vmem_shared>>
      %dma_wait3A_140 = arith.constant 0 : i32
      %dma_wait3A_141 = tpu.memref_slice %arg14[%add3A_104, %dma_wait3A_140] : memref<10240x64xf32, #tpu.memory_space<vmem_shared>> -> memref<32x64xf32, #tpu.memory_space<vmem_shared>>
      tpu.wait_dma2 semaphore(%run_scoped3A_133 : memref<!tpu.dma_semaphore, #tpu.memory_space<semaphore_mem>>) src(%arg11 : memref<32x64xf32, #tpu.memory_space<vmem>>) dst(%dma_wait3A_141 : memref<32x64xf32, #tpu.memory_space<vmem_shared>>)
      tpu.yield
    }) : () -> ()
    %add3A_105 = arith.constant 544 : i32
    %add3A_106 = arith.addi %mul3A_2, %add3A_105 : i32
    "tpu.region"() ({
      %run_scoped3A_133 = tpu.sem_alloc : memref<!tpu.dma_semaphore, #tpu.memory_space<semaphore_mem>>
      %dma_start3A_134 = arith.constant 0 : i32
      %dma_start3A_135 = tpu.memref_slice %arg14[%add3A_106, %dma_start3A_134] : memref<10240x64xf32, #tpu.memory_space<vmem_shared>> -> memref<32x64xf32, #tpu.memory_space<vmem_shared>>
      %dma_start3A_136 = arith.constant 0 : i32
      %dma_start3A_137 = tpu.memref_slice %arg14[%add3A_106, %dma_start3A_136] : memref<10240x64xf32, #tpu.memory_space<vmem_shared>> -> memref<32x64xf32, #tpu.memory_space<vmem_shared>>
      tpu.enqueue_dma source(%arg11 : memref<32x64xf32, #tpu.memory_space<vmem>>) target(%dma_start3A_137 : memref<32x64xf32, #tpu.memory_space<vmem_shared>>) target_semaphore(%run_scoped3A_133 : memref<!tpu.dma_semaphore, #tpu.memory_space<semaphore_mem>>)
      %dma_wait3A_138 = arith.constant 0 : i32
      %dma_wait3A_139 = tpu.memref_slice %arg14[%add3A_106, %dma_wait3A_138] : memref<10240x64xf32, #tpu.memory_space<vmem_shared>> -> memref<32x64xf32, #tpu.memory_space<vmem_shared>>
      %dma_wait3A_140 = arith.constant 0 : i32
      %dma_wait3A_141 = tpu.memref_slice %arg14[%add3A_106, %dma_wait3A_140] : memref<10240x64xf32, #tpu.memory_space<vmem_shared>> -> memref<32x64xf32, #tpu.memory_space<vmem_shared>>
      tpu.wait_dma2 semaphore(%run_scoped3A_133 : memref<!tpu.dma_semaphore, #tpu.memory_space<semaphore_mem>>) src(%arg11 : memref<32x64xf32, #tpu.memory_space<vmem>>) dst(%dma_wait3A_141 : memref<32x64xf32, #tpu.memory_space<vmem_shared>>)
      tpu.yield
    }) : () -> ()
    %add3A_107 = arith.constant 576 : i32
    %add3A_108 = arith.addi %mul3A_2, %add3A_107 : i32
    "tpu.region"() ({
      %run_scoped3A_133 = tpu.sem_alloc : memref<!tpu.dma_semaphore, #tpu.memory_space<semaphore_mem>>
      %dma_start3A_134 = arith.constant 0 : i32
      %dma_start3A_135 = tpu.memref_slice %arg14[%add3A_108, %dma_start3A_134] : memref<10240x64xf32, #tpu.memory_space<vmem_shared>> -> memref<32x64xf32, #tpu.memory_space<vmem_shared>>
      %dma_start3A_136 = arith.constant 0 : i32
      %dma_start3A_137 = tpu.memref_slice %arg14[%add3A_108, %dma_start3A_136] : memref<10240x64xf32, #tpu.memory_space<vmem_shared>> -> memref<32x64xf32, #tpu.memory_space<vmem_shared>>
      tpu.enqueue_dma source(%arg11 : memref<32x64xf32, #tpu.memory_space<vmem>>) target(%dma_start3A_137 : memref<32x64xf32, #tpu.memory_space<vmem_shared>>) target_semaphore(%run_scoped3A_133 : memref<!tpu.dma_semaphore, #tpu.memory_space<semaphore_mem>>)
      %dma_wait3A_138 = arith.constant 0 : i32
      %dma_wait3A_139 = tpu.memref_slice %arg14[%add3A_108, %dma_wait3A_138] : memref<10240x64xf32, #tpu.memory_space<vmem_shared>> -> memref<32x64xf32, #tpu.memory_space<vmem_shared>>
      %dma_wait3A_140 = arith.constant 0 : i32
      %dma_wait3A_141 = tpu.memref_slice %arg14[%add3A_108, %dma_wait3A_140] : memref<10240x64xf32, #tpu.memory_space<vmem_shared>> -> memref<32x64xf32, #tpu.memory_space<vmem_shared>>
      tpu.wait_dma2 semaphore(%run_scoped3A_133 : memref<!tpu.dma_semaphore, #tpu.memory_space<semaphore_mem>>) src(%arg11 : memref<32x64xf32, #tpu.memory_space<vmem>>) dst(%dma_wait3A_141 : memref<32x64xf32, #tpu.memory_space<vmem_shared>>)
      tpu.yield
    }) : () -> ()
    %add3A_109 = arith.constant 608 : i32
    %add3A_110 = arith.addi %mul3A_2, %add3A_109 : i32
    "tpu.region"() ({
      %run_scoped3A_133 = tpu.sem_alloc : memref<!tpu.dma_semaphore, #tpu.memory_space<semaphore_mem>>
      %dma_start3A_134 = arith.constant 0 : i32
      %dma_start3A_135 = tpu.memref_slice %arg14[%add3A_110, %dma_start3A_134] : memref<10240x64xf32, #tpu.memory_space<vmem_shared>> -> memref<32x64xf32, #tpu.memory_space<vmem_shared>>
      %dma_start3A_136 = arith.constant 0 : i32
      %dma_start3A_137 = tpu.memref_slice %arg14[%add3A_110, %dma_start3A_136] : memref<10240x64xf32, #tpu.memory_space<vmem_shared>> -> memref<32x64xf32, #tpu.memory_space<vmem_shared>>
      tpu.enqueue_dma source(%arg11 : memref<32x64xf32, #tpu.memory_space<vmem>>) target(%dma_start3A_137 : memref<32x64xf32, #tpu.memory_space<vmem_shared>>) target_semaphore(%run_scoped3A_133 : memref<!tpu.dma_semaphore, #tpu.memory_space<semaphore_mem>>)
      %dma_wait3A_138 = arith.constant 0 : i32
      %dma_wait3A_139 = tpu.memref_slice %arg14[%add3A_110, %dma_wait3A_138] : memref<10240x64xf32, #tpu.memory_space<vmem_shared>> -> memref<32x64xf32, #tpu.memory_space<vmem_shared>>
      %dma_wait3A_140 = arith.constant 0 : i32
      %dma_wait3A_141 = tpu.memref_slice %arg14[%add3A_110, %dma_wait3A_140] : memref<10240x64xf32, #tpu.memory_space<vmem_shared>> -> memref<32x64xf32, #tpu.memory_space<vmem_shared>>
      tpu.wait_dma2 semaphore(%run_scoped3A_133 : memref<!tpu.dma_semaphore, #tpu.memory_space<semaphore_mem>>) src(%arg11 : memref<32x64xf32, #tpu.memory_space<vmem>>) dst(%dma_wait3A_141 : memref<32x64xf32, #tpu.memory_space<vmem_shared>>)
      tpu.yield
    }) : () -> ()
    %barrier3A_111 = arith.constant 0 : index
    tpu.barrier barrier_id(%barrier3A_111)
    %dma_start3A_112 = arith.constant 0 : i32
    %dma_start3A_113 = arith.constant 0 : i32
    %dma_start3A_114 = tpu.memref_slice %arg7[%dma_start3A_112, %dma_start3A_113] : memref<80x125xi32, #tpu.memory_space<vmem>> -> memref<1x125xi32, #tpu.memory_space<vmem>>
    %dma_start3A_115 = tpu.memref_squeeze %dma_start3A_114 : memref<1x125xi32, #tpu.memory_space<vmem>> -> memref<125xi32, #tpu.memory_space<vmem>>
    %dma_start3A_116 = arith.constant 0 : i32
    %dma_start3A_117 = arith.constant 0 : i32
    %dma_start3A_118 = tpu.memref_slice %arg3[%dma_start3A_116, %dma_start3A_117] : memref<10000x64xf32, #tpu.memory_space<hbm>> -> memref<10000x64xf32, #tpu.memory_space<hbm>>
    tpu.enqueue_indirect_dma source(%dma_start3A_118 : memref<10000x64xf32, #tpu.memory_space<hbm>>) target(%arg9 : memref<125x64xf32, #tpu.memory_space<vmem>>) offsets(%dma_start3A_115 : memref<125xi32, #tpu.memory_space<vmem>>) semaphore(%arg16 : memref<!tpu.dma_semaphore, #tpu.memory_space<semaphore_mem>>)
    %scan3A_119 = arith.constant 0 : i32
    %scan3A_120 = arith.constant 0 : i32
    %scan3A_121 = arith.constant 40 : i32
    %scan3A_122 = arith.addi %scan3A_120, %scan3A_121 : i32
    %scan3A_123 = arith.constant 1 : i32
    scf.for %scan3A_133 = %scan3A_120 to %scan3A_122 step %scan3A_123  : i32 {
      %mul3A_134 = arith.constant 2 : i32
      %mul3A_135 = arith.muli %mul3A_134, %scan3A_133 : i32
      %add3A_136 = arith.constant 1 : i32
      %add3A_137 = arith.addi %mul3A_135, %add3A_136 : i32
      %dma_start3A_138 = arith.constant 0 : i32
      %dma_start3A_139 = tpu.memref_slice %arg7[%add3A_137, %dma_start3A_138] : memref<80x125xi32, #tpu.memory_space<vmem>> -> memref<1x125xi32, #tpu.memory_space<vmem>>
      %dma_start3A_140 = tpu.memref_squeeze %dma_start3A_139 : memref<1x125xi32, #tpu.memory_space<vmem>> -> memref<125xi32, #tpu.memory_space<vmem>>
      %dma_start3A_141 = arith.constant 0 : i32
      %dma_start3A_142 = arith.constant 0 : i32
      %dma_start3A_143 = tpu.memref_slice %arg3[%dma_start3A_141, %dma_start3A_142] : memref<10000x64xf32, #tpu.memory_space<hbm>> -> memref<10000x64xf32, #tpu.memory_space<hbm>>
      tpu.enqueue_indirect_dma source(%dma_start3A_143 : memref<10000x64xf32, #tpu.memory_space<hbm>>) target(%arg10 : memref<125x64xf32, #tpu.memory_space<vmem>>) offsets(%dma_start3A_140 : memref<125xi32, #tpu.memory_space<vmem>>) semaphore(%arg17 : memref<!tpu.dma_semaphore, #tpu.memory_space<semaphore_mem>>)
      %dma_wait3A_144 = arith.constant 0 : i32
      %dma_wait3A_145 = tpu.memref_slice %arg7[%mul3A_135, %dma_wait3A_144] : memref<80x125xi32, #tpu.memory_space<vmem>> -> memref<1x125xi32, #tpu.memory_space<vmem>>
      %dma_wait3A_146 = tpu.memref_squeeze %dma_wait3A_145 : memref<1x125xi32, #tpu.memory_space<vmem>> -> memref<125xi32, #tpu.memory_space<vmem>>
      %dma_wait3A_147 = arith.constant 0 : i32
      %dma_wait3A_148 = arith.constant 0 : i32
      %dma_wait3A_149 = tpu.memref_slice %arg3[%dma_wait3A_147, %dma_wait3A_148] : memref<10000x64xf32, #tpu.memory_space<hbm>> -> memref<10000x64xf32, #tpu.memory_space<hbm>>
      tpu.wait_indirect_dma semaphore(%arg16 : memref<!tpu.dma_semaphore, #tpu.memory_space<semaphore_mem>>) src(%dma_wait3A_149 : memref<10000x64xf32, #tpu.memory_space<hbm>>) dst(%arg9 : memref<125x64xf32, #tpu.memory_space<vmem>>)
      "tpu.region"() ({
        %run_scoped3A_165 = tpu.sem_alloc : memref<!tpu.dma_semaphore, #tpu.memory_space<semaphore_mem>>
        %dma_start3A_166 = arith.constant 0 : i32
        %dma_start3A_167 = tpu.memref_slice %arg8[%mul3A_135, %dma_start3A_166] : memref<80x125xi32, #tpu.memory_space<vmem>> -> memref<1x125xi32, #tpu.memory_space<vmem>>
        %dma_start3A_168 = tpu.memref_squeeze %dma_start3A_167 : memref<1x125xi32, #tpu.memory_space<vmem>> -> memref<125xi32, #tpu.memory_space<vmem>>
        %dma_start3A_169 = arith.constant 0 : i32
        %dma_start3A_170 = arith.constant 0 : i32
        %dma_start3A_171 = tpu.memref_slice %arg14[%dma_start3A_169, %dma_start3A_170] : memref<10240x64xf32, #tpu.memory_space<vmem_shared>> -> memref<10240x64xf32, #tpu.memory_space<vmem_shared>>
        tpu.enqueue_indirect_dma source(%arg9 : memref<125x64xf32, #tpu.memory_space<vmem>>) target(%dma_start3A_171 : memref<10240x64xf32, #tpu.memory_space<vmem_shared>>) offsets(%dma_start3A_168 : memref<125xi32, #tpu.memory_space<vmem>>) semaphore(%run_scoped3A_165 : memref<!tpu.dma_semaphore, #tpu.memory_space<semaphore_mem>>) {add = true}
        %dma_wait3A_172 = arith.constant 0 : i32
        %dma_wait3A_173 = tpu.memref_slice %arg8[%mul3A_135, %dma_wait3A_172] : memref<80x125xi32, #tpu.memory_space<vmem>> -> memref<1x125xi32, #tpu.memory_space<vmem>>
        %dma_wait3A_174 = tpu.memref_squeeze %dma_wait3A_173 : memref<1x125xi32, #tpu.memory_space<vmem>> -> memref<125xi32, #tpu.memory_space<vmem>>
        %dma_wait3A_175 = arith.constant 0 : i32
        %dma_wait3A_176 = arith.constant 0 : i32
        %dma_wait3A_177 = tpu.memref_slice %arg14[%dma_wait3A_175, %dma_wait3A_176] : memref<10240x64xf32, #tpu.memory_space<vmem_shared>> -> memref<10240x64xf32, #tpu.memory_space<vmem_shared>>
        tpu.wait_indirect_dma semaphore(%run_scoped3A_165 : memref<!tpu.dma_semaphore, #tpu.memory_space<semaphore_mem>>) src(%arg9 : memref<125x64xf32, #tpu.memory_space<vmem>>) dst(%dma_wait3A_177 : memref<10240x64xf32, #tpu.memory_space<vmem_shared>>)
        tpu.yield
      }) : () -> ()
      %add3A_150 = arith.constant 2 : i32
      %add3A_151 = arith.addi %mul3A_135, %add3A_150 : i32
      %min3A = arith.constant 78 : i32
      %min3A_152 = arith.minsi %add3A_151, %min3A : i32
      %dma_start3A_153 = arith.constant 0 : i32
      %dma_start3A_154 = tpu.memref_slice %arg7[%min3A_152, %dma_start3A_153] : memref<80x125xi32, #tpu.memory_space<vmem>> -> memref<1x125xi32, #tpu.memory_space<vmem>>
      %dma_start3A_155 = tpu.memref_squeeze %dma_start3A_154 : memref<1x125xi32, #tpu.memory_space<vmem>> -> memref<125xi32, #tpu.memory_space<vmem>>
      %dma_start3A_156 = arith.constant 0 : i32
      %dma_start3A_157 = arith.constant 0 : i32
      %dma_start3A_158 = tpu.memref_slice %arg3[%dma_start3A_156, %dma_start3A_157] : memref<10000x64xf32, #tpu.memory_space<hbm>> -> memref<10000x64xf32, #tpu.memory_space<hbm>>
      tpu.enqueue_indirect_dma source(%dma_start3A_158 : memref<10000x64xf32, #tpu.memory_space<hbm>>) target(%arg9 : memref<125x64xf32, #tpu.memory_space<vmem>>) offsets(%dma_start3A_155 : memref<125xi32, #tpu.memory_space<vmem>>) semaphore(%arg16 : memref<!tpu.dma_semaphore, #tpu.memory_space<semaphore_mem>>)
      %dma_wait3A_159 = arith.constant 0 : i32
      %dma_wait3A_160 = tpu.memref_slice %arg7[%add3A_137, %dma_wait3A_159] : memref<80x125xi32, #tpu.memory_space<vmem>> -> memref<1x125xi32, #tpu.memory_space<vmem>>
      %dma_wait3A_161 = tpu.memref_squeeze %dma_wait3A_160 : memref<1x125xi32, #tpu.memory_space<vmem>> -> memref<125xi32, #tpu.memory_space<vmem>>
      %dma_wait3A_162 = arith.constant 0 : i32
      %dma_wait3A_163 = arith.constant 0 : i32
      %dma_wait3A_164 = tpu.memref_slice %arg3[%dma_wait3A_162, %dma_wait3A_163] : memref<10000x64xf32, #tpu.memory_space<hbm>> -> memref<10000x64xf32, #tpu.memory_space<hbm>>
      tpu.wait_indirect_dma semaphore(%arg17 : memref<!tpu.dma_semaphore, #tpu.memory_space<semaphore_mem>>) src(%dma_wait3A_164 : memref<10000x64xf32, #tpu.memory_space<hbm>>) dst(%arg10 : memref<125x64xf32, #tpu.memory_space<vmem>>)
      "tpu.region"() ({
        %run_scoped3A_165 = tpu.sem_alloc : memref<!tpu.dma_semaphore, #tpu.memory_space<semaphore_mem>>
        %dma_start3A_166 = arith.constant 0 : i32
        %dma_start3A_167 = tpu.memref_slice %arg8[%add3A_137, %dma_start3A_166] : memref<80x125xi32, #tpu.memory_space<vmem>> -> memref<1x125xi32, #tpu.memory_space<vmem>>
        %dma_start3A_168 = tpu.memref_squeeze %dma_start3A_167 : memref<1x125xi32, #tpu.memory_space<vmem>> -> memref<125xi32, #tpu.memory_space<vmem>>
        %dma_start3A_169 = arith.constant 0 : i32
        %dma_start3A_170 = arith.constant 0 : i32
        %dma_start3A_171 = tpu.memref_slice %arg14[%dma_start3A_169, %dma_start3A_170] : memref<10240x64xf32, #tpu.memory_space<vmem_shared>> -> memref<10240x64xf32, #tpu.memory_space<vmem_shared>>
        tpu.enqueue_indirect_dma source(%arg10 : memref<125x64xf32, #tpu.memory_space<vmem>>) target(%dma_start3A_171 : memref<10240x64xf32, #tpu.memory_space<vmem_shared>>) offsets(%dma_start3A_168 : memref<125xi32, #tpu.memory_space<vmem>>) semaphore(%run_scoped3A_165 : memref<!tpu.dma_semaphore, #tpu.memory_space<semaphore_mem>>) {add = true}
        %dma_wait3A_172 = arith.constant 0 : i32
        %dma_wait3A_173 = tpu.memref_slice %arg8[%add3A_137, %dma_wait3A_172] : memref<80x125xi32, #tpu.memory_space<vmem>> -> memref<1x125xi32, #tpu.memory_space<vmem>>
        %dma_wait3A_174 = tpu.memref_squeeze %dma_wait3A_173 : memref<1x125xi32, #tpu.memory_space<vmem>> -> memref<125xi32, #tpu.memory_space<vmem>>
        %dma_wait3A_175 = arith.constant 0 : i32
        %dma_wait3A_176 = arith.constant 0 : i32
        %dma_wait3A_177 = tpu.memref_slice %arg14[%dma_wait3A_175, %dma_wait3A_176] : memref<10240x64xf32, #tpu.memory_space<vmem_shared>> -> memref<10240x64xf32, #tpu.memory_space<vmem_shared>>
        tpu.wait_indirect_dma semaphore(%run_scoped3A_165 : memref<!tpu.dma_semaphore, #tpu.memory_space<semaphore_mem>>) src(%arg10 : memref<125x64xf32, #tpu.memory_space<vmem>>) dst(%dma_wait3A_177 : memref<10240x64xf32, #tpu.memory_space<vmem_shared>>)
        tpu.yield
      }) : () -> ()
    }
    %scan3A_124 = arith.constant 40 : i32
    %dma_wait3A_125 = arith.constant 0 : i32
    %dma_wait3A_126 = arith.constant 0 : i32
    %dma_wait3A_127 = tpu.memref_slice %arg7[%dma_wait3A_125, %dma_wait3A_126] : memref<80x125xi32, #tpu.memory_space<vmem>> -> memref<1x125xi32, #tpu.memory_space<vmem>>
    %dma_wait3A_128 = tpu.memref_squeeze %dma_wait3A_127 : memref<1x125xi32, #tpu.memory_space<vmem>> -> memref<125xi32, #tpu.memory_space<vmem>>
    %dma_wait3A_129 = arith.constant 0 : i32
    %dma_wait3A_130 = arith.constant 0 : i32
    %dma_wait3A_131 = tpu.memref_slice %arg3[%dma_wait3A_129, %dma_wait3A_130] : memref<10000x64xf32, #tpu.memory_space<hbm>> -> memref<10000x64xf32, #tpu.memory_space<hbm>>
    tpu.wait_indirect_dma semaphore(%arg16 : memref<!tpu.dma_semaphore, #tpu.memory_space<semaphore_mem>>) src(%dma_wait3A_131 : memref<10000x64xf32, #tpu.memory_space<hbm>>) dst(%arg9 : memref<125x64xf32, #tpu.memory_space<vmem>>)
    %barrier3A_132 = arith.constant 0 : index
    tpu.barrier barrier_id(%barrier3A_132)
    "tpu.region"() ({
      %run_scoped3A_133 = tpu.sem_alloc : memref<!tpu.dma_semaphore, #tpu.memory_space<semaphore_mem>>
      %dma_start3A_134 = arith.constant 0 : i32
      %dma_start3A_135 = tpu.memref_slice %arg6[%arg0, %mul3A_2, %dma_start3A_134] : memref<2x10240x64xf32, #tpu.memory_space<hbm>> -> memref<1x640x64xf32, #tpu.memory_space<hbm>>
      %dma_start3A_136 = tpu.memref_squeeze %dma_start3A_135 : memref<1x640x64xf32, #tpu.memory_space<hbm>> -> memref<640x64xf32, #tpu.memory_space<hbm>>
      %dma_start3A_137 = arith.constant 0 : i32
      %dma_start3A_138 = tpu.memref_slice %arg14[%mul3A_2, %dma_start3A_137] : memref<10240x64xf32, #tpu.memory_space<vmem_shared>> -> memref<640x64xf32, #tpu.memory_space<vmem_shared>>
      tpu.enqueue_dma source(%dma_start3A_138 : memref<640x64xf32, #tpu.memory_space<vmem_shared>>) target(%dma_start3A_136 : memref<640x64xf32, #tpu.memory_space<hbm>>) target_semaphore(%run_scoped3A_133 : memref<!tpu.dma_semaphore, #tpu.memory_space<semaphore_mem>>)
      %dma_wait3A_139 = arith.constant 0 : i32
      %dma_wait3A_140 = tpu.memref_slice %arg6[%arg0, %mul3A_2, %dma_wait3A_139] : memref<2x10240x64xf32, #tpu.memory_space<hbm>> -> memref<1x640x64xf32, #tpu.memory_space<hbm>>
      %dma_wait3A_141 = tpu.memref_squeeze %dma_wait3A_140 : memref<1x640x64xf32, #tpu.memory_space<hbm>> -> memref<640x64xf32, #tpu.memory_space<hbm>>
      %dma_wait3A_142 = arith.constant 0 : i32
      %dma_wait3A_143 = tpu.memref_slice %arg14[%mul3A_2, %dma_wait3A_142] : memref<10240x64xf32, #tpu.memory_space<vmem_shared>> -> memref<640x64xf32, #tpu.memory_space<vmem_shared>>
      tpu.wait_dma2 semaphore(%run_scoped3A_133 : memref<!tpu.dma_semaphore, #tpu.memory_space<semaphore_mem>>) src(%dma_wait3A_143 : memref<640x64xf32, #tpu.memory_space<vmem_shared>>) dst(%dma_wait3A_141 : memref<640x64xf32, #tpu.memory_space<hbm>>)
      tpu.yield
    }) : () -> ()
    return
  }
}

module attributes {stable_mosaic.version = 14 : i64} {
  func.func @_root_body(%arg0: i32, %arg1: memref<2000x64xf32, #tpu.memory_space<vmem>>, %arg2: memref<2000x64xf32, #tpu.memory_space<vmem>>, %arg3: memref<128x128xf32, #tpu.memory_space<vmem>>, %arg4: memref<128xf32, #tpu.memory_space<vmem>>, %arg5: memref<2000x128xf32, #tpu.memory_space<vmem>>) attributes {dimension_semantics = [#tpu.dimension_semantics<arbitrary>], iteration_bounds = array<i64: 5>, scalar_prefetch = 0 : i64, scratch_operands = 0 : i64, tpu.core_type = #tpu.core_type<tc>, window_params = [{transform_indices = @transform_0, window_bounds = array<i64: 2000, 64>}, {transform_indices = @transform_1, window_bounds = array<i64: 2000, 64>}, {pipeline_mode = #tpu.pipeline_mode<synchronous>, transform_indices = @transform_2, window_bounds = array<i64: 128, 128>}, {pipeline_mode = #tpu.pipeline_mode<synchronous>, transform_indices = @transform_3, window_bounds = array<i64: 128>}, {transform_indices = @transform_4, window_bounds = array<i64: 2000, 128>}]} {
    %get3A = arith.constant 0 : index
    %get3A_0 = arith.constant 0 : index
    %get3A_1 = vector.load %arg1[%get3A, %get3A_0] : memref<2000x64xf32, #tpu.memory_space<vmem>>, vector<2000x64xf32>
    %get3A_2 = arith.constant 0 : index
    %get3A_3 = arith.constant 0 : index
    %get3A_4 = vector.load %arg3[%get3A_2, %get3A_3] : memref<128x128xf32, #tpu.memory_space<vmem>>, vector<128x64xf32>
    %dot_general3A = arith.constant dense<0.000000e+00> : vector<2000x128xf32>
    %dot_general3A_5 = tpu.matmul %get3A_1, %get3A_4, %dot_general3A {dimension_numbers = #tpu.dot_dimension_numbers<[1], [1], [0], [0], [0, 0, 1, 0], [], []>, transpose_lhs_hint = false} : vector<2000x64xf32>, vector<128x64xf32>, vector<2000x128xf32> -> vector<2000x128xf32>
    %get3A_6 = arith.constant 0 : index
    %get3A_7 = arith.constant 0 : index
    %get3A_8 = vector.load %arg2[%get3A_6, %get3A_7] : memref<2000x64xf32, #tpu.memory_space<vmem>>, vector<2000x64xf32>
    %get3A_9 = arith.constant 0 : index
    %get3A_10 = arith.constant 64 : index
    %get3A_11 = vector.load %arg3[%get3A_9, %get3A_10] : memref<128x128xf32, #tpu.memory_space<vmem>>, vector<128x64xf32>
    %dot_general3A_12 = arith.constant dense<0.000000e+00> : vector<2000x128xf32>
    %dot_general3A_13 = tpu.matmul %get3A_8, %get3A_11, %dot_general3A_12 {dimension_numbers = #tpu.dot_dimension_numbers<[1], [1], [0], [0], [0, 0, 1, 0], [], []>, transpose_lhs_hint = false} : vector<2000x64xf32>, vector<128x64xf32>, vector<2000x128xf32> -> vector<2000x128xf32>
    %add3A = arith.addf %dot_general3A_5, %dot_general3A_13 : vector<2000x128xf32>
    %get3A_14 = arith.constant 0 : index
    %get3A_15 = vector.load %arg4[%get3A_14] : memref<128xf32, #tpu.memory_space<vmem>>, vector<128xf32>
    %broadcast_in_dim3A = vector.shape_cast %get3A_15 : vector<128xf32> to vector<1x128xf32>
    %add3A_16 = vector.broadcast %broadcast_in_dim3A : vector<1x128xf32> to vector<2000x128xf32>
    %add3A_17 = arith.addf %add3A, %add3A_16 : vector<2000x128xf32>
    %swap3A = arith.constant 0 : index
    %swap3A_18 = arith.constant 0 : index
    %swap3A_19 = vector.load %arg5[%swap3A, %swap3A_18] : memref<2000x128xf32, #tpu.memory_space<vmem>>, vector<2000x128xf32>
    tpu.vector_store %arg5[%swap3A, %swap3A_18], %add3A_17 {strides = array<i32>} : memref<2000x128xf32, #tpu.memory_space<vmem>>, vector<2000x128xf32>,
    return
  }
  func.func @transform_0(%arg0: i32) -> (i32, i32) {
    %c0_i32 = arith.constant 0 : i32
    %c0_i32_0 = arith.constant 0 : i32
    return %arg0, %c0_i32 : i32, i32
  }
  func.func @transform_1(%arg0: i32) -> (i32, i32) {
    %c0_i32 = arith.constant 0 : i32
    %c0_i32_0 = arith.constant 0 : i32
    return %arg0, %c0_i32 : i32, i32
  }
  func.func @transform_2(%arg0: i32) -> (i32, i32) {
    %c0_i32 = arith.constant 0 : i32
    %c0_i32_0 = arith.constant 0 : i32
    %c0_i32_1 = arith.constant 0 : i32
    return %c0_i32, %c0_i32_0 : i32, i32
  }
  func.func @transform_3(%arg0: i32) -> i32 {
    %c0_i32 = arith.constant 0 : i32
    %c0_i32_0 = arith.constant 0 : i32
    return %c0_i32 : i32
  }
  func.func @transform_4(%arg0: i32) -> (i32, i32) {
    %c0_i32 = arith.constant 0 : i32
    %c0_i32_0 = arith.constant 0 : i32
    return %arg0, %c0_i32 : i32, i32
  }
}

module attributes {stable_mosaic.version = 14 : i64} {
  func.func @_lin_body(%arg0: i32, %arg1: memref<2x2000x64xf32, #tpu.memory_space<vmem>>, %arg2: memref<2x2000x64xf32, #tpu.memory_space<vmem>>, %arg3: memref<2x2000x1xf32, #tpu.memory_space<vmem>>, %arg4: memref<2000x128xf32, #tpu.memory_space<vmem>>, %arg5: memref<128x128xf32, #tpu.memory_space<vmem>>, %arg6: memref<2000x128xf32, #tpu.memory_space<vmem>>, %arg7: memref<1x128xf32, #tpu.memory_space<vmem>>, %arg8: memref<1x128xf32, #tpu.memory_space<vmem>>) attributes {dimension_semantics = [#tpu.dimension_semantics<arbitrary>], iteration_bounds = array<i64: 5>, scalar_prefetch = 0 : i64, scratch_operands = 0 : i64, tpu.core_type = #tpu.core_type<tc>, window_params = [{transform_indices = @transform_0, window_bounds = array<i64: 2, 2000, 64>}, {transform_indices = @transform_1, window_bounds = array<i64: 2, 2000, 64>}, {transform_indices = @transform_2, window_bounds = array<i64: 2, 2000, 1>}, {transform_indices = @transform_3, window_bounds = array<i64: 2000, 128>}, {pipeline_mode = #tpu.pipeline_mode<synchronous>, transform_indices = @transform_4, window_bounds = array<i64: 128, 128>}, {transform_indices = @transform_5, window_bounds = array<i64: 2000, 128>}, {pipeline_mode = #tpu.pipeline_mode<synchronous>, transform_indices = @transform_6, window_bounds = array<i64: 1, 128>}, {pipeline_mode = #tpu.pipeline_mode<synchronous>, transform_indices = @transform_7, window_bounds = array<i64: 1, 128>}]} {
    %get3A = arith.constant 0 : index
    %get3A_0 = arith.constant 0 : index
    %get3A_1 = arith.constant 0 : index
    %get3A_2 = vector.load %arg3[%get3A, %get3A_0, %get3A_1] : memref<2x2000x1xf32, #tpu.memory_space<vmem>>, vector<1x2000x1xf32>
    %get3A_3 = vector.shape_cast %get3A_2 : vector<1x2000x1xf32> to vector<2000x1xf32>
    %get3A_4 = arith.constant 1 : index
    %get3A_5 = arith.constant 0 : index
    %get3A_6 = arith.constant 0 : index
    %get3A_7 = vector.load %arg3[%get3A_4, %get3A_5, %get3A_6] : memref<2x2000x1xf32, #tpu.memory_space<vmem>>, vector<1x2000x1xf32>
    %get3A_8 = vector.shape_cast %get3A_7 : vector<1x2000x1xf32> to vector<2000x1xf32>
    %add3A = arith.addf %get3A_3, %get3A_8 : vector<2000x1xf32>
    %max3A = arith.constant 1.000000e+00 : f32
    %max3A_9 = vector.broadcast %max3A : f32 to vector<2000x1xf32>
    %max3A_10 = arith.maximumf %add3A, %max3A_9 : vector<2000x1xf32>
    %get3A_11 = arith.constant 0 : index
    %get3A_12 = arith.constant 0 : index
    %get3A_13 = arith.constant 0 : index
    %get3A_14 = vector.load %arg1[%get3A_11, %get3A_12, %get3A_13] : memref<2x2000x64xf32, #tpu.memory_space<vmem>>, vector<1x2000x64xf32>
    %get3A_15 = vector.shape_cast %get3A_14 : vector<1x2000x64xf32> to vector<2000x64xf32>
    %get3A_16 = arith.constant 1 : index
    %get3A_17 = arith.constant 0 : index
    %get3A_18 = arith.constant 0 : index
    %get3A_19 = vector.load %arg1[%get3A_16, %get3A_17, %get3A_18] : memref<2x2000x64xf32, #tpu.memory_space<vmem>>, vector<1x2000x64xf32>
    %get3A_20 = vector.shape_cast %get3A_19 : vector<1x2000x64xf32> to vector<2000x64xf32>
    %add3A_21 = arith.addf %get3A_15, %get3A_20 : vector<2000x64xf32>
    %div3A = vector.broadcast %max3A_10 : vector<2000x1xf32> to vector<2000x64xf32>
    %div3A_22 = arith.divf %add3A_21, %div3A : vector<2000x64xf32>
    %get3A_23 = arith.constant 0 : index
    %get3A_24 = arith.constant 0 : index
    %get3A_25 = arith.constant 0 : index
    %get3A_26 = vector.load %arg2[%get3A_23, %get3A_24, %get3A_25] : memref<2x2000x64xf32, #tpu.memory_space<vmem>>, vector<1x2000x64xf32>
    %get3A_27 = vector.shape_cast %get3A_26 : vector<1x2000x64xf32> to vector<2000x64xf32>
    %get3A_28 = arith.constant 1 : index
    %get3A_29 = arith.constant 0 : index
    %get3A_30 = arith.constant 0 : index
    %get3A_31 = vector.load %arg2[%get3A_28, %get3A_29, %get3A_30] : memref<2x2000x64xf32, #tpu.memory_space<vmem>>, vector<1x2000x64xf32>
    %get3A_32 = vector.shape_cast %get3A_31 : vector<1x2000x64xf32> to vector<2000x64xf32>
    %add3A_33 = arith.addf %get3A_27, %get3A_32 : vector<2000x64xf32>
    %div3A_34 = vector.broadcast %max3A_10 : vector<2000x1xf32> to vector<2000x64xf32>
    %div3A_35 = arith.divf %add3A_33, %div3A_34 : vector<2000x64xf32>
    %get3A_36 = arith.constant 0 : index
    %get3A_37 = arith.constant 0 : index
    %get3A_38 = vector.load %arg5[%get3A_36, %get3A_37] : memref<128x128xf32, #tpu.memory_space<vmem>>, vector<128x64xf32>
    %dot_general3A = arith.constant dense<0.000000e+00> : vector<2000x128xf32>
    %dot_general3A_39 = tpu.matmul %div3A_22, %get3A_38, %dot_general3A {dimension_numbers = #tpu.dot_dimension_numbers<[1], [1], [0], [0], [0, 0, 1, 0], [], []>, transpose_lhs_hint = false} : vector<2000x64xf32>, vector<128x64xf32>, vector<2000x128xf32> -> vector<2000x128xf32>
    %get3A_40 = arith.constant 0 : index
    %get3A_41 = arith.constant 64 : index
    %get3A_42 = vector.load %arg5[%get3A_40, %get3A_41] : memref<128x128xf32, #tpu.memory_space<vmem>>, vector<128x64xf32>
    %dot_general3A_43 = arith.constant dense<0.000000e+00> : vector<2000x128xf32>
    %dot_general3A_44 = tpu.matmul %div3A_35, %get3A_42, %dot_general3A_43 {dimension_numbers = #tpu.dot_dimension_numbers<[1], [1], [0], [0], [0, 0, 1, 0], [], []>, transpose_lhs_hint = false} : vector<2000x64xf32>, vector<128x64xf32>, vector<2000x128xf32> -> vector<2000x128xf32>
    %add3A_45 = arith.addf %dot_general3A_39, %dot_general3A_44 : vector<2000x128xf32>
    %get3A_46 = arith.constant 0 : index
    %get3A_47 = arith.constant 0 : index
    %get3A_48 = vector.load %arg4[%get3A_46, %get3A_47] : memref<2000x128xf32, #tpu.memory_space<vmem>>, vector<2000x128xf32>
    %add3A_49 = arith.addf %add3A_45, %get3A_48 : vector<2000x128xf32>
    %swap3A = arith.constant 0 : index
    %swap3A_50 = arith.constant 0 : index
    %swap3A_51 = vector.load %arg6[%swap3A, %swap3A_50] : memref<2000x128xf32, #tpu.memory_space<vmem>>, vector<2000x128xf32>
    tpu.vector_store %arg6[%swap3A, %swap3A_50], %add3A_49 {strides = array<i32>} : memref<2000x128xf32, #tpu.memory_space<vmem>>, vector<2000x128xf32>,
    %eq3A = arith.constant 0 : i32
    %eq3A_52 = arith.cmpi eq, %arg0, %eq3A : i32
    %convert_element_type3A = arith.extui %eq3A_52 : i1 to i32
    %cond3A = arith.constant 0 : i32
    %cond3A_53 = arith.cmpi ne, %convert_element_type3A, %cond3A : i32
    scf.if %cond3A_53 {
      %broadcast_in_dim3A_72 = arith.constant 0.000000e+00 : f32
      %broadcast_in_dim3A_73 = vector.broadcast %broadcast_in_dim3A_72 : f32 to vector<1x128xf32>
      %swap3A_74 = arith.constant 0 : index
      %swap3A_75 = arith.constant 0 : index
      %swap3A_76 = vector.load %arg7[%swap3A_74, %swap3A_75] : memref<1x128xf32, #tpu.memory_space<vmem>>, vector<1x128xf32>
      tpu.vector_store %arg7[%swap3A_74, %swap3A_75], %broadcast_in_dim3A_73 {strides = array<i32>} : memref<1x128xf32, #tpu.memory_space<vmem>>, vector<1x128xf32>,
      %broadcast_in_dim3A_77 = arith.constant 0.000000e+00 : f32
      %broadcast_in_dim3A_78 = vector.broadcast %broadcast_in_dim3A_77 : f32 to vector<1x128xf32>
      %swap3A_79 = arith.constant 0 : index
      %swap3A_80 = arith.constant 0 : index
      %swap3A_81 = vector.load %arg8[%swap3A_79, %swap3A_80] : memref<1x128xf32, #tpu.memory_space<vmem>>, vector<1x128xf32>
      tpu.vector_store %arg8[%swap3A_79, %swap3A_80], %broadcast_in_dim3A_78 {strides = array<i32>} : memref<1x128xf32, #tpu.memory_space<vmem>>, vector<1x128xf32>,
    } else {
    }
    %get3A_54 = arith.constant 0 : index
    %get3A_55 = arith.constant 0 : index
    %get3A_56 = vector.load %arg7[%get3A_54, %get3A_55] : memref<1x128xf32, #tpu.memory_space<vmem>>, vector<1x128xf32>
    %reduce_sum3A = arith.constant dense<0.000000e+00> : vector<128xf32>
    %reduce_sum3A_57 = vector.multi_reduction <add>, %add3A_49, %reduce_sum3A [0] : vector<2000x128xf32> to vector<128xf32>
    %broadcast_in_dim3A = vector.shape_cast %reduce_sum3A_57 : vector<128xf32> to vector<1x128xf32>
    %add3A_58 = arith.addf %get3A_56, %broadcast_in_dim3A : vector<1x128xf32>
    %swap3A_59 = arith.constant 0 : index
    %swap3A_60 = arith.constant 0 : index
    %swap3A_61 = vector.load %arg7[%swap3A_59, %swap3A_60] : memref<1x128xf32, #tpu.memory_space<vmem>>, vector<1x128xf32>
    tpu.vector_store %arg7[%swap3A_59, %swap3A_60], %add3A_58 {strides = array<i32>} : memref<1x128xf32, #tpu.memory_space<vmem>>, vector<1x128xf32>,
    %get3A_62 = arith.constant 0 : index
    %get3A_63 = arith.constant 0 : index
    %get3A_64 = vector.load %arg8[%get3A_62, %get3A_63] : memref<1x128xf32, #tpu.memory_space<vmem>>, vector<1x128xf32>
    %mul3A = arith.mulf %add3A_49, %add3A_49 : vector<2000x128xf32>
    %reduce_sum3A_65 = arith.constant dense<0.000000e+00> : vector<128xf32>
    %reduce_sum3A_66 = vector.multi_reduction <add>, %mul3A, %reduce_sum3A_65 [0] : vector<2000x128xf32> to vector<128xf32>
    %broadcast_in_dim3A_67 = vector.shape_cast %reduce_sum3A_66 : vector<128xf32> to vector<1x128xf32>
    %add3A_68 = arith.addf %get3A_64, %broadcast_in_dim3A_67 : vector<1x128xf32>
    %swap3A_69 = arith.constant 0 : index
    %swap3A_70 = arith.constant 0 : index
    %swap3A_71 = vector.load %arg8[%swap3A_69, %swap3A_70] : memref<1x128xf32, #tpu.memory_space<vmem>>, vector<1x128xf32>
    tpu.vector_store %arg8[%swap3A_69, %swap3A_70], %add3A_68 {strides = array<i32>} : memref<1x128xf32, #tpu.memory_space<vmem>>, vector<1x128xf32>,
    return
  }
  func.func @transform_0(%arg0: i32) -> (i32, i32, i32) {
    %c0_i32 = arith.constant 0 : i32
    %c0_i32_0 = arith.constant 0 : i32
    %c0_i32_1 = arith.constant 0 : i32
    return %c0_i32, %arg0, %c0_i32_0 : i32, i32, i32
  }
  func.func @transform_1(%arg0: i32) -> (i32, i32, i32) {
    %c0_i32 = arith.constant 0 : i32
    %c0_i32_0 = arith.constant 0 : i32
    %c0_i32_1 = arith.constant 0 : i32
    return %c0_i32, %arg0, %c0_i32_0 : i32, i32, i32
  }
  func.func @transform_2(%arg0: i32) -> (i32, i32, i32) {
    %c0_i32 = arith.constant 0 : i32
    %c0_i32_0 = arith.constant 0 : i32
    %c0_i32_1 = arith.constant 0 : i32
    return %c0_i32, %arg0, %c0_i32_0 : i32, i32, i32
  }
  func.func @transform_3(%arg0: i32) -> (i32, i32) {
    %c0_i32 = arith.constant 0 : i32
    %c0_i32_0 = arith.constant 0 : i32
    return %arg0, %c0_i32 : i32, i32
  }
  func.func @transform_4(%arg0: i32) -> (i32, i32) {
    %c0_i32 = arith.constant 0 : i32
    %c0_i32_0 = arith.constant 0 : i32
    %c0_i32_1 = arith.constant 0 : i32
    return %c0_i32, %c0_i32_0 : i32, i32
  }
  func.func @transform_5(%arg0: i32) -> (i32, i32) {
    %c0_i32 = arith.constant 0 : i32
    %c0_i32_0 = arith.constant 0 : i32
    return %arg0, %c0_i32 : i32, i32
  }
  func.func @transform_6(%arg0: i32) -> (i32, i32) {
    %c0_i32 = arith.constant 0 : i32
    %c0_i32_0 = arith.constant 0 : i32
    %c0_i32_1 = arith.constant 0 : i32
    return %c0_i32, %c0_i32_0 : i32, i32
  }
  func.func @transform_7(%arg0: i32) -> (i32, i32) {
    %c0_i32 = arith.constant 0 : i32
    %c0_i32_0 = arith.constant 0 : i32
    %c0_i32_1 = arith.constant 0 : i32
    return %c0_i32, %c0_i32_0 : i32, i32
  }
}

module attributes {stable_mosaic.version = 14 : i64} {
  func.func @_bn_relu_body(%arg0: i32, %arg1: memref<2000x128xf32, #tpu.memory_space<vmem>>, %arg2: memref<1x128xf32, #tpu.memory_space<vmem>>, %arg3: memref<1x128xf32, #tpu.memory_space<vmem>>, %arg4: memref<128xf32, #tpu.memory_space<vmem>>, %arg5: memref<128xf32, #tpu.memory_space<vmem>>, %arg6: memref<2000x64xf32, #tpu.memory_space<vmem>>, %arg7: memref<2000x64xf32, #tpu.memory_space<vmem>>) attributes {dimension_semantics = [#tpu.dimension_semantics<arbitrary>], iteration_bounds = array<i64: 5>, scalar_prefetch = 0 : i64, scratch_operands = 0 : i64, tpu.core_type = #tpu.core_type<tc>, window_params = [{transform_indices = @transform_0, window_bounds = array<i64: 2000, 128>}, {pipeline_mode = #tpu.pipeline_mode<synchronous>, transform_indices = @transform_1, window_bounds = array<i64: 1, 128>}, {pipeline_mode = #tpu.pipeline_mode<synchronous>, transform_indices = @transform_2, window_bounds = array<i64: 1, 128>}, {pipeline_mode = #tpu.pipeline_mode<synchronous>, transform_indices = @transform_3, window_bounds = array<i64: 128>}, {pipeline_mode = #tpu.pipeline_mode<synchronous>, transform_indices = @transform_4, window_bounds = array<i64: 128>}, {transform_indices = @transform_5, window_bounds = array<i64: 2000, 64>}, {transform_indices = @transform_6, window_bounds = array<i64: 2000, 64>}]} {
    %get3A = arith.constant 0 : index
    %get3A_0 = arith.constant 0 : index
    %get3A_1 = vector.load %arg2[%get3A, %get3A_0] : memref<1x128xf32, #tpu.memory_space<vmem>>, vector<1x128xf32>
    %div3A = arith.constant 1.000000e+04 : f32
    %div3A_2 = vector.broadcast %div3A : f32 to vector<1x128xf32>
    %div3A_3 = arith.divf %get3A_1, %div3A_2 : vector<1x128xf32>
    %get3A_4 = arith.constant 0 : index
    %get3A_5 = arith.constant 0 : index
    %get3A_6 = vector.load %arg3[%get3A_4, %get3A_5] : memref<1x128xf32, #tpu.memory_space<vmem>>, vector<1x128xf32>
    %div3A_7 = arith.constant 1.000000e+04 : f32
    %div3A_8 = vector.broadcast %div3A_7 : f32 to vector<1x128xf32>
    %div3A_9 = arith.divf %get3A_6, %div3A_8 : vector<1x128xf32>
    %mul3A = arith.mulf %div3A_3, %div3A_3 : vector<1x128xf32>
    %sub3A = arith.subf %div3A_9, %mul3A : vector<1x128xf32>
    %get3A_10 = arith.constant 0 : index
    %get3A_11 = vector.load %arg4[%get3A_10] : memref<128xf32, #tpu.memory_space<vmem>>, vector<128xf32>
    %broadcast_in_dim3A = vector.shape_cast %get3A_11 : vector<128xf32> to vector<1x128xf32>
    %add3A = arith.constant 9.99999974E-6 : f32
    %add3A_12 = vector.broadcast %add3A : f32 to vector<1x128xf32>
    %add3A_13 = arith.addf %sub3A, %add3A_12 : vector<1x128xf32>
    %sqrt3A = math.sqrt %add3A_13 : vector<1x128xf32>
    %div3A_14 = arith.divf %broadcast_in_dim3A, %sqrt3A : vector<1x128xf32>
    %get3A_15 = arith.constant 0 : index
    %get3A_16 = arith.constant 0 : index
    %get3A_17 = vector.load %arg1[%get3A_15, %get3A_16] : memref<2000x128xf32, #tpu.memory_space<vmem>>, vector<2000x128xf32>
    %sub3A_18 = vector.broadcast %div3A_3 : vector<1x128xf32> to vector<2000x128xf32>
    %sub3A_19 = arith.subf %get3A_17, %sub3A_18 : vector<2000x128xf32>
    %mul3A_20 = vector.broadcast %div3A_14 : vector<1x128xf32> to vector<2000x128xf32>
    %mul3A_21 = arith.mulf %sub3A_19, %mul3A_20 : vector<2000x128xf32>
    %get3A_22 = arith.constant 0 : index
    %get3A_23 = vector.load %arg5[%get3A_22] : memref<128xf32, #tpu.memory_space<vmem>>, vector<128xf32>
    %broadcast_in_dim3A_24 = vector.shape_cast %get3A_23 : vector<128xf32> to vector<1x128xf32>
    %add3A_25 = vector.broadcast %broadcast_in_dim3A_24 : vector<1x128xf32> to vector<2000x128xf32>
    %add3A_26 = arith.addf %mul3A_21, %add3A_25 : vector<2000x128xf32>
    %max3A = arith.constant 0.000000e+00 : f32
    %max3A_27 = vector.broadcast %max3A : f32 to vector<2000x128xf32>
    %max3A_28 = arith.maximumf %add3A_26, %max3A_27 : vector<2000x128xf32>
    %slice3A = vector.extract_strided_slice %max3A_28 {offsets = [0, 0], sizes = [2000, 64], strides = [1, 1]} : vector<2000x128xf32> to vector<2000x64xf32>
    %swap3A = arith.constant 0 : index
    %swap3A_29 = arith.constant 0 : index
    %swap3A_30 = vector.load %arg6[%swap3A, %swap3A_29] : memref<2000x64xf32, #tpu.memory_space<vmem>>, vector<2000x64xf32>
    tpu.vector_store %arg6[%swap3A, %swap3A_29], %slice3A {strides = array<i32>} : memref<2000x64xf32, #tpu.memory_space<vmem>>, vector<2000x64xf32>,
    %slice3A_31 = vector.extract_strided_slice %max3A_28 {offsets = [0, 64], sizes = [2000, 64], strides = [1, 1]} : vector<2000x128xf32> to vector<2000x64xf32>
    %swap3A_32 = arith.constant 0 : index
    %swap3A_33 = arith.constant 0 : index
    %swap3A_34 = vector.load %arg7[%swap3A_32, %swap3A_33] : memref<2000x64xf32, #tpu.memory_space<vmem>>, vector<2000x64xf32>
    tpu.vector_store %arg7[%swap3A_32, %swap3A_33], %slice3A_31 {strides = array<i32>} : memref<2000x64xf32, #tpu.memory_space<vmem>>, vector<2000x64xf32>,
    return
  }
  func.func @transform_0(%arg0: i32) -> (i32, i32) {
    %c0_i32 = arith.constant 0 : i32
    %c0_i32_0 = arith.constant 0 : i32
    return %arg0, %c0_i32 : i32, i32
  }
  func.func @transform_1(%arg0: i32) -> (i32, i32) {
    %c0_i32 = arith.constant 0 : i32
    %c0_i32_0 = arith.constant 0 : i32
    %c0_i32_1 = arith.constant 0 : i32
    return %c0_i32, %c0_i32_0 : i32, i32
  }
  func.func @transform_2(%arg0: i32) -> (i32, i32) {
    %c0_i32 = arith.constant 0 : i32
    %c0_i32_0 = arith.constant 0 : i32
    %c0_i32_1 = arith.constant 0 : i32
    return %c0_i32, %c0_i32_0 : i32, i32
  }
  func.func @transform_3(%arg0: i32) -> i32 {
    %c0_i32 = arith.constant 0 : i32
    %c0_i32_0 = arith.constant 0 : i32
    return %c0_i32 : i32
  }
  func.func @transform_4(%arg0: i32) -> i32 {
    %c0_i32 = arith.constant 0 : i32
    %c0_i32_0 = arith.constant 0 : i32
    return %c0_i32 : i32
  }
  func.func @transform_5(%arg0: i32) -> (i32, i32) {
    %c0_i32 = arith.constant 0 : i32
    %c0_i32_0 = arith.constant 0 : i32
    return %arg0, %c0_i32 : i32, i32
  }
  func.func @transform_6(%arg0: i32) -> (i32, i32) {
    %c0_i32 = arith.constant 0 : i32
    %c0_i32_0 = arith.constant 0 : i32
    return %arg0, %c0_i32 : i32, i32
  }
}

module attributes {stable_mosaic.version = 14 : i64} {
  func.func @_lin2_body(%arg0: i32, %arg1: memref<2x2000x64xf32, #tpu.memory_space<vmem>>, %arg2: memref<2x2000x64xf32, #tpu.memory_space<vmem>>, %arg3: memref<2x2000x1xf32, #tpu.memory_space<vmem>>, %arg4: memref<2000x128xf32, #tpu.memory_space<vmem>>, %arg5: memref<128x128xf32, #tpu.memory_space<vmem>>, %arg6: memref<2000x128xf32, #tpu.memory_space<vmem>>) attributes {dimension_semantics = [#tpu.dimension_semantics<arbitrary>], iteration_bounds = array<i64: 5>, scalar_prefetch = 0 : i64, scratch_operands = 0 : i64, tpu.core_type = #tpu.core_type<tc>, window_params = [{transform_indices = @transform_0, window_bounds = array<i64: 2, 2000, 64>}, {transform_indices = @transform_1, window_bounds = array<i64: 2, 2000, 64>}, {transform_indices = @transform_2, window_bounds = array<i64: 2, 2000, 1>}, {transform_indices = @transform_3, window_bounds = array<i64: 2000, 128>}, {pipeline_mode = #tpu.pipeline_mode<synchronous>, transform_indices = @transform_4, window_bounds = array<i64: 128, 128>}, {transform_indices = @transform_5, window_bounds = array<i64: 2000, 128>}]} {
    %get3A = arith.constant 0 : index
    %get3A_0 = arith.constant 0 : index
    %get3A_1 = arith.constant 0 : index
    %get3A_2 = vector.load %arg3[%get3A, %get3A_0, %get3A_1] : memref<2x2000x1xf32, #tpu.memory_space<vmem>>, vector<1x2000x1xf32>
    %get3A_3 = vector.shape_cast %get3A_2 : vector<1x2000x1xf32> to vector<2000x1xf32>
    %get3A_4 = arith.constant 1 : index
    %get3A_5 = arith.constant 0 : index
    %get3A_6 = arith.constant 0 : index
    %get3A_7 = vector.load %arg3[%get3A_4, %get3A_5, %get3A_6] : memref<2x2000x1xf32, #tpu.memory_space<vmem>>, vector<1x2000x1xf32>
    %get3A_8 = vector.shape_cast %get3A_7 : vector<1x2000x1xf32> to vector<2000x1xf32>
    %add3A = arith.addf %get3A_3, %get3A_8 : vector<2000x1xf32>
    %max3A = arith.constant 1.000000e+00 : f32
    %max3A_9 = vector.broadcast %max3A : f32 to vector<2000x1xf32>
    %max3A_10 = arith.maximumf %add3A, %max3A_9 : vector<2000x1xf32>
    %get3A_11 = arith.constant 0 : index
    %get3A_12 = arith.constant 0 : index
    %get3A_13 = arith.constant 0 : index
    %get3A_14 = vector.load %arg1[%get3A_11, %get3A_12, %get3A_13] : memref<2x2000x64xf32, #tpu.memory_space<vmem>>, vector<1x2000x64xf32>
    %get3A_15 = vector.shape_cast %get3A_14 : vector<1x2000x64xf32> to vector<2000x64xf32>
    %get3A_16 = arith.constant 1 : index
    %get3A_17 = arith.constant 0 : index
    %get3A_18 = arith.constant 0 : index
    %get3A_19 = vector.load %arg1[%get3A_16, %get3A_17, %get3A_18] : memref<2x2000x64xf32, #tpu.memory_space<vmem>>, vector<1x2000x64xf32>
    %get3A_20 = vector.shape_cast %get3A_19 : vector<1x2000x64xf32> to vector<2000x64xf32>
    %add3A_21 = arith.addf %get3A_15, %get3A_20 : vector<2000x64xf32>
    %div3A = vector.broadcast %max3A_10 : vector<2000x1xf32> to vector<2000x64xf32>
    %div3A_22 = arith.divf %add3A_21, %div3A : vector<2000x64xf32>
    %get3A_23 = arith.constant 0 : index
    %get3A_24 = arith.constant 0 : index
    %get3A_25 = arith.constant 0 : index
    %get3A_26 = vector.load %arg2[%get3A_23, %get3A_24, %get3A_25] : memref<2x2000x64xf32, #tpu.memory_space<vmem>>, vector<1x2000x64xf32>
    %get3A_27 = vector.shape_cast %get3A_26 : vector<1x2000x64xf32> to vector<2000x64xf32>
    %get3A_28 = arith.constant 1 : index
    %get3A_29 = arith.constant 0 : index
    %get3A_30 = arith.constant 0 : index
    %get3A_31 = vector.load %arg2[%get3A_28, %get3A_29, %get3A_30] : memref<2x2000x64xf32, #tpu.memory_space<vmem>>, vector<1x2000x64xf32>
    %get3A_32 = vector.shape_cast %get3A_31 : vector<1x2000x64xf32> to vector<2000x64xf32>
    %add3A_33 = arith.addf %get3A_27, %get3A_32 : vector<2000x64xf32>
    %div3A_34 = vector.broadcast %max3A_10 : vector<2000x1xf32> to vector<2000x64xf32>
    %div3A_35 = arith.divf %add3A_33, %div3A_34 : vector<2000x64xf32>
    %get3A_36 = arith.constant 0 : index
    %get3A_37 = arith.constant 0 : index
    %get3A_38 = vector.load %arg5[%get3A_36, %get3A_37] : memref<128x128xf32, #tpu.memory_space<vmem>>, vector<128x64xf32>
    %dot_general3A = arith.constant dense<0.000000e+00> : vector<2000x128xf32>
    %dot_general3A_39 = tpu.matmul %div3A_22, %get3A_38, %dot_general3A {dimension_numbers = #tpu.dot_dimension_numbers<[1], [1], [0], [0], [0, 0, 1, 0], [], []>, transpose_lhs_hint = false} : vector<2000x64xf32>, vector<128x64xf32>, vector<2000x128xf32> -> vector<2000x128xf32>
    %get3A_40 = arith.constant 0 : index
    %get3A_41 = arith.constant 64 : index
    %get3A_42 = vector.load %arg5[%get3A_40, %get3A_41] : memref<128x128xf32, #tpu.memory_space<vmem>>, vector<128x64xf32>
    %dot_general3A_43 = arith.constant dense<0.000000e+00> : vector<2000x128xf32>
    %dot_general3A_44 = tpu.matmul %div3A_35, %get3A_42, %dot_general3A_43 {dimension_numbers = #tpu.dot_dimension_numbers<[1], [1], [0], [0], [0, 0, 1, 0], [], []>, transpose_lhs_hint = false} : vector<2000x64xf32>, vector<128x64xf32>, vector<2000x128xf32> -> vector<2000x128xf32>
    %add3A_45 = arith.addf %dot_general3A_39, %dot_general3A_44 : vector<2000x128xf32>
    %get3A_46 = arith.constant 0 : index
    %get3A_47 = arith.constant 0 : index
    %get3A_48 = vector.load %arg4[%get3A_46, %get3A_47] : memref<2000x128xf32, #tpu.memory_space<vmem>>, vector<2000x128xf32>
    %add3A_49 = arith.addf %add3A_45, %get3A_48 : vector<2000x128xf32>
    %swap3A = arith.constant 0 : index
    %swap3A_50 = arith.constant 0 : index
    %swap3A_51 = vector.load %arg6[%swap3A, %swap3A_50] : memref<2000x128xf32, #tpu.memory_space<vmem>>, vector<2000x128xf32>
    tpu.vector_store %arg6[%swap3A, %swap3A_50], %add3A_49 {strides = array<i32>} : memref<2000x128xf32, #tpu.memory_space<vmem>>, vector<2000x128xf32>,
    return
  }
  func.func @transform_0(%arg0: i32) -> (i32, i32, i32) {
    %c0_i32 = arith.constant 0 : i32
    %c0_i32_0 = arith.constant 0 : i32
    %c0_i32_1 = arith.constant 0 : i32
    return %c0_i32, %arg0, %c0_i32_0 : i32, i32, i32
  }
  func.func @transform_1(%arg0: i32) -> (i32, i32, i32) {
    %c0_i32 = arith.constant 0 : i32
    %c0_i32_0 = arith.constant 0 : i32
    %c0_i32_1 = arith.constant 0 : i32
    return %c0_i32, %arg0, %c0_i32_0 : i32, i32, i32
  }
  func.func @transform_2(%arg0: i32) -> (i32, i32, i32) {
    %c0_i32 = arith.constant 0 : i32
    %c0_i32_0 = arith.constant 0 : i32
    %c0_i32_1 = arith.constant 0 : i32
    return %c0_i32, %arg0, %c0_i32_0 : i32, i32, i32
  }
  func.func @transform_3(%arg0: i32) -> (i32, i32) {
    %c0_i32 = arith.constant 0 : i32
    %c0_i32_0 = arith.constant 0 : i32
    return %arg0, %c0_i32 : i32, i32
  }
  func.func @transform_4(%arg0: i32) -> (i32, i32) {
    %c0_i32 = arith.constant 0 : i32
    %c0_i32_0 = arith.constant 0 : i32
    %c0_i32_1 = arith.constant 0 : i32
    return %c0_i32, %c0_i32_0 : i32, i32
  }
  func.func @transform_5(%arg0: i32) -> (i32, i32) {
    %c0_i32 = arith.constant 0 : i32
    %c0_i32_0 = arith.constant 0 : i32
    return %arg0, %c0_i32 : i32, i32
  }
}

</mosaic_0001>

<sc_bundles>
// kernel: kernel.12.cloned.1.call-start
scs
__scs_entry_jumppad:
0x0: {  	(pc) =	sbr.rel $0x88, $3  }
0x1: {  	(tag) =	ssettag $0x0;
	lr =	simm.s32 $0x1  }
0x2: {  	[smem:$0x3F97] =	sst lr;
	_ =	strace $0xD0000000  }
0x3: {  	_ = 	snop  }
0x4: {  	_ = 	snop  }
0x5: {  	_ = 	snop  }
0x6: {  	_ = 	snop  }
0x7: {  	_ = 	snop  }
__scs_overlays_trampoline_lowered:
0x8: {  	[smem:$0x3FA6] =	sst s0  }
0x9: {  	[smem:$0x3FA7] =	sst s1  }
0xa: {  	[smem:$0x3FA8] =	sst s2  }
0xb: {  	[smem:$0x3FA9] =	sst s3  }
0xc: {  	[smem:$0x3FAA] =	sst s4  }
0xd: {  	[smem:$0x3FAB] =	sst s5  }
0xe: {  	[smem:$0x3FAC] =	sst s6  }
0xf: {  	[smem:$0x3FAD] =	sst s7  }
0x10: {  	[smem:$0x3FAE] =	sst s8  }
0x11: {  	[smem:$0x3FAF] =	sst s9;
	s0 =	simm.s32 @!p0 $0x0  }
0x12: {  	s1 =	sld [smem:$0x3F95];
	s0 =	simm.s32 @p0 $0x1  }
0x13: {  	[smem:$0x3FB0] =	sst s0;
	s0 =	simm.s32 @!p1 $0x0  }
0x14: {  	s2 =	sld [smem:$0x3F94];
	s0 =	simm.s32 @p1 $0x1  }
0x15: {  	[smem:$0x3FB1] =	sst s0;
	s0 =	simm.s32 @!p2 $0x0  }
0x16: {  	s3 =	sld [smem:$0x3FDB];
	s0 =	simm.s32 @p2 $0x1  }
0x17: {  	s4 =	simm.s32 $0x1BF5;
	[smem:$0x3FB3] =	sst s0  }
0x18: {  	s0 =	sld [smem:$0x3F96];
	_ =	swait.ge [sflag:s4], $0x0  }
0x19: {  	s7 =	sld [smem:$0x3F97]  }
0x1a: {  	s8 =	sadd.s32 $0xFFFFE003, lr  }
0x1b: {  	s9 =	sadd.s32 $0xFFFFFEF7, lr;
	s5 =	simm.s32 $0xFFFFFFFF;
	p2 =	slt.u32 s8, $0xFFFFF086  }
0x1c: {  	p1 =	slt.u32 s9, $0xF7A;
	s5 =	simm.s32 @!p2 $0x0  }
0x1d: {  	s5 =	simm.s32 @p1 $0x1;
	p0 =	seq.s32 s7, s2  }
0x1e: {  	s7 =	smul.u32 @!p0 $0xF7A, s2;
	p2 =	seq.s32 @!p0 s5, $0x0  }
0x1f: {  	s9 =	smul.u32 $0xF7A, s1;
	s8 =	simm.s32 @!p0 $0x1BF5;
	p2 =	por !p2, p0  }
0x20: {  	[sflag:s8] =	ssyncset.s32 @!p0 $0xFFFFF086;
	s6 =	sadd.s32 @!p0 s3, s7;
	s7 =	simm.s32 @!p0 $0x108  }
0x21: {  	s3 =	sadd.s32 s3, s9;
	s6 =	sadd.s32 @!p0 $0x88, s6;
	s7 =	simm.s32 @p2 $0x1082  }
0x22: {  	[simem:s7], [sflag:s8] =	dma.local @!p0 [hbm:s6], $0xF7A  }
0x23: {  	s9 =	sor.u32 $0xD0000000, s2;
	s6 =	simm.s32 $0x108;
	_ =	swait.ge @!p0 [sflag:s8], $0x0  }
0x24: {  	s3 =	sadd.s32 $0x88, s3;
	s6 =	simm.s32 @!p1 $0x1082;
	[sflag:s4] =	ssyncset.s32 $0xFFFFF086  }
0x25: {  	[simem:s6], [sflag:s4] =	dma.local [hbm:s3], $0xF7A  }
0x26: {  	[smem:$0x3F97] =	sst s1;
	(tag) =	ssettag s2;
	_ =	strace s9  }
0x27: {  	s1 =	sld [smem:$0x3FA7]  }
0x28: {  	s2 =	sld [smem:$0x3FA8]  }
0x29: {  	s4 =	sld [smem:$0x3FAA]  }
0x2a: {  	p0 =	seq.s32 s5, $0x0;
	s5 =	sld [smem:$0x3FAB]  }
0x2b: {  	s6 =	sld [smem:$0x3FAC]  }
0x2c: {  	s7 =	sld [smem:$0x3FAD]  }
0x2d: {  	s3 =	simm.s32 $0x108;
	s8 =	sld [smem:$0x3FAE]  }
0x2e: {  	s3 =	simm.s32 @!p0 $0x1082;
	s9 =	sld [smem:$0x3FAF]  }
0x2f: {  	lr =	sadd.s32 s0, s3;
	s0 =	sld [smem:$0x3FA6]  }
0x30: {  	s3 =	sld [smem:$0x3FA9]  }
0x31: {  	[smem:$0x3FB2] =	sst s10  }
0x32: {  	s10 =	sld [smem:$0x3FB0];
	_ =	sdelay $0x3  }
0x33: {  	p0 =	seq.s32 s10, $0x1;
	s10 =	sld [smem:$0x3FB2];
	_ =	sdelay $0x3  }
0x34: {  	[smem:$0x3FB2] =	sst s10  }
0x35: {  	s10 =	sld [smem:$0x3FB1];
	_ =	sdelay $0x3  }
0x36: {  	p1 =	seq.s32 s10, $0x1;
	s10 =	sld [smem:$0x3FB2];
	_ =	sdelay $0x3  }
0x37: {  	[smem:$0x3FB2] =	sst s10  }
0x38: {  	s10 =	sld [smem:$0x3FB3]  }
0x39: {  	_ = 	snop;
	(pc) =	sbr.ind lr, $3  }
0x3a: {  	_ = 	snop  }
0x3b: {  	_ = 	snop  }
0x3c: {  	p2 =	seq.s32 s10, $0x1;
	s10 =	sld [smem:$0x3FB2]  }
0x3d: {  	_ =	shalt  }
0x3e: {  	_ =	shalt  }
0x3f: {  	_ =	shalt  }
0x40: {  	_ =	shalt  }
0x41: {  	_ =	shalt  }
0x42: {  	_ =	shalt  }
0x43: {  	_ =	shalt  }
0x44: {  	_ =	shalt  }
0x45: {  	_ =	shalt  }
0x46: {  	_ =	shalt  }
0x47: {  	_ =	shalt  }
0x48: {  	_ =	shalt  }
0x49: {  	_ =	shalt  }
0x4a: {  	_ =	shalt  }
0x4b: {  	_ =	shalt  }
0x4c: {  	_ =	shalt  }
0x4d: {  	_ =	shalt  }
0x4e: {  	_ =	shalt  }
0x4f: {  	_ =	shalt  }
0x50: {  	_ =	shalt  }
0x51: {  	_ =	shalt  }
0x52: {  	_ =	shalt  }
0x53: {  	_ =	shalt  }
0x54: {  	_ =	shalt  }
0x55: {  	_ =	shalt  }
0x56: {  	_ =	shalt  }
0x57: {  	_ =	shalt  }
0x58: {  	_ =	shalt  }
0x59: {  	_ =	shalt  }
0x5a: {  	_ =	shalt  }
0x5b: {  	_ =	shalt  }
0x5c: {  	_ =	shalt  }
0x5d: {  	_ =	shalt  }
0x5e: {  	_ =	shalt  }
0x5f: {  	_ =	shalt  }
0x60: {  	_ =	shalt  }
0x61: {  	_ =	shalt  }
0x62: {  	_ =	shalt  }
0x63: {  	_ =	shalt  }
0x64: {  	_ =	shalt  }
0x65: {  	_ =	shalt  }
0x66: {  	_ =	shalt  }
0x67: {  	_ =	shalt  }
0x68: {  	_ =	shalt  }
0x69: {  	_ =	shalt  }
0x6a: {  	_ =	shalt  }
0x6b: {  	_ =	shalt  }
0x6c: {  	_ =	shalt  }
0x6d: {  	_ =	shalt  }
0x6e: {  	_ =	shalt  }
0x6f: {  	_ =	shalt  }
0x70: {  	_ =	shalt  }
0x71: {  	_ =	shalt  }
0x72: {  	_ =	shalt  }
0x73: {  	_ =	shalt  }
0x74: {  	_ =	shalt  }
0x75: {  	_ =	shalt  }
0x76: {  	_ =	shalt  }
0x77: {  	_ =	shalt  }
0x78: {  	_ =	shalt  }
0x79: {  	_ =	shalt  }
0x7a: {  	_ =	shalt  }
0x7b: {  	_ =	shalt  }
0x7c: {  	_ =	shalt  }
0x7d: {  	_ =	shalt  }
0x7e: {  	_ =	shalt  }
0x7f: {  	_ =	shalt  }
0x80: {  	_ =	shalt  }
0x81: {  	_ =	shalt  }
0x82: {  	_ =	shalt  }
0x83: {  	_ =	shalt  }
0x84: {  	_ =	shalt  }
0x85: {  	_ =	shalt  }
0x86: {  	_ =	shalt  }
0x87: {  	_ =	shalt  }
.Lfunc_end0:
.L_simem_size_0:
called_computation.1_lowered:
.L_overlay_start_0:
0x88: {  	s2 =	sld [smem:$0x3FD9]  }
0x89: {  	s3 =	sld [smem:$0x3FFE];
	_ =	sdelay $0x1  }
0x8a: {  	s1 =	srdreg.scid  }
0x8b: {  	s0 =	sand.u32 $0x1, s1  }
0x8c: {  	s17 =	sshll.u32 s0, $0xA;
	s2 =	sadd.s32 s3, s2  }
0x8d: {  	s2 =	sadd.s32 s2, s17  }
0x8e: {  	[smem:$0x3FBE] =	sst s2  }
0x8f: {  	_ = 	snop  }
0x90: {  	s2 =	sld [smem:$0x3FD0];
	(tm) =	ssettm $0x1  }
0x91: {  	s18 =	sld [smem:$0x3FFB];
	_ =	sdelay $0x3  }
0x92: {  	_ =	strace s18  }
0x93: {  	s3 =	sld [smem:$0x3FFC];
	_ =	sdelay $0x3  }
0x94: {  	_ =	strace s3  }
0x95: {  	s3 =	sld [smem:$0x3FFD];
	_ =	sdelay $0x3  }
0x96: {  	_ =	strace s3  }
0x97: {  	_ =	strace $0x8FFFFFFF  }
0x98: {  	s19 =	sld [smem:$0x3FDB];
	_ =	sdelay $0x1  }
0x99: {  	s4 =	simm.s32 $_scs_section_size  }
0x9a: {  	s5 =	simm.s32 $_size__tile_overlayer_lowered;
	s6 =	simm.s32 $_tile_overlayer_lowered  }
0x9b: {  	s22 =	simm.s32 $0x1BFF;
	s21 =	sshll.u32 s6, $0x1;
	s3 =	sadd.s32 s4, s19  }
0x9c: {  	s7 =	simm.s32 $0x0;
	s20 =	sshll.u32 s5, $0x1;
	s5 =	sadd.s32 s21, s3  }
0x9d: {  	[timem:s7], [sflag:s22] =	dma.local [hbm:s5], s20  }
0x9e: {  	_ =	swait.ge [sflag:s22], s20  }
0x9f: {  	s4 =	ssub.s32 $0x0, s20;
	[sflag:s22] =	ssyncset.done $0x0  }
0xa0: {  	[sflag:s22] =	ssyncadd.s32 s4;
	_ =	sdelay $0x1  }
0xa1: {  	s23 =	simm.s32 $0x1B8B  }
0xa2: {  	_ =	swait.ge [sflag:s23], $0x1  }
0xa3: {  	[sflag:s23] =	ssyncset.done $0x0  }
0xa4: {  	s25 =	simm.s32 $0x1B8E;
	s24 =	sld [smem:$0x3FFE];
	[sflag:s23] =	ssyncadd.s32 $0xFFFFFFFF  }
0xa5: {  	s26 =	simm.s32 $execute0_lowered;
	[smem:$0x3FD2] =	sst s25  }
0xa6: {  	s5 =	sshll.u32 s26, $0x1;
	_ =	strace $0x80000049;
	[dreg:$0x1] =	wrdreg $0xFFFFFFFF  }
0xa7: {  	s28 =	simm.s32 $_size_execute0_lowered;
	s3 =	sadd.s32 s3, s5;
	[dreg:$0x0] =	wrdreg $0x0  }
0xa8: {  	s5 =	sshll.u32 s28, $0x1;
	[dreg:$0x2] =	wrdreg s3  }
0xa9: {  	[dreg:$0x3] =	wrdreg s5  }
0xaa: {  	[dreg:$0x4] =	wrdreg $0xC0  }
0xab: {  	_ =	task [dreg:s7], $0x5FFFF  }
0xac: {  	[dreg:$0x1] =	wrdreg $0xFFFFFFFF  }
0xad: {  	[dreg:$0x0] =	wrdreg $0x60  }
0xae: {  	[dreg:$0x2] =	wrdreg s24  }
0xaf: {  	[dreg:$0x3] =	wrdreg s2  }
0xb0: {  	[dreg:$0x4] =	wrdreg $0x96800  }
0xb1: {  	[dreg:$0x5] =	wrdreg $0x9  }
0xb2: {  	_ =	task.clear_ibuf [dreg:s7], $0x6FFFF;
	_ =	strace $0x90000049  }
0xb3: {  	s29 =	simm.s32 $0x9;
	_ =	strace $0x8000004B  }
0xb4: {  	_ =	swait.ge [sflag:s29], $0x1  }
0xb5: {  	[sflag:s29] =	ssyncadd.s32 $0xFFFFFFFF  }
0xb6: {  	_ =	strace $0x9000004B  }
0xb7: {  	_ =	sfence  }
0xb8: {  	s30 =	sld [smem:$0x0];
	_ =	sdelay $0x2  }
0xb9: {  	s31 =	sshll.u32 s1, $0xD;
	s1 =	sshrl.u32 s1, $0x2  }
0xba: {  	s3 =	sand.u32 $0x4000, s31;
	s1 =	sadd.s32 s1, s30  }
0xbb: {  	s0 =	sor.u32 s3, s0;
	s1 =	sshll.u32 s1, $0x11  }
0xbc: {  	s0 =	sor.u32 s1, s0  }
0xbd: {  	s0 =	sadd.s32 $0x8F2B, s0  }
0xbe: {  	[sflag:s0] =	ssyncadd.remote.s32 $0x1  }
0xbf: {  	_ =	sfence.sel $0xFFFF  }
0xc0: {  	[dreg:$0x0] =	wrdreg $0xFFFFFFFF;
	(pc) =	sbr.abs _section_cstart, $3  }
0xc1: {  	[dreg:$0x1] =	wrdreg $0xFFFFFFFF  }
0xc2: {  	_ =	task.clear_ibuf [dreg:s7], $0x2FFFF;
	_ =	strace $0x9FFFFFFF  }
0xc3: {  	(tm) =	ssettm $0x7FFFFFFF  }
tec
execute0_lowered:
.L_overlay_start_1:
0x0: {  	(tag) =	ssettag $0x1  }
0x1: {  	s0 =	rddreg [dreg:$0x0]  }
0x2: {  	s1 =	rddreg [dreg:$0x1];
	s3 =	srdreg.scid  }
0x3: {  	s11 =	stileid.u32;
	s2 =	rddreg [dreg:$0x2];
	s28 =	simm.s32 $0x7D  }
0x4: {  	s29 =	simm.s32 $0x5000;
	s30 =	simm.s32 $0x6F40;
	s7 =	smul.u32 $0xA000, s11  }
0x5: {  	s31 =	simm.s32 $0x1;
	s6 =	sand.u32 $0x1, s3;
	s10 =	smul.u32 $0x28000, s11  }
0x6: {  	s3 =	simm.s32 $0x0;
	s4 =	sadd.s32 $0x52A00, s0;
	s5 =	smul.u32 $0xA0000, s6  }
0x7: {  	s20 =	sshll.u32 s11, $0x1;
	[smem:$0x7FF] =	sst s3;
	s9 =	ssub.s32 $0x2, s6  }
0x8: {  	_ =	strace $0x8000004A;
	s10 =	sshrl.u32 s10, $0x2;
	s5 =	sadd.s32 s7, s5  }
0x9: {  	s19 =	sshrl.u32 s9, $0x1;
	s21 =	sadd.s32 s10, s2;
	s8 =	sshrl.u32 s5, $0x3  }
0xa: {  	s5 =	sadd.s32 $0x66400, s0;
	s11 =	sadd.s32 $0x800, s21;
	s12 =	sadd.s32 $0x1000, s21  }
0xb: {  	s10 =	sadd.s32 $0x1800, s21;
	s22 =	sadd.s32 $0x2000, s21;
	s23 =	sadd.s32 $0x2800, s21  }
0xc: {  	s24 =	sadd.s32 $0x3000, s21;
	s25 =	sadd.s32 $0x3800, s21;
	[dreg:$0x4] =	wrdreg s10  }
0xd: {  	s26 =	sadd.s32 $0x4000, s21;
	s15 =	sadd.s32 $0x4800, s21;
	[dreg:$0x5] =	wrdreg s22  }
0xe: {  	s16 =	sadd.s32 $0x5000, s21;
	s17 =	sadd.s32 $0x5800, s21;
	[dreg:$0x6] =	wrdreg s23  }
0xf: {  	s18 =	sadd.s32 $0x6000, s21;
	s0 =	sadd.s32 s8, s0;
	[dreg:$0x7] =	wrdreg s24  }
0x10: {  	s8 =	ssub.s32 s9, s19;
	s9 =	sor.u32 s6, s20;
	[dreg:$0x8] =	wrdreg s25  }
0x11: {  	s6 =	sadd.s32 s7, s2;
	[dreg:$0x9] =	wrdreg s26;
	s19 =	sadd.s32 $0x6800, s21  }
0x12: {  	s20 =	sadd.s32 $0x7000, s21;
	s22 =	sadd.s32 $0x7800, s21;
	s23 =	sadd.s32 $0x8000, s21  }
0x13: {  	s24 =	sadd.s32 $0x8800, s21;
	s9 =	smul.u32 $0x2800, s9;
	s13 =	sadd.s32 $0xA1E00, s0  }
0x14: {  	s25 =	sadd.s32 $0x9000, s21;
	s0 =	sadd.s32 $0x79E00, s0;
	[dreg:$0xb] =	wrdreg s13  }
0x15: {  	s14 =	smax.u32 s8, $0x1;
	[dreg:$0xc] =	wrdreg s0;
	s9 =	sshrl.u32 s9, $0x3  }
0x16: {  	s26 =	sadd.s32 $0x9800, s21;
	[dreg:$0xd] =	wrdreg s14;
	s1 =	sadd.s32 s1, s9  }
0x17: {  	s0 =	simm.s32 $0x3;
	[dreg:$0xa] =	wrdreg s1;
	s21 =	sadd.s32 $0xA000, s1  }
0x18: {  	v0 =	vimm.f32 $0.0e+00;
	s1 =	simm.s32 $0x8E80;
	[dreg:$0xe] =	wrdreg s21;
	s21 =	simm.s32 $0x2  }
.LBB2_1:
0x19: {  	s8 =	simm.s32 $0x100;
	s7 =	simm.s32 $0x0  }
.LBB2_2:
0x1a: {  	p0 =	sne.s32 s8, $0x1F00;
	[tilespmem:s7+$0x8EB0] =	vst v0;
	s9 =	smov.u32 s8;
	s8 =	sadd.s32 $0x100, s8  }
.Ltmp0:
0x1b: {  	[tilespmem:s7+$0x8EA0] =	vst v0;
	(pc) =	sbr.rel @p0 .LBB2_2-.Ltmp0, $3  }
0x1c: {  	[tilespmem:s7+$0x8E80] =	vst v0  }
0x1d: {  	[tilespmem:s7+$0x8E90] =	vst v0;
	_ =	sdelay $0x1  }
0x1e: {  	s7 =	sshra.s32 s9, $0x2  }
0x1f: {  	[tilespmem:s7+$0x8EB0] =	vst v0  }
0x20: {  	[tilespmem:s7+$0x8EA0] =	vst v0  }
0x21: {  	[tilespmem:s7+$0x8E80] =	vst v0  }
0x22: {  	[tilespmem:s7+$0x8E90] =	vst v0  }
0x23: {  	[spmem:s6] =	stream.linear.scatter [tilespmem:s1], [sflag:$0x3], $0x800, $0x38;
	[tilespmem:$0x13680] =	vst v63  }
0x24: {  	_ =	swait.ge [sflag:s0], $0x800  }
0x25: {  	[sflag:s0] =	ssyncset.done $0x0  }
0x26: {  	[sflag:s0] =	ssyncadd.s32 $0xFFFFF800  }
0x27: {  	[spmem:s11] =	stream.linear.scatter [tilespmem:s1], [sflag:$0x3], $0x800, $0x38;
	[tilespmem:$0x13680] =	vst v63  }
0x28: {  	_ =	swait.ge [sflag:s0], $0x800  }
0x29: {  	[sflag:s0] =	ssyncset.done $0x0  }
0x2a: {  	[sflag:s0] =	ssyncadd.s32 $0xFFFFF800  }
0x2b: {  	[spmem:s12] =	stream.linear.scatter [tilespmem:s1], [sflag:$0x3], $0x800, $0x38;
	[tilespmem:$0x13680] =	vst v63  }
0x2c: {  	_ =	swait.ge [sflag:s0], $0x800  }
0x2d: {  	[sflag:s0] =	ssyncset.done $0x0  }
0x2e: {  	s10 =	rddreg [dreg:$0x4];
	[sflag:s0] =	ssyncadd.s32 $0xFFFFF800  }
0x2f: {  	[spmem:s10] =	stream.linear.scatter [tilespmem:s1], [sflag:$0x3], $0x800, $0x38;
	[tilespmem:$0x13680] =	vst v63  }
0x30: {  	_ =	swait.ge [sflag:s0], $0x800  }
0x31: {  	[sflag:s0] =	ssyncset.done $0x0  }
0x32: {  	s13 =	rddreg [dreg:$0x5];
	[sflag:s0] =	ssyncadd.s32 $0xFFFFF800  }
0x33: {  	[spmem:s13] =	stream.linear.scatter [tilespmem:s1], [sflag:$0x3], $0x800, $0x38;
	[tilespmem:$0x13680] =	vst v63  }
0x34: {  	_ =	swait.ge [sflag:s0], $0x800  }
0x35: {  	[sflag:s0] =	ssyncset.done $0x0  }
0x36: {  	s14 =	rddreg [dreg:$0x6];
	[sflag:s0] =	ssyncadd.s32 $0xFFFFF800  }
0x37: {  	[spmem:s14] =	stream.linear.scatter [tilespmem:s1], [sflag:$0x3], $0x800, $0x38;
	[tilespmem:$0x13680] =	vst v63  }
0x38: {  	_ =	swait.ge [sflag:s0], $0x800  }
0x39: {  	[sflag:s0] =	ssyncset.done $0x0  }
0x3a: {  	s8 =	rddreg [dreg:$0x7];
	[sflag:s0] =	ssyncadd.s32 $0xFFFFF800  }
0x3b: {  	[spmem:s8] =	stream.linear.scatter [tilespmem:s1], [sflag:$0x3], $0x800, $0x38;
	[tilespmem:$0x13680] =	vst v63  }
0x3c: {  	_ =	swait.ge [sflag:s0], $0x800  }
0x3d: {  	[sflag:s0] =	ssyncset.done $0x0  }
0x3e: {  	s9 =	rddreg [dreg:$0x8];
	[sflag:s0] =	ssyncadd.s32 $0xFFFFF800  }
0x3f: {  	[spmem:s9] =	stream.linear.scatter [tilespmem:s1], [sflag:$0x3], $0x800, $0x38;
	[tilespmem:$0x13680] =	vst v63  }
0x40: {  	_ =	swait.ge [sflag:s0], $0x800  }
0x41: {  	[sflag:s0] =	ssyncset.done $0x0  }
0x42: {  	s10 =	rddreg [dreg:$0x9];
	[sflag:s0] =	ssyncadd.s32 $0xFFFFF800  }
0x43: {  	[spmem:s10] =	stream.linear.scatter [tilespmem:s1], [sflag:$0x3], $0x800, $0x38;
	[tilespmem:$0x13680] =	vst v63  }
0x44: {  	_ =	swait.ge [sflag:s0], $0x800  }
0x45: {  	[sflag:s0] =	ssyncset.done $0x0  }
0x46: {  	[sflag:s0] =	ssyncadd.s32 $0xFFFFF800  }
0x47: {  	[spmem:s15] =	stream.linear.scatter [tilespmem:s1], [sflag:$0x3], $0x800, $0x38;
	[tilespmem:$0x13680] =	vst v63  }
0x48: {  	_ =	swait.ge [sflag:s0], $0x800  }
0x49: {  	[sflag:s0] =	ssyncset.done $0x0  }
0x4a: {  	[sflag:s0] =	ssyncadd.s32 $0xFFFFF800  }
0x4b: {  	[spmem:s16] =	stream.linear.scatter [tilespmem:s1], [sflag:$0x3], $0x800, $0x38;
	[tilespmem:$0x13680] =	vst v63  }
0x4c: {  	_ =	swait.ge [sflag:s0], $0x800  }
0x4d: {  	[sflag:s0] =	ssyncset.done $0x0  }
0x4e: {  	[sflag:s0] =	ssyncadd.s32 $0xFFFFF800  }
0x4f: {  	[spmem:s17] =	stream.linear.scatter [tilespmem:s1], [sflag:$0x3], $0x800, $0x38;
	[tilespmem:$0x13680] =	vst v63  }
0x50: {  	_ =	swait.ge [sflag:s0], $0x800  }
0x51: {  	[sflag:s0] =	ssyncset.done $0x0  }
0x52: {  	[sflag:s0] =	ssyncadd.s32 $0xFFFFF800  }
0x53: {  	[spmem:s18] =	stream.linear.scatter [tilespmem:s1], [sflag:$0x3], $0x800, $0x38;
	[tilespmem:$0x13680] =	vst v63  }
0x54: {  	_ =	swait.ge [sflag:s0], $0x800  }
0x55: {  	[sflag:s0] =	ssyncset.done $0x0  }
0x56: {  	[sflag:s0] =	ssyncadd.s32 $0xFFFFF800  }
0x57: {  	[spmem:s19] =	stream.linear.scatter [tilespmem:s1], [sflag:$0x3], $0x800, $0x38;
	[tilespmem:$0x13680] =	vst v63  }
0x58: {  	_ =	swait.ge [sflag:s0], $0x800  }
0x59: {  	[sflag:s0] =	ssyncset.done $0x0  }
0x5a: {  	[sflag:s0] =	ssyncadd.s32 $0xFFFFF800  }
0x5b: {  	[spmem:s20] =	stream.linear.scatter [tilespmem:s1], [sflag:$0x3], $0x800, $0x38;
	[tilespmem:$0x13680] =	vst v63  }
0x5c: {  	_ =	swait.ge [sflag:s0], $0x800  }
0x5d: {  	[sflag:s0] =	ssyncset.done $0x0  }
0x5e: {  	[sflag:s0] =	ssyncadd.s32 $0xFFFFF800  }
0x5f: {  	[spmem:s22] =	stream.linear.scatter [tilespmem:s1], [sflag:$0x3], $0x800, $0x38;
	[tilespmem:$0x13680] =	vst v63  }
0x60: {  	_ =	swait.ge [sflag:s0], $0x800  }
0x61: {  	[sflag:s0] =	ssyncset.done $0x0  }
0x62: {  	[sflag:s0] =	ssyncadd.s32 $0xFFFFF800  }
0x63: {  	[spmem:s23] =	stream.linear.scatter [tilespmem:s1], [sflag:$0x3], $0x800, $0x38;
	[tilespmem:$0x13680] =	vst v63  }
0x64: {  	_ =	swait.ge [sflag:s0], $0x800  }
0x65: {  	[sflag:s0] =	ssyncset.done $0x0  }
0x66: {  	[sflag:s0] =	ssyncadd.s32 $0xFFFFF800  }
0x67: {  	[spmem:s24] =	stream.linear.scatter [tilespmem:s1], [sflag:$0x3], $0x800, $0x38;
	[tilespmem:$0x13680] =	vst v63  }
0x68: {  	_ =	swait.ge [sflag:s0], $0x800  }
0x69: {  	[sflag:s0] =	ssyncset.done $0x0  }
0x6a: {  	[sflag:s0] =	ssyncadd.s32 $0xFFFFF800  }
0x6b: {  	[spmem:s25] =	stream.linear.scatter [tilespmem:s1], [sflag:$0x3], $0x800, $0x38;
	[tilespmem:$0x13680] =	vst v63  }
0x6c: {  	_ =	swait.ge [sflag:s0], $0x800  }
0x6d: {  	[sflag:s0] =	ssyncset.done $0x0  }
0x6e: {  	[sflag:s0] =	ssyncadd.s32 $0xFFFFF800  }
0x6f: {  	[spmem:s26] =	stream.linear.scatter [tilespmem:s1], [sflag:$0x3], $0x800, $0x38;
	[tilespmem:$0x13680] =	vst v63  }
0x70: {  	_ =	swait.ge [sflag:s0], $0x800  }
0x71: {  	[sflag:s0] =	ssyncset.done $0x0  }
0x72: {  	s9 =	simm.s32 $0x0;
	s13 =	rddreg [dreg:$0xa];
	[sflag:s0] =	ssyncadd.s32 $0xFFFFF800  }
0x73: {  	[tilespmem:s9], [sflag:$0x3] =	stream.linear.gather [hbm4b:s13+s9], $0x2800, $0x38;
	[tilespmem:$0x13680] =	vst v63  }
0x74: {  	_ =	swait.ge [sflag:s0], $0x2800  }
0x75: {  	[sflag:s0] =	ssyncset.done $0x0  }
0x76: {  	s7 =	simm.s32 $0x2800;
	s8 =	rddreg [dreg:$0xe];
	[sflag:s0] =	ssyncadd.s32 $0xFFFFD800  }
0x77: {  	[tilespmem:s7], [sflag:$0x3] =	stream.linear.gather [hbm4b:s8+s9], $0x2800, $0x38;
	[tilespmem:$0x13680] =	vst v63  }
0x78: {  	_ =	swait.ge [sflag:s0], $0x2800  }
0x79: {  	[sflag:s0] =	ssyncset.done $0x0  }
0x7a: {  	[sflag:s0] =	ssyncadd.s32 $0xFFFFD800  }
0x7b: {  	[bflag:$0x0] =	sbarrier.arrive $0xFFFF  }
0x7c: {  	[tilespmem:s29], [sflag:$0x1] =	stream.indirect.gather [hbm4b:s4+s28], $0x40, s9, s28, $0xb8;
	[tilespmem:$0x13680] =	vst v63  }
0x7d: {  	s8 =	simm.s32 $0x80  }
0x7e: {  	[tilespmem:s30], [sflag:$0x2] =	stream.indirect.gather [hbm4b:s4+s28], $0x40, s8, s28, $0xb8;
	[tilespmem:$0x13680] =	vst v63  }
0x7f: {  	_ =	swait.ge [sflag:s31], $0x1F40  }
0x80: {  	[sflag:s31] =	ssyncset.done $0x0  }
0x81: {  	[sflag:s31] =	ssyncadd.s32 $0xFFFFE0C0  }
0x82: {  	[spmem:s2] =	stream.indirect.scatter.add.f32 [tilespmem:s29], [sflag:$0x3], $0x40, s7, s28, $0xb8;
	[tilespmem:$0x13680] =	vst v63  }
0x83: {  	s9 =	smin.u32 s9, $0x4C;
	_ =	swait.ge [sflag:s0], $0x1F40  }
0x84: {  	s9 =	sshll.u32 s9, $0x7;
	[sflag:s0] =	ssyncset.done $0x0  }
0x85: {  	s9 =	sadd.s32 $0x100, s9;
	[sflag:s0] =	ssyncadd.s32 $0xFFFFE0C0  }
0x86: {  	[tilespmem:s29], [sflag:$0x1] =	stream.indirect.gather [hbm4b:s4+s28], $0x40, s9, s28, $0xb8;
	[tilespmem:$0x13680] =	vst v63  }
0x87: {  	_ =	swait.ge [sflag:s21], $0x1F40  }
0x88: {  	[sflag:s21] =	ssyncset.done $0x0  }
0x89: {  	s14 =	simm.s32 $0x2880;
	[sflag:s21] =	ssyncadd.s32 $0xFFFFE0C0  }
0x8a: {  	[spmem:s2] =	stream.indirect.scatter.add.f32 [tilespmem:s30], [sflag:$0x3], $0x40, s14, s28, $0xb8;
	[tilespmem:$0x13680] =	vst v63  }
0x8b: {  	_ =	swait.ge [sflag:s0], $0x1F40  }
0x8c: {  	s9 =	simm.s32 $0x2;
	[sflag:s0] =	ssyncset.done $0x0  }
.LBB2_4:
0x8d: {  	[sflag:s0] =	ssyncadd.s32 $0xFFFFE0C0  }
0x8e: {  	s7 =	sadd.s32 $0x100, s7;
	s8 =	sadd.s32 $0x100, s8;
	s10 =	smov.u32 s9  }
0x8f: {  	[tilespmem:s30], [sflag:$0x2] =	stream.indirect.gather [hbm4b:s4+s28], $0x40, s8, s28, $0xb8;
	[tilespmem:$0x13680] =	vst v63  }
0x90: {  	p0 =	sne.s32 s9, $0x4E;
	s9 =	sadd.s32 $0x2, s9;
	_ =	swait.ge [sflag:s31], $0x1F40  }
0x91: {  	[sflag:s31] =	ssyncset.done $0x0  }
0x92: {  	[sflag:s31] =	ssyncadd.s32 $0xFFFFE0C0  }
0x93: {  	[spmem:s2] =	stream.indirect.scatter.add.f32 [tilespmem:s29], [sflag:$0x3], $0x40, s7, s28, $0xb8;
	[tilespmem:$0x13680] =	vst v63  }
0x94: {  	s10 =	smin.u32 s10, $0x4C;
	_ =	swait.ge [sflag:s0], $0x1F40  }
0x95: {  	s10 =	sshll.u32 s10, $0x7;
	[sflag:s0] =	ssyncset.done $0x0  }
0x96: {  	s10 =	sadd.s32 $0x100, s10;
	[sflag:s0] =	ssyncadd.s32 $0xFFFFE0C0  }
0x97: {  	[tilespmem:s29], [sflag:$0x1] =	stream.indirect.gather [hbm4b:s4+s28], $0x40, s10, s28, $0xb8;
	[tilespmem:$0x13680] =	vst v63  }
0x98: {  	_ =	swait.ge [sflag:s21], $0x1F40  }
.Ltmp1:
0x99: {  	[sflag:s21] =	ssyncset.done $0x0;
	(pc) =	sbr.rel @p0 .LBB2_4-.Ltmp1, $4  }
0x9a: {  	s10 =	sadd.s32 $0x80, s7;
	[sflag:s21] =	ssyncadd.s32 $0xFFFFE0C0  }
0x9b: {  	[spmem:s2] =	stream.indirect.scatter.add.f32 [tilespmem:s30], [sflag:$0x3], $0x40, s10, s28, $0xb8;
	[tilespmem:$0x13680] =	vst v63  }
0x9c: {  	_ =	swait.ge [sflag:s0], $0x1F40  }
0x9d: {  	[sflag:s0] =	ssyncset.done $0x0  }
0x9e: {  	[sflag:s0] =	ssyncadd.s32 $0xFFFFE0C0  }
0x9f: {  	_ =	swait.ge [sflag:s31], $0x1F40  }
0xa0: {  	[sflag:s31] =	ssyncset.done $0x0  }
0xa1: {  	s7 =	stileid.u32;
	[sflag:s31] =	ssyncadd.s32 $0xFFFFE0C0  }
0xa2: {  	s7 =	sshll.u32 s7, $0x6;
	[bflag:$0x0] =	sbarrier.arrive $0xFFFF  }
0xa3: {  	s8 =	sshrl.u32 s6, $0x3;
	s7 =	sor.u32 $0x1C03, s7;
	s9 =	rddreg [dreg:$0xb]  }
0xa4: {  	[hbm:s9], [sflag:s7] =	dma.local [spmem:s8], $0x1400  }
0xa5: {  	_ =	swait.ge [sflag:s0], $0x1400  }
0xa6: {  	[sflag:s0] =	ssyncset.done $0x0  }
0xa7: {  	[sflag:s0] =	ssyncadd.s32 $0xFFFFEC00  }
0xa8: {  	[spmem:s6] =	stream.linear.scatter [tilespmem:s1], [sflag:$0x3], $0x800, $0x38;
	[tilespmem:$0x13680] =	vst v63  }
0xa9: {  	_ =	swait.ge [sflag:s0], $0x800  }
0xaa: {  	[sflag:s0] =	ssyncset.done $0x0  }
0xab: {  	[sflag:s0] =	ssyncadd.s32 $0xFFFFF800  }
0xac: {  	[spmem:s11] =	stream.linear.scatter [tilespmem:s1], [sflag:$0x3], $0x800, $0x38;
	[tilespmem:$0x13680] =	vst v63  }
0xad: {  	_ =	swait.ge [sflag:s0], $0x800  }
0xae: {  	[sflag:s0] =	ssyncset.done $0x0  }
0xaf: {  	[sflag:s0] =	ssyncadd.s32 $0xFFFFF800  }
0xb0: {  	[spmem:s12] =	stream.linear.scatter [tilespmem:s1], [sflag:$0x3], $0x800, $0x38;
	[tilespmem:$0x13680] =	vst v63  }
0xb1: {  	_ =	swait.ge [sflag:s0], $0x800  }
0xb2: {  	[sflag:s0] =	ssyncset.done $0x0  }
0xb3: {  	s14 =	smov.u32 s12;
	s12 =	rddreg [dreg:$0x4];
	[sflag:s0] =	ssyncadd.s32 $0xFFFFF800  }
0xb4: {  	[spmem:s12] =	stream.linear.scatter [tilespmem:s1], [sflag:$0x3], $0x800, $0x38;
	[tilespmem:$0x13680] =	vst v63  }
0xb5: {  	_ =	swait.ge [sflag:s0], $0x800  }
0xb6: {  	[sflag:s0] =	ssyncset.done $0x0  }
0xb7: {  	s10 =	rddreg [dreg:$0x5];
	[sflag:s0] =	ssyncadd.s32 $0xFFFFF800  }
0xb8: {  	[spmem:s10] =	stream.linear.scatter [tilespmem:s1], [sflag:$0x3], $0x800, $0x38;
	[tilespmem:$0x13680] =	vst v63  }
0xb9: {  	_ =	swait.ge [sflag:s0], $0x800  }
0xba: {  	[sflag:s0] =	ssyncset.done $0x0  }
0xbb: {  	s13 =	smov.u32 s11;
	s11 =	rddreg [dreg:$0x6];
	[sflag:s0] =	ssyncadd.s32 $0xFFFFF800  }
0xbc: {  	[spmem:s11] =	stream.linear.scatter [tilespmem:s1], [sflag:$0x3], $0x800, $0x38;
	[tilespmem:$0x13680] =	vst v63  }
0xbd: {  	_ =	swait.ge [sflag:s0], $0x800  }
0xbe: {  	[sflag:s0] =	ssyncset.done $0x0  }
0xbf: {  	s12 =	rddreg [dreg:$0x7];
	[sflag:s0] =	ssyncadd.s32 $0xFFFFF800  }
0xc0: {  	[spmem:s12] =	stream.linear.scatter [tilespmem:s1], [sflag:$0x3], $0x800, $0x38;
	[tilespmem:$0x13680] =	vst v63  }
0xc1: {  	_ =	swait.ge [sflag:s0], $0x800  }
0xc2: {  	[sflag:s0] =	ssyncset.done $0x0  }
0xc3: {  	s10 =	rddreg [dreg:$0x8];
	[sflag:s0] =	ssyncadd.s32 $0xFFFFF800  }
0xc4: {  	[spmem:s10] =	stream.linear.scatter [tilespmem:s1], [sflag:$0x3], $0x800, $0x38;
	[tilespmem:$0x13680] =	vst v63  }
0xc5: {  	_ =	swait.ge [sflag:s0], $0x800  }
0xc6: {  	[sflag:s0] =	ssyncset.done $0x0  }
0xc7: {  	s11 =	rddreg [dreg:$0x9];
	[sflag:s0] =	ssyncadd.s32 $0xFFFFF800  }
0xc8: {  	[spmem:s11] =	stream.linear.scatter [tilespmem:s1], [sflag:$0x3], $0x800, $0x38;
	[tilespmem:$0x13680] =	vst v63  }
0xc9: {  	_ =	swait.ge [sflag:s0], $0x800  }
0xca: {  	[sflag:s0] =	ssyncset.done $0x0  }
0xcb: {  	[sflag:s0] =	ssyncadd.s32 $0xFFFFF800  }
0xcc: {  	[spmem:s15] =	stream.linear.scatter [tilespmem:s1], [sflag:$0x3], $0x800, $0x38;
	[tilespmem:$0x13680] =	vst v63  }
0xcd: {  	_ =	swait.ge [sflag:s0], $0x800  }
0xce: {  	[sflag:s0] =	ssyncset.done $0x0  }
0xcf: {  	[sflag:s0] =	ssyncadd.s32 $0xFFFFF800  }
0xd0: {  	[spmem:s16] =	stream.linear.scatter [tilespmem:s1], [sflag:$0x3], $0x800, $0x38;
	[tilespmem:$0x13680] =	vst v63  }
0xd1: {  	_ =	swait.ge [sflag:s0], $0x800  }
0xd2: {  	[sflag:s0] =	ssyncset.done $0x0  }
0xd3: {  	[sflag:s0] =	ssyncadd.s32 $0xFFFFF800  }
0xd4: {  	[spmem:s17] =	stream.linear.scatter [tilespmem:s1], [sflag:$0x3], $0x800, $0x38;
	[tilespmem:$0x13680] =	vst v63  }
0xd5: {  	_ =	swait.ge [sflag:s0], $0x800  }
0xd6: {  	[sflag:s0] =	ssyncset.done $0x0  }
0xd7: {  	[sflag:s0] =	ssyncadd.s32 $0xFFFFF800  }
0xd8: {  	[spmem:s18] =	stream.linear.scatter [tilespmem:s1], [sflag:$0x3], $0x800, $0x38;
	[tilespmem:$0x13680] =	vst v63  }
0xd9: {  	_ =	swait.ge [sflag:s0], $0x800  }
0xda: {  	[sflag:s0] =	ssyncset.done $0x0  }
0xdb: {  	[sflag:s0] =	ssyncadd.s32 $0xFFFFF800  }
0xdc: {  	[spmem:s19] =	stream.linear.scatter [tilespmem:s1], [sflag:$0x3], $0x800, $0x38;
	[tilespmem:$0x13680] =	vst v63  }
0xdd: {  	_ =	swait.ge [sflag:s0], $0x800  }
0xde: {  	[sflag:s0] =	ssyncset.done $0x0  }
0xdf: {  	[sflag:s0] =	ssyncadd.s32 $0xFFFFF800  }
0xe0: {  	[spmem:s20] =	stream.linear.scatter [tilespmem:s1], [sflag:$0x3], $0x800, $0x38;
	[tilespmem:$0x13680] =	vst v63  }
0xe1: {  	_ =	swait.ge [sflag:s0], $0x800  }
0xe2: {  	[sflag:s0] =	ssyncset.done $0x0  }
0xe3: {  	[sflag:s0] =	ssyncadd.s32 $0xFFFFF800  }
0xe4: {  	[spmem:s22] =	stream.linear.scatter [tilespmem:s1], [sflag:$0x3], $0x800, $0x38;
	[tilespmem:$0x13680] =	vst v63  }
0xe5: {  	_ =	swait.ge [sflag:s0], $0x800  }
0xe6: {  	[sflag:s0] =	ssyncset.done $0x0  }
0xe7: {  	[sflag:s0] =	ssyncadd.s32 $0xFFFFF800  }
0xe8: {  	[spmem:s23] =	stream.linear.scatter [tilespmem:s1], [sflag:$0x3], $0x800, $0x38;
	[tilespmem:$0x13680] =	vst v63  }
0xe9: {  	_ =	swait.ge [sflag:s0], $0x800  }
0xea: {  	[sflag:s0] =	ssyncset.done $0x0  }
0xeb: {  	[sflag:s0] =	ssyncadd.s32 $0xFFFFF800  }
0xec: {  	[spmem:s24] =	stream.linear.scatter [tilespmem:s1], [sflag:$0x3], $0x800, $0x38;
	[tilespmem:$0x13680] =	vst v63  }
0xed: {  	_ =	swait.ge [sflag:s0], $0x800  }
0xee: {  	[sflag:s0] =	ssyncset.done $0x0  }
0xef: {  	[sflag:s0] =	ssyncadd.s32 $0xFFFFF800  }
0xf0: {  	[spmem:s25] =	stream.linear.scatter [tilespmem:s1], [sflag:$0x3], $0x800, $0x38;
	[tilespmem:$0x13680] =	vst v63  }
0xf1: {  	_ =	swait.ge [sflag:s0], $0x800  }
0xf2: {  	[sflag:s0] =	ssyncset.done $0x0  }
0xf3: {  	[sflag:s0] =	ssyncadd.s32 $0xFFFFF800  }
0xf4: {  	[spmem:s26] =	stream.linear.scatter [tilespmem:s1], [sflag:$0x3], $0x800, $0x38;
	[tilespmem:$0x13680] =	vst v63  }
0xf5: {  	_ =	swait.ge [sflag:s0], $0x800  }
0xf6: {  	[sflag:s0] =	ssyncset.done $0x0  }
0xf7: {  	[sflag:s0] =	ssyncadd.s32 $0xFFFFF800  }
0xf8: {  	s12 =	simm.s32 $0x0;
	[bflag:$0x0] =	sbarrier.arrive $0xFFFF  }
0xf9: {  	[tilespmem:s29], [sflag:$0x1] =	stream.indirect.gather [hbm4b:s5+s28], $0x40, s12, s28, $0xb8;
	[tilespmem:$0x13680] =	vst v63  }
0xfa: {  	s9 =	simm.s32 $0x80  }
0xfb: {  	[tilespmem:s30], [sflag:$0x2] =	stream.indirect.gather [hbm4b:s5+s28], $0x40, s9, s28, $0xb8;
	[tilespmem:$0x13680] =	vst v63  }
0xfc: {  	_ =	swait.ge [sflag:s31], $0x1F40  }
0xfd: {  	[sflag:s31] =	ssyncset.done $0x0  }
0xfe: {  	s10 =	simm.s32 $0x2800;
	[sflag:s31] =	ssyncadd.s32 $0xFFFFE0C0  }
0xff: {  	[spmem:s2] =	stream.indirect.scatter.add.f32 [tilespmem:s29], [sflag:$0x3], $0x40, s10, s28, $0xb8;
	[tilespmem:$0x13680] =	vst v63  }
0x100: {  	s11 =	smin.u32 s12, $0x4C;
	_ =	swait.ge [sflag:s0], $0x1F40  }
0x101: {  	s11 =	sshll.u32 s11, $0x7;
	[sflag:s0] =	ssyncset.done $0x0  }
0x102: {  	s11 =	sadd.s32 $0x100, s11;
	[sflag:s0] =	ssyncadd.s32 $0xFFFFE0C0  }
0x103: {  	[tilespmem:s29], [sflag:$0x1] =	stream.indirect.gather [hbm4b:s5+s28], $0x40, s11, s28, $0xb8;
	[tilespmem:$0x13680] =	vst v63  }
0x104: {  	_ =	swait.ge [sflag:s21], $0x1F40  }
0x105: {  	[sflag:s21] =	ssyncset.done $0x0  }
0x106: {  	s12 =	simm.s32 $0x2880;
	[sflag:s21] =	ssyncadd.s32 $0xFFFFE0C0  }
0x107: {  	[spmem:s2] =	stream.indirect.scatter.add.f32 [tilespmem:s30], [sflag:$0x3], $0x40, s12, s28, $0xb8;
	[tilespmem:$0x13680] =	vst v63  }
0x108: {  	_ =	swait.ge [sflag:s0], $0x1F40  }
0x109: {  	s11 =	simm.s32 $0x2;
	[sflag:s0] =	ssyncset.done $0x0  }
.LBB2_6:
0x10a: {  	[sflag:s0] =	ssyncadd.s32 $0xFFFFE0C0  }
0x10b: {  	s10 =	sadd.s32 $0x100, s10;
	s9 =	sadd.s32 $0x100, s9;
	s12 =	smov.u32 s11  }
0x10c: {  	[tilespmem:s30], [sflag:$0x2] =	stream.indirect.gather [hbm4b:s5+s28], $0x40, s9, s28, $0xb8;
	[tilespmem:$0x13680] =	vst v63  }
0x10d: {  	p0 =	sne.s32 s11, $0x4E;
	s11 =	sadd.s32 $0x2, s11;
	_ =	swait.ge [sflag:s31], $0x1F40  }
0x10e: {  	[sflag:s31] =	ssyncset.done $0x0  }
0x10f: {  	[sflag:s31] =	ssyncadd.s32 $0xFFFFE0C0  }
0x110: {  	[spmem:s2] =	stream.indirect.scatter.add.f32 [tilespmem:s29], [sflag:$0x3], $0x40, s10, s28, $0xb8;
	[tilespmem:$0x13680] =	vst v63  }
0x111: {  	s12 =	smin.u32 s12, $0x4C;
	_ =	swait.ge [sflag:s0], $0x1F40  }
0x112: {  	s12 =	sshll.u32 s12, $0x7;
	[sflag:s0] =	ssyncset.done $0x0  }
0x113: {  	s12 =	sadd.s32 $0x100, s12;
	[sflag:s0] =	ssyncadd.s32 $0xFFFFE0C0  }
0x114: {  	[tilespmem:s29], [sflag:$0x1] =	stream.indirect.gather [hbm4b:s5+s28], $0x40, s12, s28, $0xb8;
	[tilespmem:$0x13680] =	vst v63  }
0x115: {  	_ =	swait.ge [sflag:s21], $0x1F40  }
.Ltmp2:
0x116: {  	[sflag:s21] =	ssyncset.done $0x0;
	(pc) =	sbr.rel @p0 .LBB2_6-.Ltmp2, $4  }
0x117: {  	s12 =	sadd.s32 $0x80, s10;
	[sflag:s21] =	ssyncadd.s32 $0xFFFFE0C0  }
0x118: {  	[spmem:s2] =	stream.indirect.scatter.add.f32 [tilespmem:s30], [sflag:$0x3], $0x40, s12, s28, $0xb8;
	[tilespmem:$0x13680] =	vst v63  }
0x119: {  	_ =	swait.ge [sflag:s0], $0x1F40  }
0x11a: {  	[sflag:s0] =	ssyncset.done $0x0  }
0x11b: {  	[sflag:s0] =	ssyncadd.s32 $0xFFFFE0C0  }
0x11c: {  	_ =	swait.ge [sflag:s31], $0x1F40  }
0x11d: {  	[sflag:s31] =	ssyncset.done $0x0  }
0x11e: {  	[sflag:s31] =	ssyncadd.s32 $0xFFFFE0C0  }
0x11f: {  	[bflag:$0x0] =	sbarrier.arrive $0xFFFF  }
0x120: {  	s9 =	rddreg [dreg:$0xc]  }
0x121: {  	[hbm:s9], [sflag:s7] =	dma.local [spmem:s8], $0x1400  }
0x122: {  	_ =	swait.ge [sflag:s0], $0x1400  }
0x123: {  	s3 =	sadd.s32 $0x1, s3;
	s12 =	rddreg [dreg:$0xd]  }
0x124: {  	p0 =	sne.s32 s3, s12  }
.Ltmp3:
0x125: {  	_ = 	snop;
	(pc) =	sbr.rel @p0 .LBB2_1-.Ltmp3, $3  }
0x126: {  	_ =	sdelay $0x1  }
0x127: {  	[sflag:s0] =	ssyncset.done $0x0  }
0x128: {  	s11 =	smov.u32 s13;
	[sflag:s0] =	ssyncadd.s32 $0xFFFFEC00;
	s12 =	smov.u32 s14  }
0x129: {  	_ =	sfence.sel $0x180000  }
0x12a: {  	[bflag:$0x0] =	sbarrier.arrive $0xFFFF  }
0x12b: {  	_ =	strace $0x9000004A  }
0x12c: {  	s0 =	stileid.u32;
	[bflag:$0x2] =	sbarrier.arrive $0xFFFF  }
0x12d: {  	p0 =	sne.s32 s0, $0x0;
	s0 =	rddreg [dreg:$0x3]  }
0x12e: {  	s0 =	sadd.s32 @!p0 $0x100000, s0  }
0x12f: {  	[sflag:s0] =	ssyncadd.tile.s32 @!p0 $0x1;
	_ =	shalt  }
.Lfunc_end2:
_tile_overlayer_lowered:
.L_overlay_start_2:
0x130: {  	(tag) =	ssettag $0x2  }
0x131: {  	s0 =	rddreg [dreg:$0x0];
	s2 =	stileid.u32  }
0x132: {  	s1 =	rddreg [dreg:$0x1];
	p0 =	sne.s32 s2, $0x0  }
0x133: {  	s3 =	rddreg [dreg:$0x2];
	[bflag:$0x3] =	sbarrier.arrive $0xFFFF;
	s2 =	simm.s32 @!p0 $0x1C03  }
0x134: {  	[timem:s3], [sflag:s2] =	dma.local @!p0 [hbm:s0], s1  }
0x135: {  	s0 =	simm.s32 @!p0 $0x3  }
0x136: {  	_ =	swait.ge @!p0 [sflag:s0], s1  }
0x137: {  	s1 =	ssub.s32 @!p0 $0x0, s1;
	[sflag:s0] =	ssyncset.done @!p0 $0x0  }
0x138: {  	[sflag:s0] =	ssyncadd.s32 @!p0 s1  }
0x139: {  	[bflag:$0x3] =	sbarrier.arrive $0xFFFF  }
0x13a: {  	_ =	shalt  }

// kernel: kernel.9.cloned.1.call-start
scs
__scs_entry_jumppad:
0x0: {  	(pc) =	sbr.rel $0x88, $3  }
0x1: {  	(tag) =	ssettag $0x0;
	lr =	simm.s32 $0x1  }
0x2: {  	[smem:$0x3F97] =	sst lr;
	_ =	strace $0xD0000000  }
0x3: {  	_ = 	snop  }
0x4: {  	_ = 	snop  }
0x5: {  	_ = 	snop  }
0x6: {  	_ = 	snop  }
0x7: {  	_ = 	snop  }
__scs_overlays_trampoline_lowered:
0x8: {  	[smem:$0x3FA6] =	sst s0  }
0x9: {  	[smem:$0x3FA7] =	sst s1  }
0xa: {  	[smem:$0x3FA8] =	sst s2  }
0xb: {  	[smem:$0x3FA9] =	sst s3  }
0xc: {  	[smem:$0x3FAA] =	sst s4  }
0xd: {  	[smem:$0x3FAB] =	sst s5  }
0xe: {  	[smem:$0x3FAC] =	sst s6  }
0xf: {  	[smem:$0x3FAD] =	sst s7  }
0x10: {  	[smem:$0x3FAE] =	sst s8  }
0x11: {  	[smem:$0x3FAF] =	sst s9;
	s0 =	simm.s32 @!p0 $0x0  }
0x12: {  	s1 =	sld [smem:$0x3F95];
	s0 =	simm.s32 @p0 $0x1  }
0x13: {  	[smem:$0x3FB0] =	sst s0;
	s0 =	simm.s32 @!p1 $0x0  }
0x14: {  	s2 =	sld [smem:$0x3F94];
	s0 =	simm.s32 @p1 $0x1  }
0x15: {  	[smem:$0x3FB1] =	sst s0;
	s0 =	simm.s32 @!p2 $0x0  }
0x16: {  	s3 =	sld [smem:$0x3FDB];
	s0 =	simm.s32 @p2 $0x1  }
0x17: {  	s4 =	simm.s32 $0x1BF5;
	[smem:$0x3FB3] =	sst s0  }
0x18: {  	s0 =	sld [smem:$0x3F96];
	_ =	swait.ge [sflag:s4], $0x0  }
0x19: {  	s7 =	sld [smem:$0x3F97]  }
0x1a: {  	s8 =	sadd.s32 $0xFFFFE003, lr  }
0x1b: {  	s9 =	sadd.s32 $0xFFFFFEF7, lr;
	s5 =	simm.s32 $0xFFFFFFFF;
	p2 =	slt.u32 s8, $0xFFFFF086  }
0x1c: {  	p1 =	slt.u32 s9, $0xF7A;
	s5 =	simm.s32 @!p2 $0x0  }
0x1d: {  	s5 =	simm.s32 @p1 $0x1;
	p0 =	seq.s32 s7, s2  }
0x1e: {  	s7 =	smul.u32 @!p0 $0xF7A, s2;
	p2 =	seq.s32 @!p0 s5, $0x0  }
0x1f: {  	s9 =	smul.u32 $0xF7A, s1;
	s8 =	simm.s32 @!p0 $0x1BF5;
	p2 =	por !p2, p0  }
0x20: {  	[sflag:s8] =	ssyncset.s32 @!p0 $0xFFFFF086;
	s6 =	sadd.s32 @!p0 s3, s7;
	s7 =	simm.s32 @!p0 $0x108  }
0x21: {  	s3 =	sadd.s32 s3, s9;
	s6 =	sadd.s32 @!p0 $0x88, s6;
	s7 =	simm.s32 @p2 $0x1082  }
0x22: {  	[simem:s7], [sflag:s8] =	dma.local @!p0 [hbm:s6], $0xF7A  }
0x23: {  	s9 =	sor.u32 $0xD0000000, s2;
	s6 =	simm.s32 $0x108;
	_ =	swait.ge @!p0 [sflag:s8], $0x0  }
0x24: {  	s3 =	sadd.s32 $0x88, s3;
	s6 =	simm.s32 @!p1 $0x1082;
	[sflag:s4] =	ssyncset.s32 $0xFFFFF086  }
0x25: {  	[simem:s6], [sflag:s4] =	dma.local [hbm:s3], $0xF7A  }
0x26: {  	[smem:$0x3F97] =	sst s1;
	(tag) =	ssettag s2;
	_ =	strace s9  }
0x27: {  	s1 =	sld [smem:$0x3FA7]  }
0x28: {  	s2 =	sld [smem:$0x3FA8]  }
0x29: {  	s4 =	sld [smem:$0x3FAA]  }
0x2a: {  	p0 =	seq.s32 s5, $0x0;
	s5 =	sld [smem:$0x3FAB]  }
0x2b: {  	s6 =	sld [smem:$0x3FAC]  }
0x2c: {  	s7 =	sld [smem:$0x3FAD]  }
0x2d: {  	s3 =	simm.s32 $0x108;
	s8 =	sld [smem:$0x3FAE]  }
0x2e: {  	s3 =	simm.s32 @!p0 $0x1082;
	s9 =	sld [smem:$0x3FAF]  }
0x2f: {  	lr =	sadd.s32 s0, s3;
	s0 =	sld [smem:$0x3FA6]  }
0x30: {  	s3 =	sld [smem:$0x3FA9]  }
0x31: {  	[smem:$0x3FB2] =	sst s10  }
0x32: {  	s10 =	sld [smem:$0x3FB0];
	_ =	sdelay $0x3  }
0x33: {  	p0 =	seq.s32 s10, $0x1;
	s10 =	sld [smem:$0x3FB2];
	_ =	sdelay $0x3  }
0x34: {  	[smem:$0x3FB2] =	sst s10  }
0x35: {  	s10 =	sld [smem:$0x3FB1];
	_ =	sdelay $0x3  }
0x36: {  	p1 =	seq.s32 s10, $0x1;
	s10 =	sld [smem:$0x3FB2];
	_ =	sdelay $0x3  }
0x37: {  	[smem:$0x3FB2] =	sst s10  }
0x38: {  	s10 =	sld [smem:$0x3FB3]  }
0x39: {  	_ = 	snop;
	(pc) =	sbr.ind lr, $3  }
0x3a: {  	_ = 	snop  }
0x3b: {  	_ = 	snop  }
0x3c: {  	p2 =	seq.s32 s10, $0x1;
	s10 =	sld [smem:$0x3FB2]  }
0x3d: {  	_ =	shalt  }
0x3e: {  	_ =	shalt  }
0x3f: {  	_ =	shalt  }
0x40: {  	_ =	shalt  }
0x41: {  	_ =	shalt  }
0x42: {  	_ =	shalt  }
0x43: {  	_ =	shalt  }
0x44: {  	_ =	shalt  }
0x45: {  	_ =	shalt  }
0x46: {  	_ =	shalt  }
0x47: {  	_ =	shalt  }
0x48: {  	_ =	shalt  }
0x49: {  	_ =	shalt  }
0x4a: {  	_ =	shalt  }
0x4b: {  	_ =	shalt  }
0x4c: {  	_ =	shalt  }
0x4d: {  	_ =	shalt  }
0x4e: {  	_ =	shalt  }
0x4f: {  	_ =	shalt  }
0x50: {  	_ =	shalt  }
0x51: {  	_ =	shalt  }
0x52: {  	_ =	shalt  }
0x53: {  	_ =	shalt  }
0x54: {  	_ =	shalt  }
0x55: {  	_ =	shalt  }
0x56: {  	_ =	shalt  }
0x57: {  	_ =	shalt  }
0x58: {  	_ =	shalt  }
0x59: {  	_ =	shalt  }
0x5a: {  	_ =	shalt  }
0x5b: {  	_ =	shalt  }
0x5c: {  	_ =	shalt  }
0x5d: {  	_ =	shalt  }
0x5e: {  	_ =	shalt  }
0x5f: {  	_ =	shalt  }
0x60: {  	_ =	shalt  }
0x61: {  	_ =	shalt  }
0x62: {  	_ =	shalt  }
0x63: {  	_ =	shalt  }
0x64: {  	_ =	shalt  }
0x65: {  	_ =	shalt  }
0x66: {  	_ =	shalt  }
0x67: {  	_ =	shalt  }
0x68: {  	_ =	shalt  }
0x69: {  	_ =	shalt  }
0x6a: {  	_ =	shalt  }
0x6b: {  	_ =	shalt  }
0x6c: {  	_ =	shalt  }
0x6d: {  	_ =	shalt  }
0x6e: {  	_ =	shalt  }
0x6f: {  	_ =	shalt  }
0x70: {  	_ =	shalt  }
0x71: {  	_ =	shalt  }
0x72: {  	_ =	shalt  }
0x73: {  	_ =	shalt  }
0x74: {  	_ =	shalt  }
0x75: {  	_ =	shalt  }
0x76: {  	_ =	shalt  }
0x77: {  	_ =	shalt  }
0x78: {  	_ =	shalt  }
0x79: {  	_ =	shalt  }
0x7a: {  	_ =	shalt  }
0x7b: {  	_ =	shalt  }
0x7c: {  	_ =	shalt  }
0x7d: {  	_ =	shalt  }
0x7e: {  	_ =	shalt  }
0x7f: {  	_ =	shalt  }
0x80: {  	_ =	shalt  }
0x81: {  	_ =	shalt  }
0x82: {  	_ =	shalt  }
0x83: {  	_ =	shalt  }
0x84: {  	_ =	shalt  }
0x85: {  	_ =	shalt  }
0x86: {  	_ =	shalt  }
0x87: {  	_ =	shalt  }
.Lfunc_end0:
.L_simem_size_0:
called_computation_lowered:
.L_overlay_start_0:
0x88: {  	s2 =	sld [smem:$0x3FD9]  }
0x89: {  	s3 =	sld [smem:$0x3FFE];
	_ =	sdelay $0x1  }
0x8a: {  	s1 =	srdreg.scid  }
0x8b: {  	s0 =	sand.u32 $0x1, s1  }
0x8c: {  	s17 =	sshll.u32 s0, $0xA;
	s2 =	sadd.s32 s3, s2  }
0x8d: {  	s2 =	sadd.s32 s2, s17  }
0x8e: {  	[smem:$0x3FBE] =	sst s2  }
0x8f: {  	_ = 	snop  }
0x90: {  	s2 =	sld [smem:$0x3FD0];
	(tm) =	ssettm $0x1  }
0x91: {  	s18 =	sld [smem:$0x3FFB];
	_ =	sdelay $0x3  }
0x92: {  	_ =	strace s18  }
0x93: {  	s3 =	sld [smem:$0x3FFC];
	_ =	sdelay $0x3  }
0x94: {  	_ =	strace s3  }
0x95: {  	s3 =	sld [smem:$0x3FFD];
	_ =	sdelay $0x3  }
0x96: {  	_ =	strace s3  }
0x97: {  	_ =	strace $0x8FFFFFFF  }
0x98: {  	s19 =	sld [smem:$0x3FDB];
	_ =	sdelay $0x1  }
0x99: {  	s4 =	simm.s32 $_scs_section_size  }
0x9a: {  	s5 =	simm.s32 $_size__tile_overlayer_lowered;
	s6 =	simm.s32 $_tile_overlayer_lowered  }
0x9b: {  	s22 =	simm.s32 $0x1BFF;
	s21 =	sshll.u32 s6, $0x1;
	s3 =	sadd.s32 s4, s19  }
0x9c: {  	s7 =	simm.s32 $0x0;
	s20 =	sshll.u32 s5, $0x1;
	s5 =	sadd.s32 s21, s3  }
0x9d: {  	[timem:s7], [sflag:s22] =	dma.local [hbm:s5], s20  }
0x9e: {  	_ =	swait.ge [sflag:s22], s20  }
0x9f: {  	s4 =	ssub.s32 $0x0, s20;
	[sflag:s22] =	ssyncset.done $0x0  }
0xa0: {  	[sflag:s22] =	ssyncadd.s32 s4;
	_ =	sdelay $0x1  }
0xa1: {  	s23 =	simm.s32 $0x1B8B  }
0xa2: {  	_ =	swait.ge [sflag:s23], $0x1  }
0xa3: {  	[sflag:s23] =	ssyncset.done $0x0  }
0xa4: {  	s25 =	simm.s32 $0x1B8E;
	s24 =	sld [smem:$0x3FFE];
	[sflag:s23] =	ssyncadd.s32 $0xFFFFFFFF  }
0xa5: {  	s26 =	simm.s32 $execute0_lowered;
	[smem:$0x3FD2] =	sst s25  }
0xa6: {  	s5 =	sshll.u32 s26, $0x1;
	_ =	strace $0x80000046;
	[dreg:$0x1] =	wrdreg $0xFFFFFFFF  }
0xa7: {  	s28 =	simm.s32 $_size_execute0_lowered;
	s3 =	sadd.s32 s3, s5;
	[dreg:$0x0] =	wrdreg $0x0  }
0xa8: {  	s5 =	sshll.u32 s28, $0x1;
	[dreg:$0x2] =	wrdreg s3  }
0xa9: {  	[dreg:$0x3] =	wrdreg s5  }
0xaa: {  	[dreg:$0x4] =	wrdreg $0xC0  }
0xab: {  	_ =	task [dreg:s7], $0x5FFFF  }
0xac: {  	[dreg:$0x1] =	wrdreg $0xFFFFFFFF  }
0xad: {  	[dreg:$0x0] =	wrdreg $0x60  }
0xae: {  	[dreg:$0x2] =	wrdreg s24  }
0xaf: {  	[dreg:$0x3] =	wrdreg s2  }
0xb0: {  	[dreg:$0x4] =	wrdreg $0x99800  }
0xb1: {  	[dreg:$0x5] =	wrdreg $0x139800  }
0xb2: {  	[dreg:$0x6] =	wrdreg $0x9  }
0xb3: {  	_ =	task.clear_ibuf [dreg:s7], $0x7FFFF;
	_ =	strace $0x90000046  }
0xb4: {  	s29 =	simm.s32 $0x9;
	_ =	strace $0x80000048  }
0xb5: {  	_ =	swait.ge [sflag:s29], $0x1  }
0xb6: {  	[sflag:s29] =	ssyncadd.s32 $0xFFFFFFFF  }
0xb7: {  	_ =	strace $0x90000048  }
0xb8: {  	_ =	sfence  }
0xb9: {  	s30 =	sld [smem:$0x0];
	_ =	sdelay $0x2  }
0xba: {  	s31 =	sshll.u32 s1, $0xD;
	s1 =	sshrl.u32 s1, $0x2  }
0xbb: {  	s3 =	sand.u32 $0x4000, s31;
	s1 =	sadd.s32 s1, s30  }
0xbc: {  	s0 =	sor.u32 s3, s0;
	s1 =	sshll.u32 s1, $0x11  }
0xbd: {  	s0 =	sor.u32 s1, s0  }
0xbe: {  	s0 =	sadd.s32 $0x8F2B, s0  }
0xbf: {  	[sflag:s0] =	ssyncadd.remote.s32 $0x1  }
0xc0: {  	_ =	sfence.sel $0xFFFF  }
0xc1: {  	[dreg:$0x0] =	wrdreg $0xFFFFFFFF;
	(pc) =	sbr.abs _section_cstart, $3  }
0xc2: {  	[dreg:$0x1] =	wrdreg $0xFFFFFFFF  }
0xc3: {  	_ =	task.clear_ibuf [dreg:s7], $0x2FFFF;
	_ =	strace $0x9FFFFFFF  }
0xc4: {  	(tm) =	ssettm $0x7FFFFFFF  }
0xc5: {  	_ =	shalt  }
tec
execute0_lowered:
.L_overlay_start_1:
0x0: {  	(tag) =	ssettag $0x1  }
0x1: {  	s0 =	rddreg [dreg:$0x0]  }
0x2: {  	s1 =	rddreg [dreg:$0x1]  }
0x3: {  	s2 =	rddreg [dreg:$0x2];
	s4 =	srdreg.scid  }
0x4: {  	s14 =	stileid.u32;
	s3 =	rddreg [dreg:$0x3];
	s31 =	simm.s32 $0x8E80  }
0x5: {  	s30 =	simm.s32 $0x5000;
	s7 =	sand.u32 $0x1, s4;
	s8 =	smul.u32 $0xA000, s14  }
0x6: {  	s4 =	simm.s32 $0x0;
	s10 =	smul.u32 $0x280, s14;
	s5 =	sadd.s32 $0x16400, s0  }
0x7: {  	s6 =	sadd.s32 $0x2A00, s0;
	s12 =	smul.u32 $0x28000, s14;
	s16 =	sshll.u32 s14, $0x1  }
0x8: {  	s9 =	smul.u32 $0xA0000, s7;
	[smem:$0x7FF] =	sst s4;
	s13 =	ssub.s32 $0x2, s7  }
0x9: {  	s11 =	smul.u32 $0x2800, s7;
	_ =	strace $0x80000047;
	s15 =	sshrl.u32 s13, $0x1  }
0xa: {  	s12 =	sshrl.u32 s12, $0x2;
	s29 =	sadd.s32 s10, s3;
	s9 =	sadd.s32 s8, s9  }
0xb: {  	s11 =	sadd.s32 s10, s11;
	s12 =	sadd.s32 s12, s2;
	s10 =	simm.s32 $0x2  }
0xc: {  	s9 =	sshrl.u32 s9, $0x3;
	s11 =	sshrl.u32 s11, $0x3;
	s17 =	sadd.s32 $0x1800, s12  }
0xd: {  	s18 =	sadd.s32 $0x2000, s12;
	s19 =	sadd.s32 $0x2800, s12;
	[dreg:$0x5] =	wrdreg s17  }
0xe: {  	s20 =	sadd.s32 $0x3000, s12;
	s22 =	sadd.s32 $0x3800, s12;
	[dreg:$0x6] =	wrdreg s18  }
0xf: {  	s23 =	sadd.s32 $0x4000, s12;
	s24 =	sadd.s32 $0x4800, s12;
	[dreg:$0x7] =	wrdreg s19  }
0x10: {  	s25 =	sadd.s32 $0x5000, s12;
	s26 =	sadd.s32 $0x5800, s12;
	[dreg:$0x8] =	wrdreg s20  }
0x11: {  	s28 =	sadd.s32 $0x9800, s12;
	s9 =	sadd.s32 s9, s0;
	[dreg:$0x9] =	wrdreg s22  }
0x12: {  	s0 =	sadd.s32 s11, s0;
	s11 =	ssub.s32 s13, s15;
	[dreg:$0xa] =	wrdreg s23  }
0x13: {  	s13 =	sor.u32 s7, s16;
	s7 =	sadd.s32 s8, s2;
	[dreg:$0xb] =	wrdreg s24  }
0x14: {  	s15 =	sadd.s32 $0x800, s12;
	s16 =	sadd.s32 $0x1000, s12;
	[dreg:$0xc] =	wrdreg s25  }
0x15: {  	[dreg:$0xd] =	wrdreg s26;
	s20 =	sadd.s32 $0x6000, s12;
	s22 =	sadd.s32 $0x7000, s12  }
0x16: {  	s23 =	sadd.s32 $0x7800, s12;
	s24 =	sadd.s32 $0x8000, s12;
	s0 =	sadd.s32 $0x79E00, s0  }
0x17: {  	s25 =	sadd.s32 $0x8800, s12;
	s14 =	sadd.s32 $0x51E00, s9;
	[dreg:$0xf] =	wrdreg s0  }
0x18: {  	s21 =	smul.u32 $0x2800, s13;
	s17 =	sadd.s32 $0x29E00, s9;
	[dreg:$0x10] =	wrdreg s14  }
0x19: {  	s26 =	sadd.s32 $0x9000, s12;
	s18 =	smax.u32 s11, $0x1;
	[dreg:$0x11] =	wrdreg s17  }
0x1a: {  	s9 =	simm.s32 $0x9900;
	[dreg:$0x12] =	wrdreg s18;
	s8 =	sshrl.u32 s21, $0x3  }
0x1b: {  	s0 =	simm.s32 $0x7D;
	s21 =	sadd.s32 $0x6800, s12;
	s1 =	sadd.s32 s1, s8  }
0x1c: {  	s8 =	simm.s32 $0x1;
	[dreg:$0xe] =	wrdreg s1;
	s19 =	sadd.s32 $0xA000, s1  }
0x1d: {  	v0 =	vimm.f32 $0.0e+00;
	v1 =	vimm.f32 $1.000000000e+00;
	s1 =	simm.s32 $0x3;
	[dreg:$0x13] =	wrdreg s19;
	s19 =	simm.s32 $0x6F40  }
.LBB2_1:
0x1e: {  	s12 =	simm.s32 $0x100;
	s11 =	simm.s32 $0x0  }
.LBB2_2:
0x1f: {  	p0 =	sne.s32 s12, $0x1F00;
	[tilespmem:s11+$0x8EB0] =	vst v0;
	s13 =	smov.u32 s12;
	s12 =	sadd.s32 $0x100, s12  }
.Ltmp0:
0x20: {  	[tilespmem:s11+$0x8EA0] =	vst v0;
	(pc) =	sbr.rel @p0 .LBB2_2-.Ltmp0, $3  }
0x21: {  	[tilespmem:s11+$0x8E80] =	vst v0  }
0x22: {  	[tilespmem:s11+$0x8E90] =	vst v0;
	_ =	sdelay $0x1  }
0x23: {  	s11 =	sshra.s32 s13, $0x2  }
0x24: {  	[tilespmem:s11+$0x8EB0] =	vst v0  }
0x25: {  	[tilespmem:s11+$0x8EA0] =	vst v0  }
0x26: {  	[tilespmem:s11+$0x8E80] =	vst v0  }
0x27: {  	[tilespmem:s11+$0x8E90] =	vst v0  }
0x28: {  	[tilespmem:$0x9680] =	vst v0  }
0x29: {  	[tilespmem:$0x9690] =	vst v0  }
0x2a: {  	[tilespmem:$0x96A0] =	vst v0  }
0x2b: {  	[tilespmem:$0x96B0] =	vst v0  }
0x2c: {  	[tilespmem:$0x96C0] =	vst v0  }
0x2d: {  	[tilespmem:$0x96D0] =	vst v0  }
0x2e: {  	[tilespmem:$0x96E0] =	vst v0  }
0x2f: {  	[tilespmem:$0x96F0] =	vst v0  }
0x30: {  	[tilespmem:$0x9700] =	vst v0  }
0x31: {  	[tilespmem:$0x9710] =	vst v0  }
0x32: {  	[tilespmem:$0x9720] =	vst v0  }
0x33: {  	[tilespmem:$0x9730] =	vst v0  }
0x34: {  	[tilespmem:$0x9740] =	vst v0  }
0x35: {  	[tilespmem:$0x9750] =	vst v0  }
0x36: {  	[tilespmem:$0x9760] =	vst v0  }
0x37: {  	[tilespmem:$0x9770] =	vst v0  }
0x38: {  	[tilespmem:$0x9780] =	vst v0  }
0x39: {  	[tilespmem:$0x9790] =	vst v0  }
0x3a: {  	[tilespmem:$0x97A0] =	vst v0  }
0x3b: {  	[tilespmem:$0x97B0] =	vst v0  }
0x3c: {  	[tilespmem:$0x97C0] =	vst v0  }
0x3d: {  	[tilespmem:$0x97D0] =	vst v0  }
0x3e: {  	[tilespmem:$0x97E0] =	vst v0  }
0x3f: {  	[tilespmem:$0x97F0] =	vst v0  }
0x40: {  	[tilespmem:$0x9800] =	vst v0  }
0x41: {  	[tilespmem:$0x9810] =	vst v0  }
0x42: {  	[tilespmem:$0x9820] =	vst v0  }
0x43: {  	[tilespmem:$0x9830] =	vst v0  }
0x44: {  	[tilespmem:$0x9840] =	vst v0  }
0x45: {  	[tilespmem:$0x9850] =	vst v0  }
0x46: {  	[tilespmem:$0x9860] =	vst v0  }
0x47: {  	[tilespmem:$0x9870] =	vst v0  }
0x48: {  	[tilespmem:$0x9880] =	vst v0  }
0x49: {  	[tilespmem:$0x9890] =	vst v0  }
0x4a: {  	[tilespmem:$0x98A0] =	vst v0  }
0x4b: {  	[tilespmem:$0x98B0] =	vst v0  }
0x4c: {  	[tilespmem:$0x98C0] =	vst v0  }
0x4d: {  	[tilespmem:$0x98D0] =	vst v0  }
0x4e: {  	[tilespmem:$0x98E0] =	vst v0  }
0x4f: {  	[tilespmem:$0x98F0] =	vst v0  }
0x50: {  	[tilespmem:$0x9900] =	vst v1  }
0x51: {  	[tilespmem:$0x9910] =	vst v1  }
0x52: {  	[tilespmem:$0x9920] =	vst v1  }
0x53: {  	[tilespmem:$0x9930] =	vst v1  }
0x54: {  	[tilespmem:$0x9940] =	vst v1  }
0x55: {  	[tilespmem:$0x9950] =	vst v1  }
0x56: {  	[tilespmem:$0x9960] =	vst v1  }
0x57: {  	[tilespmem:$0x9970] =	vst v1  }
0x58: {  	[spmem:s7] =	stream.linear.scatter [tilespmem:s31], [sflag:$0x3], $0x800, $0x38;
	[tilespmem:$0x13C00] =	vst v63  }
0x59: {  	_ =	swait.ge [sflag:s1], $0x800  }
0x5a: {  	[sflag:s1] =	ssyncset.done $0x0  }
0x5b: {  	[sflag:s1] =	ssyncadd.s32 $0xFFFFF800  }
0x5c: {  	[spmem:s15] =	stream.linear.scatter [tilespmem:s31], [sflag:$0x3], $0x800, $0x38;
	[tilespmem:$0x13C00] =	vst v63  }
0x5d: {  	_ =	swait.ge [sflag:s1], $0x800  }
0x5e: {  	[sflag:s1] =	ssyncset.done $0x0  }
0x5f: {  	[sflag:s1] =	ssyncadd.s32 $0xFFFFF800  }
0x60: {  	[spmem:s16] =	stream.linear.scatter [tilespmem:s31], [sflag:$0x3], $0x800, $0x38;
	[tilespmem:$0x13C00] =	vst v63  }
0x61: {  	_ =	swait.ge [sflag:s1], $0x800  }
0x62: {  	[sflag:s1] =	ssyncset.done $0x0  }
0x63: {  	s17 =	rddreg [dreg:$0x5];
	[sflag:s1] =	ssyncadd.s32 $0xFFFFF800  }
0x64: {  	[spmem:s17] =	stream.linear.scatter [tilespmem:s31], [sflag:$0x3], $0x800, $0x38;
	[tilespmem:$0x13C00] =	vst v63  }
0x65: {  	_ =	swait.ge [sflag:s1], $0x800  }
0x66: {  	[sflag:s1] =	ssyncset.done $0x0  }
0x67: {  	s18 =	rddreg [dreg:$0x6];
	[sflag:s1] =	ssyncadd.s32 $0xFFFFF800  }
0x68: {  	[spmem:s18] =	stream.linear.scatter [tilespmem:s31], [sflag:$0x3], $0x800, $0x38;
	[tilespmem:$0x13C00] =	vst v63  }
0x69: {  	_ =	swait.ge [sflag:s1], $0x800  }
0x6a: {  	[sflag:s1] =	ssyncset.done $0x0  }
0x6b: {  	s12 =	rddreg [dreg:$0x7];
	[sflag:s1] =	ssyncadd.s32 $0xFFFFF800  }
0x6c: {  	[spmem:s12] =	stream.linear.scatter [tilespmem:s31], [sflag:$0x3], $0x800, $0x38;
	[tilespmem:$0x13C00] =	vst v63  }
0x6d: {  	_ =	swait.ge [sflag:s1], $0x800  }
0x6e: {  	[sflag:s1] =	ssyncset.done $0x0  }
0x6f: {  	s13 =	rddreg [dreg:$0x8];
	[sflag:s1] =	ssyncadd.s32 $0xFFFFF800  }
0x70: {  	[spmem:s13] =	stream.linear.scatter [tilespmem:s31], [sflag:$0x3], $0x800, $0x38;
	[tilespmem:$0x13C00] =	vst v63  }
0x71: {  	_ =	swait.ge [sflag:s1], $0x800  }
0x72: {  	[sflag:s1] =	ssyncset.done $0x0  }
0x73: {  	s14 =	rddreg [dreg:$0x9];
	[sflag:s1] =	ssyncadd.s32 $0xFFFFF800  }
0x74: {  	[spmem:s14] =	stream.linear.scatter [tilespmem:s31], [sflag:$0x3], $0x800, $0x38;
	[tilespmem:$0x13C00] =	vst v63  }
0x75: {  	_ =	swait.ge [sflag:s1], $0x800  }
0x76: {  	[sflag:s1] =	ssyncset.done $0x0  }
0x77: {  	s17 =	rddreg [dreg:$0xa];
	[sflag:s1] =	ssyncadd.s32 $0xFFFFF800  }
0x78: {  	[spmem:s17] =	stream.linear.scatter [tilespmem:s31], [sflag:$0x3], $0x800, $0x38;
	[tilespmem:$0x13C00] =	vst v63  }
0x79: {  	_ =	swait.ge [sflag:s1], $0x800  }
0x7a: {  	[sflag:s1] =	ssyncset.done $0x0  }
0x7b: {  	s18 =	rddreg [dreg:$0xb];
	[sflag:s1] =	ssyncadd.s32 $0xFFFFF800  }
0x7c: {  	[spmem:s18] =	stream.linear.scatter [tilespmem:s31], [sflag:$0x3], $0x800, $0x38;
	[tilespmem:$0x13C00] =	vst v63  }
0x7d: {  	_ =	swait.ge [sflag:s1], $0x800  }
0x7e: {  	[sflag:s1] =	ssyncset.done $0x0  }
0x7f: {  	s12 =	rddreg [dreg:$0xc];
	[sflag:s1] =	ssyncadd.s32 $0xFFFFF800  }
0x80: {  	[spmem:s12] =	stream.linear.scatter [tilespmem:s31], [sflag:$0x3], $0x800, $0x38;
	[tilespmem:$0x13C00] =	vst v63  }
0x81: {  	_ =	swait.ge [sflag:s1], $0x800  }
0x82: {  	[sflag:s1] =	ssyncset.done $0x0  }
0x83: {  	s13 =	rddreg [dreg:$0xd];
	[sflag:s1] =	ssyncadd.s32 $0xFFFFF800  }
0x84: {  	[spmem:s13] =	stream.linear.scatter [tilespmem:s31], [sflag:$0x3], $0x800, $0x38;
	[tilespmem:$0x13C00] =	vst v63  }
0x85: {  	_ =	swait.ge [sflag:s1], $0x800  }
0x86: {  	[sflag:s1] =	ssyncset.done $0x0  }
0x87: {  	[sflag:s1] =	ssyncadd.s32 $0xFFFFF800  }
0x88: {  	[spmem:s20] =	stream.linear.scatter [tilespmem:s31], [sflag:$0x3], $0x800, $0x38;
	[tilespmem:$0x13C00] =	vst v63  }
0x89: {  	_ =	swait.ge [sflag:s1], $0x800  }
0x8a: {  	[sflag:s1] =	ssyncset.done $0x0  }
0x8b: {  	[sflag:s1] =	ssyncadd.s32 $0xFFFFF800  }
0x8c: {  	[spmem:s21] =	stream.linear.scatter [tilespmem:s31], [sflag:$0x3], $0x800, $0x38;
	[tilespmem:$0x13C00] =	vst v63  }
0x8d: {  	_ =	swait.ge [sflag:s1], $0x800  }
0x8e: {  	[sflag:s1] =	ssyncset.done $0x0  }
0x8f: {  	[sflag:s1] =	ssyncadd.s32 $0xFFFFF800  }
0x90: {  	[spmem:s22] =	stream.linear.scatter [tilespmem:s31], [sflag:$0x3], $0x800, $0x38;
	[tilespmem:$0x13C00] =	vst v63  }
0x91: {  	_ =	swait.ge [sflag:s1], $0x800  }
0x92: {  	[sflag:s1] =	ssyncset.done $0x0  }
0x93: {  	[sflag:s1] =	ssyncadd.s32 $0xFFFFF800  }
0x94: {  	[spmem:s23] =	stream.linear.scatter [tilespmem:s31], [sflag:$0x3], $0x800, $0x38;
	[tilespmem:$0x13C00] =	vst v63  }
0x95: {  	_ =	swait.ge [sflag:s1], $0x800  }
0x96: {  	[sflag:s1] =	ssyncset.done $0x0  }
0x97: {  	[sflag:s1] =	ssyncadd.s32 $0xFFFFF800  }
0x98: {  	[spmem:s24] =	stream.linear.scatter [tilespmem:s31], [sflag:$0x3], $0x800, $0x38;
	[tilespmem:$0x13C00] =	vst v63  }
0x99: {  	_ =	swait.ge [sflag:s1], $0x800  }
0x9a: {  	[sflag:s1] =	ssyncset.done $0x0  }
0x9b: {  	[sflag:s1] =	ssyncadd.s32 $0xFFFFF800  }
0x9c: {  	[spmem:s25] =	stream.linear.scatter [tilespmem:s31], [sflag:$0x3], $0x800, $0x38;
	[tilespmem:$0x13C00] =	vst v63  }
0x9d: {  	_ =	swait.ge [sflag:s1], $0x800  }
0x9e: {  	[sflag:s1] =	ssyncset.done $0x0  }
0x9f: {  	[sflag:s1] =	ssyncadd.s32 $0xFFFFF800  }
0xa0: {  	[spmem:s26] =	stream.linear.scatter [tilespmem:s31], [sflag:$0x3], $0x800, $0x38;
	[tilespmem:$0x13C00] =	vst v63  }
0xa1: {  	_ =	swait.ge [sflag:s1], $0x800  }
0xa2: {  	[sflag:s1] =	ssyncset.done $0x0  }
0xa3: {  	[sflag:s1] =	ssyncadd.s32 $0xFFFFF800  }
0xa4: {  	[spmem:s28] =	stream.linear.scatter [tilespmem:s31], [sflag:$0x3], $0x800, $0x38;
	[tilespmem:$0x13C00] =	vst v63  }
0xa5: {  	_ =	swait.ge [sflag:s1], $0x800  }
0xa6: {  	[sflag:s1] =	ssyncset.done $0x0  }
0xa7: {  	s14 =	simm.s32 $0x9680;
	[sflag:s1] =	ssyncadd.s32 $0xFFFFF800  }
0xa8: {  	[spmem:s29] =	stream.linear.scatter [tilespmem:s14], [sflag:$0x3], $0x280, $0x38;
	[tilespmem:$0x13C00] =	vst v63  }
0xa9: {  	_ =	swait.ge [sflag:s1], $0x280  }
0xaa: {  	[sflag:s1] =	ssyncset.done $0x0  }
0xab: {  	s13 =	simm.s32 $0x0;
	s17 =	rddreg [dreg:$0xe];
	[sflag:s1] =	ssyncadd.s32 $0xFFFFFD80  }
0xac: {  	[tilespmem:s13], [sflag:$0x3] =	stream.linear.gather [hbm4b:s17+s13], $0x2800, $0x38;
	[tilespmem:$0x13C00] =	vst v63  }
0xad: {  	_ =	swait.ge [sflag:s1], $0x2800  }
0xae: {  	[sflag:s1] =	ssyncset.done $0x0  }
0xaf: {  	s11 =	simm.s32 $0x2800;
	s12 =	rddreg [dreg:$0x13];
	[sflag:s1] =	ssyncadd.s32 $0xFFFFD800  }
0xb0: {  	[tilespmem:s11], [sflag:$0x3] =	stream.linear.gather [hbm4b:s12+s13], $0x2800, $0x38;
	[tilespmem:$0x13C00] =	vst v63  }
0xb1: {  	_ =	swait.ge [sflag:s1], $0x2800  }
0xb2: {  	[sflag:s1] =	ssyncset.done $0x0  }
0xb3: {  	[sflag:s1] =	ssyncadd.s32 $0xFFFFD800  }
0xb4: {  	[bflag:$0x0] =	sbarrier.arrive $0xFFFF  }
0xb5: {  	[tilespmem:s30], [sflag:$0x1] =	stream.indirect.gather [hbm4b:s5+s0], $0x40, s13, s0, $0xb8;
	[tilespmem:$0x13C00] =	vst v63  }
0xb6: {  	s12 =	simm.s32 $0x80  }
0xb7: {  	[tilespmem:s19], [sflag:$0x2] =	stream.indirect.gather [hbm4b:s5+s0], $0x40, s12, s0, $0xb8;
	[tilespmem:$0x13C00] =	vst v63  }
0xb8: {  	_ =	swait.ge [sflag:s8], $0x1F40  }
0xb9: {  	[sflag:s8] =	ssyncset.done $0x0  }
0xba: {  	[sflag:s8] =	ssyncadd.s32 $0xFFFFE0C0  }
0xbb: {  	[spmem:s2] =	stream.indirect.scatter.add.f32 [tilespmem:s30], [sflag:$0x3], $0x40, s11, s0, $0xb8;
	[tilespmem:$0x13C00] =	vst v63  }
0xbc: {  	_ =	swait.ge [sflag:s1], $0x1F40  }
0xbd: {  	[sflag:s1] =	ssyncset.done $0x0  }
0xbe: {  	[sflag:s1] =	ssyncadd.s32 $0xFFFFE0C0  }
0xbf: {  	[spmem:s3] =	stream.indirect.scatter.add.f32 [tilespmem:s9], [sflag:$0x3], $0x1, s11, s0, $0xb8;
	[tilespmem:$0x13C00] =	vst v63  }
0xc0: {  	s13 =	smin.u32 s13, $0x4C;
	_ =	swait.ge [sflag:s1], $0x7D  }
0xc1: {  	s13 =	sshll.u32 s13, $0x7;
	[sflag:s1] =	ssyncset.done $0x0  }
0xc2: {  	s13 =	sadd.s32 $0x100, s13;
	[sflag:s1] =	ssyncadd.s32 $0xFFFFFF83  }
0xc3: {  	[tilespmem:s30], [sflag:$0x1] =	stream.indirect.gather [hbm4b:s5+s0], $0x40, s13, s0, $0xb8;
	[tilespmem:$0x13C00] =	vst v63  }
0xc4: {  	_ =	swait.ge [sflag:s10], $0x1F40  }
0xc5: {  	[sflag:s10] =	ssyncset.done $0x0  }
0xc6: {  	s18 =	simm.s32 $0x2880;
	[sflag:s10] =	ssyncadd.s32 $0xFFFFE0C0  }
0xc7: {  	[spmem:s2] =	stream.indirect.scatter.add.f32 [tilespmem:s19], [sflag:$0x3], $0x40, s18, s0, $0xb8;
	[tilespmem:$0x13C00] =	vst v63  }
0xc8: {  	_ =	swait.ge [sflag:s1], $0x1F40  }
0xc9: {  	[sflag:s1] =	ssyncset.done $0x0  }
0xca: {  	[sflag:s1] =	ssyncadd.s32 $0xFFFFE0C0  }
0xcb: {  	[spmem:s3] =	stream.indirect.scatter.add.f32 [tilespmem:s9], [sflag:$0x3], $0x1, s18, s0, $0xb8;
	[tilespmem:$0x13C00] =	vst v63  }
0xcc: {  	_ =	swait.ge [sflag:s1], $0x7D  }
0xcd: {  	s13 =	simm.s32 $0x2;
	[sflag:s1] =	ssyncset.done $0x0  }
.LBB2_4:
0xce: {  	[sflag:s1] =	ssyncadd.s32 $0xFFFFFF83  }
0xcf: {  	s11 =	sadd.s32 $0x100, s11;
	s12 =	sadd.s32 $0x100, s12;
	s14 =	smov.u32 s13  }
0xd0: {  	[tilespmem:s19], [sflag:$0x2] =	stream.indirect.gather [hbm4b:s5+s0], $0x40, s12, s0, $0xb8;
	[tilespmem:$0x13C00] =	vst v63  }
0xd1: {  	p0 =	sne.s32 s13, $0x4E;
	s13 =	sadd.s32 $0x2, s13;
	_ =	swait.ge [sflag:s8], $0x1F40  }
0xd2: {  	[sflag:s8] =	ssyncset.done $0x0  }
0xd3: {  	[sflag:s8] =	ssyncadd.s32 $0xFFFFE0C0  }
0xd4: {  	[spmem:s2] =	stream.indirect.scatter.add.f32 [tilespmem:s30], [sflag:$0x3], $0x40, s11, s0, $0xb8;
	[tilespmem:$0x13C00] =	vst v63  }
0xd5: {  	_ =	swait.ge [sflag:s1], $0x1F40  }
0xd6: {  	[sflag:s1] =	ssyncset.done $0x0  }
0xd7: {  	[sflag:s1] =	ssyncadd.s32 $0xFFFFE0C0  }
0xd8: {  	[spmem:s3] =	stream.indirect.scatter.add.f32 [tilespmem:s9], [sflag:$0x3], $0x1, s11, s0, $0xb8;
	[tilespmem:$0x13C00] =	vst v63  }
0xd9: {  	s14 =	smin.u32 s14, $0x4C;
	_ =	swait.ge [sflag:s1], $0x7D  }
0xda: {  	s14 =	sshll.u32 s14, $0x7;
	[sflag:s1] =	ssyncset.done $0x0  }
0xdb: {  	s14 =	sadd.s32 $0x100, s14;
	[sflag:s1] =	ssyncadd.s32 $0xFFFFFF83  }
0xdc: {  	[tilespmem:s30], [sflag:$0x1] =	stream.indirect.gather [hbm4b:s5+s0], $0x40, s14, s0, $0xb8;
	[tilespmem:$0x13C00] =	vst v63  }
0xdd: {  	_ =	swait.ge [sflag:s10], $0x1F40  }
0xde: {  	[sflag:s10] =	ssyncset.done $0x0  }
0xdf: {  	s14 =	sadd.s32 $0x80, s11;
	[sflag:s10] =	ssyncadd.s32 $0xFFFFE0C0  }
0xe0: {  	[spmem:s2] =	stream.indirect.scatter.add.f32 [tilespmem:s19], [sflag:$0x3], $0x40, s14, s0, $0xb8;
	[tilespmem:$0x13C00] =	vst v63  }
0xe1: {  	_ =	swait.ge [sflag:s1], $0x1F40  }
.Ltmp1:
0xe2: {  	[sflag:s1] =	ssyncset.done $0x0;
	(pc) =	sbr.rel @p0 .LBB2_4-.Ltmp1, $4  }
0xe3: {  	[sflag:s1] =	ssyncadd.s32 $0xFFFFE0C0  }
0xe4: {  	[spmem:s3] =	stream.indirect.scatter.add.f32 [tilespmem:s9], [sflag:$0x3], $0x1, s14, s0, $0xb8;
	[tilespmem:$0x13C00] =	vst v63  }
0xe5: {  	_ =	swait.ge [sflag:s1], $0x7D  }
0xe6: {  	[sflag:s1] =	ssyncset.done $0x0  }
0xe7: {  	[sflag:s1] =	ssyncadd.s32 $0xFFFFFF83  }
0xe8: {  	_ =	swait.ge [sflag:s8], $0x1F40  }
0xe9: {  	[sflag:s8] =	ssyncset.done $0x0  }
0xea: {  	s11 =	stileid.u32;
	[sflag:s8] =	ssyncadd.s32 $0xFFFFE0C0  }
0xeb: {  	s11 =	sshll.u32 s11, $0x6;
	[bflag:$0x0] =	sbarrier.arrive $0xFFFF  }
0xec: {  	s12 =	sshrl.u32 s7, $0x3;
	s11 =	sor.u32 $0x1C03, s11;
	s13 =	rddreg [dreg:$0x10]  }
0xed: {  	[hbm:s13], [sflag:s11] =	dma.local [spmem:s12], $0x1400  }
0xee: {  	_ =	swait.ge [sflag:s1], $0x1400  }
0xef: {  	[sflag:s1] =	ssyncset.done $0x0  }
0xf0: {  	s18 =	sshrl.u32 s29, $0x3;
	s14 =	rddreg [dreg:$0xf];
	[sflag:s1] =	ssyncadd.s32 $0xFFFFEC00  }
0xf1: {  	[hbm:s14], [sflag:s11] =	dma.local [spmem:s18], $0x50  }
0xf2: {  	_ =	swait.ge [sflag:s1], $0x50  }
0xf3: {  	[sflag:s1] =	ssyncset.done $0x0  }
0xf4: {  	[sflag:s1] =	ssyncadd.s32 $0xFFFFFFB0  }
0xf5: {  	[spmem:s7] =	stream.linear.scatter [tilespmem:s31], [sflag:$0x3], $0x800, $0x38;
	[tilespmem:$0x13C00] =	vst v63  }
0xf6: {  	_ =	swait.ge [sflag:s1], $0x800  }
0xf7: {  	[sflag:s1] =	ssyncset.done $0x0  }
0xf8: {  	[sflag:s1] =	ssyncadd.s32 $0xFFFFF800  }
0xf9: {  	[spmem:s15] =	stream.linear.scatter [tilespmem:s31], [sflag:$0x3], $0x800, $0x38;
	[tilespmem:$0x13C00] =	vst v63  }
0xfa: {  	_ =	swait.ge [sflag:s1], $0x800  }
0xfb: {  	[sflag:s1] =	ssyncset.done $0x0  }
0xfc: {  	[sflag:s1] =	ssyncadd.s32 $0xFFFFF800  }
0xfd: {  	[spmem:s16] =	stream.linear.scatter [tilespmem:s31], [sflag:$0x3], $0x800, $0x38;
	[tilespmem:$0x13C00] =	vst v63  }
0xfe: {  	_ =	swait.ge [sflag:s1], $0x800  }
0xff: {  	[sflag:s1] =	ssyncset.done $0x0  }
0x100: {  	s18 =	smov.u32 s16;
	s16 =	rddreg [dreg:$0x5];
	[sflag:s1] =	ssyncadd.s32 $0xFFFFF800  }
0x101: {  	[spmem:s16] =	stream.linear.scatter [tilespmem:s31], [sflag:$0x3], $0x800, $0x38;
	[tilespmem:$0x13C00] =	vst v63  }
0x102: {  	_ =	swait.ge [sflag:s1], $0x800  }
0x103: {  	[sflag:s1] =	ssyncset.done $0x0  }
0x104: {  	s14 =	rddreg [dreg:$0x6];
	[sflag:s1] =	ssyncadd.s32 $0xFFFFF800  }
0x105: {  	[spmem:s14] =	stream.linear.scatter [tilespmem:s31], [sflag:$0x3], $0x800, $0x38;
	[tilespmem:$0x13C00] =	vst v63  }
0x106: {  	_ =	swait.ge [sflag:s1], $0x800  }
0x107: {  	[sflag:s1] =	ssyncset.done $0x0  }
0x108: {  	s17 =	smov.u32 s15;
	s15 =	rddreg [dreg:$0x7];
	[sflag:s1] =	ssyncadd.s32 $0xFFFFF800  }
0x109: {  	[spmem:s15] =	stream.linear.scatter [tilespmem:s31], [sflag:$0x3], $0x800, $0x38;
	[tilespmem:$0x13C00] =	vst v63  }
0x10a: {  	_ =	swait.ge [sflag:s1], $0x800  }
0x10b: {  	[sflag:s1] =	ssyncset.done $0x0  }
0x10c: {  	s16 =	rddreg [dreg:$0x8];
	[sflag:s1] =	ssyncadd.s32 $0xFFFFF800  }
0x10d: {  	[spmem:s16] =	stream.linear.scatter [tilespmem:s31], [sflag:$0x3], $0x800, $0x38;
	[tilespmem:$0x13C00] =	vst v63  }
0x10e: {  	_ =	swait.ge [sflag:s1], $0x800  }
0x10f: {  	[sflag:s1] =	ssyncset.done $0x0  }
0x110: {  	s14 =	rddreg [dreg:$0x9];
	[sflag:s1] =	ssyncadd.s32 $0xFFFFF800  }
0x111: {  	[spmem:s14] =	stream.linear.scatter [tilespmem:s31], [sflag:$0x3], $0x800, $0x38;
	[tilespmem:$0x13C00] =	vst v63  }
0x112: {  	_ =	swait.ge [sflag:s1], $0x800  }
0x113: {  	[sflag:s1] =	ssyncset.done $0x0  }
0x114: {  	s15 =	rddreg [dreg:$0xa];
	[sflag:s1] =	ssyncadd.s32 $0xFFFFF800  }
0x115: {  	[spmem:s15] =	stream.linear.scatter [tilespmem:s31], [sflag:$0x3], $0x800, $0x38;
	[tilespmem:$0x13C00] =	vst v63  }
0x116: {  	_ =	swait.ge [sflag:s1], $0x800  }
0x117: {  	[sflag:s1] =	ssyncset.done $0x0  }
0x118: {  	s16 =	rddreg [dreg:$0xb];
	[sflag:s1] =	ssyncadd.s32 $0xFFFFF800  }
0x119: {  	[spmem:s16] =	stream.linear.scatter [tilespmem:s31], [sflag:$0x3], $0x800, $0x38;
	[tilespmem:$0x13C00] =	vst v63  }
0x11a: {  	_ =	swait.ge [sflag:s1], $0x800  }
0x11b: {  	[sflag:s1] =	ssyncset.done $0x0  }
0x11c: {  	s14 =	rddreg [dreg:$0xc];
	[sflag:s1] =	ssyncadd.s32 $0xFFFFF800  }
0x11d: {  	[spmem:s14] =	stream.linear.scatter [tilespmem:s31], [sflag:$0x3], $0x800, $0x38;
	[tilespmem:$0x13C00] =	vst v63  }
0x11e: {  	_ =	swait.ge [sflag:s1], $0x800  }
0x11f: {  	[sflag:s1] =	ssyncset.done $0x0  }
0x120: {  	s15 =	rddreg [dreg:$0xd];
	[sflag:s1] =	ssyncadd.s32 $0xFFFFF800  }
0x121: {  	[spmem:s15] =	stream.linear.scatter [tilespmem:s31], [sflag:$0x3], $0x800, $0x38;
	[tilespmem:$0x13C00] =	vst v63  }
0x122: {  	_ =	swait.ge [sflag:s1], $0x800  }
0x123: {  	[sflag:s1] =	ssyncset.done $0x0  }
0x124: {  	[sflag:s1] =	ssyncadd.s32 $0xFFFFF800  }
0x125: {  	[spmem:s20] =	stream.linear.scatter [tilespmem:s31], [sflag:$0x3], $0x800, $0x38;
	[tilespmem:$0x13C00] =	vst v63  }
0x126: {  	_ =	swait.ge [sflag:s1], $0x800  }
0x127: {  	[sflag:s1] =	ssyncset.done $0x0  }
0x128: {  	[sflag:s1] =	ssyncadd.s32 $0xFFFFF800  }
0x129: {  	[spmem:s21] =	stream.linear.scatter [tilespmem:s31], [sflag:$0x3], $0x800, $0x38;
	[tilespmem:$0x13C00] =	vst v63  }
0x12a: {  	_ =	swait.ge [sflag:s1], $0x800  }
0x12b: {  	[sflag:s1] =	ssyncset.done $0x0  }
0x12c: {  	[sflag:s1] =	ssyncadd.s32 $0xFFFFF800  }
0x12d: {  	[spmem:s22] =	stream.linear.scatter [tilespmem:s31], [sflag:$0x3], $0x800, $0x38;
	[tilespmem:$0x13C00] =	vst v63  }
0x12e: {  	_ =	swait.ge [sflag:s1], $0x800  }
0x12f: {  	[sflag:s1] =	ssyncset.done $0x0  }
0x130: {  	[sflag:s1] =	ssyncadd.s32 $0xFFFFF800  }
0x131: {  	[spmem:s23] =	stream.linear.scatter [tilespmem:s31], [sflag:$0x3], $0x800, $0x38;
	[tilespmem:$0x13C00] =	vst v63  }
0x132: {  	_ =	swait.ge [sflag:s1], $0x800  }
0x133: {  	[sflag:s1] =	ssyncset.done $0x0  }
0x134: {  	[sflag:s1] =	ssyncadd.s32 $0xFFFFF800  }
0x135: {  	[spmem:s24] =	stream.linear.scatter [tilespmem:s31], [sflag:$0x3], $0x800, $0x38;
	[tilespmem:$0x13C00] =	vst v63  }
0x136: {  	_ =	swait.ge [sflag:s1], $0x800  }
0x137: {  	[sflag:s1] =	ssyncset.done $0x0  }
0x138: {  	[sflag:s1] =	ssyncadd.s32 $0xFFFFF800  }
0x139: {  	[spmem:s25] =	stream.linear.scatter [tilespmem:s31], [sflag:$0x3], $0x800, $0x38;
	[tilespmem:$0x13C00] =	vst v63  }
0x13a: {  	_ =	swait.ge [sflag:s1], $0x800  }
0x13b: {  	[sflag:s1] =	ssyncset.done $0x0  }
0x13c: {  	[sflag:s1] =	ssyncadd.s32 $0xFFFFF800  }
0x13d: {  	[spmem:s26] =	stream.linear.scatter [tilespmem:s31], [sflag:$0x3], $0x800, $0x38;
	[tilespmem:$0x13C00] =	vst v63  }
0x13e: {  	_ =	swait.ge [sflag:s1], $0x800  }
0x13f: {  	[sflag:s1] =	ssyncset.done $0x0  }
0x140: {  	[sflag:s1] =	ssyncadd.s32 $0xFFFFF800  }
0x141: {  	[spmem:s28] =	stream.linear.scatter [tilespmem:s31], [sflag:$0x3], $0x800, $0x38;
	[tilespmem:$0x13C00] =	vst v63  }
0x142: {  	_ =	swait.ge [sflag:s1], $0x800  }
0x143: {  	[sflag:s1] =	ssyncset.done $0x0  }
0x144: {  	[sflag:s1] =	ssyncadd.s32 $0xFFFFF800  }
0x145: {  	s16 =	simm.s32 $0x0;
	[bflag:$0x0] =	sbarrier.arrive $0xFFFF  }
0x146: {  	[tilespmem:s30], [sflag:$0x1] =	stream.indirect.gather [hbm4b:s6+s0], $0x40, s16, s0, $0xb8;
	[tilespmem:$0x13C00] =	vst v63  }
0x147: {  	s13 =	simm.s32 $0x80  }
0x148: {  	[tilespmem:s19], [sflag:$0x2] =	stream.indirect.gather [hbm4b:s6+s0], $0x40, s13, s0, $0xb8;
	[tilespmem:$0x13C00] =	vst v63  }
0x149: {  	_ =	swait.ge [sflag:s8], $0x1F40  }
0x14a: {  	[sflag:s8] =	ssyncset.done $0x0  }
0x14b: {  	s14 =	simm.s32 $0x2800;
	[sflag:s8] =	ssyncadd.s32 $0xFFFFE0C0  }
0x14c: {  	[spmem:s2] =	stream.indirect.scatter.add.f32 [tilespmem:s30], [sflag:$0x3], $0x40, s14, s0, $0xb8;
	[tilespmem:$0x13C00] =	vst v63  }
0x14d: {  	s15 =	smin.u32 s16, $0x4C;
	_ =	swait.ge [sflag:s1], $0x1F40  }
0x14e: {  	s15 =	sshll.u32 s15, $0x7;
	[sflag:s1] =	ssyncset.done $0x0  }
0x14f: {  	s15 =	sadd.s32 $0x100, s15;
	[sflag:s1] =	ssyncadd.s32 $0xFFFFE0C0  }
0x150: {  	[tilespmem:s30], [sflag:$0x1] =	stream.indirect.gather [hbm4b:s6+s0], $0x40, s15, s0, $0xb8;
	[tilespmem:$0x13C00] =	vst v63  }
0x151: {  	_ =	swait.ge [sflag:s10], $0x1F40  }
0x152: {  	[sflag:s10] =	ssyncset.done $0x0  }
0x153: {  	s16 =	simm.s32 $0x2880;
	[sflag:s10] =	ssyncadd.s32 $0xFFFFE0C0  }
0x154: {  	[spmem:s2] =	stream.indirect.scatter.add.f32 [tilespmem:s19], [sflag:$0x3], $0x40, s16, s0, $0xb8;
	[tilespmem:$0x13C00] =	vst v63  }
0x155: {  	_ =	swait.ge [sflag:s1], $0x1F40  }
0x156: {  	s15 =	simm.s32 $0x2;
	[sflag:s1] =	ssyncset.done $0x0  }
.LBB2_6:
0x157: {  	[sflag:s1] =	ssyncadd.s32 $0xFFFFE0C0  }
0x158: {  	s14 =	sadd.s32 $0x100, s14;
	s13 =	sadd.s32 $0x100, s13;
	s16 =	smov.u32 s15  }
0x159: {  	[tilespmem:s19], [sflag:$0x2] =	stream.indirect.gather [hbm4b:s6+s0], $0x40, s13, s0, $0xb8;
	[tilespmem:$0x13C00] =	vst v63  }
0x15a: {  	p0 =	sne.s32 s15, $0x4E;
	s15 =	sadd.s32 $0x2, s15;
	_ =	swait.ge [sflag:s8], $0x1F40  }
0x15b: {  	[sflag:s8] =	ssyncset.done $0x0  }
0x15c: {  	[sflag:s8] =	ssyncadd.s32 $0xFFFFE0C0  }
0x15d: {  	[spmem:s2] =	stream.indirect.scatter.add.f32 [tilespmem:s30], [sflag:$0x3], $0x40, s14, s0, $0xb8;
	[tilespmem:$0x13C00] =	vst v63  }
0x15e: {  	s16 =	smin.u32 s16, $0x4C;
	_ =	swait.ge [sflag:s1], $0x1F40  }
0x15f: {  	s16 =	sshll.u32 s16, $0x7;
	[sflag:s1] =	ssyncset.done $0x0  }
0x160: {  	s16 =	sadd.s32 $0x100, s16;
	[sflag:s1] =	ssyncadd.s32 $0xFFFFE0C0  }
0x161: {  	[tilespmem:s30], [sflag:$0x1] =	stream.indirect.gather [hbm4b:s6+s0], $0x40, s16, s0, $0xb8;
	[tilespmem:$0x13C00] =	vst v63  }
0x162: {  	_ =	swait.ge [sflag:s10], $0x1F40  }
.Ltmp2:
0x163: {  	[sflag:s10] =	ssyncset.done $0x0;
	(pc) =	sbr.rel @p0 .LBB2_6-.Ltmp2, $4  }
0x164: {  	s16 =	sadd.s32 $0x80, s14;
	[sflag:s10] =	ssyncadd.s32 $0xFFFFE0C0  }
0x165: {  	[spmem:s2] =	stream.indirect.scatter.add.f32 [tilespmem:s19], [sflag:$0x3], $0x40, s16, s0, $0xb8;
	[tilespmem:$0x13C00] =	vst v63  }
0x166: {  	_ =	swait.ge [sflag:s1], $0x1F40  }
0x167: {  	[sflag:s1] =	ssyncset.done $0x0  }
0x168: {  	[sflag:s1] =	ssyncadd.s32 $0xFFFFE0C0  }
0x169: {  	_ =	swait.ge [sflag:s8], $0x1F40  }
0x16a: {  	[sflag:s8] =	ssyncset.done $0x0  }
0x16b: {  	[sflag:s8] =	ssyncadd.s32 $0xFFFFE0C0  }
0x16c: {  	[bflag:$0x0] =	sbarrier.arrive $0xFFFF  }
0x16d: {  	s13 =	rddreg [dreg:$0x11]  }
0x16e: {  	[hbm:s13], [sflag:s11] =	dma.local [spmem:s12], $0x1400  }
0x16f: {  	_ =	swait.ge [sflag:s1], $0x1400  }
0x170: {  	s4 =	sadd.s32 $0x1, s4;
	s16 =	rddreg [dreg:$0x12]  }
0x171: {  	p0 =	sne.s32 s4, s16  }
.Ltmp3:
0x172: {  	_ = 	snop;
	(pc) =	sbr.rel @p0 .LBB2_1-.Ltmp3, $3  }
0x173: {  	_ =	sdelay $0x1  }
0x174: {  	[sflag:s1] =	ssyncset.done $0x0  }
0x175: {  	s15 =	smov.u32 s17;
	[sflag:s1] =	ssyncadd.s32 $0xFFFFEC00;
	s16 =	smov.u32 s18  }
0x176: {  	_ =	sfence.sel $0x180000  }
0x177: {  	[bflag:$0x0] =	sbarrier.arrive $0xFFFF  }
0x178: {  	_ =	strace $0x90000047  }
0x179: {  	s0 =	stileid.u32;
	[bflag:$0x2] =	sbarrier.arrive $0xFFFF  }
0x17a: {  	p0 =	sne.s32 s0, $0x0;
	s0 =	rddreg [dreg:$0x4]  }
0x17b: {  	s0 =	sadd.s32 @!p0 $0x100000, s0  }
0x17c: {  	[sflag:s0] =	ssyncadd.tile.s32 @!p0 $0x1;
	_ =	shalt  }
.Lfunc_end2:
_tile_overlayer_lowered:
.L_overlay_start_2:
0x17d: {  	(tag) =	ssettag $0x2  }
0x17e: {  	s0 =	rddreg [dreg:$0x0];
	s2 =	stileid.u32  }
0x17f: {  	s1 =	rddreg [dreg:$0x1];
	p0 =	sne.s32 s2, $0x0  }
0x180: {  	s3 =	rddreg [dreg:$0x2];
	[bflag:$0x3] =	sbarrier.arrive $0xFFFF;
	s2 =	simm.s32 @!p0 $0x1C03  }
0x181: {  	[timem:s3], [sflag:s2] =	dma.local @!p0 [hbm:s0], s1  }
0x182: {  	s0 =	simm.s32 @!p0 $0x3  }
0x183: {  	_ =	swait.ge @!p0 [sflag:s0], s1  }
0x184: {  	s1 =	ssub.s32 @!p0 $0x0, s1;
	[sflag:s0] =	ssyncset.done @!p0 $0x0  }
0x185: {  	[sflag:s0] =	ssyncadd.s32 @!p0 s1  }
0x186: {  	[bflag:$0x3] =	sbarrier.arrive $0xFFFF  }
0x187: {  	_ =	shalt  }

</sc_bundles>
